<compile_context>
chip_gen: v7x
topology: tpu7x:2x2x1
jax: 0.10.2.dev20260603
libtpu: 0.0.44.dev20260713+nightly
codegen_flags: <defaults>
</compile_context>

<pallas_src>
import functools

import jax
import jax.numpy as jnp
from jax import lax
from jax.experimental import pallas as pl
from jax.experimental.pallas import tpu as pltpu
from jax.experimental.pallas import tpu_sc as plsc

_BIG = 1e30
_TOPK = 20
_L = 16
_BK = 2048
_C = 14336
_NCHUNK = 7
_SEED_CHUNKS = 1
_SEED_BLOCKS = _SEED_CHUNKS * (_C // _BK)
_G = 8
_NG1 = _C // (_G * _L)
_NG2 = _NG1 // _G
_CAPV = 128
_CAP = _CAPV * _L
_TW = 128



def _dist_body(q_ref, b_ref, out_ref, taus_ref, r_ref, qn_ref, *,
               nb, tail, bk):
    kb = pl.program_id(0)

    @pl.when(kb == 0)
    def _init():
        q = q_ref[...]
        qn_ref[...] = jnp.sum(q * q, axis=1, keepdims=True)
        r_ref[...] = jnp.full(r_ref.shape, _BIG, jnp.float32)

    b = b_ref[...]
    bn = jnp.sum(b * b, axis=1)[None, :]
    prod = lax.dot_general(q_ref[...], b, (((1,), (1,)), ((), ())),
                           preferred_element_type=jnp.float32)
    d = jnp.maximum(qn_ref[...] + bn - 2.0 * prod, 0.0)
    col = lax.broadcasted_iota(jnp.int32, d.shape, 1)
    d = jnp.where((kb < nb - 1) | (col < tail), d, _BIG)
    out_ref[...] = d

    @pl.when(kb < _SEED_BLOCKS)
    def _seed():
        r = r_ref[...]
        ms = []
        m = jnp.minimum(jnp.min(d, axis=1, keepdims=True),
                        jnp.min(r, axis=1, keepdims=True))
        ms.append(m)
        for _ in range(_TOPK - 1):
            md = jnp.min(jnp.where(d > m, d, _BIG), axis=1, keepdims=True)
            mr = jnp.min(jnp.where(r > m, r, _BIG), axis=1, keepdims=True)
            m = jnp.minimum(md, mr)
            ms.append(m)
        tops = jnp.concatenate(ms, axis=1)
        r_ref[:, :_TOPK] = tops

    @pl.when(kb == _SEED_BLOCKS - 1)
    def _emit_taus():
        taus_ref[...] = r_ref[...]



def _scalar(v):
    return lax.squeeze(lax.slice(v, (0,), (1,)), dimensions=(0,))


_GATHER_DN = lax.GatherDimensionNumbers(
    offset_dims=(), collapsed_slice_dims=(0,), start_index_map=(0,))


def _lane(v, el):
    iota = lax.broadcasted_iota(jnp.int32, (_L,), 0)
    idx = jnp.bitwise_and(iota + el, _L - 1)
    s = lax.gather(v, idx[:, None], dimension_numbers=_GATHER_DN,
                   slice_sizes=(1,),
                   mode=lax.GatherScatterMode.PROMISE_IN_BOUNDS)
    return _scalar(s)


def _rd(ref, base, el):
    return _lane(ref[pl.ds(base, _L)], el)


def _sc_body(dist_ref, taus_ref, cand_ref, buf, minsbuf, mins2, m3buf,
             tbuf, cand, sem0, sem1, tsem, *, rows_per):
    nc = 2
    wid = lax.axis_index("s") * nc + lax.axis_index("c")
    sems = (sem0, sem1)
    bigs = jnp.full((_L,), _BIG, jnp.float32)
    row0 = wid * rows_per
    base = _SEED_CHUNKS * _C

    iota = lax.broadcasted_iota(jnp.int32, (_L,), 0)

    def row_body(r_local, _):
        row = row0 + r_local
        pltpu.sync_copy(taus_ref.at[row, pl.ds(0, 2 * _L)],
                        tbuf.at[pl.ds(0, 2 * _L)])
        tv = tbuf[pl.ds(_L, _L)]
        tau = _scalar(lax.slice(tv, (_TOPK - 1 - _L,), (_TOPK - _L,)))
        pltpu.async_copy(dist_ref.at[row, pl.ds(base, _C)],
                         buf.at[0, pl.ds(0, _C)], sems[0])
        def creset(i, _):
            cand[pl.ds(i * _L, _L)] = bigs
            return 0

        lax.fori_loop(0, _CAPV, creset, 0)
        cnt = jnp.int32(0)
        for cc in range(_NCHUNK - _SEED_CHUNKS):
            p = cc % 2
            if cc + 1 < _NCHUNK - _SEED_CHUNKS:
                pltpu.async_copy(
                    dist_ref.at[row, pl.ds(base + (cc + 1) * _C, _C)],
                    buf.at[(cc + 1) % 2, pl.ds(0, _C)], sems[(cc + 1) % 2])
            pltpu.make_async_copy(dist_ref.at[row, pl.ds(base + cc * _C, _C)],
                                  buf.at[p, pl.ds(0, _C)], sems[p]).wait()
            bufp = buf.at[p]

            def l1(g, _):
                vs = [bufp[pl.ds((g * _G + u) * _L, _L)] for u in range(_G)]
                m0 = jnp.minimum(jnp.minimum(vs[0], vs[1]),
                                 jnp.minimum(vs[2], vs[3]))
                m1 = jnp.minimum(jnp.minimum(vs[4], vs[5]),
                                 jnp.minimum(vs[6], vs[7]))
                minsbuf[pl.ds(g * _L, _L)] = jnp.minimum(m0, m1)
                return 0

            lax.fori_loop(0, _NG1, l1, 0)

            def l2(s, _):
                vs = [minsbuf[pl.ds((s * _G + u) * _L, _L)]
                      for u in range(_G)]
                m0 = jnp.minimum(jnp.minimum(vs[0], vs[1]),
                                 jnp.minimum(vs[2], vs[3]))
                m1 = jnp.minimum(jnp.minimum(vs[4], vs[5]),
                                 jnp.minimum(vs[6], vs[7]))
                mins2[pl.ds(s * _L, _L)] = jnp.minimum(m0, m1)
                return 0

            lax.fori_loop(0, _NG2, l2, 0)

            m3 = mins2[pl.ds(0, _L)]
            for s in range(1, _NG2):
                m3 = jnp.minimum(m3, mins2[pl.ds(s * _L, _L)])
            m3buf[pl.ds(0, _L)] = m3

            def lane_body(el, cnt):
                def drill_s(s, cnt):
                    def drill_g(u, cnt):
                        g = s * _G + u

                        def drill_v(w, cnt):
                            v = bufp[pl.ds((g * _G + w) * _L, _L)]
                            val = _lane(v, el)

                            def app(c):
                                slot = jnp.minimum(c, _CAPV - 1)
                                cand[pl.ds(slot * _L, _L)] = jnp.where(
                                    iota == 0, jnp.broadcast_to(val, (_L,)),
                                    bigs)
                                return c + 1

                            return lax.cond(val < tau, app, lambda c: c, cnt)

                        return lax.cond(_rd(minsbuf, g * _L, el) < tau,
                                        lambda c: lax.fori_loop(
                                            0, _G, drill_v, c),
                                        lambda c: c, cnt)

                    return lax.cond(_rd(mins2, s * _L, el) < tau,
                                    lambda c: lax.fori_loop(
                                        0, _G, drill_g, c),
                                    lambda c: c, cnt)

                return lax.cond(_rd(m3buf, 0, el) < tau,
                                lambda c: lax.fori_loop(0, _NG2, drill_s, c),
                                lambda c: c, cnt)

            cnt = lax.fori_loop(0, _L, lane_body, cnt)

        pltpu.async_copy(cand.at[pl.ds(0, _CAP)], cand_ref.at[row],
                         tsem).wait()
        return 0

    lax.fori_loop(0, rows_per, row_body, 0)



def _merge_body(cand_ref, taus_ref, scale_ref, out_ref):
    d = cand_ref[...]
    r = taus_ref[...]
    ms = []
    m = jnp.minimum(jnp.min(d, axis=1, keepdims=True),
                    jnp.min(r, axis=1, keepdims=True))
    ms.append(m)
    for _ in range(_TOPK - 1):
        md = jnp.min(jnp.where(d > m, d, _BIG), axis=1, keepdims=True)
        mr = jnp.min(jnp.where(r > m, r, _BIG), axis=1, keepdims=True)
        m = jnp.minimum(md, mr)
        ms.append(m)
    tops = jnp.concatenate(ms, axis=1)
    kern = jnp.exp(tops * -0.5)
    out_ref[...] = jnp.sum(kern * scale_ref[0:1, :_TOPK], axis=1,
                           keepdims=True)



def _fused_body(q_ref, b_ref, scale_ref, out_ref, r_ref, qn_ref, *,
                nb, tail, bk):
    kb = pl.program_id(0)

    @pl.when(kb == 0)
    def _init():
        q = q_ref[...]
        qn_ref[...] = jnp.sum(q * q, axis=1, keepdims=True)
        r_ref[...] = jnp.full(r_ref.shape, _BIG, jnp.float32)

    b = b_ref[...]
    bn = jnp.sum(b * b, axis=1)[None, :]
    prod = lax.dot_general(q_ref[...], b, (((1,), (1,)), ((), ())),
                           preferred_element_type=jnp.float32)
    d = jnp.maximum(qn_ref[...] + bn - 2.0 * prod, 0.0)
    col = lax.broadcasted_iota(jnp.int32, d.shape, 1)
    d = jnp.where((kb < nb - 1) | (col < tail), d, _BIG)
    r = r_ref[...]
    ms = []
    m = jnp.minimum(jnp.min(d, axis=1, keepdims=True),
                    jnp.min(r, axis=1, keepdims=True))
    ms.append(m)
    for _ in range(_TOPK - 1):
        md = jnp.min(jnp.where(d > m, d, _BIG), axis=1, keepdims=True)
        mr = jnp.min(jnp.where(r > m, r, _BIG), axis=1, keepdims=True)
        m = jnp.minimum(md, mr)
        ms.append(m)
    tops = jnp.concatenate(ms, axis=1)

    @pl.when(kb < nb - 1)
    def _carry():
        r_ref[:, :_TOPK] = tops

    @pl.when(kb == nb - 1)
    def _emit():
        kern = jnp.exp(tops * -0.5)
        out_ref[...] = jnp.sum(kern * scale_ref[0:1, :_TOPK], axis=1,
                               keepdims=True)



@jax.jit
def kernel(real_features, buffer_features, k):
    n, dim = real_features.shape
    kbuf = buffer_features.shape[0]
    bk = _BK
    kpad = _NCHUNK * _C
    nb = kpad // bk
    tail = kbuf - (nb - 1) * bk

    kf = jnp.asarray(k, jnp.float32)
    idx = jnp.arange(_TW)
    scale = (jnp.where((idx < k) & (idx < _TOPK), 1.0, 0.0)
             .astype(jnp.float32) / kf)[None, :]

    nsc = 256
    ntc = n - nsc
    q_sc = real_features[:nsc]
    q_tc = real_features[nsc:]

    dist_body = functools.partial(_dist_body, nb=nb, tail=tail, bk=bk)
    dists, taus = pl.pallas_call(
        dist_body,
        grid=(nb,),
        in_specs=[
            pl.BlockSpec((nsc, dim), lambda i: (0, 0)),
            pl.BlockSpec((bk, dim), lambda i: (i, 0)),
        ],
        out_specs=[
            pl.BlockSpec((nsc, bk), lambda i: (0, i)),
            pl.BlockSpec((nsc, _TW), lambda i: (0, 0)),
        ],
        out_shape=[
            jax.ShapeDtypeStruct((nsc, kpad), jnp.float32),
            jax.ShapeDtypeStruct((nsc, _TW), jnp.float32),
        ],
        scratch_shapes=[
            pltpu.VMEM((nsc, _TW), jnp.float32),
            pltpu.VMEM((nsc, 1), jnp.float32),
        ],
    )(q_sc, buffer_features)

    nworkers = 32
    rows_per = nsc // nworkers
    mesh = plsc.VectorSubcoreMesh(core_axis_name="c", subcore_axis_name="s")
    sc_body = functools.partial(_sc_body, rows_per=rows_per)
    cand = pl.kernel(
        sc_body,
        out_type=jax.ShapeDtypeStruct((nsc, _CAP), jnp.float32),
        mesh=mesh,
        scratch_types=[
            pltpu.VMEM((2, _C + _L), jnp.float32),
            pltpu.VMEM((_NG1 * _L + _L,), jnp.float32),
            pltpu.VMEM((_NG2 * _L + _L,), jnp.float32),
            pltpu.VMEM((2 * _L,), jnp.float32),
            pltpu.VMEM((3 * _L,), jnp.float32),
            pltpu.VMEM((_CAP + _L,), jnp.float32),
            pltpu.SemaphoreType.DMA,
            pltpu.SemaphoreType.DMA,
            pltpu.SemaphoreType.DMA,
        ],
    )(dists, taus)

    fused_body = functools.partial(_fused_body, nb=nb, tail=tail, bk=bk)
    out_tc = pl.pallas_call(
        fused_body,
        grid=(nb,),
        in_specs=[
            pl.BlockSpec((ntc, dim), lambda i: (0, 0)),
            pl.BlockSpec((bk, dim), lambda i: (i, 0)),
            pl.BlockSpec((1, _TW), lambda i: (0, 0)),
        ],
        out_specs=pl.BlockSpec((ntc, 1), lambda i: (0, 0)),
        out_shape=jax.ShapeDtypeStruct((ntc, 1), jnp.float32),
        scratch_shapes=[
            pltpu.VMEM((ntc, _TW), jnp.float32),
            pltpu.VMEM((ntc, 1), jnp.float32),
        ],
    )(q_tc, buffer_features, scale)

    out_sc = pl.pallas_call(
        _merge_body,
        in_specs=[
            pl.BlockSpec((nsc, _CAP), lambda: (0, 0)),
            pl.BlockSpec((nsc, _TW), lambda: (0, 0)),
            pl.BlockSpec((1, _TW), lambda: (0, 0)),
        ],
        out_specs=pl.BlockSpec((nsc, 1), lambda: (0, 0)),
        out_shape=jax.ShapeDtypeStruct((nsc, 1), jnp.float32),
    )(cand, taus, scale)
    return jnp.concatenate([out_sc[:, 0], out_tc[:, 0]])

# --- scband reference (transcript-rebuilt; emitter-appended) ---
"""Pipeline reference for scband-madrgan-63385127354933 (READ-ONLY COPY).

The authoritative reference and input builder live on the scoring server;
editing this copy changes nothing except your own understanding.
"""

import jax, jax.numpy as jnp
import numpy as np

SIGMA = 1.0

def setup_inputs(seed: int = 0) -> dict:
    key = jax.random.key(seed)
    k1, k2 = jax.random.split(key)
    real_features = jax.random.normal(k1, (1024, 384), dtype=jnp.float32)
    buffer_features = jax.random.normal(k2, (100000, 384), dtype=jnp.float32)
    return {"real_features": real_features, "buffer_features": buffer_features, "k": 20}

def reference(real_features, buffer_features, k):
    # Faithful jax port of FAISSCoverageIndex.compute_coverage_faiss:
    # exact k-NN search (IndexFlatL2 returns squared L2 distances),
    # then kernels = exp(-dist / (2*sigma^2)), coverage = mean over k neighbors.
    sigma = SIGMA
    q_norm = jnp.sum(real_features * real_features, axis=1, keepdims=True)  # (N,1)
    b_norm = jnp.sum(buffer_features * buffer_features, axis=1)             # (K,)
    dists_sq = q_norm + b_norm[None, :] - 2.0 * (real_features @ buffer_features.T)
    dists_sq = jnp.maximum(dists_sq, 0.0)  # (N, K) squared L2 distances
    # k nearest neighbors: top_k on negated distances
    k_static = 20
    neg_topk, _idx = jax.lax.top_k(-dists_sq, k_static)
    topk_dists = -neg_topk  # (N, k) smallest squared distances
    kernels = jnp.exp(-topk_dists / (2.0 * sigma ** 2))
    mask = (jnp.arange(k_static) < k).astype(kernels.dtype)  # (k_static,)
    coverage_scores = jnp.sum(kernels * mask[None, :], axis=1) / jnp.asarray(k, kernels.dtype)  # (N,)
    return coverage_scores

if __name__ == "__main__":
    import jax
    _d = setup_inputs()
    print(jax.jit(kernel)(*tuple(_d.values())))

</pallas_src>

<mosaic_0001>
#map = affine_map<(d0, d1) -> (0, 0)>
module attributes {stable_mosaic.version = 14 : i64} {
  func.func @_sc_body(%arg0: i32, %arg1: i32, %arg2: memref<256x100352xf32, #tpu.memory_space<hbm>>, %arg3: memref<256x128xf32, #tpu.memory_space<hbm>>, %arg4: memref<256x2048xf32, #tpu.memory_space<hbm>>, %arg5: memref<2x14352xf32, #tpu.memory_space<vmem>>, %arg6: memref<1808xf32, #tpu.memory_space<vmem>>, %arg7: memref<240xf32, #tpu.memory_space<vmem>>, %arg8: memref<32xf32, #tpu.memory_space<vmem>>, %arg9: memref<48xf32, #tpu.memory_space<vmem>>, %arg10: memref<2064xf32, #tpu.memory_space<vmem>>, %arg11: memref<!tpu.dma_semaphore, #tpu.memory_space<semaphore_mem>>, %arg12: memref<!tpu.dma_semaphore, #tpu.memory_space<semaphore_mem>>, %arg13: memref<!tpu.dma_semaphore, #tpu.memory_space<semaphore_mem>>) attributes {dimension_semantics = [#tpu.dimension_semantics<core_parallel>, #tpu.dimension_semantics<subcore_parallel>], iteration_bounds = array<i64: 2, 16>, scalar_prefetch = 0 : i64, scratch_operands = 9 : i64, tpu.core_type = #tpu.core_type<sc_vector_subcore>, window_params = [{transform_indices = #map}, {transform_indices = #map}, {transform_indices = #map}]} {
    %mul3A = arith.constant 2 : i32
    %mul3A_0 = arith.muli %arg1, %mul3A : i32
    %add3A = arith.addi %mul3A_0, %arg0 : i32
    %broadcast_in_dim3A = arith.constant 1.000000e+30 : f32
    %broadcast_in_dim3A_1 = vector.broadcast %broadcast_in_dim3A : f32 to vector<16xf32>
    %mul3A_2 = arith.constant 8 : i32
    %mul3A_3 = arith.muli %add3A, %mul3A_2 : i32
    %iota3A = tpu.iota {dimensions = array<i32: 0>} : vector<16xi32>
    %scan3A = arith.constant 0 : i32
    %scan3A_4 = arith.constant 0 : i32
    %scan3A_5 = arith.constant 8 : i32
    %scan3A_6 = arith.addi %scan3A_4, %scan3A_5 : i32
    %scan3A_7 = arith.constant 1 : i32
    %scan3A_8 = scf.for %scan3A_10 = %scan3A_4 to %scan3A_6 step %scan3A_7 iter_args(%scan3A_11 = %scan3A) -> (i32)  : i32 {
      %add3A_12 = arith.addi %mul3A_3, %scan3A_10 : i32
      "tpu.region"() ({
        %run_scoped3A = tpu.sem_alloc : memref<!tpu.dma_semaphore, #tpu.memory_space<semaphore_mem>>
        %dma_start3A_683 = arith.constant 0 : i32
        %dma_start3A_684 = tpu.memref_slice %arg9[%dma_start3A_683] : memref<48xf32, #tpu.memory_space<vmem>> -> memref<32xf32, #tpu.memory_space<vmem>>
        %dma_start3A_685 = arith.constant 0 : i32
        %dma_start3A_686 = tpu.memref_slice %arg3[%add3A_12, %dma_start3A_685] : memref<256x128xf32, #tpu.memory_space<hbm>> -> memref<1x32xf32, #tpu.memory_space<hbm>>
        %dma_start3A_687 = tpu.memref_squeeze %dma_start3A_686 : memref<1x32xf32, #tpu.memory_space<hbm>> -> memref<32xf32, #tpu.memory_space<hbm>>
        %dma_start3A_688 = arith.constant 0 : i32
        %dma_start3A_689 = tpu.memref_slice %arg9[%dma_start3A_688] : memref<48xf32, #tpu.memory_space<vmem>> -> memref<32xf32, #tpu.memory_space<vmem>>
        %dma_start3A_690 = arith.constant 0 : i32
        %dma_start3A_691 = tpu.memref_slice %arg3[%add3A_12, %dma_start3A_690] : memref<256x128xf32, #tpu.memory_space<hbm>> -> memref<1x32xf32, #tpu.memory_space<hbm>>
        %dma_start3A_692 = tpu.memref_squeeze %dma_start3A_691 : memref<1x32xf32, #tpu.memory_space<hbm>> -> memref<32xf32, #tpu.memory_space<hbm>>
        tpu.enqueue_dma source(%dma_start3A_692 : memref<32xf32, #tpu.memory_space<hbm>>) target(%dma_start3A_689 : memref<32xf32, #tpu.memory_space<vmem>>) target_semaphore(%run_scoped3A : memref<!tpu.dma_semaphore, #tpu.memory_space<semaphore_mem>>)
        %dma_wait3A_693 = arith.constant 0 : i32
        %dma_wait3A_694 = tpu.memref_slice %arg9[%dma_wait3A_693] : memref<48xf32, #tpu.memory_space<vmem>> -> memref<32xf32, #tpu.memory_space<vmem>>
        %dma_wait3A_695 = arith.constant 0 : i32
        %dma_wait3A_696 = tpu.memref_slice %arg3[%add3A_12, %dma_wait3A_695] : memref<256x128xf32, #tpu.memory_space<hbm>> -> memref<1x32xf32, #tpu.memory_space<hbm>>
        %dma_wait3A_697 = tpu.memref_squeeze %dma_wait3A_696 : memref<1x32xf32, #tpu.memory_space<hbm>> -> memref<32xf32, #tpu.memory_space<hbm>>
        %dma_wait3A_698 = arith.constant 0 : i32
        %dma_wait3A_699 = tpu.memref_slice %arg9[%dma_wait3A_698] : memref<48xf32, #tpu.memory_space<vmem>> -> memref<32xf32, #tpu.memory_space<vmem>>
        %dma_wait3A_700 = arith.constant 0 : i32
        %dma_wait3A_701 = tpu.memref_slice %arg3[%add3A_12, %dma_wait3A_700] : memref<256x128xf32, #tpu.memory_space<hbm>> -> memref<1x32xf32, #tpu.memory_space<hbm>>
        %dma_wait3A_702 = tpu.memref_squeeze %dma_wait3A_701 : memref<1x32xf32, #tpu.memory_space<hbm>> -> memref<32xf32, #tpu.memory_space<hbm>>
        tpu.wait_dma2 semaphore(%run_scoped3A : memref<!tpu.dma_semaphore, #tpu.memory_space<semaphore_mem>>) src(%dma_wait3A_702 : memref<32xf32, #tpu.memory_space<hbm>>) dst(%dma_wait3A_699 : memref<32xf32, #tpu.memory_space<vmem>>)
        tpu.yield
      }) : () -> ()
      %get3A = arith.constant 16 : index
      %get3A_13 = tpu.vector_load %arg9[%get3A] {strides = array<i32>} : memref<48xf32, #tpu.memory_space<vmem>>, vector<16xf32>,
      %get3A_14 = vector.shape_cast %get3A_13 : vector<16xf32> to vector<16xf32>
      %slice3A = vector.extract_strided_slice %get3A_14 {offsets = [3], sizes = [1], strides = [1]} : vector<16xf32> to vector<1xf32>
      %slice3A_15 = vector.extract_strided_slice %slice3A {offsets = [0], sizes = [1], strides = [1]} : vector<1xf32> to vector<1xf32>
      %squeeze3A = vector.extract %slice3A_15[0] : f32 from vector<1xf32>
      %dma_start3A = arith.constant 0 : i32
      %dma_start3A_16 = arith.constant 0 : i32
      %dma_start3A_17 = tpu.memref_slice %arg5[%dma_start3A, %dma_start3A_16] : memref<2x14352xf32, #tpu.memory_space<vmem>> -> memref<1x14336xf32, #tpu.memory_space<vmem>>
      %dma_start3A_18 = tpu.memref_squeeze %dma_start3A_17 : memref<1x14336xf32, #tpu.memory_space<vmem>> -> memref<14336xf32, #tpu.memory_space<vmem>>
      %dma_start3A_19 = arith.constant 14336 : i32
      %dma_start3A_20 = tpu.memref_slice %arg2[%add3A_12, %dma_start3A_19] : memref<256x100352xf32, #tpu.memory_space<hbm>> -> memref<1x14336xf32, #tpu.memory_space<hbm>>
      %dma_start3A_21 = tpu.memref_squeeze %dma_start3A_20 : memref<1x14336xf32, #tpu.memory_space<hbm>> -> memref<14336xf32, #tpu.memory_space<hbm>>
      %dma_start3A_22 = arith.constant 0 : i32
      %dma_start3A_23 = tpu.memref_slice %arg5[%dma_start3A, %dma_start3A_22] : memref<2x14352xf32, #tpu.memory_space<vmem>> -> memref<1x14336xf32, #tpu.memory_space<vmem>>
      %dma_start3A_24 = tpu.memref_squeeze %dma_start3A_23 : memref<1x14336xf32, #tpu.memory_space<vmem>> -> memref<14336xf32, #tpu.memory_space<vmem>>
      %dma_start3A_25 = arith.constant 14336 : i32
      %dma_start3A_26 = tpu.memref_slice %arg2[%add3A_12, %dma_start3A_25] : memref<256x100352xf32, #tpu.memory_space<hbm>> -> memref<1x14336xf32, #tpu.memory_space<hbm>>
      %dma_start3A_27 = tpu.memref_squeeze %dma_start3A_26 : memref<1x14336xf32, #tpu.memory_space<hbm>> -> memref<14336xf32, #tpu.memory_space<hbm>>
      tpu.enqueue_dma source(%dma_start3A_27 : memref<14336xf32, #tpu.memory_space<hbm>>) target(%dma_start3A_24 : memref<14336xf32, #tpu.memory_space<vmem>>) target_semaphore(%arg11 : memref<!tpu.dma_semaphore, #tpu.memory_space<semaphore_mem>>)
      %scan3A_28 = arith.constant 0 : i32
      %scan3A_29 = arith.constant 0 : i32
      %scan3A_30 = arith.constant 128 : i32
      %scan3A_31 = arith.addi %scan3A_29, %scan3A_30 : i32
      %scan3A_32 = arith.constant 1 : i32
      %scan3A_33 = scf.for %scan3A_683 = %scan3A_29 to %scan3A_31 step %scan3A_32 iter_args(%scan3A_684 = %scan3A_28) -> (i32)  : i32 {
        %mul3A_685 = arith.constant 16 : i32
        %mul3A_686 = arith.muli %scan3A_683, %mul3A_685 : i32
        %swap3A_687 = arith.index_cast %mul3A_686 : i32 to index
        %swap3A_688 = tpu.vector_load %arg10[%swap3A_687] {strides = array<i32>} : memref<2064xf32, #tpu.memory_space<vmem>>, vector<16xf32>,
        %swap3A_689 = vector.shape_cast %swap3A_688 : vector<16xf32> to vector<16xf32>
        %swap3A_690 = vector.shape_cast %broadcast_in_dim3A_1 : vector<16xf32> to vector<16xf32>
        tpu.vector_store %arg10[%swap3A_687], %swap3A_690 {strides = array<i32>} : memref<2064xf32, #tpu.memory_space<vmem>>, vector<16xf32>,
        %scan3A_691 = arith.constant 0 : i32
        scf.yield %scan3A_691 : i32
      }
      %scan3A_34 = arith.constant 128 : i32
      %dma_start3A_35 = arith.constant 1 : i32
      %dma_start3A_36 = arith.constant 0 : i32
      %dma_start3A_37 = tpu.memref_slice %arg5[%dma_start3A_35, %dma_start3A_36] : memref<2x14352xf32, #tpu.memory_space<vmem>> -> memref<1x14336xf32, #tpu.memory_space<vmem>>
      %dma_start3A_38 = tpu.memref_squeeze %dma_start3A_37 : memref<1x14336xf32, #tpu.memory_space<vmem>> -> memref<14336xf32, #tpu.memory_space<vmem>>
      %dma_start3A_39 = arith.constant 28672 : i32
      %dma_start3A_40 = tpu.memref_slice %arg2[%add3A_12, %dma_start3A_39] : memref<256x100352xf32, #tpu.memory_space<hbm>> -> memref<1x14336xf32, #tpu.memory_space<hbm>>
      %dma_start3A_41 = tpu.memref_squeeze %dma_start3A_40 : memref<1x14336xf32, #tpu.memory_space<hbm>> -> memref<14336xf32, #tpu.memory_space<hbm>>
      %dma_start3A_42 = arith.constant 0 : i32
      %dma_start3A_43 = tpu.memref_slice %arg5[%dma_start3A_35, %dma_start3A_42] : memref<2x14352xf32, #tpu.memory_space<vmem>> -> memref<1x14336xf32, #tpu.memory_space<vmem>>
      %dma_start3A_44 = tpu.memref_squeeze %dma_start3A_43 : memref<1x14336xf32, #tpu.memory_space<vmem>> -> memref<14336xf32, #tpu.memory_space<vmem>>
      %dma_start3A_45 = arith.constant 28672 : i32
      %dma_start3A_46 = tpu.memref_slice %arg2[%add3A_12, %dma_start3A_45] : memref<256x100352xf32, #tpu.memory_space<hbm>> -> memref<1x14336xf32, #tpu.memory_space<hbm>>
      %dma_start3A_47 = tpu.memref_squeeze %dma_start3A_46 : memref<1x14336xf32, #tpu.memory_space<hbm>> -> memref<14336xf32, #tpu.memory_space<hbm>>
      tpu.enqueue_dma source(%dma_start3A_47 : memref<14336xf32, #tpu.memory_space<hbm>>) target(%dma_start3A_44 : memref<14336xf32, #tpu.memory_space<vmem>>) target_semaphore(%arg12 : memref<!tpu.dma_semaphore, #tpu.memory_space<semaphore_mem>>)
      %dma_wait3A = arith.constant 0 : i32
      %dma_wait3A_48 = arith.constant 0 : i32
      %dma_wait3A_49 = tpu.memref_slice %arg5[%dma_wait3A, %dma_wait3A_48] : memref<2x14352xf32, #tpu.memory_space<vmem>> -> memref<1x14336xf32, #tpu.memory_space<vmem>>
      %dma_wait3A_50 = tpu.memref_squeeze %dma_wait3A_49 : memref<1x14336xf32, #tpu.memory_space<vmem>> -> memref<14336xf32, #tpu.memory_space<vmem>>
      %dma_wait3A_51 = arith.constant 14336 : i32
      %dma_wait3A_52 = tpu.memref_slice %arg2[%add3A_12, %dma_wait3A_51] : memref<256x100352xf32, #tpu.memory_space<hbm>> -> memref<1x14336xf32, #tpu.memory_space<hbm>>
      %dma_wait3A_53 = tpu.memref_squeeze %dma_wait3A_52 : memref<1x14336xf32, #tpu.memory_space<hbm>> -> memref<14336xf32, #tpu.memory_space<hbm>>
      %dma_wait3A_54 = arith.constant 0 : i32
      %dma_wait3A_55 = tpu.memref_slice %arg5[%dma_wait3A, %dma_wait3A_54] : memref<2x14352xf32, #tpu.memory_space<vmem>> -> memref<1x14336xf32, #tpu.memory_space<vmem>>
      %dma_wait3A_56 = tpu.memref_squeeze %dma_wait3A_55 : memref<1x14336xf32, #tpu.memory_space<vmem>> -> memref<14336xf32, #tpu.memory_space<vmem>>
      %dma_wait3A_57 = arith.constant 14336 : i32
      %dma_wait3A_58 = tpu.memref_slice %arg2[%add3A_12, %dma_wait3A_57] : memref<256x100352xf32, #tpu.memory_space<hbm>> -> memref<1x14336xf32, #tpu.memory_space<hbm>>
      %dma_wait3A_59 = tpu.memref_squeeze %dma_wait3A_58 : memref<1x14336xf32, #tpu.memory_space<hbm>> -> memref<14336xf32, #tpu.memory_space<hbm>>
      tpu.wait_dma2 semaphore(%arg11 : memref<!tpu.dma_semaphore, #tpu.memory_space<semaphore_mem>>) src(%dma_wait3A_59 : memref<14336xf32, #tpu.memory_space<hbm>>) dst(%dma_wait3A_56 : memref<14336xf32, #tpu.memory_space<vmem>>)
      %scan3A_60 = arith.constant 0 : i32
      %scan3A_61 = arith.constant 0 : i32
      %scan3A_62 = arith.constant 0 : i32
      %scan3A_63 = arith.constant 112 : i32
      %scan3A_64 = arith.addi %scan3A_62, %scan3A_63 : i32
      %scan3A_65 = arith.constant 1 : i32
      %scan3A_66 = scf.for %scan3A_683 = %scan3A_62 to %scan3A_64 step %scan3A_65 iter_args(%scan3A_684 = %scan3A_61) -> (i32)  : i32 {
        %mul3A_685 = arith.constant 8 : i32
        %mul3A_686 = arith.muli %scan3A_683, %mul3A_685 : i32
        %add3A_687 = arith.constant 0 : i32
        %add3A_688 = arith.addi %mul3A_686, %add3A_687 : i32
        %mul3A_689 = arith.constant 16 : i32
        %mul3A_690 = arith.muli %add3A_688, %mul3A_689 : i32
        %get3A_691 = arith.constant 0 : i32
        %get3A_692 = tpu.memref_slice %arg5[%scan3A_60, %get3A_691] : memref<2x14352xf32, #tpu.memory_space<vmem>> -> memref<1x14352xf32, #tpu.memory_space<vmem>>
        %get3A_693 = tpu.memref_squeeze %get3A_692 : memref<1x14352xf32, #tpu.memory_space<vmem>> -> memref<14352xf32, #tpu.memory_space<vmem>>
        %get3A_694 = arith.index_cast %mul3A_690 : i32 to index
        %get3A_695 = tpu.vector_load %get3A_693[%get3A_694] {strides = array<i32>} : memref<14352xf32, #tpu.memory_space<vmem>>, vector<16xf32>,
        %get3A_696 = vector.shape_cast %get3A_695 : vector<16xf32> to vector<16xf32>
        %mul3A_697 = arith.constant 8 : i32
        %mul3A_698 = arith.muli %scan3A_683, %mul3A_697 : i32
        %add3A_699 = arith.constant 1 : i32
        %add3A_700 = arith.addi %mul3A_698, %add3A_699 : i32
        %mul3A_701 = arith.constant 16 : i32
        %mul3A_702 = arith.muli %add3A_700, %mul3A_701 : i32
        %get3A_703 = arith.constant 0 : i32
        %get3A_704 = tpu.memref_slice %arg5[%scan3A_60, %get3A_703] : memref<2x14352xf32, #tpu.memory_space<vmem>> -> memref<1x14352xf32, #tpu.memory_space<vmem>>
        %get3A_705 = tpu.memref_squeeze %get3A_704 : memref<1x14352xf32, #tpu.memory_space<vmem>> -> memref<14352xf32, #tpu.memory_space<vmem>>
        %get3A_706 = arith.index_cast %mul3A_702 : i32 to index
        %get3A_707 = tpu.vector_load %get3A_705[%get3A_706] {strides = array<i32>} : memref<14352xf32, #tpu.memory_space<vmem>>, vector<16xf32>,
        %get3A_708 = vector.shape_cast %get3A_707 : vector<16xf32> to vector<16xf32>
        %mul3A_709 = arith.constant 8 : i32
        %mul3A_710 = arith.muli %scan3A_683, %mul3A_709 : i32
        %add3A_711 = arith.constant 2 : i32
        %add3A_712 = arith.addi %mul3A_710, %add3A_711 : i32
        %mul3A_713 = arith.constant 16 : i32
        %mul3A_714 = arith.muli %add3A_712, %mul3A_713 : i32
        %get3A_715 = arith.constant 0 : i32
        %get3A_716 = tpu.memref_slice %arg5[%scan3A_60, %get3A_715] : memref<2x14352xf32, #tpu.memory_space<vmem>> -> memref<1x14352xf32, #tpu.memory_space<vmem>>
        %get3A_717 = tpu.memref_squeeze %get3A_716 : memref<1x14352xf32, #tpu.memory_space<vmem>> -> memref<14352xf32, #tpu.memory_space<vmem>>
        %get3A_718 = arith.index_cast %mul3A_714 : i32 to index
        %get3A_719 = tpu.vector_load %get3A_717[%get3A_718] {strides = array<i32>} : memref<14352xf32, #tpu.memory_space<vmem>>, vector<16xf32>,
        %get3A_720 = vector.shape_cast %get3A_719 : vector<16xf32> to vector<16xf32>
        %mul3A_721 = arith.constant 8 : i32
        %mul3A_722 = arith.muli %scan3A_683, %mul3A_721 : i32
        %add3A_723 = arith.constant 3 : i32
        %add3A_724 = arith.addi %mul3A_722, %add3A_723 : i32
        %mul3A_725 = arith.constant 16 : i32
        %mul3A_726 = arith.muli %add3A_724, %mul3A_725 : i32
        %get3A_727 = arith.constant 0 : i32
        %get3A_728 = tpu.memref_slice %arg5[%scan3A_60, %get3A_727] : memref<2x14352xf32, #tpu.memory_space<vmem>> -> memref<1x14352xf32, #tpu.memory_space<vmem>>
        %get3A_729 = tpu.memref_squeeze %get3A_728 : memref<1x14352xf32, #tpu.memory_space<vmem>> -> memref<14352xf32, #tpu.memory_space<vmem>>
        %get3A_730 = arith.index_cast %mul3A_726 : i32 to index
        %get3A_731 = tpu.vector_load %get3A_729[%get3A_730] {strides = array<i32>} : memref<14352xf32, #tpu.memory_space<vmem>>, vector<16xf32>,
        %get3A_732 = vector.shape_cast %get3A_731 : vector<16xf32> to vector<16xf32>
        %mul3A_733 = arith.constant 8 : i32
        %mul3A_734 = arith.muli %scan3A_683, %mul3A_733 : i32
        %add3A_735 = arith.constant 4 : i32
        %add3A_736 = arith.addi %mul3A_734, %add3A_735 : i32
        %mul3A_737 = arith.constant 16 : i32
        %mul3A_738 = arith.muli %add3A_736, %mul3A_737 : i32
        %get3A_739 = arith.constant 0 : i32
        %get3A_740 = tpu.memref_slice %arg5[%scan3A_60, %get3A_739] : memref<2x14352xf32, #tpu.memory_space<vmem>> -> memref<1x14352xf32, #tpu.memory_space<vmem>>
        %get3A_741 = tpu.memref_squeeze %get3A_740 : memref<1x14352xf32, #tpu.memory_space<vmem>> -> memref<14352xf32, #tpu.memory_space<vmem>>
        %get3A_742 = arith.index_cast %mul3A_738 : i32 to index
        %get3A_743 = tpu.vector_load %get3A_741[%get3A_742] {strides = array<i32>} : memref<14352xf32, #tpu.memory_space<vmem>>, vector<16xf32>,
        %get3A_744 = vector.shape_cast %get3A_743 : vector<16xf32> to vector<16xf32>
        %mul3A_745 = arith.constant 8 : i32
        %mul3A_746 = arith.muli %scan3A_683, %mul3A_745 : i32
        %add3A_747 = arith.constant 5 : i32
        %add3A_748 = arith.addi %mul3A_746, %add3A_747 : i32
        %mul3A_749 = arith.constant 16 : i32
        %mul3A_750 = arith.muli %add3A_748, %mul3A_749 : i32
        %get3A_751 = arith.constant 0 : i32
        %get3A_752 = tpu.memref_slice %arg5[%scan3A_60, %get3A_751] : memref<2x14352xf32, #tpu.memory_space<vmem>> -> memref<1x14352xf32, #tpu.memory_space<vmem>>
        %get3A_753 = tpu.memref_squeeze %get3A_752 : memref<1x14352xf32, #tpu.memory_space<vmem>> -> memref<14352xf32, #tpu.memory_space<vmem>>
        %get3A_754 = arith.index_cast %mul3A_750 : i32 to index
        %get3A_755 = tpu.vector_load %get3A_753[%get3A_754] {strides = array<i32>} : memref<14352xf32, #tpu.memory_space<vmem>>, vector<16xf32>,
        %get3A_756 = vector.shape_cast %get3A_755 : vector<16xf32> to vector<16xf32>
        %mul3A_757 = arith.constant 8 : i32
        %mul3A_758 = arith.muli %scan3A_683, %mul3A_757 : i32
        %add3A_759 = arith.constant 6 : i32
        %add3A_760 = arith.addi %mul3A_758, %add3A_759 : i32
        %mul3A_761 = arith.constant 16 : i32
        %mul3A_762 = arith.muli %add3A_760, %mul3A_761 : i32
        %get3A_763 = arith.constant 0 : i32
        %get3A_764 = tpu.memref_slice %arg5[%scan3A_60, %get3A_763] : memref<2x14352xf32, #tpu.memory_space<vmem>> -> memref<1x14352xf32, #tpu.memory_space<vmem>>
        %get3A_765 = tpu.memref_squeeze %get3A_764 : memref<1x14352xf32, #tpu.memory_space<vmem>> -> memref<14352xf32, #tpu.memory_space<vmem>>
        %get3A_766 = arith.index_cast %mul3A_762 : i32 to index
        %get3A_767 = tpu.vector_load %get3A_765[%get3A_766] {strides = array<i32>} : memref<14352xf32, #tpu.memory_space<vmem>>, vector<16xf32>,
        %get3A_768 = vector.shape_cast %get3A_767 : vector<16xf32> to vector<16xf32>
        %mul3A_769 = arith.constant 8 : i32
        %mul3A_770 = arith.muli %scan3A_683, %mul3A_769 : i32
        %add3A_771 = arith.constant 7 : i32
        %add3A_772 = arith.addi %mul3A_770, %add3A_771 : i32
        %mul3A_773 = arith.constant 16 : i32
        %mul3A_774 = arith.muli %add3A_772, %mul3A_773 : i32
        %get3A_775 = arith.constant 0 : i32
        %get3A_776 = tpu.memref_slice %arg5[%scan3A_60, %get3A_775] : memref<2x14352xf32, #tpu.memory_space<vmem>> -> memref<1x14352xf32, #tpu.memory_space<vmem>>
        %get3A_777 = tpu.memref_squeeze %get3A_776 : memref<1x14352xf32, #tpu.memory_space<vmem>> -> memref<14352xf32, #tpu.memory_space<vmem>>
        %get3A_778 = arith.index_cast %mul3A_774 : i32 to index
        %get3A_779 = tpu.vector_load %get3A_777[%get3A_778] {strides = array<i32>} : memref<14352xf32, #tpu.memory_space<vmem>>, vector<16xf32>,
        %get3A_780 = vector.shape_cast %get3A_779 : vector<16xf32> to vector<16xf32>
        %min3A_781 = arith.minimumf %get3A_696, %get3A_708 : vector<16xf32>
        %min3A_782 = arith.minimumf %get3A_720, %get3A_732 : vector<16xf32>
        %min3A_783 = arith.minimumf %min3A_781, %min3A_782 : vector<16xf32>
        %min3A_784 = arith.minimumf %get3A_744, %get3A_756 : vector<16xf32>
        %min3A_785 = arith.minimumf %get3A_768, %get3A_780 : vector<16xf32>
        %min3A_786 = arith.minimumf %min3A_784, %min3A_785 : vector<16xf32>
        %min3A_787 = arith.minimumf %min3A_783, %min3A_786 : vector<16xf32>
        %mul3A_788 = arith.constant 16 : i32
        %mul3A_789 = arith.muli %scan3A_683, %mul3A_788 : i32
        %swap3A_790 = arith.index_cast %mul3A_789 : i32 to index
        %swap3A_791 = tpu.vector_load %arg6[%swap3A_790] {strides = array<i32>} : memref<1808xf32, #tpu.memory_space<vmem>>, vector<16xf32>,
        %swap3A_792 = vector.shape_cast %swap3A_791 : vector<16xf32> to vector<16xf32>
        %swap3A_793 = vector.shape_cast %min3A_787 : vector<16xf32> to vector<16xf32>
        tpu.vector_store %arg6[%swap3A_790], %swap3A_793 {strides = array<i32>} : memref<1808xf32, #tpu.memory_space<vmem>>, vector<16xf32>,
        %scan3A_794 = arith.constant 0 : i32
        scf.yield %scan3A_794 : i32
      }
      %scan3A_67 = arith.constant 112 : i32
      %scan3A_68 = arith.constant 0 : i32
      %scan3A_69 = arith.constant 0 : i32
      %scan3A_70 = arith.constant 14 : i32
      %scan3A_71 = arith.addi %scan3A_69, %scan3A_70 : i32
      %scan3A_72 = arith.constant 1 : i32
      %scan3A_73 = scf.for %scan3A_683 = %scan3A_69 to %scan3A_71 step %scan3A_72 iter_args(%scan3A_684 = %scan3A_68) -> (i32)  : i32 {
        %mul3A_685 = arith.constant 8 : i32
        %mul3A_686 = arith.muli %scan3A_683, %mul3A_685 : i32
        %add3A_687 = arith.constant 0 : i32
        %add3A_688 = arith.addi %mul3A_686, %add3A_687 : i32
        %mul3A_689 = arith.constant 16 : i32
        %mul3A_690 = arith.muli %add3A_688, %mul3A_689 : i32
        %get3A_691 = arith.index_cast %mul3A_690 : i32 to index
        %get3A_692 = tpu.vector_load %arg6[%get3A_691] {strides = array<i32>} : memref<1808xf32, #tpu.memory_space<vmem>>, vector<16xf32>,
        %get3A_693 = vector.shape_cast %get3A_692 : vector<16xf32> to vector<16xf32>
        %mul3A_694 = arith.constant 8 : i32
        %mul3A_695 = arith.muli %scan3A_683, %mul3A_694 : i32
        %add3A_696 = arith.constant 1 : i32
        %add3A_697 = arith.addi %mul3A_695, %add3A_696 : i32
        %mul3A_698 = arith.constant 16 : i32
        %mul3A_699 = arith.muli %add3A_697, %mul3A_698 : i32
        %get3A_700 = arith.index_cast %mul3A_699 : i32 to index
        %get3A_701 = tpu.vector_load %arg6[%get3A_700] {strides = array<i32>} : memref<1808xf32, #tpu.memory_space<vmem>>, vector<16xf32>,
        %get3A_702 = vector.shape_cast %get3A_701 : vector<16xf32> to vector<16xf32>
        %mul3A_703 = arith.constant 8 : i32
        %mul3A_704 = arith.muli %scan3A_683, %mul3A_703 : i32
        %add3A_705 = arith.constant 2 : i32
        %add3A_706 = arith.addi %mul3A_704, %add3A_705 : i32
        %mul3A_707 = arith.constant 16 : i32
        %mul3A_708 = arith.muli %add3A_706, %mul3A_707 : i32
        %get3A_709 = arith.index_cast %mul3A_708 : i32 to index
        %get3A_710 = tpu.vector_load %arg6[%get3A_709] {strides = array<i32>} : memref<1808xf32, #tpu.memory_space<vmem>>, vector<16xf32>,
        %get3A_711 = vector.shape_cast %get3A_710 : vector<16xf32> to vector<16xf32>
        %mul3A_712 = arith.constant 8 : i32
        %mul3A_713 = arith.muli %scan3A_683, %mul3A_712 : i32
        %add3A_714 = arith.constant 3 : i32
        %add3A_715 = arith.addi %mul3A_713, %add3A_714 : i32
        %mul3A_716 = arith.constant 16 : i32
        %mul3A_717 = arith.muli %add3A_715, %mul3A_716 : i32
        %get3A_718 = arith.index_cast %mul3A_717 : i32 to index
        %get3A_719 = tpu.vector_load %arg6[%get3A_718] {strides = array<i32>} : memref<1808xf32, #tpu.memory_space<vmem>>, vector<16xf32>,
        %get3A_720 = vector.shape_cast %get3A_719 : vector<16xf32> to vector<16xf32>
        %mul3A_721 = arith.constant 8 : i32
        %mul3A_722 = arith.muli %scan3A_683, %mul3A_721 : i32
        %add3A_723 = arith.constant 4 : i32
        %add3A_724 = arith.addi %mul3A_722, %add3A_723 : i32
        %mul3A_725 = arith.constant 16 : i32
        %mul3A_726 = arith.muli %add3A_724, %mul3A_725 : i32
        %get3A_727 = arith.index_cast %mul3A_726 : i32 to index
        %get3A_728 = tpu.vector_load %arg6[%get3A_727] {strides = array<i32>} : memref<1808xf32, #tpu.memory_space<vmem>>, vector<16xf32>,
        %get3A_729 = vector.shape_cast %get3A_728 : vector<16xf32> to vector<16xf32>
        %mul3A_730 = arith.constant 8 : i32
        %mul3A_731 = arith.muli %scan3A_683, %mul3A_730 : i32
        %add3A_732 = arith.constant 5 : i32
        %add3A_733 = arith.addi %mul3A_731, %add3A_732 : i32
        %mul3A_734 = arith.constant 16 : i32
        %mul3A_735 = arith.muli %add3A_733, %mul3A_734 : i32
        %get3A_736 = arith.index_cast %mul3A_735 : i32 to index
        %get3A_737 = tpu.vector_load %arg6[%get3A_736] {strides = array<i32>} : memref<1808xf32, #tpu.memory_space<vmem>>, vector<16xf32>,
        %get3A_738 = vector.shape_cast %get3A_737 : vector<16xf32> to vector<16xf32>
        %mul3A_739 = arith.constant 8 : i32
        %mul3A_740 = arith.muli %scan3A_683, %mul3A_739 : i32
        %add3A_741 = arith.constant 6 : i32
        %add3A_742 = arith.addi %mul3A_740, %add3A_741 : i32
        %mul3A_743 = arith.constant 16 : i32
        %mul3A_744 = arith.muli %add3A_742, %mul3A_743 : i32
        %get3A_745 = arith.index_cast %mul3A_744 : i32 to index
        %get3A_746 = tpu.vector_load %arg6[%get3A_745] {strides = array<i32>} : memref<1808xf32, #tpu.memory_space<vmem>>, vector<16xf32>,
        %get3A_747 = vector.shape_cast %get3A_746 : vector<16xf32> to vector<16xf32>
        %mul3A_748 = arith.constant 8 : i32
        %mul3A_749 = arith.muli %scan3A_683, %mul3A_748 : i32
        %add3A_750 = arith.constant 7 : i32
        %add3A_751 = arith.addi %mul3A_749, %add3A_750 : i32
        %mul3A_752 = arith.constant 16 : i32
        %mul3A_753 = arith.muli %add3A_751, %mul3A_752 : i32
        %get3A_754 = arith.index_cast %mul3A_753 : i32 to index
        %get3A_755 = tpu.vector_load %arg6[%get3A_754] {strides = array<i32>} : memref<1808xf32, #tpu.memory_space<vmem>>, vector<16xf32>,
        %get3A_756 = vector.shape_cast %get3A_755 : vector<16xf32> to vector<16xf32>
        %min3A_757 = arith.minimumf %get3A_693, %get3A_702 : vector<16xf32>
        %min3A_758 = arith.minimumf %get3A_711, %get3A_720 : vector<16xf32>
        %min3A_759 = arith.minimumf %min3A_757, %min3A_758 : vector<16xf32>
        %min3A_760 = arith.minimumf %get3A_729, %get3A_738 : vector<16xf32>
        %min3A_761 = arith.minimumf %get3A_747, %get3A_756 : vector<16xf32>
        %min3A_762 = arith.minimumf %min3A_760, %min3A_761 : vector<16xf32>
        %min3A_763 = arith.minimumf %min3A_759, %min3A_762 : vector<16xf32>
        %mul3A_764 = arith.constant 16 : i32
        %mul3A_765 = arith.muli %scan3A_683, %mul3A_764 : i32
        %swap3A_766 = arith.index_cast %mul3A_765 : i32 to index
        %swap3A_767 = tpu.vector_load %arg7[%swap3A_766] {strides = array<i32>} : memref<240xf32, #tpu.memory_space<vmem>>, vector<16xf32>,
        %swap3A_768 = vector.shape_cast %swap3A_767 : vector<16xf32> to vector<16xf32>
        %swap3A_769 = vector.shape_cast %min3A_763 : vector<16xf32> to vector<16xf32>
        tpu.vector_store %arg7[%swap3A_766], %swap3A_769 {strides = array<i32>} : memref<240xf32, #tpu.memory_space<vmem>>, vector<16xf32>,
        %scan3A_770 = arith.constant 0 : i32
        scf.yield %scan3A_770 : i32
      }
      %scan3A_74 = arith.constant 14 : i32
      %get3A_75 = arith.constant 0 : index
      %get3A_76 = tpu.vector_load %arg7[%get3A_75] {strides = array<i32>} : memref<240xf32, #tpu.memory_space<vmem>>, vector<16xf32>,
      %get3A_77 = vector.shape_cast %get3A_76 : vector<16xf32> to vector<16xf32>
      %get3A_78 = arith.constant 16 : index
      %get3A_79 = tpu.vector_load %arg7[%get3A_78] {strides = array<i32>} : memref<240xf32, #tpu.memory_space<vmem>>, vector<16xf32>,
      %get3A_80 = vector.shape_cast %get3A_79 : vector<16xf32> to vector<16xf32>
      %min3A = arith.minimumf %get3A_77, %get3A_80 : vector<16xf32>
      %get3A_81 = arith.constant 32 : index
      %get3A_82 = tpu.vector_load %arg7[%get3A_81] {strides = array<i32>} : memref<240xf32, #tpu.memory_space<vmem>>, vector<16xf32>,
      %get3A_83 = vector.shape_cast %get3A_82 : vector<16xf32> to vector<16xf32>
      %min3A_84 = arith.minimumf %min3A, %get3A_83 : vector<16xf32>
      %get3A_85 = arith.constant 48 : index
      %get3A_86 = tpu.vector_load %arg7[%get3A_85] {strides = array<i32>} : memref<240xf32, #tpu.memory_space<vmem>>, vector<16xf32>,
      %get3A_87 = vector.shape_cast %get3A_86 : vector<16xf32> to vector<16xf32>
      %min3A_88 = arith.minimumf %min3A_84, %get3A_87 : vector<16xf32>
      %get3A_89 = arith.constant 64 : index
      %get3A_90 = tpu.vector_load %arg7[%get3A_89] {strides = array<i32>} : memref<240xf32, #tpu.memory_space<vmem>>, vector<16xf32>,
      %get3A_91 = vector.shape_cast %get3A_90 : vector<16xf32> to vector<16xf32>
      %min3A_92 = arith.minimumf %min3A_88, %get3A_91 : vector<16xf32>
      %get3A_93 = arith.constant 80 : index
      %get3A_94 = tpu.vector_load %arg7[%get3A_93] {strides = array<i32>} : memref<240xf32, #tpu.memory_space<vmem>>, vector<16xf32>,
      %get3A_95 = vector.shape_cast %get3A_94 : vector<16xf32> to vector<16xf32>
      %min3A_96 = arith.minimumf %min3A_92, %get3A_95 : vector<16xf32>
      %get3A_97 = arith.constant 96 : index
      %get3A_98 = tpu.vector_load %arg7[%get3A_97] {strides = array<i32>} : memref<240xf32, #tpu.memory_space<vmem>>, vector<16xf32>,
      %get3A_99 = vector.shape_cast %get3A_98 : vector<16xf32> to vector<16xf32>
      %min3A_100 = arith.minimumf %min3A_96, %get3A_99 : vector<16xf32>
      %get3A_101 = arith.constant 112 : index
      %get3A_102 = tpu.vector_load %arg7[%get3A_101] {strides = array<i32>} : memref<240xf32, #tpu.memory_space<vmem>>, vector<16xf32>,
      %get3A_103 = vector.shape_cast %get3A_102 : vector<16xf32> to vector<16xf32>
      %min3A_104 = arith.minimumf %min3A_100, %get3A_103 : vector<16xf32>
      %get3A_105 = arith.constant 128 : index
      %get3A_106 = tpu.vector_load %arg7[%get3A_105] {strides = array<i32>} : memref<240xf32, #tpu.memory_space<vmem>>, vector<16xf32>,
      %get3A_107 = vector.shape_cast %get3A_106 : vector<16xf32> to vector<16xf32>
      %min3A_108 = arith.minimumf %min3A_104, %get3A_107 : vector<16xf32>
      %get3A_109 = arith.constant 144 : index
      %get3A_110 = tpu.vector_load %arg7[%get3A_109] {strides = array<i32>} : memref<240xf32, #tpu.memory_space<vmem>>, vector<16xf32>,
      %get3A_111 = vector.shape_cast %get3A_110 : vector<16xf32> to vector<16xf32>
      %min3A_112 = arith.minimumf %min3A_108, %get3A_111 : vector<16xf32>
      %get3A_113 = arith.constant 160 : index
      %get3A_114 = tpu.vector_load %arg7[%get3A_113] {strides = array<i32>} : memref<240xf32, #tpu.memory_space<vmem>>, vector<16xf32>,
      %get3A_115 = vector.shape_cast %get3A_114 : vector<16xf32> to vector<16xf32>
      %min3A_116 = arith.minimumf %min3A_112, %get3A_115 : vector<16xf32>
      %get3A_117 = arith.constant 176 : index
      %get3A_118 = tpu.vector_load %arg7[%get3A_117] {strides = array<i32>} : memref<240xf32, #tpu.memory_space<vmem>>, vector<16xf32>,
      %get3A_119 = vector.shape_cast %get3A_118 : vector<16xf32> to vector<16xf32>
      %min3A_120 = arith.minimumf %min3A_116, %get3A_119 : vector<16xf32>
      %get3A_121 = arith.constant 192 : index
      %get3A_122 = tpu.vector_load %arg7[%get3A_121] {strides = array<i32>} : memref<240xf32, #tpu.memory_space<vmem>>, vector<16xf32>,
      %get3A_123 = vector.shape_cast %get3A_122 : vector<16xf32> to vector<16xf32>
      %min3A_124 = arith.minimumf %min3A_120, %get3A_123 : vector<16xf32>
      %get3A_125 = arith.constant 208 : index
      %get3A_126 = tpu.vector_load %arg7[%get3A_125] {strides = array<i32>} : memref<240xf32, #tpu.memory_space<vmem>>, vector<16xf32>,
      %get3A_127 = vector.shape_cast %get3A_126 : vector<16xf32> to vector<16xf32>
      %min3A_128 = arith.minimumf %min3A_124, %get3A_127 : vector<16xf32>
      %swap3A = arith.constant 0 : index
      %swap3A_129 = tpu.vector_load %arg8[%swap3A] {strides = array<i32>} : memref<32xf32, #tpu.memory_space<vmem>>, vector<16xf32>,
      %swap3A_130 = vector.shape_cast %swap3A_129 : vector<16xf32> to vector<16xf32>
      %swap3A_131 = vector.shape_cast %min3A_128 : vector<16xf32> to vector<16xf32>
      tpu.vector_store %arg8[%swap3A], %swap3A_131 {strides = array<i32>} : memref<32xf32, #tpu.memory_space<vmem>>, vector<16xf32>,
      %scan3A_132 = arith.constant 0 : i32
      %scan3A_133 = arith.constant 0 : i32
      %scan3A_134 = arith.constant 0 : i32
      %scan3A_135 = arith.constant 16 : i32
      %scan3A_136 = arith.addi %scan3A_134, %scan3A_135 : i32
      %scan3A_137 = arith.constant 1 : i32
      %scan3A_138 = scf.for %scan3A_683 = %scan3A_134 to %scan3A_136 step %scan3A_137 iter_args(%scan3A_684 = %scan3A_133) -> (i32)  : i32 {
        %get3A_685 = arith.constant 0 : index
        %get3A_686 = tpu.vector_load %arg8[%get3A_685] {strides = array<i32>} : memref<32xf32, #tpu.memory_space<vmem>>, vector<16xf32>,
        %get3A_687 = vector.shape_cast %get3A_686 : vector<16xf32> to vector<16xf32>
        %iota3A_688 = tpu.iota {dimensions = array<i32: 0>} : vector<16xi32>
        %add3A_689 = vector.broadcast %scan3A_683 : i32 to vector<16xi32>
        %add3A_690 = arith.addi %iota3A_688, %add3A_689 : vector<16xi32>
        %and3A = arith.constant 15 : i32
        %and3A_691 = vector.broadcast %and3A : i32 to vector<16xi32>
        %and3A_692 = arith.andi %add3A_690, %and3A_691 : vector<16xi32>
        %broadcast_in_dim3A_693 = vector.shape_cast %and3A_692 : vector<16xi32> to vector<16x1xi32>
        %gather3A = vector.shape_cast %broadcast_in_dim3A_693 : vector<16x1xi32> to vector<16xi32>
        %gather3A_694 = tpu.dynamic_gather %get3A_687[%gather3A] in [0] : vector<16xf32>, vector<16xi32> -> vector<16xf32>
        %slice3A_695 = vector.extract_strided_slice %gather3A_694 {offsets = [0], sizes = [1], strides = [1]} : vector<16xf32> to vector<1xf32>
        %squeeze3A_696 = vector.extract %slice3A_695[0] : f32 from vector<1xf32>
        %lt3A = arith.cmpf olt, %squeeze3A_696, %squeeze3A : f32
        %convert_element_type3A = arith.extui %lt3A : i1 to i32
        %cond3A = arith.constant 0 : i32
        %cond3A_697 = arith.cmpi ne, %convert_element_type3A, %cond3A : i32
        %cond3A_698 = scf.if %cond3A_697 -> (i32) {
          %scan3A_699 = arith.constant 0 : i32
          %scan3A_700 = arith.constant 14 : i32
          %scan3A_701 = arith.addi %scan3A_699, %scan3A_700 : i32
          %scan3A_702 = arith.constant 1 : i32
          %scan3A_703 = scf.for %scan3A_705 = %scan3A_699 to %scan3A_701 step %scan3A_702 iter_args(%scan3A_706 = %scan3A_684) -> (i32)  : i32 {
            %mul3A_707 = arith.constant 16 : i32
            %mul3A_708 = arith.muli %scan3A_705, %mul3A_707 : i32
            %get3A_709 = arith.index_cast %mul3A_708 : i32 to index
            %get3A_710 = tpu.vector_load %arg7[%get3A_709] {strides = array<i32>} : memref<240xf32, #tpu.memory_space<vmem>>, vector<16xf32>,
            %get3A_711 = vector.shape_cast %get3A_710 : vector<16xf32> to vector<16xf32>
            %iota3A_712 = tpu.iota {dimensions = array<i32: 0>} : vector<16xi32>
            %add3A_713 = vector.broadcast %scan3A_683 : i32 to vector<16xi32>
            %add3A_714 = arith.addi %iota3A_712, %add3A_713 : vector<16xi32>
            %and3A_715 = arith.constant 15 : i32
            %and3A_716 = vector.broadcast %and3A_715 : i32 to vector<16xi32>
            %and3A_717 = arith.andi %add3A_714, %and3A_716 : vector<16xi32>
            %broadcast_in_dim3A_718 = vector.shape_cast %and3A_717 : vector<16xi32> to vector<16x1xi32>
            %gather3A_719 = vector.shape_cast %broadcast_in_dim3A_718 : vector<16x1xi32> to vector<16xi32>
            %gather3A_720 = tpu.dynamic_gather %get3A_711[%gather3A_719] in [0] : vector<16xf32>, vector<16xi32> -> vector<16xf32>
            %slice3A_721 = vector.extract_strided_slice %gather3A_720 {offsets = [0], sizes = [1], strides = [1]} : vector<16xf32> to vector<1xf32>
            %squeeze3A_722 = vector.extract %slice3A_721[0] : f32 from vector<1xf32>
            %lt3A_723 = arith.cmpf olt, %squeeze3A_722, %squeeze3A : f32
            %convert_element_type3A_724 = arith.extui %lt3A_723 : i1 to i32
            %cond3A_725 = arith.constant 0 : i32
            %cond3A_726 = arith.cmpi ne, %convert_element_type3A_724, %cond3A_725 : i32
            %cond3A_727 = scf.if %cond3A_726 -> (i32) {
              %scan3A_728 = arith.constant 0 : i32
              %scan3A_729 = arith.constant 8 : i32
              %scan3A_730 = arith.addi %scan3A_728, %scan3A_729 : i32
              %scan3A_731 = arith.constant 1 : i32
              %scan3A_732 = scf.for %scan3A_734 = %scan3A_728 to %scan3A_730 step %scan3A_731 iter_args(%scan3A_735 = %scan3A_706) -> (i32)  : i32 {
                %mul3A_736 = arith.constant 8 : i32
                %mul3A_737 = arith.muli %scan3A_705, %mul3A_736 : i32
                %add3A_738 = arith.addi %mul3A_737, %scan3A_734 : i32
                %mul3A_739 = arith.constant 16 : i32
                %mul3A_740 = arith.muli %add3A_738, %mul3A_739 : i32
                %get3A_741 = arith.index_cast %mul3A_740 : i32 to index
                %get3A_742 = tpu.vector_load %arg6[%get3A_741] {strides = array<i32>} : memref<1808xf32, #tpu.memory_space<vmem>>, vector<16xf32>,
                %get3A_743 = vector.shape_cast %get3A_742 : vector<16xf32> to vector<16xf32>
                %iota3A_744 = tpu.iota {dimensions = array<i32: 0>} : vector<16xi32>
                %add3A_745 = vector.broadcast %scan3A_683 : i32 to vector<16xi32>
                %add3A_746 = arith.addi %iota3A_744, %add3A_745 : vector<16xi32>
                %and3A_747 = arith.constant 15 : i32
                %and3A_748 = vector.broadcast %and3A_747 : i32 to vector<16xi32>
                %and3A_749 = arith.andi %add3A_746, %and3A_748 : vector<16xi32>
                %broadcast_in_dim3A_750 = vector.shape_cast %and3A_749 : vector<16xi32> to vector<16x1xi32>
                %gather3A_751 = vector.shape_cast %broadcast_in_dim3A_750 : vector<16x1xi32> to vector<16xi32>
                %gather3A_752 = tpu.dynamic_gather %get3A_743[%gather3A_751] in [0] : vector<16xf32>, vector<16xi32> -> vector<16xf32>
                %slice3A_753 = vector.extract_strided_slice %gather3A_752 {offsets = [0], sizes = [1], strides = [1]} : vector<16xf32> to vector<1xf32>
                %squeeze3A_754 = vector.extract %slice3A_753[0] : f32 from vector<1xf32>
                %lt3A_755 = arith.cmpf olt, %squeeze3A_754, %squeeze3A : f32
                %convert_element_type3A_756 = arith.extui %lt3A_755 : i1 to i32
                %cond3A_757 = arith.constant 0 : i32
                %cond3A_758 = arith.cmpi ne, %convert_element_type3A_756, %cond3A_757 : i32
                %cond3A_759 = scf.if %cond3A_758 -> (i32) {
                  %scan3A_760 = arith.constant 0 : i32
                  %scan3A_761 = arith.constant 8 : i32
                  %scan3A_762 = arith.addi %scan3A_760, %scan3A_761 : i32
                  %scan3A_763 = arith.constant 1 : i32
                  %scan3A_764 = scf.for %scan3A_766 = %scan3A_760 to %scan3A_762 step %scan3A_763 iter_args(%scan3A_767 = %scan3A_735) -> (i32)  : i32 {
                    %mul3A_768 = arith.constant 8 : i32
                    %mul3A_769 = arith.muli %add3A_738, %mul3A_768 : i32
                    %add3A_770 = arith.addi %mul3A_769, %scan3A_766 : i32
                    %mul3A_771 = arith.constant 16 : i32
                    %mul3A_772 = arith.muli %add3A_770, %mul3A_771 : i32
                    %get3A_773 = arith.constant 0 : i32
                    %get3A_774 = tpu.memref_slice %arg5[%scan3A_132, %get3A_773] : memref<2x14352xf32, #tpu.memory_space<vmem>> -> memref<1x14352xf32, #tpu.memory_space<vmem>>
                    %get3A_775 = tpu.memref_squeeze %get3A_774 : memref<1x14352xf32, #tpu.memory_space<vmem>> -> memref<14352xf32, #tpu.memory_space<vmem>>
                    %get3A_776 = arith.index_cast %mul3A_772 : i32 to index
                    %get3A_777 = tpu.vector_load %get3A_775[%get3A_776] {strides = array<i32>} : memref<14352xf32, #tpu.memory_space<vmem>>, vector<16xf32>,
                    %get3A_778 = vector.shape_cast %get3A_777 : vector<16xf32> to vector<16xf32>
                    %iota3A_779 = tpu.iota {dimensions = array<i32: 0>} : vector<16xi32>
                    %add3A_780 = vector.broadcast %scan3A_683 : i32 to vector<16xi32>
                    %add3A_781 = arith.addi %iota3A_779, %add3A_780 : vector<16xi32>
                    %and3A_782 = arith.constant 15 : i32
                    %and3A_783 = vector.broadcast %and3A_782 : i32 to vector<16xi32>
                    %and3A_784 = arith.andi %add3A_781, %and3A_783 : vector<16xi32>
                    %broadcast_in_dim3A_785 = vector.shape_cast %and3A_784 : vector<16xi32> to vector<16x1xi32>
                    %gather3A_786 = vector.shape_cast %broadcast_in_dim3A_785 : vector<16x1xi32> to vector<16xi32>
                    %gather3A_787 = tpu.dynamic_gather %get3A_778[%gather3A_786] in [0] : vector<16xf32>, vector<16xi32> -> vector<16xf32>
                    %slice3A_788 = vector.extract_strided_slice %gather3A_787 {offsets = [0], sizes = [1], strides = [1]} : vector<16xf32> to vector<1xf32>
                    %squeeze3A_789 = vector.extract %slice3A_788[0] : f32 from vector<1xf32>
                    %lt3A_790 = arith.cmpf olt, %squeeze3A_789, %squeeze3A : f32
                    %convert_element_type3A_791 = arith.extui %lt3A_790 : i1 to i32
                    %cond3A_792 = arith.constant 0 : i32
                    %cond3A_793 = arith.cmpi ne, %convert_element_type3A_791, %cond3A_792 : i32
                    %cond3A_794 = scf.if %cond3A_793 -> (i32) {
                      %min3A_795 = arith.constant 127 : i32
                      %min3A_796 = arith.minsi %scan3A_767, %min3A_795 : i32
                      %eq3A = arith.constant 0 : i32
                      %eq3A_797 = vector.broadcast %eq3A : i32 to vector<16xi32>
                      %eq3A_798 = arith.cmpi eq, %iota3A, %eq3A_797 : vector<16xi32>
                      %broadcast_in_dim3A_799 = vector.broadcast %squeeze3A_789 : f32 to vector<16xf32>
                      %select_n3A = arith.select %eq3A_798, %broadcast_in_dim3A_799, %broadcast_in_dim3A_1 : vector<16xi1>, vector<16xf32>
                      %mul3A_800 = arith.constant 16 : i32
                      %mul3A_801 = arith.muli %min3A_796, %mul3A_800 : i32
                      %swap3A_802 = arith.index_cast %mul3A_801 : i32 to index
                      %swap3A_803 = tpu.vector_load %arg10[%swap3A_802] {strides = array<i32>} : memref<2064xf32, #tpu.memory_space<vmem>>, vector<16xf32>,
                      %swap3A_804 = vector.shape_cast %swap3A_803 : vector<16xf32> to vector<16xf32>
                      %swap3A_805 = vector.shape_cast %select_n3A : vector<16xf32> to vector<16xf32>
                      tpu.vector_store %arg10[%swap3A_802], %swap3A_805 {strides = array<i32>} : memref<2064xf32, #tpu.memory_space<vmem>>, vector<16xf32>,
                      %add3A_806 = arith.constant 1 : i32
                      %add3A_807 = arith.addi %scan3A_767, %add3A_806 : i32
                      scf.yield %add3A_807 : i32
                    } else {
                      scf.yield %scan3A_767 : i32
                    }
                    scf.yield %cond3A_794 : i32
                  }
                  %scan3A_765 = arith.constant 8 : i32
                  scf.yield %scan3A_764 : i32
                } else {
                  scf.yield %scan3A_735 : i32
                }
                scf.yield %cond3A_759 : i32
              }
              %scan3A_733 = arith.constant 8 : i32
              scf.yield %scan3A_732 : i32
            } else {
              scf.yield %scan3A_706 : i32
            }
            scf.yield %cond3A_727 : i32
          }
          %scan3A_704 = arith.constant 14 : i32
          scf.yield %scan3A_703 : i32
        } else {
          scf.yield %scan3A_684 : i32
        }
        scf.yield %cond3A_698 : i32
      }
      %scan3A_139 = arith.constant 16 : i32
      %dma_start3A_140 = arith.constant 0 : i32
      %dma_start3A_141 = arith.constant 0 : i32
      %dma_start3A_142 = tpu.memref_slice %arg5[%dma_start3A_140, %dma_start3A_141] : memref<2x14352xf32, #tpu.memory_space<vmem>> -> memref<1x14336xf32, #tpu.memory_space<vmem>>
      %dma_start3A_143 = tpu.memref_squeeze %dma_start3A_142 : memref<1x14336xf32, #tpu.memory_space<vmem>> -> memref<14336xf32, #tpu.memory_space<vmem>>
      %dma_start3A_144 = arith.constant 43008 : i32
      %dma_start3A_145 = tpu.memref_slice %arg2[%add3A_12, %dma_start3A_144] : memref<256x100352xf32, #tpu.memory_space<hbm>> -> memref<1x14336xf32, #tpu.memory_space<hbm>>
      %dma_start3A_146 = tpu.memref_squeeze %dma_start3A_145 : memref<1x14336xf32, #tpu.memory_space<hbm>> -> memref<14336xf32, #tpu.memory_space<hbm>>
      %dma_start3A_147 = arith.constant 0 : i32
      %dma_start3A_148 = tpu.memref_slice %arg5[%dma_start3A_140, %dma_start3A_147] : memref<2x14352xf32, #tpu.memory_space<vmem>> -> memref<1x14336xf32, #tpu.memory_space<vmem>>
      %dma_start3A_149 = tpu.memref_squeeze %dma_start3A_148 : memref<1x14336xf32, #tpu.memory_space<vmem>> -> memref<14336xf32, #tpu.memory_space<vmem>>
      %dma_start3A_150 = arith.constant 43008 : i32
      %dma_start3A_151 = tpu.memref_slice %arg2[%add3A_12, %dma_start3A_150] : memref<256x100352xf32, #tpu.memory_space<hbm>> -> memref<1x14336xf32, #tpu.memory_space<hbm>>
      %dma_start3A_152 = tpu.memref_squeeze %dma_start3A_151 : memref<1x14336xf32, #tpu.memory_space<hbm>> -> memref<14336xf32, #tpu.memory_space<hbm>>
      tpu.enqueue_dma source(%dma_start3A_152 : memref<14336xf32, #tpu.memory_space<hbm>>) target(%dma_start3A_149 : memref<14336xf32, #tpu.memory_space<vmem>>) target_semaphore(%arg11 : memref<!tpu.dma_semaphore, #tpu.memory_space<semaphore_mem>>)
      %dma_wait3A_153 = arith.constant 1 : i32
      %dma_wait3A_154 = arith.constant 0 : i32
      %dma_wait3A_155 = tpu.memref_slice %arg5[%dma_wait3A_153, %dma_wait3A_154] : memref<2x14352xf32, #tpu.memory_space<vmem>> -> memref<1x14336xf32, #tpu.memory_space<vmem>>
      %dma_wait3A_156 = tpu.memref_squeeze %dma_wait3A_155 : memref<1x14336xf32, #tpu.memory_space<vmem>> -> memref<14336xf32, #tpu.memory_space<vmem>>
      %dma_wait3A_157 = arith.constant 28672 : i32
      %dma_wait3A_158 = tpu.memref_slice %arg2[%add3A_12, %dma_wait3A_157] : memref<256x100352xf32, #tpu.memory_space<hbm>> -> memref<1x14336xf32, #tpu.memory_space<hbm>>
      %dma_wait3A_159 = tpu.memref_squeeze %dma_wait3A_158 : memref<1x14336xf32, #tpu.memory_space<hbm>> -> memref<14336xf32, #tpu.memory_space<hbm>>
      %dma_wait3A_160 = arith.constant 0 : i32
      %dma_wait3A_161 = tpu.memref_slice %arg5[%dma_wait3A_153, %dma_wait3A_160] : memref<2x14352xf32, #tpu.memory_space<vmem>> -> memref<1x14336xf32, #tpu.memory_space<vmem>>
      %dma_wait3A_162 = tpu.memref_squeeze %dma_wait3A_161 : memref<1x14336xf32, #tpu.memory_space<vmem>> -> memref<14336xf32, #tpu.memory_space<vmem>>
      %dma_wait3A_163 = arith.constant 28672 : i32
      %dma_wait3A_164 = tpu.memref_slice %arg2[%add3A_12, %dma_wait3A_163] : memref<256x100352xf32, #tpu.memory_space<hbm>> -> memref<1x14336xf32, #tpu.memory_space<hbm>>
      %dma_wait3A_165 = tpu.memref_squeeze %dma_wait3A_164 : memref<1x14336xf32, #tpu.memory_space<hbm>> -> memref<14336xf32, #tpu.memory_space<hbm>>
      tpu.wait_dma2 semaphore(%arg12 : memref<!tpu.dma_semaphore, #tpu.memory_space<semaphore_mem>>) src(%dma_wait3A_165 : memref<14336xf32, #tpu.memory_space<hbm>>) dst(%dma_wait3A_162 : memref<14336xf32, #tpu.memory_space<vmem>>)
      %scan3A_166 = arith.constant 1 : i32
      %scan3A_167 = arith.constant 0 : i32
      %scan3A_168 = arith.constant 0 : i32
      %scan3A_169 = arith.constant 112 : i32
      %scan3A_170 = arith.addi %scan3A_168, %scan3A_169 : i32
      %scan3A_171 = arith.constant 1 : i32
      %scan3A_172 = scf.for %scan3A_683 = %scan3A_168 to %scan3A_170 step %scan3A_171 iter_args(%scan3A_684 = %scan3A_167) -> (i32)  : i32 {
        %mul3A_685 = arith.constant 8 : i32
        %mul3A_686 = arith.muli %scan3A_683, %mul3A_685 : i32
        %add3A_687 = arith.constant 0 : i32
        %add3A_688 = arith.addi %mul3A_686, %add3A_687 : i32
        %mul3A_689 = arith.constant 16 : i32
        %mul3A_690 = arith.muli %add3A_688, %mul3A_689 : i32
        %get3A_691 = arith.constant 0 : i32
        %get3A_692 = tpu.memref_slice %arg5[%scan3A_166, %get3A_691] : memref<2x14352xf32, #tpu.memory_space<vmem>> -> memref<1x14352xf32, #tpu.memory_space<vmem>>
        %get3A_693 = tpu.memref_squeeze %get3A_692 : memref<1x14352xf32, #tpu.memory_space<vmem>> -> memref<14352xf32, #tpu.memory_space<vmem>>
        %get3A_694 = arith.index_cast %mul3A_690 : i32 to index
        %get3A_695 = tpu.vector_load %get3A_693[%get3A_694] {strides = array<i32>} : memref<14352xf32, #tpu.memory_space<vmem>>, vector<16xf32>,
        %get3A_696 = vector.shape_cast %get3A_695 : vector<16xf32> to vector<16xf32>
        %mul3A_697 = arith.constant 8 : i32
        %mul3A_698 = arith.muli %scan3A_683, %mul3A_697 : i32
        %add3A_699 = arith.constant 1 : i32
        %add3A_700 = arith.addi %mul3A_698, %add3A_699 : i32
        %mul3A_701 = arith.constant 16 : i32
        %mul3A_702 = arith.muli %add3A_700, %mul3A_701 : i32
        %get3A_703 = arith.constant 0 : i32
        %get3A_704 = tpu.memref_slice %arg5[%scan3A_166, %get3A_703] : memref<2x14352xf32, #tpu.memory_space<vmem>> -> memref<1x14352xf32, #tpu.memory_space<vmem>>
        %get3A_705 = tpu.memref_squeeze %get3A_704 : memref<1x14352xf32, #tpu.memory_space<vmem>> -> memref<14352xf32, #tpu.memory_space<vmem>>
        %get3A_706 = arith.index_cast %mul3A_702 : i32 to index
        %get3A_707 = tpu.vector_load %get3A_705[%get3A_706] {strides = array<i32>} : memref<14352xf32, #tpu.memory_space<vmem>>, vector<16xf32>,
        %get3A_708 = vector.shape_cast %get3A_707 : vector<16xf32> to vector<16xf32>
        %mul3A_709 = arith.constant 8 : i32
        %mul3A_710 = arith.muli %scan3A_683, %mul3A_709 : i32
        %add3A_711 = arith.constant 2 : i32
        %add3A_712 = arith.addi %mul3A_710, %add3A_711 : i32
        %mul3A_713 = arith.constant 16 : i32
        %mul3A_714 = arith.muli %add3A_712, %mul3A_713 : i32
        %get3A_715 = arith.constant 0 : i32
        %get3A_716 = tpu.memref_slice %arg5[%scan3A_166, %get3A_715] : memref<2x14352xf32, #tpu.memory_space<vmem>> -> memref<1x14352xf32, #tpu.memory_space<vmem>>
        %get3A_717 = tpu.memref_squeeze %get3A_716 : memref<1x14352xf32, #tpu.memory_space<vmem>> -> memref<14352xf32, #tpu.memory_space<vmem>>
        %get3A_718 = arith.index_cast %mul3A_714 : i32 to index
        %get3A_719 = tpu.vector_load %get3A_717[%get3A_718] {strides = array<i32>} : memref<14352xf32, #tpu.memory_space<vmem>>, vector<16xf32>,
        %get3A_720 = vector.shape_cast %get3A_719 : vector<16xf32> to vector<16xf32>
        %mul3A_721 = arith.constant 8 : i32
        %mul3A_722 = arith.muli %scan3A_683, %mul3A_721 : i32
        %add3A_723 = arith.constant 3 : i32
        %add3A_724 = arith.addi %mul3A_722, %add3A_723 : i32
        %mul3A_725 = arith.constant 16 : i32
        %mul3A_726 = arith.muli %add3A_724, %mul3A_725 : i32
        %get3A_727 = arith.constant 0 : i32
        %get3A_728 = tpu.memref_slice %arg5[%scan3A_166, %get3A_727] : memref<2x14352xf32, #tpu.memory_space<vmem>> -> memref<1x14352xf32, #tpu.memory_space<vmem>>
        %get3A_729 = tpu.memref_squeeze %get3A_728 : memref<1x14352xf32, #tpu.memory_space<vmem>> -> memref<14352xf32, #tpu.memory_space<vmem>>
        %get3A_730 = arith.index_cast %mul3A_726 : i32 to index
        %get3A_731 = tpu.vector_load %get3A_729[%get3A_730] {strides = array<i32>} : memref<14352xf32, #tpu.memory_space<vmem>>, vector<16xf32>,
        %get3A_732 = vector.shape_cast %get3A_731 : vector<16xf32> to vector<16xf32>
        %mul3A_733 = arith.constant 8 : i32
        %mul3A_734 = arith.muli %scan3A_683, %mul3A_733 : i32
        %add3A_735 = arith.constant 4 : i32
        %add3A_736 = arith.addi %mul3A_734, %add3A_735 : i32
        %mul3A_737 = arith.constant 16 : i32
        %mul3A_738 = arith.muli %add3A_736, %mul3A_737 : i32
        %get3A_739 = arith.constant 0 : i32
        %get3A_740 = tpu.memref_slice %arg5[%scan3A_166, %get3A_739] : memref<2x14352xf32, #tpu.memory_space<vmem>> -> memref<1x14352xf32, #tpu.memory_space<vmem>>
        %get3A_741 = tpu.memref_squeeze %get3A_740 : memref<1x14352xf32, #tpu.memory_space<vmem>> -> memref<14352xf32, #tpu.memory_space<vmem>>
        %get3A_742 = arith.index_cast %mul3A_738 : i32 to index
        %get3A_743 = tpu.vector_load %get3A_741[%get3A_742] {strides = array<i32>} : memref<14352xf32, #tpu.memory_space<vmem>>, vector<16xf32>,
        %get3A_744 = vector.shape_cast %get3A_743 : vector<16xf32> to vector<16xf32>
        %mul3A_745 = arith.constant 8 : i32
        %mul3A_746 = arith.muli %scan3A_683, %mul3A_745 : i32
        %add3A_747 = arith.constant 5 : i32
        %add3A_748 = arith.addi %mul3A_746, %add3A_747 : i32
        %mul3A_749 = arith.constant 16 : i32
        %mul3A_750 = arith.muli %add3A_748, %mul3A_749 : i32
        %get3A_751 = arith.constant 0 : i32
        %get3A_752 = tpu.memref_slice %arg5[%scan3A_166, %get3A_751] : memref<2x14352xf32, #tpu.memory_space<vmem>> -> memref<1x14352xf32, #tpu.memory_space<vmem>>
        %get3A_753 = tpu.memref_squeeze %get3A_752 : memref<1x14352xf32, #tpu.memory_space<vmem>> -> memref<14352xf32, #tpu.memory_space<vmem>>
        %get3A_754 = arith.index_cast %mul3A_750 : i32 to index
        %get3A_755 = tpu.vector_load %get3A_753[%get3A_754] {strides = array<i32>} : memref<14352xf32, #tpu.memory_space<vmem>>, vector<16xf32>,
        %get3A_756 = vector.shape_cast %get3A_755 : vector<16xf32> to vector<16xf32>
        %mul3A_757 = arith.constant 8 : i32
        %mul3A_758 = arith.muli %scan3A_683, %mul3A_757 : i32
        %add3A_759 = arith.constant 6 : i32
        %add3A_760 = arith.addi %mul3A_758, %add3A_759 : i32
        %mul3A_761 = arith.constant 16 : i32
        %mul3A_762 = arith.muli %add3A_760, %mul3A_761 : i32
        %get3A_763 = arith.constant 0 : i32
        %get3A_764 = tpu.memref_slice %arg5[%scan3A_166, %get3A_763] : memref<2x14352xf32, #tpu.memory_space<vmem>> -> memref<1x14352xf32, #tpu.memory_space<vmem>>
        %get3A_765 = tpu.memref_squeeze %get3A_764 : memref<1x14352xf32, #tpu.memory_space<vmem>> -> memref<14352xf32, #tpu.memory_space<vmem>>
        %get3A_766 = arith.index_cast %mul3A_762 : i32 to index
        %get3A_767 = tpu.vector_load %get3A_765[%get3A_766] {strides = array<i32>} : memref<14352xf32, #tpu.memory_space<vmem>>, vector<16xf32>,
        %get3A_768 = vector.shape_cast %get3A_767 : vector<16xf32> to vector<16xf32>
        %mul3A_769 = arith.constant 8 : i32
        %mul3A_770 = arith.muli %scan3A_683, %mul3A_769 : i32
        %add3A_771 = arith.constant 7 : i32
        %add3A_772 = arith.addi %mul3A_770, %add3A_771 : i32
        %mul3A_773 = arith.constant 16 : i32
        %mul3A_774 = arith.muli %add3A_772, %mul3A_773 : i32
        %get3A_775 = arith.constant 0 : i32
        %get3A_776 = tpu.memref_slice %arg5[%scan3A_166, %get3A_775] : memref<2x14352xf32, #tpu.memory_space<vmem>> -> memref<1x14352xf32, #tpu.memory_space<vmem>>
        %get3A_777 = tpu.memref_squeeze %get3A_776 : memref<1x14352xf32, #tpu.memory_space<vmem>> -> memref<14352xf32, #tpu.memory_space<vmem>>
        %get3A_778 = arith.index_cast %mul3A_774 : i32 to index
        %get3A_779 = tpu.vector_load %get3A_777[%get3A_778] {strides = array<i32>} : memref<14352xf32, #tpu.memory_space<vmem>>, vector<16xf32>,
        %get3A_780 = vector.shape_cast %get3A_779 : vector<16xf32> to vector<16xf32>
        %min3A_781 = arith.minimumf %get3A_696, %get3A_708 : vector<16xf32>
        %min3A_782 = arith.minimumf %get3A_720, %get3A_732 : vector<16xf32>
        %min3A_783 = arith.minimumf %min3A_781, %min3A_782 : vector<16xf32>
        %min3A_784 = arith.minimumf %get3A_744, %get3A_756 : vector<16xf32>
        %min3A_785 = arith.minimumf %get3A_768, %get3A_780 : vector<16xf32>
        %min3A_786 = arith.minimumf %min3A_784, %min3A_785 : vector<16xf32>
        %min3A_787 = arith.minimumf %min3A_783, %min3A_786 : vector<16xf32>
        %mul3A_788 = arith.constant 16 : i32
        %mul3A_789 = arith.muli %scan3A_683, %mul3A_788 : i32
        %swap3A_790 = arith.index_cast %mul3A_789 : i32 to index
        %swap3A_791 = tpu.vector_load %arg6[%swap3A_790] {strides = array<i32>} : memref<1808xf32, #tpu.memory_space<vmem>>, vector<16xf32>,
        %swap3A_792 = vector.shape_cast %swap3A_791 : vector<16xf32> to vector<16xf32>
        %swap3A_793 = vector.shape_cast %min3A_787 : vector<16xf32> to vector<16xf32>
        tpu.vector_store %arg6[%swap3A_790], %swap3A_793 {strides = array<i32>} : memref<1808xf32, #tpu.memory_space<vmem>>, vector<16xf32>,
        %scan3A_794 = arith.constant 0 : i32
        scf.yield %scan3A_794 : i32
      }
      %scan3A_173 = arith.constant 112 : i32
      %scan3A_174 = arith.constant 0 : i32
      %scan3A_175 = arith.constant 0 : i32
      %scan3A_176 = arith.constant 14 : i32
      %scan3A_177 = arith.addi %scan3A_175, %scan3A_176 : i32
      %scan3A_178 = arith.constant 1 : i32
      %scan3A_179 = scf.for %scan3A_683 = %scan3A_175 to %scan3A_177 step %scan3A_178 iter_args(%scan3A_684 = %scan3A_174) -> (i32)  : i32 {
        %mul3A_685 = arith.constant 8 : i32
        %mul3A_686 = arith.muli %scan3A_683, %mul3A_685 : i32
        %add3A_687 = arith.constant 0 : i32
        %add3A_688 = arith.addi %mul3A_686, %add3A_687 : i32
        %mul3A_689 = arith.constant 16 : i32
        %mul3A_690 = arith.muli %add3A_688, %mul3A_689 : i32
        %get3A_691 = arith.index_cast %mul3A_690 : i32 to index
        %get3A_692 = tpu.vector_load %arg6[%get3A_691] {strides = array<i32>} : memref<1808xf32, #tpu.memory_space<vmem>>, vector<16xf32>,
        %get3A_693 = vector.shape_cast %get3A_692 : vector<16xf32> to vector<16xf32>
        %mul3A_694 = arith.constant 8 : i32
        %mul3A_695 = arith.muli %scan3A_683, %mul3A_694 : i32
        %add3A_696 = arith.constant 1 : i32
        %add3A_697 = arith.addi %mul3A_695, %add3A_696 : i32
        %mul3A_698 = arith.constant 16 : i32
        %mul3A_699 = arith.muli %add3A_697, %mul3A_698 : i32
        %get3A_700 = arith.index_cast %mul3A_699 : i32 to index
        %get3A_701 = tpu.vector_load %arg6[%get3A_700] {strides = array<i32>} : memref<1808xf32, #tpu.memory_space<vmem>>, vector<16xf32>,
        %get3A_702 = vector.shape_cast %get3A_701 : vector<16xf32> to vector<16xf32>
        %mul3A_703 = arith.constant 8 : i32
        %mul3A_704 = arith.muli %scan3A_683, %mul3A_703 : i32
        %add3A_705 = arith.constant 2 : i32
        %add3A_706 = arith.addi %mul3A_704, %add3A_705 : i32
        %mul3A_707 = arith.constant 16 : i32
        %mul3A_708 = arith.muli %add3A_706, %mul3A_707 : i32
        %get3A_709 = arith.index_cast %mul3A_708 : i32 to index
        %get3A_710 = tpu.vector_load %arg6[%get3A_709] {strides = array<i32>} : memref<1808xf32, #tpu.memory_space<vmem>>, vector<16xf32>,
        %get3A_711 = vector.shape_cast %get3A_710 : vector<16xf32> to vector<16xf32>
        %mul3A_712 = arith.constant 8 : i32
        %mul3A_713 = arith.muli %scan3A_683, %mul3A_712 : i32
        %add3A_714 = arith.constant 3 : i32
        %add3A_715 = arith.addi %mul3A_713, %add3A_714 : i32
        %mul3A_716 = arith.constant 16 : i32
        %mul3A_717 = arith.muli %add3A_715, %mul3A_716 : i32
        %get3A_718 = arith.index_cast %mul3A_717 : i32 to index
        %get3A_719 = tpu.vector_load %arg6[%get3A_718] {strides = array<i32>} : memref<1808xf32, #tpu.memory_space<vmem>>, vector<16xf32>,
        %get3A_720 = vector.shape_cast %get3A_719 : vector<16xf32> to vector<16xf32>
        %mul3A_721 = arith.constant 8 : i32
        %mul3A_722 = arith.muli %scan3A_683, %mul3A_721 : i32
        %add3A_723 = arith.constant 4 : i32
        %add3A_724 = arith.addi %mul3A_722, %add3A_723 : i32
        %mul3A_725 = arith.constant 16 : i32
        %mul3A_726 = arith.muli %add3A_724, %mul3A_725 : i32
        %get3A_727 = arith.index_cast %mul3A_726 : i32 to index
        %get3A_728 = tpu.vector_load %arg6[%get3A_727] {strides = array<i32>} : memref<1808xf32, #tpu.memory_space<vmem>>, vector<16xf32>,
        %get3A_729 = vector.shape_cast %get3A_728 : vector<16xf32> to vector<16xf32>
        %mul3A_730 = arith.constant 8 : i32
        %mul3A_731 = arith.muli %scan3A_683, %mul3A_730 : i32
        %add3A_732 = arith.constant 5 : i32
        %add3A_733 = arith.addi %mul3A_731, %add3A_732 : i32
        %mul3A_734 = arith.constant 16 : i32
        %mul3A_735 = arith.muli %add3A_733, %mul3A_734 : i32
        %get3A_736 = arith.index_cast %mul3A_735 : i32 to index
        %get3A_737 = tpu.vector_load %arg6[%get3A_736] {strides = array<i32>} : memref<1808xf32, #tpu.memory_space<vmem>>, vector<16xf32>,
        %get3A_738 = vector.shape_cast %get3A_737 : vector<16xf32> to vector<16xf32>
        %mul3A_739 = arith.constant 8 : i32
        %mul3A_740 = arith.muli %scan3A_683, %mul3A_739 : i32
        %add3A_741 = arith.constant 6 : i32
        %add3A_742 = arith.addi %mul3A_740, %add3A_741 : i32
        %mul3A_743 = arith.constant 16 : i32
        %mul3A_744 = arith.muli %add3A_742, %mul3A_743 : i32
        %get3A_745 = arith.index_cast %mul3A_744 : i32 to index
        %get3A_746 = tpu.vector_load %arg6[%get3A_745] {strides = array<i32>} : memref<1808xf32, #tpu.memory_space<vmem>>, vector<16xf32>,
        %get3A_747 = vector.shape_cast %get3A_746 : vector<16xf32> to vector<16xf32>
        %mul3A_748 = arith.constant 8 : i32
        %mul3A_749 = arith.muli %scan3A_683, %mul3A_748 : i32
        %add3A_750 = arith.constant 7 : i32
        %add3A_751 = arith.addi %mul3A_749, %add3A_750 : i32
        %mul3A_752 = arith.constant 16 : i32
        %mul3A_753 = arith.muli %add3A_751, %mul3A_752 : i32
        %get3A_754 = arith.index_cast %mul3A_753 : i32 to index
        %get3A_755 = tpu.vector_load %arg6[%get3A_754] {strides = array<i32>} : memref<1808xf32, #tpu.memory_space<vmem>>, vector<16xf32>,
        %get3A_756 = vector.shape_cast %get3A_755 : vector<16xf32> to vector<16xf32>
        %min3A_757 = arith.minimumf %get3A_693, %get3A_702 : vector<16xf32>
        %min3A_758 = arith.minimumf %get3A_711, %get3A_720 : vector<16xf32>
        %min3A_759 = arith.minimumf %min3A_757, %min3A_758 : vector<16xf32>
        %min3A_760 = arith.minimumf %get3A_729, %get3A_738 : vector<16xf32>
        %min3A_761 = arith.minimumf %get3A_747, %get3A_756 : vector<16xf32>
        %min3A_762 = arith.minimumf %min3A_760, %min3A_761 : vector<16xf32>
        %min3A_763 = arith.minimumf %min3A_759, %min3A_762 : vector<16xf32>
        %mul3A_764 = arith.constant 16 : i32
        %mul3A_765 = arith.muli %scan3A_683, %mul3A_764 : i32
        %swap3A_766 = arith.index_cast %mul3A_765 : i32 to index
        %swap3A_767 = tpu.vector_load %arg7[%swap3A_766] {strides = array<i32>} : memref<240xf32, #tpu.memory_space<vmem>>, vector<16xf32>,
        %swap3A_768 = vector.shape_cast %swap3A_767 : vector<16xf32> to vector<16xf32>
        %swap3A_769 = vector.shape_cast %min3A_763 : vector<16xf32> to vector<16xf32>
        tpu.vector_store %arg7[%swap3A_766], %swap3A_769 {strides = array<i32>} : memref<240xf32, #tpu.memory_space<vmem>>, vector<16xf32>,
        %scan3A_770 = arith.constant 0 : i32
        scf.yield %scan3A_770 : i32
      }
      %scan3A_180 = arith.constant 14 : i32
      %get3A_181 = arith.constant 0 : index
      %get3A_182 = tpu.vector_load %arg7[%get3A_181] {strides = array<i32>} : memref<240xf32, #tpu.memory_space<vmem>>, vector<16xf32>,
      %get3A_183 = vector.shape_cast %get3A_182 : vector<16xf32> to vector<16xf32>
      %get3A_184 = arith.constant 16 : index
      %get3A_185 = tpu.vector_load %arg7[%get3A_184] {strides = array<i32>} : memref<240xf32, #tpu.memory_space<vmem>>, vector<16xf32>,
      %get3A_186 = vector.shape_cast %get3A_185 : vector<16xf32> to vector<16xf32>
      %min3A_187 = arith.minimumf %get3A_183, %get3A_186 : vector<16xf32>
      %get3A_188 = arith.constant 32 : index
      %get3A_189 = tpu.vector_load %arg7[%get3A_188] {strides = array<i32>} : memref<240xf32, #tpu.memory_space<vmem>>, vector<16xf32>,
      %get3A_190 = vector.shape_cast %get3A_189 : vector<16xf32> to vector<16xf32>
      %min3A_191 = arith.minimumf %min3A_187, %get3A_190 : vector<16xf32>
      %get3A_192 = arith.constant 48 : index
      %get3A_193 = tpu.vector_load %arg7[%get3A_192] {strides = array<i32>} : memref<240xf32, #tpu.memory_space<vmem>>, vector<16xf32>,
      %get3A_194 = vector.shape_cast %get3A_193 : vector<16xf32> to vector<16xf32>
      %min3A_195 = arith.minimumf %min3A_191, %get3A_194 : vector<16xf32>
      %get3A_196 = arith.constant 64 : index
      %get3A_197 = tpu.vector_load %arg7[%get3A_196] {strides = array<i32>} : memref<240xf32, #tpu.memory_space<vmem>>, vector<16xf32>,
      %get3A_198 = vector.shape_cast %get3A_197 : vector<16xf32> to vector<16xf32>
      %min3A_199 = arith.minimumf %min3A_195, %get3A_198 : vector<16xf32>
      %get3A_200 = arith.constant 80 : index
      %get3A_201 = tpu.vector_load %arg7[%get3A_200] {strides = array<i32>} : memref<240xf32, #tpu.memory_space<vmem>>, vector<16xf32>,
      %get3A_202 = vector.shape_cast %get3A_201 : vector<16xf32> to vector<16xf32>
      %min3A_203 = arith.minimumf %min3A_199, %get3A_202 : vector<16xf32>
      %get3A_204 = arith.constant 96 : index
      %get3A_205 = tpu.vector_load %arg7[%get3A_204] {strides = array<i32>} : memref<240xf32, #tpu.memory_space<vmem>>, vector<16xf32>,
      %get3A_206 = vector.shape_cast %get3A_205 : vector<16xf32> to vector<16xf32>
      %min3A_207 = arith.minimumf %min3A_203, %get3A_206 : vector<16xf32>
      %get3A_208 = arith.constant 112 : index
      %get3A_209 = tpu.vector_load %arg7[%get3A_208] {strides = array<i32>} : memref<240xf32, #tpu.memory_space<vmem>>, vector<16xf32>,
      %get3A_210 = vector.shape_cast %get3A_209 : vector<16xf32> to vector<16xf32>
      %min3A_211 = arith.minimumf %min3A_207, %get3A_210 : vector<16xf32>
      %get3A_212 = arith.constant 128 : index
      %get3A_213 = tpu.vector_load %arg7[%get3A_212] {strides = array<i32>} : memref<240xf32, #tpu.memory_space<vmem>>, vector<16xf32>,
      %get3A_214 = vector.shape_cast %get3A_213 : vector<16xf32> to vector<16xf32>
      %min3A_215 = arith.minimumf %min3A_211, %get3A_214 : vector<16xf32>
      %get3A_216 = arith.constant 144 : index
      %get3A_217 = tpu.vector_load %arg7[%get3A_216] {strides = array<i32>} : memref<240xf32, #tpu.memory_space<vmem>>, vector<16xf32>,
      %get3A_218 = vector.shape_cast %get3A_217 : vector<16xf32> to vector<16xf32>
      %min3A_219 = arith.minimumf %min3A_215, %get3A_218 : vector<16xf32>
      %get3A_220 = arith.constant 160 : index
      %get3A_221 = tpu.vector_load %arg7[%get3A_220] {strides = array<i32>} : memref<240xf32, #tpu.memory_space<vmem>>, vector<16xf32>,
      %get3A_222 = vector.shape_cast %get3A_221 : vector<16xf32> to vector<16xf32>
      %min3A_223 = arith.minimumf %min3A_219, %get3A_222 : vector<16xf32>
      %get3A_224 = arith.constant 176 : index
      %get3A_225 = tpu.vector_load %arg7[%get3A_224] {strides = array<i32>} : memref<240xf32, #tpu.memory_space<vmem>>, vector<16xf32>,
      %get3A_226 = vector.shape_cast %get3A_225 : vector<16xf32> to vector<16xf32>
      %min3A_227 = arith.minimumf %min3A_223, %get3A_226 : vector<16xf32>
      %get3A_228 = arith.constant 192 : index
      %get3A_229 = tpu.vector_load %arg7[%get3A_228] {strides = array<i32>} : memref<240xf32, #tpu.memory_space<vmem>>, vector<16xf32>,
      %get3A_230 = vector.shape_cast %get3A_229 : vector<16xf32> to vector<16xf32>
      %min3A_231 = arith.minimumf %min3A_227, %get3A_230 : vector<16xf32>
      %get3A_232 = arith.constant 208 : index
      %get3A_233 = tpu.vector_load %arg7[%get3A_232] {strides = array<i32>} : memref<240xf32, #tpu.memory_space<vmem>>, vector<16xf32>,
      %get3A_234 = vector.shape_cast %get3A_233 : vector<16xf32> to vector<16xf32>
      %min3A_235 = arith.minimumf %min3A_231, %get3A_234 : vector<16xf32>
      %swap3A_236 = arith.constant 0 : index
      %swap3A_237 = tpu.vector_load %arg8[%swap3A_236] {strides = array<i32>} : memref<32xf32, #tpu.memory_space<vmem>>, vector<16xf32>,
      %swap3A_238 = vector.shape_cast %swap3A_237 : vector<16xf32> to vector<16xf32>
      %swap3A_239 = vector.shape_cast %min3A_235 : vector<16xf32> to vector<16xf32>
      tpu.vector_store %arg8[%swap3A_236], %swap3A_239 {strides = array<i32>} : memref<32xf32, #tpu.memory_space<vmem>>, vector<16xf32>,
      %scan3A_240 = arith.constant 1 : i32
      %scan3A_241 = arith.constant 0 : i32
      %scan3A_242 = arith.constant 16 : i32
      %scan3A_243 = arith.addi %scan3A_241, %scan3A_242 : i32
      %scan3A_244 = arith.constant 1 : i32
      %scan3A_245 = scf.for %scan3A_683 = %scan3A_241 to %scan3A_243 step %scan3A_244 iter_args(%scan3A_684 = %scan3A_138) -> (i32)  : i32 {
        %get3A_685 = arith.constant 0 : index
        %get3A_686 = tpu.vector_load %arg8[%get3A_685] {strides = array<i32>} : memref<32xf32, #tpu.memory_space<vmem>>, vector<16xf32>,
        %get3A_687 = vector.shape_cast %get3A_686 : vector<16xf32> to vector<16xf32>
        %iota3A_688 = tpu.iota {dimensions = array<i32: 0>} : vector<16xi32>
        %add3A_689 = vector.broadcast %scan3A_683 : i32 to vector<16xi32>
        %add3A_690 = arith.addi %iota3A_688, %add3A_689 : vector<16xi32>
        %and3A = arith.constant 15 : i32
        %and3A_691 = vector.broadcast %and3A : i32 to vector<16xi32>
        %and3A_692 = arith.andi %add3A_690, %and3A_691 : vector<16xi32>
        %broadcast_in_dim3A_693 = vector.shape_cast %and3A_692 : vector<16xi32> to vector<16x1xi32>
        %gather3A = vector.shape_cast %broadcast_in_dim3A_693 : vector<16x1xi32> to vector<16xi32>
        %gather3A_694 = tpu.dynamic_gather %get3A_687[%gather3A] in [0] : vector<16xf32>, vector<16xi32> -> vector<16xf32>
        %slice3A_695 = vector.extract_strided_slice %gather3A_694 {offsets = [0], sizes = [1], strides = [1]} : vector<16xf32> to vector<1xf32>
        %squeeze3A_696 = vector.extract %slice3A_695[0] : f32 from vector<1xf32>
        %lt3A = arith.cmpf olt, %squeeze3A_696, %squeeze3A : f32
        %convert_element_type3A = arith.extui %lt3A : i1 to i32
        %cond3A = arith.constant 0 : i32
        %cond3A_697 = arith.cmpi ne, %convert_element_type3A, %cond3A : i32
        %cond3A_698 = scf.if %cond3A_697 -> (i32) {
          %scan3A_699 = arith.constant 0 : i32
          %scan3A_700 = arith.constant 14 : i32
          %scan3A_701 = arith.addi %scan3A_699, %scan3A_700 : i32
          %scan3A_702 = arith.constant 1 : i32
          %scan3A_703 = scf.for %scan3A_705 = %scan3A_699 to %scan3A_701 step %scan3A_702 iter_args(%scan3A_706 = %scan3A_684) -> (i32)  : i32 {
            %mul3A_707 = arith.constant 16 : i32
            %mul3A_708 = arith.muli %scan3A_705, %mul3A_707 : i32
            %get3A_709 = arith.index_cast %mul3A_708 : i32 to index
            %get3A_710 = tpu.vector_load %arg7[%get3A_709] {strides = array<i32>} : memref<240xf32, #tpu.memory_space<vmem>>, vector<16xf32>,
            %get3A_711 = vector.shape_cast %get3A_710 : vector<16xf32> to vector<16xf32>
            %iota3A_712 = tpu.iota {dimensions = array<i32: 0>} : vector<16xi32>
            %add3A_713 = vector.broadcast %scan3A_683 : i32 to vector<16xi32>
            %add3A_714 = arith.addi %iota3A_712, %add3A_713 : vector<16xi32>
            %and3A_715 = arith.constant 15 : i32
            %and3A_716 = vector.broadcast %and3A_715 : i32 to vector<16xi32>
            %and3A_717 = arith.andi %add3A_714, %and3A_716 : vector<16xi32>
            %broadcast_in_dim3A_718 = vector.shape_cast %and3A_717 : vector<16xi32> to vector<16x1xi32>
            %gather3A_719 = vector.shape_cast %broadcast_in_dim3A_718 : vector<16x1xi32> to vector<16xi32>
            %gather3A_720 = tpu.dynamic_gather %get3A_711[%gather3A_719] in [0] : vector<16xf32>, vector<16xi32> -> vector<16xf32>
            %slice3A_721 = vector.extract_strided_slice %gather3A_720 {offsets = [0], sizes = [1], strides = [1]} : vector<16xf32> to vector<1xf32>
            %squeeze3A_722 = vector.extract %slice3A_721[0] : f32 from vector<1xf32>
            %lt3A_723 = arith.cmpf olt, %squeeze3A_722, %squeeze3A : f32
            %convert_element_type3A_724 = arith.extui %lt3A_723 : i1 to i32
            %cond3A_725 = arith.constant 0 : i32
            %cond3A_726 = arith.cmpi ne, %convert_element_type3A_724, %cond3A_725 : i32
            %cond3A_727 = scf.if %cond3A_726 -> (i32) {
              %scan3A_728 = arith.constant 0 : i32
              %scan3A_729 = arith.constant 8 : i32
              %scan3A_730 = arith.addi %scan3A_728, %scan3A_729 : i32
              %scan3A_731 = arith.constant 1 : i32
              %scan3A_732 = scf.for %scan3A_734 = %scan3A_728 to %scan3A_730 step %scan3A_731 iter_args(%scan3A_735 = %scan3A_706) -> (i32)  : i32 {
                %mul3A_736 = arith.constant 8 : i32
                %mul3A_737 = arith.muli %scan3A_705, %mul3A_736 : i32
                %add3A_738 = arith.addi %mul3A_737, %scan3A_734 : i32
                %mul3A_739 = arith.constant 16 : i32
                %mul3A_740 = arith.muli %add3A_738, %mul3A_739 : i32
                %get3A_741 = arith.index_cast %mul3A_740 : i32 to index
                %get3A_742 = tpu.vector_load %arg6[%get3A_741] {strides = array<i32>} : memref<1808xf32, #tpu.memory_space<vmem>>, vector<16xf32>,
                %get3A_743 = vector.shape_cast %get3A_742 : vector<16xf32> to vector<16xf32>
                %iota3A_744 = tpu.iota {dimensions = array<i32: 0>} : vector<16xi32>
                %add3A_745 = vector.broadcast %scan3A_683 : i32 to vector<16xi32>
                %add3A_746 = arith.addi %iota3A_744, %add3A_745 : vector<16xi32>
                %and3A_747 = arith.constant 15 : i32
                %and3A_748 = vector.broadcast %and3A_747 : i32 to vector<16xi32>
                %and3A_749 = arith.andi %add3A_746, %and3A_748 : vector<16xi32>
                %broadcast_in_dim3A_750 = vector.shape_cast %and3A_749 : vector<16xi32> to vector<16x1xi32>
                %gather3A_751 = vector.shape_cast %broadcast_in_dim3A_750 : vector<16x1xi32> to vector<16xi32>
                %gather3A_752 = tpu.dynamic_gather %get3A_743[%gather3A_751] in [0] : vector<16xf32>, vector<16xi32> -> vector<16xf32>
                %slice3A_753 = vector.extract_strided_slice %gather3A_752 {offsets = [0], sizes = [1], strides = [1]} : vector<16xf32> to vector<1xf32>
                %squeeze3A_754 = vector.extract %slice3A_753[0] : f32 from vector<1xf32>
                %lt3A_755 = arith.cmpf olt, %squeeze3A_754, %squeeze3A : f32
                %convert_element_type3A_756 = arith.extui %lt3A_755 : i1 to i32
                %cond3A_757 = arith.constant 0 : i32
                %cond3A_758 = arith.cmpi ne, %convert_element_type3A_756, %cond3A_757 : i32
                %cond3A_759 = scf.if %cond3A_758 -> (i32) {
                  %scan3A_760 = arith.constant 0 : i32
                  %scan3A_761 = arith.constant 8 : i32
                  %scan3A_762 = arith.addi %scan3A_760, %scan3A_761 : i32
                  %scan3A_763 = arith.constant 1 : i32
                  %scan3A_764 = scf.for %scan3A_766 = %scan3A_760 to %scan3A_762 step %scan3A_763 iter_args(%scan3A_767 = %scan3A_735) -> (i32)  : i32 {
                    %mul3A_768 = arith.constant 8 : i32
                    %mul3A_769 = arith.muli %add3A_738, %mul3A_768 : i32
                    %add3A_770 = arith.addi %mul3A_769, %scan3A_766 : i32
                    %mul3A_771 = arith.constant 16 : i32
                    %mul3A_772 = arith.muli %add3A_770, %mul3A_771 : i32
                    %get3A_773 = arith.constant 0 : i32
                    %get3A_774 = tpu.memref_slice %arg5[%scan3A_240, %get3A_773] : memref<2x14352xf32, #tpu.memory_space<vmem>> -> memref<1x14352xf32, #tpu.memory_space<vmem>>
                    %get3A_775 = tpu.memref_squeeze %get3A_774 : memref<1x14352xf32, #tpu.memory_space<vmem>> -> memref<14352xf32, #tpu.memory_space<vmem>>
                    %get3A_776 = arith.index_cast %mul3A_772 : i32 to index
                    %get3A_777 = tpu.vector_load %get3A_775[%get3A_776] {strides = array<i32>} : memref<14352xf32, #tpu.memory_space<vmem>>, vector<16xf32>,
                    %get3A_778 = vector.shape_cast %get3A_777 : vector<16xf32> to vector<16xf32>
                    %iota3A_779 = tpu.iota {dimensions = array<i32: 0>} : vector<16xi32>
                    %add3A_780 = vector.broadcast %scan3A_683 : i32 to vector<16xi32>
                    %add3A_781 = arith.addi %iota3A_779, %add3A_780 : vector<16xi32>
                    %and3A_782 = arith.constant 15 : i32
                    %and3A_783 = vector.broadcast %and3A_782 : i32 to vector<16xi32>
                    %and3A_784 = arith.andi %add3A_781, %and3A_783 : vector<16xi32>
                    %broadcast_in_dim3A_785 = vector.shape_cast %and3A_784 : vector<16xi32> to vector<16x1xi32>
                    %gather3A_786 = vector.shape_cast %broadcast_in_dim3A_785 : vector<16x1xi32> to vector<16xi32>
                    %gather3A_787 = tpu.dynamic_gather %get3A_778[%gather3A_786] in [0] : vector<16xf32>, vector<16xi32> -> vector<16xf32>
                    %slice3A_788 = vector.extract_strided_slice %gather3A_787 {offsets = [0], sizes = [1], strides = [1]} : vector<16xf32> to vector<1xf32>
                    %squeeze3A_789 = vector.extract %slice3A_788[0] : f32 from vector<1xf32>
                    %lt3A_790 = arith.cmpf olt, %squeeze3A_789, %squeeze3A : f32
                    %convert_element_type3A_791 = arith.extui %lt3A_790 : i1 to i32
                    %cond3A_792 = arith.constant 0 : i32
                    %cond3A_793 = arith.cmpi ne, %convert_element_type3A_791, %cond3A_792 : i32
                    %cond3A_794 = scf.if %cond3A_793 -> (i32) {
                      %min3A_795 = arith.constant 127 : i32
                      %min3A_796 = arith.minsi %scan3A_767, %min3A_795 : i32
                      %eq3A = arith.constant 0 : i32
                      %eq3A_797 = vector.broadcast %eq3A : i32 to vector<16xi32>
                      %eq3A_798 = arith.cmpi eq, %iota3A, %eq3A_797 : vector<16xi32>
                      %broadcast_in_dim3A_799 = vector.broadcast %squeeze3A_789 : f32 to vector<16xf32>
                      %select_n3A = arith.select %eq3A_798, %broadcast_in_dim3A_799, %broadcast_in_dim3A_1 : vector<16xi1>, vector<16xf32>
                      %mul3A_800 = arith.constant 16 : i32
                      %mul3A_801 = arith.muli %min3A_796, %mul3A_800 : i32
                      %swap3A_802 = arith.index_cast %mul3A_801 : i32 to index
                      %swap3A_803 = tpu.vector_load %arg10[%swap3A_802] {strides = array<i32>} : memref<2064xf32, #tpu.memory_space<vmem>>, vector<16xf32>,
                      %swap3A_804 = vector.shape_cast %swap3A_803 : vector<16xf32> to vector<16xf32>
                      %swap3A_805 = vector.shape_cast %select_n3A : vector<16xf32> to vector<16xf32>
                      tpu.vector_store %arg10[%swap3A_802], %swap3A_805 {strides = array<i32>} : memref<2064xf32, #tpu.memory_space<vmem>>, vector<16xf32>,
                      %add3A_806 = arith.constant 1 : i32
                      %add3A_807 = arith.addi %scan3A_767, %add3A_806 : i32
                      scf.yield %add3A_807 : i32
                    } else {
                      scf.yield %scan3A_767 : i32
                    }
                    scf.yield %cond3A_794 : i32
                  }
                  %scan3A_765 = arith.constant 8 : i32
                  scf.yield %scan3A_764 : i32
                } else {
                  scf.yield %scan3A_735 : i32
                }
                scf.yield %cond3A_759 : i32
              }
              %scan3A_733 = arith.constant 8 : i32
              scf.yield %scan3A_732 : i32
            } else {
              scf.yield %scan3A_706 : i32
            }
            scf.yield %cond3A_727 : i32
          }
          %scan3A_704 = arith.constant 14 : i32
          scf.yield %scan3A_703 : i32
        } else {
          scf.yield %scan3A_684 : i32
        }
        scf.yield %cond3A_698 : i32
      }
      %scan3A_246 = arith.constant 16 : i32
      %dma_start3A_247 = arith.constant 1 : i32
      %dma_start3A_248 = arith.constant 0 : i32
      %dma_start3A_249 = tpu.memref_slice %arg5[%dma_start3A_247, %dma_start3A_248] : memref<2x14352xf32, #tpu.memory_space<vmem>> -> memref<1x14336xf32, #tpu.memory_space<vmem>>
      %dma_start3A_250 = tpu.memref_squeeze %dma_start3A_249 : memref<1x14336xf32, #tpu.memory_space<vmem>> -> memref<14336xf32, #tpu.memory_space<vmem>>
      %dma_start3A_251 = arith.constant 57344 : i32
      %dma_start3A_252 = tpu.memref_slice %arg2[%add3A_12, %dma_start3A_251] : memref<256x100352xf32, #tpu.memory_space<hbm>> -> memref<1x14336xf32, #tpu.memory_space<hbm>>
      %dma_start3A_253 = tpu.memref_squeeze %dma_start3A_252 : memref<1x14336xf32, #tpu.memory_space<hbm>> -> memref<14336xf32, #tpu.memory_space<hbm>>
      %dma_start3A_254 = arith.constant 0 : i32
      %dma_start3A_255 = tpu.memref_slice %arg5[%dma_start3A_247, %dma_start3A_254] : memref<2x14352xf32, #tpu.memory_space<vmem>> -> memref<1x14336xf32, #tpu.memory_space<vmem>>
      %dma_start3A_256 = tpu.memref_squeeze %dma_start3A_255 : memref<1x14336xf32, #tpu.memory_space<vmem>> -> memref<14336xf32, #tpu.memory_space<vmem>>
      %dma_start3A_257 = arith.constant 57344 : i32
      %dma_start3A_258 = tpu.memref_slice %arg2[%add3A_12, %dma_start3A_257] : memref<256x100352xf32, #tpu.memory_space<hbm>> -> memref<1x14336xf32, #tpu.memory_space<hbm>>
      %dma_start3A_259 = tpu.memref_squeeze %dma_start3A_258 : memref<1x14336xf32, #tpu.memory_space<hbm>> -> memref<14336xf32, #tpu.memory_space<hbm>>
      tpu.enqueue_dma source(%dma_start3A_259 : memref<14336xf32, #tpu.memory_space<hbm>>) target(%dma_start3A_256 : memref<14336xf32, #tpu.memory_space<vmem>>) target_semaphore(%arg12 : memref<!tpu.dma_semaphore, #tpu.memory_space<semaphore_mem>>)
      %dma_wait3A_260 = arith.constant 0 : i32
      %dma_wait3A_261 = arith.constant 0 : i32
      %dma_wait3A_262 = tpu.memref_slice %arg5[%dma_wait3A_260, %dma_wait3A_261] : memref<2x14352xf32, #tpu.memory_space<vmem>> -> memref<1x14336xf32, #tpu.memory_space<vmem>>
      %dma_wait3A_263 = tpu.memref_squeeze %dma_wait3A_262 : memref<1x14336xf32, #tpu.memory_space<vmem>> -> memref<14336xf32, #tpu.memory_space<vmem>>
      %dma_wait3A_264 = arith.constant 43008 : i32
      %dma_wait3A_265 = tpu.memref_slice %arg2[%add3A_12, %dma_wait3A_264] : memref<256x100352xf32, #tpu.memory_space<hbm>> -> memref<1x14336xf32, #tpu.memory_space<hbm>>
      %dma_wait3A_266 = tpu.memref_squeeze %dma_wait3A_265 : memref<1x14336xf32, #tpu.memory_space<hbm>> -> memref<14336xf32, #tpu.memory_space<hbm>>
      %dma_wait3A_267 = arith.constant 0 : i32
      %dma_wait3A_268 = tpu.memref_slice %arg5[%dma_wait3A_260, %dma_wait3A_267] : memref<2x14352xf32, #tpu.memory_space<vmem>> -> memref<1x14336xf32, #tpu.memory_space<vmem>>
      %dma_wait3A_269 = tpu.memref_squeeze %dma_wait3A_268 : memref<1x14336xf32, #tpu.memory_space<vmem>> -> memref<14336xf32, #tpu.memory_space<vmem>>
      %dma_wait3A_270 = arith.constant 43008 : i32
      %dma_wait3A_271 = tpu.memref_slice %arg2[%add3A_12, %dma_wait3A_270] : memref<256x100352xf32, #tpu.memory_space<hbm>> -> memref<1x14336xf32, #tpu.memory_space<hbm>>
      %dma_wait3A_272 = tpu.memref_squeeze %dma_wait3A_271 : memref<1x14336xf32, #tpu.memory_space<hbm>> -> memref<14336xf32, #tpu.memory_space<hbm>>
      tpu.wait_dma2 semaphore(%arg11 : memref<!tpu.dma_semaphore, #tpu.memory_space<semaphore_mem>>) src(%dma_wait3A_272 : memref<14336xf32, #tpu.memory_space<hbm>>) dst(%dma_wait3A_269 : memref<14336xf32, #tpu.memory_space<vmem>>)
      %scan3A_273 = arith.constant 0 : i32
      %scan3A_274 = arith.constant 0 : i32
      %scan3A_275 = arith.constant 0 : i32
      %scan3A_276 = arith.constant 112 : i32
      %scan3A_277 = arith.addi %scan3A_275, %scan3A_276 : i32
      %scan3A_278 = arith.constant 1 : i32
      %scan3A_279 = scf.for %scan3A_683 = %scan3A_275 to %scan3A_277 step %scan3A_278 iter_args(%scan3A_684 = %scan3A_274) -> (i32)  : i32 {
        %mul3A_685 = arith.constant 8 : i32
        %mul3A_686 = arith.muli %scan3A_683, %mul3A_685 : i32
        %add3A_687 = arith.constant 0 : i32
        %add3A_688 = arith.addi %mul3A_686, %add3A_687 : i32
        %mul3A_689 = arith.constant 16 : i32
        %mul3A_690 = arith.muli %add3A_688, %mul3A_689 : i32
        %get3A_691 = arith.constant 0 : i32
        %get3A_692 = tpu.memref_slice %arg5[%scan3A_273, %get3A_691] : memref<2x14352xf32, #tpu.memory_space<vmem>> -> memref<1x14352xf32, #tpu.memory_space<vmem>>
        %get3A_693 = tpu.memref_squeeze %get3A_692 : memref<1x14352xf32, #tpu.memory_space<vmem>> -> memref<14352xf32, #tpu.memory_space<vmem>>
        %get3A_694 = arith.index_cast %mul3A_690 : i32 to index
        %get3A_695 = tpu.vector_load %get3A_693[%get3A_694] {strides = array<i32>} : memref<14352xf32, #tpu.memory_space<vmem>>, vector<16xf32>,
        %get3A_696 = vector.shape_cast %get3A_695 : vector<16xf32> to vector<16xf32>
        %mul3A_697 = arith.constant 8 : i32
        %mul3A_698 = arith.muli %scan3A_683, %mul3A_697 : i32
        %add3A_699 = arith.constant 1 : i32
        %add3A_700 = arith.addi %mul3A_698, %add3A_699 : i32
        %mul3A_701 = arith.constant 16 : i32
        %mul3A_702 = arith.muli %add3A_700, %mul3A_701 : i32
        %get3A_703 = arith.constant 0 : i32
        %get3A_704 = tpu.memref_slice %arg5[%scan3A_273, %get3A_703] : memref<2x14352xf32, #tpu.memory_space<vmem>> -> memref<1x14352xf32, #tpu.memory_space<vmem>>
        %get3A_705 = tpu.memref_squeeze %get3A_704 : memref<1x14352xf32, #tpu.memory_space<vmem>> -> memref<14352xf32, #tpu.memory_space<vmem>>
        %get3A_706 = arith.index_cast %mul3A_702 : i32 to index
        %get3A_707 = tpu.vector_load %get3A_705[%get3A_706] {strides = array<i32>} : memref<14352xf32, #tpu.memory_space<vmem>>, vector<16xf32>,
        %get3A_708 = vector.shape_cast %get3A_707 : vector<16xf32> to vector<16xf32>
        %mul3A_709 = arith.constant 8 : i32
        %mul3A_710 = arith.muli %scan3A_683, %mul3A_709 : i32
        %add3A_711 = arith.constant 2 : i32
        %add3A_712 = arith.addi %mul3A_710, %add3A_711 : i32
        %mul3A_713 = arith.constant 16 : i32
        %mul3A_714 = arith.muli %add3A_712, %mul3A_713 : i32
        %get3A_715 = arith.constant 0 : i32
        %get3A_716 = tpu.memref_slice %arg5[%scan3A_273, %get3A_715] : memref<2x14352xf32, #tpu.memory_space<vmem>> -> memref<1x14352xf32, #tpu.memory_space<vmem>>
        %get3A_717 = tpu.memref_squeeze %get3A_716 : memref<1x14352xf32, #tpu.memory_space<vmem>> -> memref<14352xf32, #tpu.memory_space<vmem>>
        %get3A_718 = arith.index_cast %mul3A_714 : i32 to index
        %get3A_719 = tpu.vector_load %get3A_717[%get3A_718] {strides = array<i32>} : memref<14352xf32, #tpu.memory_space<vmem>>, vector<16xf32>,
        %get3A_720 = vector.shape_cast %get3A_719 : vector<16xf32> to vector<16xf32>
        %mul3A_721 = arith.constant 8 : i32
        %mul3A_722 = arith.muli %scan3A_683, %mul3A_721 : i32
        %add3A_723 = arith.constant 3 : i32
        %add3A_724 = arith.addi %mul3A_722, %add3A_723 : i32
        %mul3A_725 = arith.constant 16 : i32
        %mul3A_726 = arith.muli %add3A_724, %mul3A_725 : i32
        %get3A_727 = arith.constant 0 : i32
        %get3A_728 = tpu.memref_slice %arg5[%scan3A_273, %get3A_727] : memref<2x14352xf32, #tpu.memory_space<vmem>> -> memref<1x14352xf32, #tpu.memory_space<vmem>>
        %get3A_729 = tpu.memref_squeeze %get3A_728 : memref<1x14352xf32, #tpu.memory_space<vmem>> -> memref<14352xf32, #tpu.memory_space<vmem>>
        %get3A_730 = arith.index_cast %mul3A_726 : i32 to index
        %get3A_731 = tpu.vector_load %get3A_729[%get3A_730] {strides = array<i32>} : memref<14352xf32, #tpu.memory_space<vmem>>, vector<16xf32>,
        %get3A_732 = vector.shape_cast %get3A_731 : vector<16xf32> to vector<16xf32>
        %mul3A_733 = arith.constant 8 : i32
        %mul3A_734 = arith.muli %scan3A_683, %mul3A_733 : i32
        %add3A_735 = arith.constant 4 : i32
        %add3A_736 = arith.addi %mul3A_734, %add3A_735 : i32
        %mul3A_737 = arith.constant 16 : i32
        %mul3A_738 = arith.muli %add3A_736, %mul3A_737 : i32
        %get3A_739 = arith.constant 0 : i32
        %get3A_740 = tpu.memref_slice %arg5[%scan3A_273, %get3A_739] : memref<2x14352xf32, #tpu.memory_space<vmem>> -> memref<1x14352xf32, #tpu.memory_space<vmem>>
        %get3A_741 = tpu.memref_squeeze %get3A_740 : memref<1x14352xf32, #tpu.memory_space<vmem>> -> memref<14352xf32, #tpu.memory_space<vmem>>
        %get3A_742 = arith.index_cast %mul3A_738 : i32 to index
        %get3A_743 = tpu.vector_load %get3A_741[%get3A_742] {strides = array<i32>} : memref<14352xf32, #tpu.memory_space<vmem>>, vector<16xf32>,
        %get3A_744 = vector.shape_cast %get3A_743 : vector<16xf32> to vector<16xf32>
        %mul3A_745 = arith.constant 8 : i32
        %mul3A_746 = arith.muli %scan3A_683, %mul3A_745 : i32
        %add3A_747 = arith.constant 5 : i32
        %add3A_748 = arith.addi %mul3A_746, %add3A_747 : i32
        %mul3A_749 = arith.constant 16 : i32
        %mul3A_750 = arith.muli %add3A_748, %mul3A_749 : i32
        %get3A_751 = arith.constant 0 : i32
        %get3A_752 = tpu.memref_slice %arg5[%scan3A_273, %get3A_751] : memref<2x14352xf32, #tpu.memory_space<vmem>> -> memref<1x14352xf32, #tpu.memory_space<vmem>>
        %get3A_753 = tpu.memref_squeeze %get3A_752 : memref<1x14352xf32, #tpu.memory_space<vmem>> -> memref<14352xf32, #tpu.memory_space<vmem>>
        %get3A_754 = arith.index_cast %mul3A_750 : i32 to index
        %get3A_755 = tpu.vector_load %get3A_753[%get3A_754] {strides = array<i32>} : memref<14352xf32, #tpu.memory_space<vmem>>, vector<16xf32>,
        %get3A_756 = vector.shape_cast %get3A_755 : vector<16xf32> to vector<16xf32>
        %mul3A_757 = arith.constant 8 : i32
        %mul3A_758 = arith.muli %scan3A_683, %mul3A_757 : i32
        %add3A_759 = arith.constant 6 : i32
        %add3A_760 = arith.addi %mul3A_758, %add3A_759 : i32
        %mul3A_761 = arith.constant 16 : i32
        %mul3A_762 = arith.muli %add3A_760, %mul3A_761 : i32
        %get3A_763 = arith.constant 0 : i32
        %get3A_764 = tpu.memref_slice %arg5[%scan3A_273, %get3A_763] : memref<2x14352xf32, #tpu.memory_space<vmem>> -> memref<1x14352xf32, #tpu.memory_space<vmem>>
        %get3A_765 = tpu.memref_squeeze %get3A_764 : memref<1x14352xf32, #tpu.memory_space<vmem>> -> memref<14352xf32, #tpu.memory_space<vmem>>
        %get3A_766 = arith.index_cast %mul3A_762 : i32 to index
        %get3A_767 = tpu.vector_load %get3A_765[%get3A_766] {strides = array<i32>} : memref<14352xf32, #tpu.memory_space<vmem>>, vector<16xf32>,
        %get3A_768 = vector.shape_cast %get3A_767 : vector<16xf32> to vector<16xf32>
        %mul3A_769 = arith.constant 8 : i32
        %mul3A_770 = arith.muli %scan3A_683, %mul3A_769 : i32
        %add3A_771 = arith.constant 7 : i32
        %add3A_772 = arith.addi %mul3A_770, %add3A_771 : i32
        %mul3A_773 = arith.constant 16 : i32
        %mul3A_774 = arith.muli %add3A_772, %mul3A_773 : i32
        %get3A_775 = arith.constant 0 : i32
        %get3A_776 = tpu.memref_slice %arg5[%scan3A_273, %get3A_775] : memref<2x14352xf32, #tpu.memory_space<vmem>> -> memref<1x14352xf32, #tpu.memory_space<vmem>>
        %get3A_777 = tpu.memref_squeeze %get3A_776 : memref<1x14352xf32, #tpu.memory_space<vmem>> -> memref<14352xf32, #tpu.memory_space<vmem>>
        %get3A_778 = arith.index_cast %mul3A_774 : i32 to index
        %get3A_779 = tpu.vector_load %get3A_777[%get3A_778] {strides = array<i32>} : memref<14352xf32, #tpu.memory_space<vmem>>, vector<16xf32>,
        %get3A_780 = vector.shape_cast %get3A_779 : vector<16xf32> to vector<16xf32>
        %min3A_781 = arith.minimumf %get3A_696, %get3A_708 : vector<16xf32>
        %min3A_782 = arith.minimumf %get3A_720, %get3A_732 : vector<16xf32>
        %min3A_783 = arith.minimumf %min3A_781, %min3A_782 : vector<16xf32>
        %min3A_784 = arith.minimumf %get3A_744, %get3A_756 : vector<16xf32>
        %min3A_785 = arith.minimumf %get3A_768, %get3A_780 : vector<16xf32>
        %min3A_786 = arith.minimumf %min3A_784, %min3A_785 : vector<16xf32>
        %min3A_787 = arith.minimumf %min3A_783, %min3A_786 : vector<16xf32>
        %mul3A_788 = arith.constant 16 : i32
        %mul3A_789 = arith.muli %scan3A_683, %mul3A_788 : i32
        %swap3A_790 = arith.index_cast %mul3A_789 : i32 to index
        %swap3A_791 = tpu.vector_load %arg6[%swap3A_790] {strides = array<i32>} : memref<1808xf32, #tpu.memory_space<vmem>>, vector<16xf32>,
        %swap3A_792 = vector.shape_cast %swap3A_791 : vector<16xf32> to vector<16xf32>
        %swap3A_793 = vector.shape_cast %min3A_787 : vector<16xf32> to vector<16xf32>
        tpu.vector_store %arg6[%swap3A_790], %swap3A_793 {strides = array<i32>} : memref<1808xf32, #tpu.memory_space<vmem>>, vector<16xf32>,
        %scan3A_794 = arith.constant 0 : i32
        scf.yield %scan3A_794 : i32
      }
      %scan3A_280 = arith.constant 112 : i32
      %scan3A_281 = arith.constant 0 : i32
      %scan3A_282 = arith.constant 0 : i32
      %scan3A_283 = arith.constant 14 : i32
      %scan3A_284 = arith.addi %scan3A_282, %scan3A_283 : i32
      %scan3A_285 = arith.constant 1 : i32
      %scan3A_286 = scf.for %scan3A_683 = %scan3A_282 to %scan3A_284 step %scan3A_285 iter_args(%scan3A_684 = %scan3A_281) -> (i32)  : i32 {
        %mul3A_685 = arith.constant 8 : i32
        %mul3A_686 = arith.muli %scan3A_683, %mul3A_685 : i32
        %add3A_687 = arith.constant 0 : i32
        %add3A_688 = arith.addi %mul3A_686, %add3A_687 : i32
        %mul3A_689 = arith.constant 16 : i32
        %mul3A_690 = arith.muli %add3A_688, %mul3A_689 : i32
        %get3A_691 = arith.index_cast %mul3A_690 : i32 to index
        %get3A_692 = tpu.vector_load %arg6[%get3A_691] {strides = array<i32>} : memref<1808xf32, #tpu.memory_space<vmem>>, vector<16xf32>,
        %get3A_693 = vector.shape_cast %get3A_692 : vector<16xf32> to vector<16xf32>
        %mul3A_694 = arith.constant 8 : i32
        %mul3A_695 = arith.muli %scan3A_683, %mul3A_694 : i32
        %add3A_696 = arith.constant 1 : i32
        %add3A_697 = arith.addi %mul3A_695, %add3A_696 : i32
        %mul3A_698 = arith.constant 16 : i32
        %mul3A_699 = arith.muli %add3A_697, %mul3A_698 : i32
        %get3A_700 = arith.index_cast %mul3A_699 : i32 to index
        %get3A_701 = tpu.vector_load %arg6[%get3A_700] {strides = array<i32>} : memref<1808xf32, #tpu.memory_space<vmem>>, vector<16xf32>,
        %get3A_702 = vector.shape_cast %get3A_701 : vector<16xf32> to vector<16xf32>
        %mul3A_703 = arith.constant 8 : i32
        %mul3A_704 = arith.muli %scan3A_683, %mul3A_703 : i32
        %add3A_705 = arith.constant 2 : i32
        %add3A_706 = arith.addi %mul3A_704, %add3A_705 : i32
        %mul3A_707 = arith.constant 16 : i32
        %mul3A_708 = arith.muli %add3A_706, %mul3A_707 : i32
        %get3A_709 = arith.index_cast %mul3A_708 : i32 to index
        %get3A_710 = tpu.vector_load %arg6[%get3A_709] {strides = array<i32>} : memref<1808xf32, #tpu.memory_space<vmem>>, vector<16xf32>,
        %get3A_711 = vector.shape_cast %get3A_710 : vector<16xf32> to vector<16xf32>
        %mul3A_712 = arith.constant 8 : i32
        %mul3A_713 = arith.muli %scan3A_683, %mul3A_712 : i32
        %add3A_714 = arith.constant 3 : i32
        %add3A_715 = arith.addi %mul3A_713, %add3A_714 : i32
        %mul3A_716 = arith.constant 16 : i32
        %mul3A_717 = arith.muli %add3A_715, %mul3A_716 : i32
        %get3A_718 = arith.index_cast %mul3A_717 : i32 to index
        %get3A_719 = tpu.vector_load %arg6[%get3A_718] {strides = array<i32>} : memref<1808xf32, #tpu.memory_space<vmem>>, vector<16xf32>,
        %get3A_720 = vector.shape_cast %get3A_719 : vector<16xf32> to vector<16xf32>
        %mul3A_721 = arith.constant 8 : i32
        %mul3A_722 = arith.muli %scan3A_683, %mul3A_721 : i32
        %add3A_723 = arith.constant 4 : i32
        %add3A_724 = arith.addi %mul3A_722, %add3A_723 : i32
        %mul3A_725 = arith.constant 16 : i32
        %mul3A_726 = arith.muli %add3A_724, %mul3A_725 : i32
        %get3A_727 = arith.index_cast %mul3A_726 : i32 to index
        %get3A_728 = tpu.vector_load %arg6[%get3A_727] {strides = array<i32>} : memref<1808xf32, #tpu.memory_space<vmem>>, vector<16xf32>,
        %get3A_729 = vector.shape_cast %get3A_728 : vector<16xf32> to vector<16xf32>
        %mul3A_730 = arith.constant 8 : i32
        %mul3A_731 = arith.muli %scan3A_683, %mul3A_730 : i32
        %add3A_732 = arith.constant 5 : i32
        %add3A_733 = arith.addi %mul3A_731, %add3A_732 : i32
        %mul3A_734 = arith.constant 16 : i32
        %mul3A_735 = arith.muli %add3A_733, %mul3A_734 : i32
        %get3A_736 = arith.index_cast %mul3A_735 : i32 to index
        %get3A_737 = tpu.vector_load %arg6[%get3A_736] {strides = array<i32>} : memref<1808xf32, #tpu.memory_space<vmem>>, vector<16xf32>,
        %get3A_738 = vector.shape_cast %get3A_737 : vector<16xf32> to vector<16xf32>
        %mul3A_739 = arith.constant 8 : i32
        %mul3A_740 = arith.muli %scan3A_683, %mul3A_739 : i32
        %add3A_741 = arith.constant 6 : i32
        %add3A_742 = arith.addi %mul3A_740, %add3A_741 : i32
        %mul3A_743 = arith.constant 16 : i32
        %mul3A_744 = arith.muli %add3A_742, %mul3A_743 : i32
        %get3A_745 = arith.index_cast %mul3A_744 : i32 to index
        %get3A_746 = tpu.vector_load %arg6[%get3A_745] {strides = array<i32>} : memref<1808xf32, #tpu.memory_space<vmem>>, vector<16xf32>,
        %get3A_747 = vector.shape_cast %get3A_746 : vector<16xf32> to vector<16xf32>
        %mul3A_748 = arith.constant 8 : i32
        %mul3A_749 = arith.muli %scan3A_683, %mul3A_748 : i32
        %add3A_750 = arith.constant 7 : i32
        %add3A_751 = arith.addi %mul3A_749, %add3A_750 : i32
        %mul3A_752 = arith.constant 16 : i32
        %mul3A_753 = arith.muli %add3A_751, %mul3A_752 : i32
        %get3A_754 = arith.index_cast %mul3A_753 : i32 to index
        %get3A_755 = tpu.vector_load %arg6[%get3A_754] {strides = array<i32>} : memref<1808xf32, #tpu.memory_space<vmem>>, vector<16xf32>,
        %get3A_756 = vector.shape_cast %get3A_755 : vector<16xf32> to vector<16xf32>
        %min3A_757 = arith.minimumf %get3A_693, %get3A_702 : vector<16xf32>
        %min3A_758 = arith.minimumf %get3A_711, %get3A_720 : vector<16xf32>
        %min3A_759 = arith.minimumf %min3A_757, %min3A_758 : vector<16xf32>
        %min3A_760 = arith.minimumf %get3A_729, %get3A_738 : vector<16xf32>
        %min3A_761 = arith.minimumf %get3A_747, %get3A_756 : vector<16xf32>
        %min3A_762 = arith.minimumf %min3A_760, %min3A_761 : vector<16xf32>
        %min3A_763 = arith.minimumf %min3A_759, %min3A_762 : vector<16xf32>
        %mul3A_764 = arith.constant 16 : i32
        %mul3A_765 = arith.muli %scan3A_683, %mul3A_764 : i32
        %swap3A_766 = arith.index_cast %mul3A_765 : i32 to index
        %swap3A_767 = tpu.vector_load %arg7[%swap3A_766] {strides = array<i32>} : memref<240xf32, #tpu.memory_space<vmem>>, vector<16xf32>,
        %swap3A_768 = vector.shape_cast %swap3A_767 : vector<16xf32> to vector<16xf32>
        %swap3A_769 = vector.shape_cast %min3A_763 : vector<16xf32> to vector<16xf32>
        tpu.vector_store %arg7[%swap3A_766], %swap3A_769 {strides = array<i32>} : memref<240xf32, #tpu.memory_space<vmem>>, vector<16xf32>,
        %scan3A_770 = arith.constant 0 : i32
        scf.yield %scan3A_770 : i32
      }
      %scan3A_287 = arith.constant 14 : i32
      %get3A_288 = arith.constant 0 : index
      %get3A_289 = tpu.vector_load %arg7[%get3A_288] {strides = array<i32>} : memref<240xf32, #tpu.memory_space<vmem>>, vector<16xf32>,
      %get3A_290 = vector.shape_cast %get3A_289 : vector<16xf32> to vector<16xf32>
      %get3A_291 = arith.constant 16 : index
      %get3A_292 = tpu.vector_load %arg7[%get3A_291] {strides = array<i32>} : memref<240xf32, #tpu.memory_space<vmem>>, vector<16xf32>,
      %get3A_293 = vector.shape_cast %get3A_292 : vector<16xf32> to vector<16xf32>
      %min3A_294 = arith.minimumf %get3A_290, %get3A_293 : vector<16xf32>
      %get3A_295 = arith.constant 32 : index
      %get3A_296 = tpu.vector_load %arg7[%get3A_295] {strides = array<i32>} : memref<240xf32, #tpu.memory_space<vmem>>, vector<16xf32>,
      %get3A_297 = vector.shape_cast %get3A_296 : vector<16xf32> to vector<16xf32>
      %min3A_298 = arith.minimumf %min3A_294, %get3A_297 : vector<16xf32>
      %get3A_299 = arith.constant 48 : index
      %get3A_300 = tpu.vector_load %arg7[%get3A_299] {strides = array<i32>} : memref<240xf32, #tpu.memory_space<vmem>>, vector<16xf32>,
      %get3A_301 = vector.shape_cast %get3A_300 : vector<16xf32> to vector<16xf32>
      %min3A_302 = arith.minimumf %min3A_298, %get3A_301 : vector<16xf32>
      %get3A_303 = arith.constant 64 : index
      %get3A_304 = tpu.vector_load %arg7[%get3A_303] {strides = array<i32>} : memref<240xf32, #tpu.memory_space<vmem>>, vector<16xf32>,
      %get3A_305 = vector.shape_cast %get3A_304 : vector<16xf32> to vector<16xf32>
      %min3A_306 = arith.minimumf %min3A_302, %get3A_305 : vector<16xf32>
      %get3A_307 = arith.constant 80 : index
      %get3A_308 = tpu.vector_load %arg7[%get3A_307] {strides = array<i32>} : memref<240xf32, #tpu.memory_space<vmem>>, vector<16xf32>,
      %get3A_309 = vector.shape_cast %get3A_308 : vector<16xf32> to vector<16xf32>
      %min3A_310 = arith.minimumf %min3A_306, %get3A_309 : vector<16xf32>
      %get3A_311 = arith.constant 96 : index
      %get3A_312 = tpu.vector_load %arg7[%get3A_311] {strides = array<i32>} : memref<240xf32, #tpu.memory_space<vmem>>, vector<16xf32>,
      %get3A_313 = vector.shape_cast %get3A_312 : vector<16xf32> to vector<16xf32>
      %min3A_314 = arith.minimumf %min3A_310, %get3A_313 : vector<16xf32>
      %get3A_315 = arith.constant 112 : index
      %get3A_316 = tpu.vector_load %arg7[%get3A_315] {strides = array<i32>} : memref<240xf32, #tpu.memory_space<vmem>>, vector<16xf32>,
      %get3A_317 = vector.shape_cast %get3A_316 : vector<16xf32> to vector<16xf32>
      %min3A_318 = arith.minimumf %min3A_314, %get3A_317 : vector<16xf32>
      %get3A_319 = arith.constant 128 : index
      %get3A_320 = tpu.vector_load %arg7[%get3A_319] {strides = array<i32>} : memref<240xf32, #tpu.memory_space<vmem>>, vector<16xf32>,
      %get3A_321 = vector.shape_cast %get3A_320 : vector<16xf32> to vector<16xf32>
      %min3A_322 = arith.minimumf %min3A_318, %get3A_321 : vector<16xf32>
      %get3A_323 = arith.constant 144 : index
      %get3A_324 = tpu.vector_load %arg7[%get3A_323] {strides = array<i32>} : memref<240xf32, #tpu.memory_space<vmem>>, vector<16xf32>,
      %get3A_325 = vector.shape_cast %get3A_324 : vector<16xf32> to vector<16xf32>
      %min3A_326 = arith.minimumf %min3A_322, %get3A_325 : vector<16xf32>
      %get3A_327 = arith.constant 160 : index
      %get3A_328 = tpu.vector_load %arg7[%get3A_327] {strides = array<i32>} : memref<240xf32, #tpu.memory_space<vmem>>, vector<16xf32>,
      %get3A_329 = vector.shape_cast %get3A_328 : vector<16xf32> to vector<16xf32>
      %min3A_330 = arith.minimumf %min3A_326, %get3A_329 : vector<16xf32>
      %get3A_331 = arith.constant 176 : index
      %get3A_332 = tpu.vector_load %arg7[%get3A_331] {strides = array<i32>} : memref<240xf32, #tpu.memory_space<vmem>>, vector<16xf32>,
      %get3A_333 = vector.shape_cast %get3A_332 : vector<16xf32> to vector<16xf32>
      %min3A_334 = arith.minimumf %min3A_330, %get3A_333 : vector<16xf32>
      %get3A_335 = arith.constant 192 : index
      %get3A_336 = tpu.vector_load %arg7[%get3A_335] {strides = array<i32>} : memref<240xf32, #tpu.memory_space<vmem>>, vector<16xf32>,
      %get3A_337 = vector.shape_cast %get3A_336 : vector<16xf32> to vector<16xf32>
      %min3A_338 = arith.minimumf %min3A_334, %get3A_337 : vector<16xf32>
      %get3A_339 = arith.constant 208 : index
      %get3A_340 = tpu.vector_load %arg7[%get3A_339] {strides = array<i32>} : memref<240xf32, #tpu.memory_space<vmem>>, vector<16xf32>,
      %get3A_341 = vector.shape_cast %get3A_340 : vector<16xf32> to vector<16xf32>
      %min3A_342 = arith.minimumf %min3A_338, %get3A_341 : vector<16xf32>
      %swap3A_343 = arith.constant 0 : index
      %swap3A_344 = tpu.vector_load %arg8[%swap3A_343] {strides = array<i32>} : memref<32xf32, #tpu.memory_space<vmem>>, vector<16xf32>,
      %swap3A_345 = vector.shape_cast %swap3A_344 : vector<16xf32> to vector<16xf32>
      %swap3A_346 = vector.shape_cast %min3A_342 : vector<16xf32> to vector<16xf32>
      tpu.vector_store %arg8[%swap3A_343], %swap3A_346 {strides = array<i32>} : memref<32xf32, #tpu.memory_space<vmem>>, vector<16xf32>,
      %scan3A_347 = arith.constant 0 : i32
      %scan3A_348 = arith.constant 0 : i32
      %scan3A_349 = arith.constant 16 : i32
      %scan3A_350 = arith.addi %scan3A_348, %scan3A_349 : i32
      %scan3A_351 = arith.constant 1 : i32
      %scan3A_352 = scf.for %scan3A_683 = %scan3A_348 to %scan3A_350 step %scan3A_351 iter_args(%scan3A_684 = %scan3A_245) -> (i32)  : i32 {
        %get3A_685 = arith.constant 0 : index
        %get3A_686 = tpu.vector_load %arg8[%get3A_685] {strides = array<i32>} : memref<32xf32, #tpu.memory_space<vmem>>, vector<16xf32>,
        %get3A_687 = vector.shape_cast %get3A_686 : vector<16xf32> to vector<16xf32>
        %iota3A_688 = tpu.iota {dimensions = array<i32: 0>} : vector<16xi32>
        %add3A_689 = vector.broadcast %scan3A_683 : i32 to vector<16xi32>
        %add3A_690 = arith.addi %iota3A_688, %add3A_689 : vector<16xi32>
        %and3A = arith.constant 15 : i32
        %and3A_691 = vector.broadcast %and3A : i32 to vector<16xi32>
        %and3A_692 = arith.andi %add3A_690, %and3A_691 : vector<16xi32>
        %broadcast_in_dim3A_693 = vector.shape_cast %and3A_692 : vector<16xi32> to vector<16x1xi32>
        %gather3A = vector.shape_cast %broadcast_in_dim3A_693 : vector<16x1xi32> to vector<16xi32>
        %gather3A_694 = tpu.dynamic_gather %get3A_687[%gather3A] in [0] : vector<16xf32>, vector<16xi32> -> vector<16xf32>
        %slice3A_695 = vector.extract_strided_slice %gather3A_694 {offsets = [0], sizes = [1], strides = [1]} : vector<16xf32> to vector<1xf32>
        %squeeze3A_696 = vector.extract %slice3A_695[0] : f32 from vector<1xf32>
        %lt3A = arith.cmpf olt, %squeeze3A_696, %squeeze3A : f32
        %convert_element_type3A = arith.extui %lt3A : i1 to i32
        %cond3A = arith.constant 0 : i32
        %cond3A_697 = arith.cmpi ne, %convert_element_type3A, %cond3A : i32
        %cond3A_698 = scf.if %cond3A_697 -> (i32) {
          %scan3A_699 = arith.constant 0 : i32
          %scan3A_700 = arith.constant 14 : i32
          %scan3A_701 = arith.addi %scan3A_699, %scan3A_700 : i32
          %scan3A_702 = arith.constant 1 : i32
          %scan3A_703 = scf.for %scan3A_705 = %scan3A_699 to %scan3A_701 step %scan3A_702 iter_args(%scan3A_706 = %scan3A_684) -> (i32)  : i32 {
            %mul3A_707 = arith.constant 16 : i32
            %mul3A_708 = arith.muli %scan3A_705, %mul3A_707 : i32
            %get3A_709 = arith.index_cast %mul3A_708 : i32 to index
            %get3A_710 = tpu.vector_load %arg7[%get3A_709] {strides = array<i32>} : memref<240xf32, #tpu.memory_space<vmem>>, vector<16xf32>,
            %get3A_711 = vector.shape_cast %get3A_710 : vector<16xf32> to vector<16xf32>
            %iota3A_712 = tpu.iota {dimensions = array<i32: 0>} : vector<16xi32>
            %add3A_713 = vector.broadcast %scan3A_683 : i32 to vector<16xi32>
            %add3A_714 = arith.addi %iota3A_712, %add3A_713 : vector<16xi32>
            %and3A_715 = arith.constant 15 : i32
            %and3A_716 = vector.broadcast %and3A_715 : i32 to vector<16xi32>
            %and3A_717 = arith.andi %add3A_714, %and3A_716 : vector<16xi32>
            %broadcast_in_dim3A_718 = vector.shape_cast %and3A_717 : vector<16xi32> to vector<16x1xi32>
            %gather3A_719 = vector.shape_cast %broadcast_in_dim3A_718 : vector<16x1xi32> to vector<16xi32>
            %gather3A_720 = tpu.dynamic_gather %get3A_711[%gather3A_719] in [0] : vector<16xf32>, vector<16xi32> -> vector<16xf32>
            %slice3A_721 = vector.extract_strided_slice %gather3A_720 {offsets = [0], sizes = [1], strides = [1]} : vector<16xf32> to vector<1xf32>
            %squeeze3A_722 = vector.extract %slice3A_721[0] : f32 from vector<1xf32>
            %lt3A_723 = arith.cmpf olt, %squeeze3A_722, %squeeze3A : f32
            %convert_element_type3A_724 = arith.extui %lt3A_723 : i1 to i32
            %cond3A_725 = arith.constant 0 : i32
            %cond3A_726 = arith.cmpi ne, %convert_element_type3A_724, %cond3A_725 : i32
            %cond3A_727 = scf.if %cond3A_726 -> (i32) {
              %scan3A_728 = arith.constant 0 : i32
              %scan3A_729 = arith.constant 8 : i32
              %scan3A_730 = arith.addi %scan3A_728, %scan3A_729 : i32
              %scan3A_731 = arith.constant 1 : i32
              %scan3A_732 = scf.for %scan3A_734 = %scan3A_728 to %scan3A_730 step %scan3A_731 iter_args(%scan3A_735 = %scan3A_706) -> (i32)  : i32 {
                %mul3A_736 = arith.constant 8 : i32
                %mul3A_737 = arith.muli %scan3A_705, %mul3A_736 : i32
                %add3A_738 = arith.addi %mul3A_737, %scan3A_734 : i32
                %mul3A_739 = arith.constant 16 : i32
                %mul3A_740 = arith.muli %add3A_738, %mul3A_739 : i32
                %get3A_741 = arith.index_cast %mul3A_740 : i32 to index
                %get3A_742 = tpu.vector_load %arg6[%get3A_741] {strides = array<i32>} : memref<1808xf32, #tpu.memory_space<vmem>>, vector<16xf32>,
                %get3A_743 = vector.shape_cast %get3A_742 : vector<16xf32> to vector<16xf32>
                %iota3A_744 = tpu.iota {dimensions = array<i32: 0>} : vector<16xi32>
                %add3A_745 = vector.broadcast %scan3A_683 : i32 to vector<16xi32>
                %add3A_746 = arith.addi %iota3A_744, %add3A_745 : vector<16xi32>
                %and3A_747 = arith.constant 15 : i32
                %and3A_748 = vector.broadcast %and3A_747 : i32 to vector<16xi32>
                %and3A_749 = arith.andi %add3A_746, %and3A_748 : vector<16xi32>
                %broadcast_in_dim3A_750 = vector.shape_cast %and3A_749 : vector<16xi32> to vector<16x1xi32>
                %gather3A_751 = vector.shape_cast %broadcast_in_dim3A_750 : vector<16x1xi32> to vector<16xi32>
                %gather3A_752 = tpu.dynamic_gather %get3A_743[%gather3A_751] in [0] : vector<16xf32>, vector<16xi32> -> vector<16xf32>
                %slice3A_753 = vector.extract_strided_slice %gather3A_752 {offsets = [0], sizes = [1], strides = [1]} : vector<16xf32> to vector<1xf32>
                %squeeze3A_754 = vector.extract %slice3A_753[0] : f32 from vector<1xf32>
                %lt3A_755 = arith.cmpf olt, %squeeze3A_754, %squeeze3A : f32
                %convert_element_type3A_756 = arith.extui %lt3A_755 : i1 to i32
                %cond3A_757 = arith.constant 0 : i32
                %cond3A_758 = arith.cmpi ne, %convert_element_type3A_756, %cond3A_757 : i32
                %cond3A_759 = scf.if %cond3A_758 -> (i32) {
                  %scan3A_760 = arith.constant 0 : i32
                  %scan3A_761 = arith.constant 8 : i32
                  %scan3A_762 = arith.addi %scan3A_760, %scan3A_761 : i32
                  %scan3A_763 = arith.constant 1 : i32
                  %scan3A_764 = scf.for %scan3A_766 = %scan3A_760 to %scan3A_762 step %scan3A_763 iter_args(%scan3A_767 = %scan3A_735) -> (i32)  : i32 {
                    %mul3A_768 = arith.constant 8 : i32
                    %mul3A_769 = arith.muli %add3A_738, %mul3A_768 : i32
                    %add3A_770 = arith.addi %mul3A_769, %scan3A_766 : i32
                    %mul3A_771 = arith.constant 16 : i32
                    %mul3A_772 = arith.muli %add3A_770, %mul3A_771 : i32
                    %get3A_773 = arith.constant 0 : i32
                    %get3A_774 = tpu.memref_slice %arg5[%scan3A_347, %get3A_773] : memref<2x14352xf32, #tpu.memory_space<vmem>> -> memref<1x14352xf32, #tpu.memory_space<vmem>>
                    %get3A_775 = tpu.memref_squeeze %get3A_774 : memref<1x14352xf32, #tpu.memory_space<vmem>> -> memref<14352xf32, #tpu.memory_space<vmem>>
                    %get3A_776 = arith.index_cast %mul3A_772 : i32 to index
                    %get3A_777 = tpu.vector_load %get3A_775[%get3A_776] {strides = array<i32>} : memref<14352xf32, #tpu.memory_space<vmem>>, vector<16xf32>,
                    %get3A_778 = vector.shape_cast %get3A_777 : vector<16xf32> to vector<16xf32>
                    %iota3A_779 = tpu.iota {dimensions = array<i32: 0>} : vector<16xi32>
                    %add3A_780 = vector.broadcast %scan3A_683 : i32 to vector<16xi32>
                    %add3A_781 = arith.addi %iota3A_779, %add3A_780 : vector<16xi32>
                    %and3A_782 = arith.constant 15 : i32
                    %and3A_783 = vector.broadcast %and3A_782 : i32 to vector<16xi32>
                    %and3A_784 = arith.andi %add3A_781, %and3A_783 : vector<16xi32>
                    %broadcast_in_dim3A_785 = vector.shape_cast %and3A_784 : vector<16xi32> to vector<16x1xi32>
                    %gather3A_786 = vector.shape_cast %broadcast_in_dim3A_785 : vector<16x1xi32> to vector<16xi32>
                    %gather3A_787 = tpu.dynamic_gather %get3A_778[%gather3A_786] in [0] : vector<16xf32>, vector<16xi32> -> vector<16xf32>
                    %slice3A_788 = vector.extract_strided_slice %gather3A_787 {offsets = [0], sizes = [1], strides = [1]} : vector<16xf32> to vector<1xf32>
                    %squeeze3A_789 = vector.extract %slice3A_788[0] : f32 from vector<1xf32>
                    %lt3A_790 = arith.cmpf olt, %squeeze3A_789, %squeeze3A : f32
                    %convert_element_type3A_791 = arith.extui %lt3A_790 : i1 to i32
                    %cond3A_792 = arith.constant 0 : i32
                    %cond3A_793 = arith.cmpi ne, %convert_element_type3A_791, %cond3A_792 : i32
                    %cond3A_794 = scf.if %cond3A_793 -> (i32) {
                      %min3A_795 = arith.constant 127 : i32
                      %min3A_796 = arith.minsi %scan3A_767, %min3A_795 : i32
                      %eq3A = arith.constant 0 : i32
                      %eq3A_797 = vector.broadcast %eq3A : i32 to vector<16xi32>
                      %eq3A_798 = arith.cmpi eq, %iota3A, %eq3A_797 : vector<16xi32>
                      %broadcast_in_dim3A_799 = vector.broadcast %squeeze3A_789 : f32 to vector<16xf32>
                      %select_n3A = arith.select %eq3A_798, %broadcast_in_dim3A_799, %broadcast_in_dim3A_1 : vector<16xi1>, vector<16xf32>
                      %mul3A_800 = arith.constant 16 : i32
                      %mul3A_801 = arith.muli %min3A_796, %mul3A_800 : i32
                      %swap3A_802 = arith.index_cast %mul3A_801 : i32 to index
                      %swap3A_803 = tpu.vector_load %arg10[%swap3A_802] {strides = array<i32>} : memref<2064xf32, #tpu.memory_space<vmem>>, vector<16xf32>,
                      %swap3A_804 = vector.shape_cast %swap3A_803 : vector<16xf32> to vector<16xf32>
                      %swap3A_805 = vector.shape_cast %select_n3A : vector<16xf32> to vector<16xf32>
                      tpu.vector_store %arg10[%swap3A_802], %swap3A_805 {strides = array<i32>} : memref<2064xf32, #tpu.memory_space<vmem>>, vector<16xf32>,
                      %add3A_806 = arith.constant 1 : i32
                      %add3A_807 = arith.addi %scan3A_767, %add3A_806 : i32
                      scf.yield %add3A_807 : i32
                    } else {
                      scf.yield %scan3A_767 : i32
                    }
                    scf.yield %cond3A_794 : i32
                  }
                  %scan3A_765 = arith.constant 8 : i32
                  scf.yield %scan3A_764 : i32
                } else {
                  scf.yield %scan3A_735 : i32
                }
                scf.yield %cond3A_759 : i32
              }
              %scan3A_733 = arith.constant 8 : i32
              scf.yield %scan3A_732 : i32
            } else {
              scf.yield %scan3A_706 : i32
            }
            scf.yield %cond3A_727 : i32
          }
          %scan3A_704 = arith.constant 14 : i32
          scf.yield %scan3A_703 : i32
        } else {
          scf.yield %scan3A_684 : i32
        }
        scf.yield %cond3A_698 : i32
      }
      %scan3A_353 = arith.constant 16 : i32
      %dma_start3A_354 = arith.constant 0 : i32
      %dma_start3A_355 = arith.constant 0 : i32
      %dma_start3A_356 = tpu.memref_slice %arg5[%dma_start3A_354, %dma_start3A_355] : memref<2x14352xf32, #tpu.memory_space<vmem>> -> memref<1x14336xf32, #tpu.memory_space<vmem>>
      %dma_start3A_357 = tpu.memref_squeeze %dma_start3A_356 : memref<1x14336xf32, #tpu.memory_space<vmem>> -> memref<14336xf32, #tpu.memory_space<vmem>>
      %dma_start3A_358 = arith.constant 71680 : i32
      %dma_start3A_359 = tpu.memref_slice %arg2[%add3A_12, %dma_start3A_358] : memref<256x100352xf32, #tpu.memory_space<hbm>> -> memref<1x14336xf32, #tpu.memory_space<hbm>>
      %dma_start3A_360 = tpu.memref_squeeze %dma_start3A_359 : memref<1x14336xf32, #tpu.memory_space<hbm>> -> memref<14336xf32, #tpu.memory_space<hbm>>
      %dma_start3A_361 = arith.constant 0 : i32
      %dma_start3A_362 = tpu.memref_slice %arg5[%dma_start3A_354, %dma_start3A_361] : memref<2x14352xf32, #tpu.memory_space<vmem>> -> memref<1x14336xf32, #tpu.memory_space<vmem>>
      %dma_start3A_363 = tpu.memref_squeeze %dma_start3A_362 : memref<1x14336xf32, #tpu.memory_space<vmem>> -> memref<14336xf32, #tpu.memory_space<vmem>>
      %dma_start3A_364 = arith.constant 71680 : i32
      %dma_start3A_365 = tpu.memref_slice %arg2[%add3A_12, %dma_start3A_364] : memref<256x100352xf32, #tpu.memory_space<hbm>> -> memref<1x14336xf32, #tpu.memory_space<hbm>>
      %dma_start3A_366 = tpu.memref_squeeze %dma_start3A_365 : memref<1x14336xf32, #tpu.memory_space<hbm>> -> memref<14336xf32, #tpu.memory_space<hbm>>
      tpu.enqueue_dma source(%dma_start3A_366 : memref<14336xf32, #tpu.memory_space<hbm>>) target(%dma_start3A_363 : memref<14336xf32, #tpu.memory_space<vmem>>) target_semaphore(%arg11 : memref<!tpu.dma_semaphore, #tpu.memory_space<semaphore_mem>>)
      %dma_wait3A_367 = arith.constant 1 : i32
      %dma_wait3A_368 = arith.constant 0 : i32
      %dma_wait3A_369 = tpu.memref_slice %arg5[%dma_wait3A_367, %dma_wait3A_368] : memref<2x14352xf32, #tpu.memory_space<vmem>> -> memref<1x14336xf32, #tpu.memory_space<vmem>>
      %dma_wait3A_370 = tpu.memref_squeeze %dma_wait3A_369 : memref<1x14336xf32, #tpu.memory_space<vmem>> -> memref<14336xf32, #tpu.memory_space<vmem>>
      %dma_wait3A_371 = arith.constant 57344 : i32
      %dma_wait3A_372 = tpu.memref_slice %arg2[%add3A_12, %dma_wait3A_371] : memref<256x100352xf32, #tpu.memory_space<hbm>> -> memref<1x14336xf32, #tpu.memory_space<hbm>>
      %dma_wait3A_373 = tpu.memref_squeeze %dma_wait3A_372 : memref<1x14336xf32, #tpu.memory_space<hbm>> -> memref<14336xf32, #tpu.memory_space<hbm>>
      %dma_wait3A_374 = arith.constant 0 : i32
      %dma_wait3A_375 = tpu.memref_slice %arg5[%dma_wait3A_367, %dma_wait3A_374] : memref<2x14352xf32, #tpu.memory_space<vmem>> -> memref<1x14336xf32, #tpu.memory_space<vmem>>
      %dma_wait3A_376 = tpu.memref_squeeze %dma_wait3A_375 : memref<1x14336xf32, #tpu.memory_space<vmem>> -> memref<14336xf32, #tpu.memory_space<vmem>>
      %dma_wait3A_377 = arith.constant 57344 : i32
      %dma_wait3A_378 = tpu.memref_slice %arg2[%add3A_12, %dma_wait3A_377] : memref<256x100352xf32, #tpu.memory_space<hbm>> -> memref<1x14336xf32, #tpu.memory_space<hbm>>
      %dma_wait3A_379 = tpu.memref_squeeze %dma_wait3A_378 : memref<1x14336xf32, #tpu.memory_space<hbm>> -> memref<14336xf32, #tpu.memory_space<hbm>>
      tpu.wait_dma2 semaphore(%arg12 : memref<!tpu.dma_semaphore, #tpu.memory_space<semaphore_mem>>) src(%dma_wait3A_379 : memref<14336xf32, #tpu.memory_space<hbm>>) dst(%dma_wait3A_376 : memref<14336xf32, #tpu.memory_space<vmem>>)
      %scan3A_380 = arith.constant 1 : i32
      %scan3A_381 = arith.constant 0 : i32
      %scan3A_382 = arith.constant 0 : i32
      %scan3A_383 = arith.constant 112 : i32
      %scan3A_384 = arith.addi %scan3A_382, %scan3A_383 : i32
      %scan3A_385 = arith.constant 1 : i32
      %scan3A_386 = scf.for %scan3A_683 = %scan3A_382 to %scan3A_384 step %scan3A_385 iter_args(%scan3A_684 = %scan3A_381) -> (i32)  : i32 {
        %mul3A_685 = arith.constant 8 : i32
        %mul3A_686 = arith.muli %scan3A_683, %mul3A_685 : i32
        %add3A_687 = arith.constant 0 : i32
        %add3A_688 = arith.addi %mul3A_686, %add3A_687 : i32
        %mul3A_689 = arith.constant 16 : i32
        %mul3A_690 = arith.muli %add3A_688, %mul3A_689 : i32
        %get3A_691 = arith.constant 0 : i32
        %get3A_692 = tpu.memref_slice %arg5[%scan3A_380, %get3A_691] : memref<2x14352xf32, #tpu.memory_space<vmem>> -> memref<1x14352xf32, #tpu.memory_space<vmem>>
        %get3A_693 = tpu.memref_squeeze %get3A_692 : memref<1x14352xf32, #tpu.memory_space<vmem>> -> memref<14352xf32, #tpu.memory_space<vmem>>
        %get3A_694 = arith.index_cast %mul3A_690 : i32 to index
        %get3A_695 = tpu.vector_load %get3A_693[%get3A_694] {strides = array<i32>} : memref<14352xf32, #tpu.memory_space<vmem>>, vector<16xf32>,
        %get3A_696 = vector.shape_cast %get3A_695 : vector<16xf32> to vector<16xf32>
        %mul3A_697 = arith.constant 8 : i32
        %mul3A_698 = arith.muli %scan3A_683, %mul3A_697 : i32
        %add3A_699 = arith.constant 1 : i32
        %add3A_700 = arith.addi %mul3A_698, %add3A_699 : i32
        %mul3A_701 = arith.constant 16 : i32
        %mul3A_702 = arith.muli %add3A_700, %mul3A_701 : i32
        %get3A_703 = arith.constant 0 : i32
        %get3A_704 = tpu.memref_slice %arg5[%scan3A_380, %get3A_703] : memref<2x14352xf32, #tpu.memory_space<vmem>> -> memref<1x14352xf32, #tpu.memory_space<vmem>>
        %get3A_705 = tpu.memref_squeeze %get3A_704 : memref<1x14352xf32, #tpu.memory_space<vmem>> -> memref<14352xf32, #tpu.memory_space<vmem>>
        %get3A_706 = arith.index_cast %mul3A_702 : i32 to index
        %get3A_707 = tpu.vector_load %get3A_705[%get3A_706] {strides = array<i32>} : memref<14352xf32, #tpu.memory_space<vmem>>, vector<16xf32>,
        %get3A_708 = vector.shape_cast %get3A_707 : vector<16xf32> to vector<16xf32>
        %mul3A_709 = arith.constant 8 : i32
        %mul3A_710 = arith.muli %scan3A_683, %mul3A_709 : i32
        %add3A_711 = arith.constant 2 : i32
        %add3A_712 = arith.addi %mul3A_710, %add3A_711 : i32
        %mul3A_713 = arith.constant 16 : i32
        %mul3A_714 = arith.muli %add3A_712, %mul3A_713 : i32
        %get3A_715 = arith.constant 0 : i32
        %get3A_716 = tpu.memref_slice %arg5[%scan3A_380, %get3A_715] : memref<2x14352xf32, #tpu.memory_space<vmem>> -> memref<1x14352xf32, #tpu.memory_space<vmem>>
        %get3A_717 = tpu.memref_squeeze %get3A_716 : memref<1x14352xf32, #tpu.memory_space<vmem>> -> memref<14352xf32, #tpu.memory_space<vmem>>
        %get3A_718 = arith.index_cast %mul3A_714 : i32 to index
        %get3A_719 = tpu.vector_load %get3A_717[%get3A_718] {strides = array<i32>} : memref<14352xf32, #tpu.memory_space<vmem>>, vector<16xf32>,
        %get3A_720 = vector.shape_cast %get3A_719 : vector<16xf32> to vector<16xf32>
        %mul3A_721 = arith.constant 8 : i32
        %mul3A_722 = arith.muli %scan3A_683, %mul3A_721 : i32
        %add3A_723 = arith.constant 3 : i32
        %add3A_724 = arith.addi %mul3A_722, %add3A_723 : i32
        %mul3A_725 = arith.constant 16 : i32
        %mul3A_726 = arith.muli %add3A_724, %mul3A_725 : i32
        %get3A_727 = arith.constant 0 : i32
        %get3A_728 = tpu.memref_slice %arg5[%scan3A_380, %get3A_727] : memref<2x14352xf32, #tpu.memory_space<vmem>> -> memref<1x14352xf32, #tpu.memory_space<vmem>>
        %get3A_729 = tpu.memref_squeeze %get3A_728 : memref<1x14352xf32, #tpu.memory_space<vmem>> -> memref<14352xf32, #tpu.memory_space<vmem>>
        %get3A_730 = arith.index_cast %mul3A_726 : i32 to index
        %get3A_731 = tpu.vector_load %get3A_729[%get3A_730] {strides = array<i32>} : memref<14352xf32, #tpu.memory_space<vmem>>, vector<16xf32>,
        %get3A_732 = vector.shape_cast %get3A_731 : vector<16xf32> to vector<16xf32>
        %mul3A_733 = arith.constant 8 : i32
        %mul3A_734 = arith.muli %scan3A_683, %mul3A_733 : i32
        %add3A_735 = arith.constant 4 : i32
        %add3A_736 = arith.addi %mul3A_734, %add3A_735 : i32
        %mul3A_737 = arith.constant 16 : i32
        %mul3A_738 = arith.muli %add3A_736, %mul3A_737 : i32
        %get3A_739 = arith.constant 0 : i32
        %get3A_740 = tpu.memref_slice %arg5[%scan3A_380, %get3A_739] : memref<2x14352xf32, #tpu.memory_space<vmem>> -> memref<1x14352xf32, #tpu.memory_space<vmem>>
        %get3A_741 = tpu.memref_squeeze %get3A_740 : memref<1x14352xf32, #tpu.memory_space<vmem>> -> memref<14352xf32, #tpu.memory_space<vmem>>
        %get3A_742 = arith.index_cast %mul3A_738 : i32 to index
        %get3A_743 = tpu.vector_load %get3A_741[%get3A_742] {strides = array<i32>} : memref<14352xf32, #tpu.memory_space<vmem>>, vector<16xf32>,
        %get3A_744 = vector.shape_cast %get3A_743 : vector<16xf32> to vector<16xf32>
        %mul3A_745 = arith.constant 8 : i32
        %mul3A_746 = arith.muli %scan3A_683, %mul3A_745 : i32
        %add3A_747 = arith.constant 5 : i32
        %add3A_748 = arith.addi %mul3A_746, %add3A_747 : i32
        %mul3A_749 = arith.constant 16 : i32
        %mul3A_750 = arith.muli %add3A_748, %mul3A_749 : i32
        %get3A_751 = arith.constant 0 : i32
        %get3A_752 = tpu.memref_slice %arg5[%scan3A_380, %get3A_751] : memref<2x14352xf32, #tpu.memory_space<vmem>> -> memref<1x14352xf32, #tpu.memory_space<vmem>>
        %get3A_753 = tpu.memref_squeeze %get3A_752 : memref<1x14352xf32, #tpu.memory_space<vmem>> -> memref<14352xf32, #tpu.memory_space<vmem>>
        %get3A_754 = arith.index_cast %mul3A_750 : i32 to index
        %get3A_755 = tpu.vector_load %get3A_753[%get3A_754] {strides = array<i32>} : memref<14352xf32, #tpu.memory_space<vmem>>, vector<16xf32>,
        %get3A_756 = vector.shape_cast %get3A_755 : vector<16xf32> to vector<16xf32>
        %mul3A_757 = arith.constant 8 : i32
        %mul3A_758 = arith.muli %scan3A_683, %mul3A_757 : i32
        %add3A_759 = arith.constant 6 : i32
        %add3A_760 = arith.addi %mul3A_758, %add3A_759 : i32
        %mul3A_761 = arith.constant 16 : i32
        %mul3A_762 = arith.muli %add3A_760, %mul3A_761 : i32
        %get3A_763 = arith.constant 0 : i32
        %get3A_764 = tpu.memref_slice %arg5[%scan3A_380, %get3A_763] : memref<2x14352xf32, #tpu.memory_space<vmem>> -> memref<1x14352xf32, #tpu.memory_space<vmem>>
        %get3A_765 = tpu.memref_squeeze %get3A_764 : memref<1x14352xf32, #tpu.memory_space<vmem>> -> memref<14352xf32, #tpu.memory_space<vmem>>
        %get3A_766 = arith.index_cast %mul3A_762 : i32 to index
        %get3A_767 = tpu.vector_load %get3A_765[%get3A_766] {strides = array<i32>} : memref<14352xf32, #tpu.memory_space<vmem>>, vector<16xf32>,
        %get3A_768 = vector.shape_cast %get3A_767 : vector<16xf32> to vector<16xf32>
        %mul3A_769 = arith.constant 8 : i32
        %mul3A_770 = arith.muli %scan3A_683, %mul3A_769 : i32
        %add3A_771 = arith.constant 7 : i32
        %add3A_772 = arith.addi %mul3A_770, %add3A_771 : i32
        %mul3A_773 = arith.constant 16 : i32
        %mul3A_774 = arith.muli %add3A_772, %mul3A_773 : i32
        %get3A_775 = arith.constant 0 : i32
        %get3A_776 = tpu.memref_slice %arg5[%scan3A_380, %get3A_775] : memref<2x14352xf32, #tpu.memory_space<vmem>> -> memref<1x14352xf32, #tpu.memory_space<vmem>>
        %get3A_777 = tpu.memref_squeeze %get3A_776 : memref<1x14352xf32, #tpu.memory_space<vmem>> -> memref<14352xf32, #tpu.memory_space<vmem>>
        %get3A_778 = arith.index_cast %mul3A_774 : i32 to index
        %get3A_779 = tpu.vector_load %get3A_777[%get3A_778] {strides = array<i32>} : memref<14352xf32, #tpu.memory_space<vmem>>, vector<16xf32>,
        %get3A_780 = vector.shape_cast %get3A_779 : vector<16xf32> to vector<16xf32>
        %min3A_781 = arith.minimumf %get3A_696, %get3A_708 : vector<16xf32>
        %min3A_782 = arith.minimumf %get3A_720, %get3A_732 : vector<16xf32>
        %min3A_783 = arith.minimumf %min3A_781, %min3A_782 : vector<16xf32>
        %min3A_784 = arith.minimumf %get3A_744, %get3A_756 : vector<16xf32>
        %min3A_785 = arith.minimumf %get3A_768, %get3A_780 : vector<16xf32>
        %min3A_786 = arith.minimumf %min3A_784, %min3A_785 : vector<16xf32>
        %min3A_787 = arith.minimumf %min3A_783, %min3A_786 : vector<16xf32>
        %mul3A_788 = arith.constant 16 : i32
        %mul3A_789 = arith.muli %scan3A_683, %mul3A_788 : i32
        %swap3A_790 = arith.index_cast %mul3A_789 : i32 to index
        %swap3A_791 = tpu.vector_load %arg6[%swap3A_790] {strides = array<i32>} : memref<1808xf32, #tpu.memory_space<vmem>>, vector<16xf32>,
        %swap3A_792 = vector.shape_cast %swap3A_791 : vector<16xf32> to vector<16xf32>
        %swap3A_793 = vector.shape_cast %min3A_787 : vector<16xf32> to vector<16xf32>
        tpu.vector_store %arg6[%swap3A_790], %swap3A_793 {strides = array<i32>} : memref<1808xf32, #tpu.memory_space<vmem>>, vector<16xf32>,
        %scan3A_794 = arith.constant 0 : i32
        scf.yield %scan3A_794 : i32
      }
      %scan3A_387 = arith.constant 112 : i32
      %scan3A_388 = arith.constant 0 : i32
      %scan3A_389 = arith.constant 0 : i32
      %scan3A_390 = arith.constant 14 : i32
      %scan3A_391 = arith.addi %scan3A_389, %scan3A_390 : i32
      %scan3A_392 = arith.constant 1 : i32
      %scan3A_393 = scf.for %scan3A_683 = %scan3A_389 to %scan3A_391 step %scan3A_392 iter_args(%scan3A_684 = %scan3A_388) -> (i32)  : i32 {
        %mul3A_685 = arith.constant 8 : i32
        %mul3A_686 = arith.muli %scan3A_683, %mul3A_685 : i32
        %add3A_687 = arith.constant 0 : i32
        %add3A_688 = arith.addi %mul3A_686, %add3A_687 : i32
        %mul3A_689 = arith.constant 16 : i32
        %mul3A_690 = arith.muli %add3A_688, %mul3A_689 : i32
        %get3A_691 = arith.index_cast %mul3A_690 : i32 to index
        %get3A_692 = tpu.vector_load %arg6[%get3A_691] {strides = array<i32>} : memref<1808xf32, #tpu.memory_space<vmem>>, vector<16xf32>,
        %get3A_693 = vector.shape_cast %get3A_692 : vector<16xf32> to vector<16xf32>
        %mul3A_694 = arith.constant 8 : i32
        %mul3A_695 = arith.muli %scan3A_683, %mul3A_694 : i32
        %add3A_696 = arith.constant 1 : i32
        %add3A_697 = arith.addi %mul3A_695, %add3A_696 : i32
        %mul3A_698 = arith.constant 16 : i32
        %mul3A_699 = arith.muli %add3A_697, %mul3A_698 : i32
        %get3A_700 = arith.index_cast %mul3A_699 : i32 to index
        %get3A_701 = tpu.vector_load %arg6[%get3A_700] {strides = array<i32>} : memref<1808xf32, #tpu.memory_space<vmem>>, vector<16xf32>,
        %get3A_702 = vector.shape_cast %get3A_701 : vector<16xf32> to vector<16xf32>
        %mul3A_703 = arith.constant 8 : i32
        %mul3A_704 = arith.muli %scan3A_683, %mul3A_703 : i32
        %add3A_705 = arith.constant 2 : i32
        %add3A_706 = arith.addi %mul3A_704, %add3A_705 : i32
        %mul3A_707 = arith.constant 16 : i32
        %mul3A_708 = arith.muli %add3A_706, %mul3A_707 : i32
        %get3A_709 = arith.index_cast %mul3A_708 : i32 to index
        %get3A_710 = tpu.vector_load %arg6[%get3A_709] {strides = array<i32>} : memref<1808xf32, #tpu.memory_space<vmem>>, vector<16xf32>,
        %get3A_711 = vector.shape_cast %get3A_710 : vector<16xf32> to vector<16xf32>
        %mul3A_712 = arith.constant 8 : i32
        %mul3A_713 = arith.muli %scan3A_683, %mul3A_712 : i32
        %add3A_714 = arith.constant 3 : i32
        %add3A_715 = arith.addi %mul3A_713, %add3A_714 : i32
        %mul3A_716 = arith.constant 16 : i32
        %mul3A_717 = arith.muli %add3A_715, %mul3A_716 : i32
        %get3A_718 = arith.index_cast %mul3A_717 : i32 to index
        %get3A_719 = tpu.vector_load %arg6[%get3A_718] {strides = array<i32>} : memref<1808xf32, #tpu.memory_space<vmem>>, vector<16xf32>,
        %get3A_720 = vector.shape_cast %get3A_719 : vector<16xf32> to vector<16xf32>
        %mul3A_721 = arith.constant 8 : i32
        %mul3A_722 = arith.muli %scan3A_683, %mul3A_721 : i32
        %add3A_723 = arith.constant 4 : i32
        %add3A_724 = arith.addi %mul3A_722, %add3A_723 : i32
        %mul3A_725 = arith.constant 16 : i32
        %mul3A_726 = arith.muli %add3A_724, %mul3A_725 : i32
        %get3A_727 = arith.index_cast %mul3A_726 : i32 to index
        %get3A_728 = tpu.vector_load %arg6[%get3A_727] {strides = array<i32>} : memref<1808xf32, #tpu.memory_space<vmem>>, vector<16xf32>,
        %get3A_729 = vector.shape_cast %get3A_728 : vector<16xf32> to vector<16xf32>
        %mul3A_730 = arith.constant 8 : i32
        %mul3A_731 = arith.muli %scan3A_683, %mul3A_730 : i32
        %add3A_732 = arith.constant 5 : i32
        %add3A_733 = arith.addi %mul3A_731, %add3A_732 : i32
        %mul3A_734 = arith.constant 16 : i32
        %mul3A_735 = arith.muli %add3A_733, %mul3A_734 : i32
        %get3A_736 = arith.index_cast %mul3A_735 : i32 to index
        %get3A_737 = tpu.vector_load %arg6[%get3A_736] {strides = array<i32>} : memref<1808xf32, #tpu.memory_space<vmem>>, vector<16xf32>,
        %get3A_738 = vector.shape_cast %get3A_737 : vector<16xf32> to vector<16xf32>
        %mul3A_739 = arith.constant 8 : i32
        %mul3A_740 = arith.muli %scan3A_683, %mul3A_739 : i32
        %add3A_741 = arith.constant 6 : i32
        %add3A_742 = arith.addi %mul3A_740, %add3A_741 : i32
        %mul3A_743 = arith.constant 16 : i32
        %mul3A_744 = arith.muli %add3A_742, %mul3A_743 : i32
        %get3A_745 = arith.index_cast %mul3A_744 : i32 to index
        %get3A_746 = tpu.vector_load %arg6[%get3A_745] {strides = array<i32>} : memref<1808xf32, #tpu.memory_space<vmem>>, vector<16xf32>,
        %get3A_747 = vector.shape_cast %get3A_746 : vector<16xf32> to vector<16xf32>
        %mul3A_748 = arith.constant 8 : i32
        %mul3A_749 = arith.muli %scan3A_683, %mul3A_748 : i32
        %add3A_750 = arith.constant 7 : i32
        %add3A_751 = arith.addi %mul3A_749, %add3A_750 : i32
        %mul3A_752 = arith.constant 16 : i32
        %mul3A_753 = arith.muli %add3A_751, %mul3A_752 : i32
        %get3A_754 = arith.index_cast %mul3A_753 : i32 to index
        %get3A_755 = tpu.vector_load %arg6[%get3A_754] {strides = array<i32>} : memref<1808xf32, #tpu.memory_space<vmem>>, vector<16xf32>,
        %get3A_756 = vector.shape_cast %get3A_755 : vector<16xf32> to vector<16xf32>
        %min3A_757 = arith.minimumf %get3A_693, %get3A_702 : vector<16xf32>
        %min3A_758 = arith.minimumf %get3A_711, %get3A_720 : vector<16xf32>
        %min3A_759 = arith.minimumf %min3A_757, %min3A_758 : vector<16xf32>
        %min3A_760 = arith.minimumf %get3A_729, %get3A_738 : vector<16xf32>
        %min3A_761 = arith.minimumf %get3A_747, %get3A_756 : vector<16xf32>
        %min3A_762 = arith.minimumf %min3A_760, %min3A_761 : vector<16xf32>
        %min3A_763 = arith.minimumf %min3A_759, %min3A_762 : vector<16xf32>
        %mul3A_764 = arith.constant 16 : i32
        %mul3A_765 = arith.muli %scan3A_683, %mul3A_764 : i32
        %swap3A_766 = arith.index_cast %mul3A_765 : i32 to index
        %swap3A_767 = tpu.vector_load %arg7[%swap3A_766] {strides = array<i32>} : memref<240xf32, #tpu.memory_space<vmem>>, vector<16xf32>,
        %swap3A_768 = vector.shape_cast %swap3A_767 : vector<16xf32> to vector<16xf32>
        %swap3A_769 = vector.shape_cast %min3A_763 : vector<16xf32> to vector<16xf32>
        tpu.vector_store %arg7[%swap3A_766], %swap3A_769 {strides = array<i32>} : memref<240xf32, #tpu.memory_space<vmem>>, vector<16xf32>,
        %scan3A_770 = arith.constant 0 : i32
        scf.yield %scan3A_770 : i32
      }
      %scan3A_394 = arith.constant 14 : i32
      %get3A_395 = arith.constant 0 : index
      %get3A_396 = tpu.vector_load %arg7[%get3A_395] {strides = array<i32>} : memref<240xf32, #tpu.memory_space<vmem>>, vector<16xf32>,
      %get3A_397 = vector.shape_cast %get3A_396 : vector<16xf32> to vector<16xf32>
      %get3A_398 = arith.constant 16 : index
      %get3A_399 = tpu.vector_load %arg7[%get3A_398] {strides = array<i32>} : memref<240xf32, #tpu.memory_space<vmem>>, vector<16xf32>,
      %get3A_400 = vector.shape_cast %get3A_399 : vector<16xf32> to vector<16xf32>
      %min3A_401 = arith.minimumf %get3A_397, %get3A_400 : vector<16xf32>
      %get3A_402 = arith.constant 32 : index
      %get3A_403 = tpu.vector_load %arg7[%get3A_402] {strides = array<i32>} : memref<240xf32, #tpu.memory_space<vmem>>, vector<16xf32>,
      %get3A_404 = vector.shape_cast %get3A_403 : vector<16xf32> to vector<16xf32>
      %min3A_405 = arith.minimumf %min3A_401, %get3A_404 : vector<16xf32>
      %get3A_406 = arith.constant 48 : index
      %get3A_407 = tpu.vector_load %arg7[%get3A_406] {strides = array<i32>} : memref<240xf32, #tpu.memory_space<vmem>>, vector<16xf32>,
      %get3A_408 = vector.shape_cast %get3A_407 : vector<16xf32> to vector<16xf32>
      %min3A_409 = arith.minimumf %min3A_405, %get3A_408 : vector<16xf32>
      %get3A_410 = arith.constant 64 : index
      %get3A_411 = tpu.vector_load %arg7[%get3A_410] {strides = array<i32>} : memref<240xf32, #tpu.memory_space<vmem>>, vector<16xf32>,
      %get3A_412 = vector.shape_cast %get3A_411 : vector<16xf32> to vector<16xf32>
      %min3A_413 = arith.minimumf %min3A_409, %get3A_412 : vector<16xf32>
      %get3A_414 = arith.constant 80 : index
      %get3A_415 = tpu.vector_load %arg7[%get3A_414] {strides = array<i32>} : memref<240xf32, #tpu.memory_space<vmem>>, vector<16xf32>,
      %get3A_416 = vector.shape_cast %get3A_415 : vector<16xf32> to vector<16xf32>
      %min3A_417 = arith.minimumf %min3A_413, %get3A_416 : vector<16xf32>
      %get3A_418 = arith.constant 96 : index
      %get3A_419 = tpu.vector_load %arg7[%get3A_418] {strides = array<i32>} : memref<240xf32, #tpu.memory_space<vmem>>, vector<16xf32>,
      %get3A_420 = vector.shape_cast %get3A_419 : vector<16xf32> to vector<16xf32>
      %min3A_421 = arith.minimumf %min3A_417, %get3A_420 : vector<16xf32>
      %get3A_422 = arith.constant 112 : index
      %get3A_423 = tpu.vector_load %arg7[%get3A_422] {strides = array<i32>} : memref<240xf32, #tpu.memory_space<vmem>>, vector<16xf32>,
      %get3A_424 = vector.shape_cast %get3A_423 : vector<16xf32> to vector<16xf32>
      %min3A_425 = arith.minimumf %min3A_421, %get3A_424 : vector<16xf32>
      %get3A_426 = arith.constant 128 : index
      %get3A_427 = tpu.vector_load %arg7[%get3A_426] {strides = array<i32>} : memref<240xf32, #tpu.memory_space<vmem>>, vector<16xf32>,
      %get3A_428 = vector.shape_cast %get3A_427 : vector<16xf32> to vector<16xf32>
      %min3A_429 = arith.minimumf %min3A_425, %get3A_428 : vector<16xf32>
      %get3A_430 = arith.constant 144 : index
      %get3A_431 = tpu.vector_load %arg7[%get3A_430] {strides = array<i32>} : memref<240xf32, #tpu.memory_space<vmem>>, vector<16xf32>,
      %get3A_432 = vector.shape_cast %get3A_431 : vector<16xf32> to vector<16xf32>
      %min3A_433 = arith.minimumf %min3A_429, %get3A_432 : vector<16xf32>
      %get3A_434 = arith.constant 160 : index
      %get3A_435 = tpu.vector_load %arg7[%get3A_434] {strides = array<i32>} : memref<240xf32, #tpu.memory_space<vmem>>, vector<16xf32>,
      %get3A_436 = vector.shape_cast %get3A_435 : vector<16xf32> to vector<16xf32>
      %min3A_437 = arith.minimumf %min3A_433, %get3A_436 : vector<16xf32>
      %get3A_438 = arith.constant 176 : index
      %get3A_439 = tpu.vector_load %arg7[%get3A_438] {strides = array<i32>} : memref<240xf32, #tpu.memory_space<vmem>>, vector<16xf32>,
      %get3A_440 = vector.shape_cast %get3A_439 : vector<16xf32> to vector<16xf32>
      %min3A_441 = arith.minimumf %min3A_437, %get3A_440 : vector<16xf32>
      %get3A_442 = arith.constant 192 : index
      %get3A_443 = tpu.vector_load %arg7[%get3A_442] {strides = array<i32>} : memref<240xf32, #tpu.memory_space<vmem>>, vector<16xf32>,
      %get3A_444 = vector.shape_cast %get3A_443 : vector<16xf32> to vector<16xf32>
      %min3A_445 = arith.minimumf %min3A_441, %get3A_444 : vector<16xf32>
      %get3A_446 = arith.constant 208 : index
      %get3A_447 = tpu.vector_load %arg7[%get3A_446] {strides = array<i32>} : memref<240xf32, #tpu.memory_space<vmem>>, vector<16xf32>,
      %get3A_448 = vector.shape_cast %get3A_447 : vector<16xf32> to vector<16xf32>
      %min3A_449 = arith.minimumf %min3A_445, %get3A_448 : vector<16xf32>
      %swap3A_450 = arith.constant 0 : index
      %swap3A_451 = tpu.vector_load %arg8[%swap3A_450] {strides = array<i32>} : memref<32xf32, #tpu.memory_space<vmem>>, vector<16xf32>,
      %swap3A_452 = vector.shape_cast %swap3A_451 : vector<16xf32> to vector<16xf32>
      %swap3A_453 = vector.shape_cast %min3A_449 : vector<16xf32> to vector<16xf32>
      tpu.vector_store %arg8[%swap3A_450], %swap3A_453 {strides = array<i32>} : memref<32xf32, #tpu.memory_space<vmem>>, vector<16xf32>,
      %scan3A_454 = arith.constant 1 : i32
      %scan3A_455 = arith.constant 0 : i32
      %scan3A_456 = arith.constant 16 : i32
      %scan3A_457 = arith.addi %scan3A_455, %scan3A_456 : i32
      %scan3A_458 = arith.constant 1 : i32
      %scan3A_459 = scf.for %scan3A_683 = %scan3A_455 to %scan3A_457 step %scan3A_458 iter_args(%scan3A_684 = %scan3A_352) -> (i32)  : i32 {
        %get3A_685 = arith.constant 0 : index
        %get3A_686 = tpu.vector_load %arg8[%get3A_685] {strides = array<i32>} : memref<32xf32, #tpu.memory_space<vmem>>, vector<16xf32>,
        %get3A_687 = vector.shape_cast %get3A_686 : vector<16xf32> to vector<16xf32>
        %iota3A_688 = tpu.iota {dimensions = array<i32: 0>} : vector<16xi32>
        %add3A_689 = vector.broadcast %scan3A_683 : i32 to vector<16xi32>
        %add3A_690 = arith.addi %iota3A_688, %add3A_689 : vector<16xi32>
        %and3A = arith.constant 15 : i32
        %and3A_691 = vector.broadcast %and3A : i32 to vector<16xi32>
        %and3A_692 = arith.andi %add3A_690, %and3A_691 : vector<16xi32>
        %broadcast_in_dim3A_693 = vector.shape_cast %and3A_692 : vector<16xi32> to vector<16x1xi32>
        %gather3A = vector.shape_cast %broadcast_in_dim3A_693 : vector<16x1xi32> to vector<16xi32>
        %gather3A_694 = tpu.dynamic_gather %get3A_687[%gather3A] in [0] : vector<16xf32>, vector<16xi32> -> vector<16xf32>
        %slice3A_695 = vector.extract_strided_slice %gather3A_694 {offsets = [0], sizes = [1], strides = [1]} : vector<16xf32> to vector<1xf32>
        %squeeze3A_696 = vector.extract %slice3A_695[0] : f32 from vector<1xf32>
        %lt3A = arith.cmpf olt, %squeeze3A_696, %squeeze3A : f32
        %convert_element_type3A = arith.extui %lt3A : i1 to i32
        %cond3A = arith.constant 0 : i32
        %cond3A_697 = arith.cmpi ne, %convert_element_type3A, %cond3A : i32
        %cond3A_698 = scf.if %cond3A_697 -> (i32) {
          %scan3A_699 = arith.constant 0 : i32
          %scan3A_700 = arith.constant 14 : i32
          %scan3A_701 = arith.addi %scan3A_699, %scan3A_700 : i32
          %scan3A_702 = arith.constant 1 : i32
          %scan3A_703 = scf.for %scan3A_705 = %scan3A_699 to %scan3A_701 step %scan3A_702 iter_args(%scan3A_706 = %scan3A_684) -> (i32)  : i32 {
            %mul3A_707 = arith.constant 16 : i32
            %mul3A_708 = arith.muli %scan3A_705, %mul3A_707 : i32
            %get3A_709 = arith.index_cast %mul3A_708 : i32 to index
            %get3A_710 = tpu.vector_load %arg7[%get3A_709] {strides = array<i32>} : memref<240xf32, #tpu.memory_space<vmem>>, vector<16xf32>,
            %get3A_711 = vector.shape_cast %get3A_710 : vector<16xf32> to vector<16xf32>
            %iota3A_712 = tpu.iota {dimensions = array<i32: 0>} : vector<16xi32>
            %add3A_713 = vector.broadcast %scan3A_683 : i32 to vector<16xi32>
            %add3A_714 = arith.addi %iota3A_712, %add3A_713 : vector<16xi32>
            %and3A_715 = arith.constant 15 : i32
            %and3A_716 = vector.broadcast %and3A_715 : i32 to vector<16xi32>
            %and3A_717 = arith.andi %add3A_714, %and3A_716 : vector<16xi32>
            %broadcast_in_dim3A_718 = vector.shape_cast %and3A_717 : vector<16xi32> to vector<16x1xi32>
            %gather3A_719 = vector.shape_cast %broadcast_in_dim3A_718 : vector<16x1xi32> to vector<16xi32>
            %gather3A_720 = tpu.dynamic_gather %get3A_711[%gather3A_719] in [0] : vector<16xf32>, vector<16xi32> -> vector<16xf32>
            %slice3A_721 = vector.extract_strided_slice %gather3A_720 {offsets = [0], sizes = [1], strides = [1]} : vector<16xf32> to vector<1xf32>
            %squeeze3A_722 = vector.extract %slice3A_721[0] : f32 from vector<1xf32>
            %lt3A_723 = arith.cmpf olt, %squeeze3A_722, %squeeze3A : f32
            %convert_element_type3A_724 = arith.extui %lt3A_723 : i1 to i32
            %cond3A_725 = arith.constant 0 : i32
            %cond3A_726 = arith.cmpi ne, %convert_element_type3A_724, %cond3A_725 : i32
            %cond3A_727 = scf.if %cond3A_726 -> (i32) {
              %scan3A_728 = arith.constant 0 : i32
              %scan3A_729 = arith.constant 8 : i32
              %scan3A_730 = arith.addi %scan3A_728, %scan3A_729 : i32
              %scan3A_731 = arith.constant 1 : i32
              %scan3A_732 = scf.for %scan3A_734 = %scan3A_728 to %scan3A_730 step %scan3A_731 iter_args(%scan3A_735 = %scan3A_706) -> (i32)  : i32 {
                %mul3A_736 = arith.constant 8 : i32
                %mul3A_737 = arith.muli %scan3A_705, %mul3A_736 : i32
                %add3A_738 = arith.addi %mul3A_737, %scan3A_734 : i32
                %mul3A_739 = arith.constant 16 : i32
                %mul3A_740 = arith.muli %add3A_738, %mul3A_739 : i32
                %get3A_741 = arith.index_cast %mul3A_740 : i32 to index
                %get3A_742 = tpu.vector_load %arg6[%get3A_741] {strides = array<i32>} : memref<1808xf32, #tpu.memory_space<vmem>>, vector<16xf32>,
                %get3A_743 = vector.shape_cast %get3A_742 : vector<16xf32> to vector<16xf32>
                %iota3A_744 = tpu.iota {dimensions = array<i32: 0>} : vector<16xi32>
                %add3A_745 = vector.broadcast %scan3A_683 : i32 to vector<16xi32>
                %add3A_746 = arith.addi %iota3A_744, %add3A_745 : vector<16xi32>
                %and3A_747 = arith.constant 15 : i32
                %and3A_748 = vector.broadcast %and3A_747 : i32 to vector<16xi32>
                %and3A_749 = arith.andi %add3A_746, %and3A_748 : vector<16xi32>
                %broadcast_in_dim3A_750 = vector.shape_cast %and3A_749 : vector<16xi32> to vector<16x1xi32>
                %gather3A_751 = vector.shape_cast %broadcast_in_dim3A_750 : vector<16x1xi32> to vector<16xi32>
                %gather3A_752 = tpu.dynamic_gather %get3A_743[%gather3A_751] in [0] : vector<16xf32>, vector<16xi32> -> vector<16xf32>
                %slice3A_753 = vector.extract_strided_slice %gather3A_752 {offsets = [0], sizes = [1], strides = [1]} : vector<16xf32> to vector<1xf32>
                %squeeze3A_754 = vector.extract %slice3A_753[0] : f32 from vector<1xf32>
                %lt3A_755 = arith.cmpf olt, %squeeze3A_754, %squeeze3A : f32
                %convert_element_type3A_756 = arith.extui %lt3A_755 : i1 to i32
                %cond3A_757 = arith.constant 0 : i32
                %cond3A_758 = arith.cmpi ne, %convert_element_type3A_756, %cond3A_757 : i32
                %cond3A_759 = scf.if %cond3A_758 -> (i32) {
                  %scan3A_760 = arith.constant 0 : i32
                  %scan3A_761 = arith.constant 8 : i32
                  %scan3A_762 = arith.addi %scan3A_760, %scan3A_761 : i32
                  %scan3A_763 = arith.constant 1 : i32
                  %scan3A_764 = scf.for %scan3A_766 = %scan3A_760 to %scan3A_762 step %scan3A_763 iter_args(%scan3A_767 = %scan3A_735) -> (i32)  : i32 {
                    %mul3A_768 = arith.constant 8 : i32
                    %mul3A_769 = arith.muli %add3A_738, %mul3A_768 : i32
                    %add3A_770 = arith.addi %mul3A_769, %scan3A_766 : i32
                    %mul3A_771 = arith.constant 16 : i32
                    %mul3A_772 = arith.muli %add3A_770, %mul3A_771 : i32
                    %get3A_773 = arith.constant 0 : i32
                    %get3A_774 = tpu.memref_slice %arg5[%scan3A_454, %get3A_773] : memref<2x14352xf32, #tpu.memory_space<vmem>> -> memref<1x14352xf32, #tpu.memory_space<vmem>>
                    %get3A_775 = tpu.memref_squeeze %get3A_774 : memref<1x14352xf32, #tpu.memory_space<vmem>> -> memref<14352xf32, #tpu.memory_space<vmem>>
                    %get3A_776 = arith.index_cast %mul3A_772 : i32 to index
                    %get3A_777 = tpu.vector_load %get3A_775[%get3A_776] {strides = array<i32>} : memref<14352xf32, #tpu.memory_space<vmem>>, vector<16xf32>,
                    %get3A_778 = vector.shape_cast %get3A_777 : vector<16xf32> to vector<16xf32>
                    %iota3A_779 = tpu.iota {dimensions = array<i32: 0>} : vector<16xi32>
                    %add3A_780 = vector.broadcast %scan3A_683 : i32 to vector<16xi32>
                    %add3A_781 = arith.addi %iota3A_779, %add3A_780 : vector<16xi32>
                    %and3A_782 = arith.constant 15 : i32
                    %and3A_783 = vector.broadcast %and3A_782 : i32 to vector<16xi32>
                    %and3A_784 = arith.andi %add3A_781, %and3A_783 : vector<16xi32>
                    %broadcast_in_dim3A_785 = vector.shape_cast %and3A_784 : vector<16xi32> to vector<16x1xi32>
                    %gather3A_786 = vector.shape_cast %broadcast_in_dim3A_785 : vector<16x1xi32> to vector<16xi32>
                    %gather3A_787 = tpu.dynamic_gather %get3A_778[%gather3A_786] in [0] : vector<16xf32>, vector<16xi32> -> vector<16xf32>
                    %slice3A_788 = vector.extract_strided_slice %gather3A_787 {offsets = [0], sizes = [1], strides = [1]} : vector<16xf32> to vector<1xf32>
                    %squeeze3A_789 = vector.extract %slice3A_788[0] : f32 from vector<1xf32>
                    %lt3A_790 = arith.cmpf olt, %squeeze3A_789, %squeeze3A : f32
                    %convert_element_type3A_791 = arith.extui %lt3A_790 : i1 to i32
                    %cond3A_792 = arith.constant 0 : i32
                    %cond3A_793 = arith.cmpi ne, %convert_element_type3A_791, %cond3A_792 : i32
                    %cond3A_794 = scf.if %cond3A_793 -> (i32) {
                      %min3A_795 = arith.constant 127 : i32
                      %min3A_796 = arith.minsi %scan3A_767, %min3A_795 : i32
                      %eq3A = arith.constant 0 : i32
                      %eq3A_797 = vector.broadcast %eq3A : i32 to vector<16xi32>
                      %eq3A_798 = arith.cmpi eq, %iota3A, %eq3A_797 : vector<16xi32>
                      %broadcast_in_dim3A_799 = vector.broadcast %squeeze3A_789 : f32 to vector<16xf32>
                      %select_n3A = arith.select %eq3A_798, %broadcast_in_dim3A_799, %broadcast_in_dim3A_1 : vector<16xi1>, vector<16xf32>
                      %mul3A_800 = arith.constant 16 : i32
                      %mul3A_801 = arith.muli %min3A_796, %mul3A_800 : i32
                      %swap3A_802 = arith.index_cast %mul3A_801 : i32 to index
                      %swap3A_803 = tpu.vector_load %arg10[%swap3A_802] {strides = array<i32>} : memref<2064xf32, #tpu.memory_space<vmem>>, vector<16xf32>,
                      %swap3A_804 = vector.shape_cast %swap3A_803 : vector<16xf32> to vector<16xf32>
                      %swap3A_805 = vector.shape_cast %select_n3A : vector<16xf32> to vector<16xf32>
                      tpu.vector_store %arg10[%swap3A_802], %swap3A_805 {strides = array<i32>} : memref<2064xf32, #tpu.memory_space<vmem>>, vector<16xf32>,
                      %add3A_806 = arith.constant 1 : i32
                      %add3A_807 = arith.addi %scan3A_767, %add3A_806 : i32
                      scf.yield %add3A_807 : i32
                    } else {
                      scf.yield %scan3A_767 : i32
                    }
                    scf.yield %cond3A_794 : i32
                  }
                  %scan3A_765 = arith.constant 8 : i32
                  scf.yield %scan3A_764 : i32
                } else {
                  scf.yield %scan3A_735 : i32
                }
                scf.yield %cond3A_759 : i32
              }
              %scan3A_733 = arith.constant 8 : i32
              scf.yield %scan3A_732 : i32
            } else {
              scf.yield %scan3A_706 : i32
            }
            scf.yield %cond3A_727 : i32
          }
          %scan3A_704 = arith.constant 14 : i32
          scf.yield %scan3A_703 : i32
        } else {
          scf.yield %scan3A_684 : i32
        }
        scf.yield %cond3A_698 : i32
      }
      %scan3A_460 = arith.constant 16 : i32
      %dma_start3A_461 = arith.constant 1 : i32
      %dma_start3A_462 = arith.constant 0 : i32
      %dma_start3A_463 = tpu.memref_slice %arg5[%dma_start3A_461, %dma_start3A_462] : memref<2x14352xf32, #tpu.memory_space<vmem>> -> memref<1x14336xf32, #tpu.memory_space<vmem>>
      %dma_start3A_464 = tpu.memref_squeeze %dma_start3A_463 : memref<1x14336xf32, #tpu.memory_space<vmem>> -> memref<14336xf32, #tpu.memory_space<vmem>>
      %dma_start3A_465 = arith.constant 86016 : i32
      %dma_start3A_466 = tpu.memref_slice %arg2[%add3A_12, %dma_start3A_465] : memref<256x100352xf32, #tpu.memory_space<hbm>> -> memref<1x14336xf32, #tpu.memory_space<hbm>>
      %dma_start3A_467 = tpu.memref_squeeze %dma_start3A_466 : memref<1x14336xf32, #tpu.memory_space<hbm>> -> memref<14336xf32, #tpu.memory_space<hbm>>
      %dma_start3A_468 = arith.constant 0 : i32
      %dma_start3A_469 = tpu.memref_slice %arg5[%dma_start3A_461, %dma_start3A_468] : memref<2x14352xf32, #tpu.memory_space<vmem>> -> memref<1x14336xf32, #tpu.memory_space<vmem>>
      %dma_start3A_470 = tpu.memref_squeeze %dma_start3A_469 : memref<1x14336xf32, #tpu.memory_space<vmem>> -> memref<14336xf32, #tpu.memory_space<vmem>>
      %dma_start3A_471 = arith.constant 86016 : i32
      %dma_start3A_472 = tpu.memref_slice %arg2[%add3A_12, %dma_start3A_471] : memref<256x100352xf32, #tpu.memory_space<hbm>> -> memref<1x14336xf32, #tpu.memory_space<hbm>>
      %dma_start3A_473 = tpu.memref_squeeze %dma_start3A_472 : memref<1x14336xf32, #tpu.memory_space<hbm>> -> memref<14336xf32, #tpu.memory_space<hbm>>
      tpu.enqueue_dma source(%dma_start3A_473 : memref<14336xf32, #tpu.memory_space<hbm>>) target(%dma_start3A_470 : memref<14336xf32, #tpu.memory_space<vmem>>) target_semaphore(%arg12 : memref<!tpu.dma_semaphore, #tpu.memory_space<semaphore_mem>>)
      %dma_wait3A_474 = arith.constant 0 : i32
      %dma_wait3A_475 = arith.constant 0 : i32
      %dma_wait3A_476 = tpu.memref_slice %arg5[%dma_wait3A_474, %dma_wait3A_475] : memref<2x14352xf32, #tpu.memory_space<vmem>> -> memref<1x14336xf32, #tpu.memory_space<vmem>>
      %dma_wait3A_477 = tpu.memref_squeeze %dma_wait3A_476 : memref<1x14336xf32, #tpu.memory_space<vmem>> -> memref<14336xf32, #tpu.memory_space<vmem>>
      %dma_wait3A_478 = arith.constant 71680 : i32
      %dma_wait3A_479 = tpu.memref_slice %arg2[%add3A_12, %dma_wait3A_478] : memref<256x100352xf32, #tpu.memory_space<hbm>> -> memref<1x14336xf32, #tpu.memory_space<hbm>>
      %dma_wait3A_480 = tpu.memref_squeeze %dma_wait3A_479 : memref<1x14336xf32, #tpu.memory_space<hbm>> -> memref<14336xf32, #tpu.memory_space<hbm>>
      %dma_wait3A_481 = arith.constant 0 : i32
      %dma_wait3A_482 = tpu.memref_slice %arg5[%dma_wait3A_474, %dma_wait3A_481] : memref<2x14352xf32, #tpu.memory_space<vmem>> -> memref<1x14336xf32, #tpu.memory_space<vmem>>
      %dma_wait3A_483 = tpu.memref_squeeze %dma_wait3A_482 : memref<1x14336xf32, #tpu.memory_space<vmem>> -> memref<14336xf32, #tpu.memory_space<vmem>>
      %dma_wait3A_484 = arith.constant 71680 : i32
      %dma_wait3A_485 = tpu.memref_slice %arg2[%add3A_12, %dma_wait3A_484] : memref<256x100352xf32, #tpu.memory_space<hbm>> -> memref<1x14336xf32, #tpu.memory_space<hbm>>
      %dma_wait3A_486 = tpu.memref_squeeze %dma_wait3A_485 : memref<1x14336xf32, #tpu.memory_space<hbm>> -> memref<14336xf32, #tpu.memory_space<hbm>>
      tpu.wait_dma2 semaphore(%arg11 : memref<!tpu.dma_semaphore, #tpu.memory_space<semaphore_mem>>) src(%dma_wait3A_486 : memref<14336xf32, #tpu.memory_space<hbm>>) dst(%dma_wait3A_483 : memref<14336xf32, #tpu.memory_space<vmem>>)
      %scan3A_487 = arith.constant 0 : i32
      %scan3A_488 = arith.constant 0 : i32
      %scan3A_489 = arith.constant 0 : i32
      %scan3A_490 = arith.constant 112 : i32
      %scan3A_491 = arith.addi %scan3A_489, %scan3A_490 : i32
      %scan3A_492 = arith.constant 1 : i32
      %scan3A_493 = scf.for %scan3A_683 = %scan3A_489 to %scan3A_491 step %scan3A_492 iter_args(%scan3A_684 = %scan3A_488) -> (i32)  : i32 {
        %mul3A_685 = arith.constant 8 : i32
        %mul3A_686 = arith.muli %scan3A_683, %mul3A_685 : i32
        %add3A_687 = arith.constant 0 : i32
        %add3A_688 = arith.addi %mul3A_686, %add3A_687 : i32
        %mul3A_689 = arith.constant 16 : i32
        %mul3A_690 = arith.muli %add3A_688, %mul3A_689 : i32
        %get3A_691 = arith.constant 0 : i32
        %get3A_692 = tpu.memref_slice %arg5[%scan3A_487, %get3A_691] : memref<2x14352xf32, #tpu.memory_space<vmem>> -> memref<1x14352xf32, #tpu.memory_space<vmem>>
        %get3A_693 = tpu.memref_squeeze %get3A_692 : memref<1x14352xf32, #tpu.memory_space<vmem>> -> memref<14352xf32, #tpu.memory_space<vmem>>
        %get3A_694 = arith.index_cast %mul3A_690 : i32 to index
        %get3A_695 = tpu.vector_load %get3A_693[%get3A_694] {strides = array<i32>} : memref<14352xf32, #tpu.memory_space<vmem>>, vector<16xf32>,
        %get3A_696 = vector.shape_cast %get3A_695 : vector<16xf32> to vector<16xf32>
        %mul3A_697 = arith.constant 8 : i32
        %mul3A_698 = arith.muli %scan3A_683, %mul3A_697 : i32
        %add3A_699 = arith.constant 1 : i32
        %add3A_700 = arith.addi %mul3A_698, %add3A_699 : i32
        %mul3A_701 = arith.constant 16 : i32
        %mul3A_702 = arith.muli %add3A_700, %mul3A_701 : i32
        %get3A_703 = arith.constant 0 : i32
        %get3A_704 = tpu.memref_slice %arg5[%scan3A_487, %get3A_703] : memref<2x14352xf32, #tpu.memory_space<vmem>> -> memref<1x14352xf32, #tpu.memory_space<vmem>>
        %get3A_705 = tpu.memref_squeeze %get3A_704 : memref<1x14352xf32, #tpu.memory_space<vmem>> -> memref<14352xf32, #tpu.memory_space<vmem>>
        %get3A_706 = arith.index_cast %mul3A_702 : i32 to index
        %get3A_707 = tpu.vector_load %get3A_705[%get3A_706] {strides = array<i32>} : memref<14352xf32, #tpu.memory_space<vmem>>, vector<16xf32>,
        %get3A_708 = vector.shape_cast %get3A_707 : vector<16xf32> to vector<16xf32>
        %mul3A_709 = arith.constant 8 : i32
        %mul3A_710 = arith.muli %scan3A_683, %mul3A_709 : i32
        %add3A_711 = arith.constant 2 : i32
        %add3A_712 = arith.addi %mul3A_710, %add3A_711 : i32
        %mul3A_713 = arith.constant 16 : i32
        %mul3A_714 = arith.muli %add3A_712, %mul3A_713 : i32
        %get3A_715 = arith.constant 0 : i32
        %get3A_716 = tpu.memref_slice %arg5[%scan3A_487, %get3A_715] : memref<2x14352xf32, #tpu.memory_space<vmem>> -> memref<1x14352xf32, #tpu.memory_space<vmem>>
        %get3A_717 = tpu.memref_squeeze %get3A_716 : memref<1x14352xf32, #tpu.memory_space<vmem>> -> memref<14352xf32, #tpu.memory_space<vmem>>
        %get3A_718 = arith.index_cast %mul3A_714 : i32 to index
        %get3A_719 = tpu.vector_load %get3A_717[%get3A_718] {strides = array<i32>} : memref<14352xf32, #tpu.memory_space<vmem>>, vector<16xf32>,
        %get3A_720 = vector.shape_cast %get3A_719 : vector<16xf32> to vector<16xf32>
        %mul3A_721 = arith.constant 8 : i32
        %mul3A_722 = arith.muli %scan3A_683, %mul3A_721 : i32
        %add3A_723 = arith.constant 3 : i32
        %add3A_724 = arith.addi %mul3A_722, %add3A_723 : i32
        %mul3A_725 = arith.constant 16 : i32
        %mul3A_726 = arith.muli %add3A_724, %mul3A_725 : i32
        %get3A_727 = arith.constant 0 : i32
        %get3A_728 = tpu.memref_slice %arg5[%scan3A_487, %get3A_727] : memref<2x14352xf32, #tpu.memory_space<vmem>> -> memref<1x14352xf32, #tpu.memory_space<vmem>>
        %get3A_729 = tpu.memref_squeeze %get3A_728 : memref<1x14352xf32, #tpu.memory_space<vmem>> -> memref<14352xf32, #tpu.memory_space<vmem>>
        %get3A_730 = arith.index_cast %mul3A_726 : i32 to index
        %get3A_731 = tpu.vector_load %get3A_729[%get3A_730] {strides = array<i32>} : memref<14352xf32, #tpu.memory_space<vmem>>, vector<16xf32>,
        %get3A_732 = vector.shape_cast %get3A_731 : vector<16xf32> to vector<16xf32>
        %mul3A_733 = arith.constant 8 : i32
        %mul3A_734 = arith.muli %scan3A_683, %mul3A_733 : i32
        %add3A_735 = arith.constant 4 : i32
        %add3A_736 = arith.addi %mul3A_734, %add3A_735 : i32
        %mul3A_737 = arith.constant 16 : i32
        %mul3A_738 = arith.muli %add3A_736, %mul3A_737 : i32
        %get3A_739 = arith.constant 0 : i32
        %get3A_740 = tpu.memref_slice %arg5[%scan3A_487, %get3A_739] : memref<2x14352xf32, #tpu.memory_space<vmem>> -> memref<1x14352xf32, #tpu.memory_space<vmem>>
        %get3A_741 = tpu.memref_squeeze %get3A_740 : memref<1x14352xf32, #tpu.memory_space<vmem>> -> memref<14352xf32, #tpu.memory_space<vmem>>
        %get3A_742 = arith.index_cast %mul3A_738 : i32 to index
        %get3A_743 = tpu.vector_load %get3A_741[%get3A_742] {strides = array<i32>} : memref<14352xf32, #tpu.memory_space<vmem>>, vector<16xf32>,
        %get3A_744 = vector.shape_cast %get3A_743 : vector<16xf32> to vector<16xf32>
        %mul3A_745 = arith.constant 8 : i32
        %mul3A_746 = arith.muli %scan3A_683, %mul3A_745 : i32
        %add3A_747 = arith.constant 5 : i32
        %add3A_748 = arith.addi %mul3A_746, %add3A_747 : i32
        %mul3A_749 = arith.constant 16 : i32
        %mul3A_750 = arith.muli %add3A_748, %mul3A_749 : i32
        %get3A_751 = arith.constant 0 : i32
        %get3A_752 = tpu.memref_slice %arg5[%scan3A_487, %get3A_751] : memref<2x14352xf32, #tpu.memory_space<vmem>> -> memref<1x14352xf32, #tpu.memory_space<vmem>>
        %get3A_753 = tpu.memref_squeeze %get3A_752 : memref<1x14352xf32, #tpu.memory_space<vmem>> -> memref<14352xf32, #tpu.memory_space<vmem>>
        %get3A_754 = arith.index_cast %mul3A_750 : i32 to index
        %get3A_755 = tpu.vector_load %get3A_753[%get3A_754] {strides = array<i32>} : memref<14352xf32, #tpu.memory_space<vmem>>, vector<16xf32>,
        %get3A_756 = vector.shape_cast %get3A_755 : vector<16xf32> to vector<16xf32>
        %mul3A_757 = arith.constant 8 : i32
        %mul3A_758 = arith.muli %scan3A_683, %mul3A_757 : i32
        %add3A_759 = arith.constant 6 : i32
        %add3A_760 = arith.addi %mul3A_758, %add3A_759 : i32
        %mul3A_761 = arith.constant 16 : i32
        %mul3A_762 = arith.muli %add3A_760, %mul3A_761 : i32
        %get3A_763 = arith.constant 0 : i32
        %get3A_764 = tpu.memref_slice %arg5[%scan3A_487, %get3A_763] : memref<2x14352xf32, #tpu.memory_space<vmem>> -> memref<1x14352xf32, #tpu.memory_space<vmem>>
        %get3A_765 = tpu.memref_squeeze %get3A_764 : memref<1x14352xf32, #tpu.memory_space<vmem>> -> memref<14352xf32, #tpu.memory_space<vmem>>
        %get3A_766 = arith.index_cast %mul3A_762 : i32 to index
        %get3A_767 = tpu.vector_load %get3A_765[%get3A_766] {strides = array<i32>} : memref<14352xf32, #tpu.memory_space<vmem>>, vector<16xf32>,
        %get3A_768 = vector.shape_cast %get3A_767 : vector<16xf32> to vector<16xf32>
        %mul3A_769 = arith.constant 8 : i32
        %mul3A_770 = arith.muli %scan3A_683, %mul3A_769 : i32
        %add3A_771 = arith.constant 7 : i32
        %add3A_772 = arith.addi %mul3A_770, %add3A_771 : i32
        %mul3A_773 = arith.constant 16 : i32
        %mul3A_774 = arith.muli %add3A_772, %mul3A_773 : i32
        %get3A_775 = arith.constant 0 : i32
        %get3A_776 = tpu.memref_slice %arg5[%scan3A_487, %get3A_775] : memref<2x14352xf32, #tpu.memory_space<vmem>> -> memref<1x14352xf32, #tpu.memory_space<vmem>>
        %get3A_777 = tpu.memref_squeeze %get3A_776 : memref<1x14352xf32, #tpu.memory_space<vmem>> -> memref<14352xf32, #tpu.memory_space<vmem>>
        %get3A_778 = arith.index_cast %mul3A_774 : i32 to index
        %get3A_779 = tpu.vector_load %get3A_777[%get3A_778] {strides = array<i32>} : memref<14352xf32, #tpu.memory_space<vmem>>, vector<16xf32>,
        %get3A_780 = vector.shape_cast %get3A_779 : vector<16xf32> to vector<16xf32>
        %min3A_781 = arith.minimumf %get3A_696, %get3A_708 : vector<16xf32>
        %min3A_782 = arith.minimumf %get3A_720, %get3A_732 : vector<16xf32>
        %min3A_783 = arith.minimumf %min3A_781, %min3A_782 : vector<16xf32>
        %min3A_784 = arith.minimumf %get3A_744, %get3A_756 : vector<16xf32>
        %min3A_785 = arith.minimumf %get3A_768, %get3A_780 : vector<16xf32>
        %min3A_786 = arith.minimumf %min3A_784, %min3A_785 : vector<16xf32>
        %min3A_787 = arith.minimumf %min3A_783, %min3A_786 : vector<16xf32>
        %mul3A_788 = arith.constant 16 : i32
        %mul3A_789 = arith.muli %scan3A_683, %mul3A_788 : i32
        %swap3A_790 = arith.index_cast %mul3A_789 : i32 to index
        %swap3A_791 = tpu.vector_load %arg6[%swap3A_790] {strides = array<i32>} : memref<1808xf32, #tpu.memory_space<vmem>>, vector<16xf32>,
        %swap3A_792 = vector.shape_cast %swap3A_791 : vector<16xf32> to vector<16xf32>
        %swap3A_793 = vector.shape_cast %min3A_787 : vector<16xf32> to vector<16xf32>
        tpu.vector_store %arg6[%swap3A_790], %swap3A_793 {strides = array<i32>} : memref<1808xf32, #tpu.memory_space<vmem>>, vector<16xf32>,
        %scan3A_794 = arith.constant 0 : i32
        scf.yield %scan3A_794 : i32
      }
      %scan3A_494 = arith.constant 112 : i32
      %scan3A_495 = arith.constant 0 : i32
      %scan3A_496 = arith.constant 0 : i32
      %scan3A_497 = arith.constant 14 : i32
      %scan3A_498 = arith.addi %scan3A_496, %scan3A_497 : i32
      %scan3A_499 = arith.constant 1 : i32
      %scan3A_500 = scf.for %scan3A_683 = %scan3A_496 to %scan3A_498 step %scan3A_499 iter_args(%scan3A_684 = %scan3A_495) -> (i32)  : i32 {
        %mul3A_685 = arith.constant 8 : i32
        %mul3A_686 = arith.muli %scan3A_683, %mul3A_685 : i32
        %add3A_687 = arith.constant 0 : i32
        %add3A_688 = arith.addi %mul3A_686, %add3A_687 : i32
        %mul3A_689 = arith.constant 16 : i32
        %mul3A_690 = arith.muli %add3A_688, %mul3A_689 : i32
        %get3A_691 = arith.index_cast %mul3A_690 : i32 to index
        %get3A_692 = tpu.vector_load %arg6[%get3A_691] {strides = array<i32>} : memref<1808xf32, #tpu.memory_space<vmem>>, vector<16xf32>,
        %get3A_693 = vector.shape_cast %get3A_692 : vector<16xf32> to vector<16xf32>
        %mul3A_694 = arith.constant 8 : i32
        %mul3A_695 = arith.muli %scan3A_683, %mul3A_694 : i32
        %add3A_696 = arith.constant 1 : i32
        %add3A_697 = arith.addi %mul3A_695, %add3A_696 : i32
        %mul3A_698 = arith.constant 16 : i32
        %mul3A_699 = arith.muli %add3A_697, %mul3A_698 : i32
        %get3A_700 = arith.index_cast %mul3A_699 : i32 to index
        %get3A_701 = tpu.vector_load %arg6[%get3A_700] {strides = array<i32>} : memref<1808xf32, #tpu.memory_space<vmem>>, vector<16xf32>,
        %get3A_702 = vector.shape_cast %get3A_701 : vector<16xf32> to vector<16xf32>
        %mul3A_703 = arith.constant 8 : i32
        %mul3A_704 = arith.muli %scan3A_683, %mul3A_703 : i32
        %add3A_705 = arith.constant 2 : i32
        %add3A_706 = arith.addi %mul3A_704, %add3A_705 : i32
        %mul3A_707 = arith.constant 16 : i32
        %mul3A_708 = arith.muli %add3A_706, %mul3A_707 : i32
        %get3A_709 = arith.index_cast %mul3A_708 : i32 to index
        %get3A_710 = tpu.vector_load %arg6[%get3A_709] {strides = array<i32>} : memref<1808xf32, #tpu.memory_space<vmem>>, vector<16xf32>,
        %get3A_711 = vector.shape_cast %get3A_710 : vector<16xf32> to vector<16xf32>
        %mul3A_712 = arith.constant 8 : i32
        %mul3A_713 = arith.muli %scan3A_683, %mul3A_712 : i32
        %add3A_714 = arith.constant 3 : i32
        %add3A_715 = arith.addi %mul3A_713, %add3A_714 : i32
        %mul3A_716 = arith.constant 16 : i32
        %mul3A_717 = arith.muli %add3A_715, %mul3A_716 : i32
        %get3A_718 = arith.index_cast %mul3A_717 : i32 to index
        %get3A_719 = tpu.vector_load %arg6[%get3A_718] {strides = array<i32>} : memref<1808xf32, #tpu.memory_space<vmem>>, vector<16xf32>,
        %get3A_720 = vector.shape_cast %get3A_719 : vector<16xf32> to vector<16xf32>
        %mul3A_721 = arith.constant 8 : i32
        %mul3A_722 = arith.muli %scan3A_683, %mul3A_721 : i32
        %add3A_723 = arith.constant 4 : i32
        %add3A_724 = arith.addi %mul3A_722, %add3A_723 : i32
        %mul3A_725 = arith.constant 16 : i32
        %mul3A_726 = arith.muli %add3A_724, %mul3A_725 : i32
        %get3A_727 = arith.index_cast %mul3A_726 : i32 to index
        %get3A_728 = tpu.vector_load %arg6[%get3A_727] {strides = array<i32>} : memref<1808xf32, #tpu.memory_space<vmem>>, vector<16xf32>,
        %get3A_729 = vector.shape_cast %get3A_728 : vector<16xf32> to vector<16xf32>
        %mul3A_730 = arith.constant 8 : i32
        %mul3A_731 = arith.muli %scan3A_683, %mul3A_730 : i32
        %add3A_732 = arith.constant 5 : i32
        %add3A_733 = arith.addi %mul3A_731, %add3A_732 : i32
        %mul3A_734 = arith.constant 16 : i32
        %mul3A_735 = arith.muli %add3A_733, %mul3A_734 : i32
        %get3A_736 = arith.index_cast %mul3A_735 : i32 to index
        %get3A_737 = tpu.vector_load %arg6[%get3A_736] {strides = array<i32>} : memref<1808xf32, #tpu.memory_space<vmem>>, vector<16xf32>,
        %get3A_738 = vector.shape_cast %get3A_737 : vector<16xf32> to vector<16xf32>
        %mul3A_739 = arith.constant 8 : i32
        %mul3A_740 = arith.muli %scan3A_683, %mul3A_739 : i32
        %add3A_741 = arith.constant 6 : i32
        %add3A_742 = arith.addi %mul3A_740, %add3A_741 : i32
        %mul3A_743 = arith.constant 16 : i32
        %mul3A_744 = arith.muli %add3A_742, %mul3A_743 : i32
        %get3A_745 = arith.index_cast %mul3A_744 : i32 to index
        %get3A_746 = tpu.vector_load %arg6[%get3A_745] {strides = array<i32>} : memref<1808xf32, #tpu.memory_space<vmem>>, vector<16xf32>,
        %get3A_747 = vector.shape_cast %get3A_746 : vector<16xf32> to vector<16xf32>
        %mul3A_748 = arith.constant 8 : i32
        %mul3A_749 = arith.muli %scan3A_683, %mul3A_748 : i32
        %add3A_750 = arith.constant 7 : i32
        %add3A_751 = arith.addi %mul3A_749, %add3A_750 : i32
        %mul3A_752 = arith.constant 16 : i32
        %mul3A_753 = arith.muli %add3A_751, %mul3A_752 : i32
        %get3A_754 = arith.index_cast %mul3A_753 : i32 to index
        %get3A_755 = tpu.vector_load %arg6[%get3A_754] {strides = array<i32>} : memref<1808xf32, #tpu.memory_space<vmem>>, vector<16xf32>,
        %get3A_756 = vector.shape_cast %get3A_755 : vector<16xf32> to vector<16xf32>
        %min3A_757 = arith.minimumf %get3A_693, %get3A_702 : vector<16xf32>
        %min3A_758 = arith.minimumf %get3A_711, %get3A_720 : vector<16xf32>
        %min3A_759 = arith.minimumf %min3A_757, %min3A_758 : vector<16xf32>
        %min3A_760 = arith.minimumf %get3A_729, %get3A_738 : vector<16xf32>
        %min3A_761 = arith.minimumf %get3A_747, %get3A_756 : vector<16xf32>
        %min3A_762 = arith.minimumf %min3A_760, %min3A_761 : vector<16xf32>
        %min3A_763 = arith.minimumf %min3A_759, %min3A_762 : vector<16xf32>
        %mul3A_764 = arith.constant 16 : i32
        %mul3A_765 = arith.muli %scan3A_683, %mul3A_764 : i32
        %swap3A_766 = arith.index_cast %mul3A_765 : i32 to index
        %swap3A_767 = tpu.vector_load %arg7[%swap3A_766] {strides = array<i32>} : memref<240xf32, #tpu.memory_space<vmem>>, vector<16xf32>,
        %swap3A_768 = vector.shape_cast %swap3A_767 : vector<16xf32> to vector<16xf32>
        %swap3A_769 = vector.shape_cast %min3A_763 : vector<16xf32> to vector<16xf32>
        tpu.vector_store %arg7[%swap3A_766], %swap3A_769 {strides = array<i32>} : memref<240xf32, #tpu.memory_space<vmem>>, vector<16xf32>,
        %scan3A_770 = arith.constant 0 : i32
        scf.yield %scan3A_770 : i32
      }
      %scan3A_501 = arith.constant 14 : i32
      %get3A_502 = arith.constant 0 : index
      %get3A_503 = tpu.vector_load %arg7[%get3A_502] {strides = array<i32>} : memref<240xf32, #tpu.memory_space<vmem>>, vector<16xf32>,
      %get3A_504 = vector.shape_cast %get3A_503 : vector<16xf32> to vector<16xf32>
      %get3A_505 = arith.constant 16 : index
      %get3A_506 = tpu.vector_load %arg7[%get3A_505] {strides = array<i32>} : memref<240xf32, #tpu.memory_space<vmem>>, vector<16xf32>,
      %get3A_507 = vector.shape_cast %get3A_506 : vector<16xf32> to vector<16xf32>
      %min3A_508 = arith.minimumf %get3A_504, %get3A_507 : vector<16xf32>
      %get3A_509 = arith.constant 32 : index
      %get3A_510 = tpu.vector_load %arg7[%get3A_509] {strides = array<i32>} : memref<240xf32, #tpu.memory_space<vmem>>, vector<16xf32>,
      %get3A_511 = vector.shape_cast %get3A_510 : vector<16xf32> to vector<16xf32>
      %min3A_512 = arith.minimumf %min3A_508, %get3A_511 : vector<16xf32>
      %get3A_513 = arith.constant 48 : index
      %get3A_514 = tpu.vector_load %arg7[%get3A_513] {strides = array<i32>} : memref<240xf32, #tpu.memory_space<vmem>>, vector<16xf32>,
      %get3A_515 = vector.shape_cast %get3A_514 : vector<16xf32> to vector<16xf32>
      %min3A_516 = arith.minimumf %min3A_512, %get3A_515 : vector<16xf32>
      %get3A_517 = arith.constant 64 : index
      %get3A_518 = tpu.vector_load %arg7[%get3A_517] {strides = array<i32>} : memref<240xf32, #tpu.memory_space<vmem>>, vector<16xf32>,
      %get3A_519 = vector.shape_cast %get3A_518 : vector<16xf32> to vector<16xf32>
      %min3A_520 = arith.minimumf %min3A_516, %get3A_519 : vector<16xf32>
      %get3A_521 = arith.constant 80 : index
      %get3A_522 = tpu.vector_load %arg7[%get3A_521] {strides = array<i32>} : memref<240xf32, #tpu.memory_space<vmem>>, vector<16xf32>,
      %get3A_523 = vector.shape_cast %get3A_522 : vector<16xf32> to vector<16xf32>
      %min3A_524 = arith.minimumf %min3A_520, %get3A_523 : vector<16xf32>
      %get3A_525 = arith.constant 96 : index
      %get3A_526 = tpu.vector_load %arg7[%get3A_525] {strides = array<i32>} : memref<240xf32, #tpu.memory_space<vmem>>, vector<16xf32>,
      %get3A_527 = vector.shape_cast %get3A_526 : vector<16xf32> to vector<16xf32>
      %min3A_528 = arith.minimumf %min3A_524, %get3A_527 : vector<16xf32>
      %get3A_529 = arith.constant 112 : index
      %get3A_530 = tpu.vector_load %arg7[%get3A_529] {strides = array<i32>} : memref<240xf32, #tpu.memory_space<vmem>>, vector<16xf32>,
      %get3A_531 = vector.shape_cast %get3A_530 : vector<16xf32> to vector<16xf32>
      %min3A_532 = arith.minimumf %min3A_528, %get3A_531 : vector<16xf32>
      %get3A_533 = arith.constant 128 : index
      %get3A_534 = tpu.vector_load %arg7[%get3A_533] {strides = array<i32>} : memref<240xf32, #tpu.memory_space<vmem>>, vector<16xf32>,
      %get3A_535 = vector.shape_cast %get3A_534 : vector<16xf32> to vector<16xf32>
      %min3A_536 = arith.minimumf %min3A_532, %get3A_535 : vector<16xf32>
      %get3A_537 = arith.constant 144 : index
      %get3A_538 = tpu.vector_load %arg7[%get3A_537] {strides = array<i32>} : memref<240xf32, #tpu.memory_space<vmem>>, vector<16xf32>,
      %get3A_539 = vector.shape_cast %get3A_538 : vector<16xf32> to vector<16xf32>
      %min3A_540 = arith.minimumf %min3A_536, %get3A_539 : vector<16xf32>
      %get3A_541 = arith.constant 160 : index
      %get3A_542 = tpu.vector_load %arg7[%get3A_541] {strides = array<i32>} : memref<240xf32, #tpu.memory_space<vmem>>, vector<16xf32>,
      %get3A_543 = vector.shape_cast %get3A_542 : vector<16xf32> to vector<16xf32>
      %min3A_544 = arith.minimumf %min3A_540, %get3A_543 : vector<16xf32>
      %get3A_545 = arith.constant 176 : index
      %get3A_546 = tpu.vector_load %arg7[%get3A_545] {strides = array<i32>} : memref<240xf32, #tpu.memory_space<vmem>>, vector<16xf32>,
      %get3A_547 = vector.shape_cast %get3A_546 : vector<16xf32> to vector<16xf32>
      %min3A_548 = arith.minimumf %min3A_544, %get3A_547 : vector<16xf32>
      %get3A_549 = arith.constant 192 : index
      %get3A_550 = tpu.vector_load %arg7[%get3A_549] {strides = array<i32>} : memref<240xf32, #tpu.memory_space<vmem>>, vector<16xf32>,
      %get3A_551 = vector.shape_cast %get3A_550 : vector<16xf32> to vector<16xf32>
      %min3A_552 = arith.minimumf %min3A_548, %get3A_551 : vector<16xf32>
      %get3A_553 = arith.constant 208 : index
      %get3A_554 = tpu.vector_load %arg7[%get3A_553] {strides = array<i32>} : memref<240xf32, #tpu.memory_space<vmem>>, vector<16xf32>,
      %get3A_555 = vector.shape_cast %get3A_554 : vector<16xf32> to vector<16xf32>
      %min3A_556 = arith.minimumf %min3A_552, %get3A_555 : vector<16xf32>
      %swap3A_557 = arith.constant 0 : index
      %swap3A_558 = tpu.vector_load %arg8[%swap3A_557] {strides = array<i32>} : memref<32xf32, #tpu.memory_space<vmem>>, vector<16xf32>,
      %swap3A_559 = vector.shape_cast %swap3A_558 : vector<16xf32> to vector<16xf32>
      %swap3A_560 = vector.shape_cast %min3A_556 : vector<16xf32> to vector<16xf32>
      tpu.vector_store %arg8[%swap3A_557], %swap3A_560 {strides = array<i32>} : memref<32xf32, #tpu.memory_space<vmem>>, vector<16xf32>,
      %scan3A_561 = arith.constant 0 : i32
      %scan3A_562 = arith.constant 0 : i32
      %scan3A_563 = arith.constant 16 : i32
      %scan3A_564 = arith.addi %scan3A_562, %scan3A_563 : i32
      %scan3A_565 = arith.constant 1 : i32
      %scan3A_566 = scf.for %scan3A_683 = %scan3A_562 to %scan3A_564 step %scan3A_565 iter_args(%scan3A_684 = %scan3A_459) -> (i32)  : i32 {
        %get3A_685 = arith.constant 0 : index
        %get3A_686 = tpu.vector_load %arg8[%get3A_685] {strides = array<i32>} : memref<32xf32, #tpu.memory_space<vmem>>, vector<16xf32>,
        %get3A_687 = vector.shape_cast %get3A_686 : vector<16xf32> to vector<16xf32>
        %iota3A_688 = tpu.iota {dimensions = array<i32: 0>} : vector<16xi32>
        %add3A_689 = vector.broadcast %scan3A_683 : i32 to vector<16xi32>
        %add3A_690 = arith.addi %iota3A_688, %add3A_689 : vector<16xi32>
        %and3A = arith.constant 15 : i32
        %and3A_691 = vector.broadcast %and3A : i32 to vector<16xi32>
        %and3A_692 = arith.andi %add3A_690, %and3A_691 : vector<16xi32>
        %broadcast_in_dim3A_693 = vector.shape_cast %and3A_692 : vector<16xi32> to vector<16x1xi32>
        %gather3A = vector.shape_cast %broadcast_in_dim3A_693 : vector<16x1xi32> to vector<16xi32>
        %gather3A_694 = tpu.dynamic_gather %get3A_687[%gather3A] in [0] : vector<16xf32>, vector<16xi32> -> vector<16xf32>
        %slice3A_695 = vector.extract_strided_slice %gather3A_694 {offsets = [0], sizes = [1], strides = [1]} : vector<16xf32> to vector<1xf32>
        %squeeze3A_696 = vector.extract %slice3A_695[0] : f32 from vector<1xf32>
        %lt3A = arith.cmpf olt, %squeeze3A_696, %squeeze3A : f32
        %convert_element_type3A = arith.extui %lt3A : i1 to i32
        %cond3A = arith.constant 0 : i32
        %cond3A_697 = arith.cmpi ne, %convert_element_type3A, %cond3A : i32
        %cond3A_698 = scf.if %cond3A_697 -> (i32) {
          %scan3A_699 = arith.constant 0 : i32
          %scan3A_700 = arith.constant 14 : i32
          %scan3A_701 = arith.addi %scan3A_699, %scan3A_700 : i32
          %scan3A_702 = arith.constant 1 : i32
          %scan3A_703 = scf.for %scan3A_705 = %scan3A_699 to %scan3A_701 step %scan3A_702 iter_args(%scan3A_706 = %scan3A_684) -> (i32)  : i32 {
            %mul3A_707 = arith.constant 16 : i32
            %mul3A_708 = arith.muli %scan3A_705, %mul3A_707 : i32
            %get3A_709 = arith.index_cast %mul3A_708 : i32 to index
            %get3A_710 = tpu.vector_load %arg7[%get3A_709] {strides = array<i32>} : memref<240xf32, #tpu.memory_space<vmem>>, vector<16xf32>,
            %get3A_711 = vector.shape_cast %get3A_710 : vector<16xf32> to vector<16xf32>
            %iota3A_712 = tpu.iota {dimensions = array<i32: 0>} : vector<16xi32>
            %add3A_713 = vector.broadcast %scan3A_683 : i32 to vector<16xi32>
            %add3A_714 = arith.addi %iota3A_712, %add3A_713 : vector<16xi32>
            %and3A_715 = arith.constant 15 : i32
            %and3A_716 = vector.broadcast %and3A_715 : i32 to vector<16xi32>
            %and3A_717 = arith.andi %add3A_714, %and3A_716 : vector<16xi32>
            %broadcast_in_dim3A_718 = vector.shape_cast %and3A_717 : vector<16xi32> to vector<16x1xi32>
            %gather3A_719 = vector.shape_cast %broadcast_in_dim3A_718 : vector<16x1xi32> to vector<16xi32>
            %gather3A_720 = tpu.dynamic_gather %get3A_711[%gather3A_719] in [0] : vector<16xf32>, vector<16xi32> -> vector<16xf32>
            %slice3A_721 = vector.extract_strided_slice %gather3A_720 {offsets = [0], sizes = [1], strides = [1]} : vector<16xf32> to vector<1xf32>
            %squeeze3A_722 = vector.extract %slice3A_721[0] : f32 from vector<1xf32>
            %lt3A_723 = arith.cmpf olt, %squeeze3A_722, %squeeze3A : f32
            %convert_element_type3A_724 = arith.extui %lt3A_723 : i1 to i32
            %cond3A_725 = arith.constant 0 : i32
            %cond3A_726 = arith.cmpi ne, %convert_element_type3A_724, %cond3A_725 : i32
            %cond3A_727 = scf.if %cond3A_726 -> (i32) {
              %scan3A_728 = arith.constant 0 : i32
              %scan3A_729 = arith.constant 8 : i32
              %scan3A_730 = arith.addi %scan3A_728, %scan3A_729 : i32
              %scan3A_731 = arith.constant 1 : i32
              %scan3A_732 = scf.for %scan3A_734 = %scan3A_728 to %scan3A_730 step %scan3A_731 iter_args(%scan3A_735 = %scan3A_706) -> (i32)  : i32 {
                %mul3A_736 = arith.constant 8 : i32
                %mul3A_737 = arith.muli %scan3A_705, %mul3A_736 : i32
                %add3A_738 = arith.addi %mul3A_737, %scan3A_734 : i32
                %mul3A_739 = arith.constant 16 : i32
                %mul3A_740 = arith.muli %add3A_738, %mul3A_739 : i32
                %get3A_741 = arith.index_cast %mul3A_740 : i32 to index
                %get3A_742 = tpu.vector_load %arg6[%get3A_741] {strides = array<i32>} : memref<1808xf32, #tpu.memory_space<vmem>>, vector<16xf32>,
                %get3A_743 = vector.shape_cast %get3A_742 : vector<16xf32> to vector<16xf32>
                %iota3A_744 = tpu.iota {dimensions = array<i32: 0>} : vector<16xi32>
                %add3A_745 = vector.broadcast %scan3A_683 : i32 to vector<16xi32>
                %add3A_746 = arith.addi %iota3A_744, %add3A_745 : vector<16xi32>
                %and3A_747 = arith.constant 15 : i32
                %and3A_748 = vector.broadcast %and3A_747 : i32 to vector<16xi32>
                %and3A_749 = arith.andi %add3A_746, %and3A_748 : vector<16xi32>
                %broadcast_in_dim3A_750 = vector.shape_cast %and3A_749 : vector<16xi32> to vector<16x1xi32>
                %gather3A_751 = vector.shape_cast %broadcast_in_dim3A_750 : vector<16x1xi32> to vector<16xi32>
                %gather3A_752 = tpu.dynamic_gather %get3A_743[%gather3A_751] in [0] : vector<16xf32>, vector<16xi32> -> vector<16xf32>
                %slice3A_753 = vector.extract_strided_slice %gather3A_752 {offsets = [0], sizes = [1], strides = [1]} : vector<16xf32> to vector<1xf32>
                %squeeze3A_754 = vector.extract %slice3A_753[0] : f32 from vector<1xf32>
                %lt3A_755 = arith.cmpf olt, %squeeze3A_754, %squeeze3A : f32
                %convert_element_type3A_756 = arith.extui %lt3A_755 : i1 to i32
                %cond3A_757 = arith.constant 0 : i32
                %cond3A_758 = arith.cmpi ne, %convert_element_type3A_756, %cond3A_757 : i32
                %cond3A_759 = scf.if %cond3A_758 -> (i32) {
                  %scan3A_760 = arith.constant 0 : i32
                  %scan3A_761 = arith.constant 8 : i32
                  %scan3A_762 = arith.addi %scan3A_760, %scan3A_761 : i32
                  %scan3A_763 = arith.constant 1 : i32
                  %scan3A_764 = scf.for %scan3A_766 = %scan3A_760 to %scan3A_762 step %scan3A_763 iter_args(%scan3A_767 = %scan3A_735) -> (i32)  : i32 {
                    %mul3A_768 = arith.constant 8 : i32
                    %mul3A_769 = arith.muli %add3A_738, %mul3A_768 : i32
                    %add3A_770 = arith.addi %mul3A_769, %scan3A_766 : i32
                    %mul3A_771 = arith.constant 16 : i32
                    %mul3A_772 = arith.muli %add3A_770, %mul3A_771 : i32
                    %get3A_773 = arith.constant 0 : i32
                    %get3A_774 = tpu.memref_slice %arg5[%scan3A_561, %get3A_773] : memref<2x14352xf32, #tpu.memory_space<vmem>> -> memref<1x14352xf32, #tpu.memory_space<vmem>>
                    %get3A_775 = tpu.memref_squeeze %get3A_774 : memref<1x14352xf32, #tpu.memory_space<vmem>> -> memref<14352xf32, #tpu.memory_space<vmem>>
                    %get3A_776 = arith.index_cast %mul3A_772 : i32 to index
                    %get3A_777 = tpu.vector_load %get3A_775[%get3A_776] {strides = array<i32>} : memref<14352xf32, #tpu.memory_space<vmem>>, vector<16xf32>,
                    %get3A_778 = vector.shape_cast %get3A_777 : vector<16xf32> to vector<16xf32>
                    %iota3A_779 = tpu.iota {dimensions = array<i32: 0>} : vector<16xi32>
                    %add3A_780 = vector.broadcast %scan3A_683 : i32 to vector<16xi32>
                    %add3A_781 = arith.addi %iota3A_779, %add3A_780 : vector<16xi32>
                    %and3A_782 = arith.constant 15 : i32
                    %and3A_783 = vector.broadcast %and3A_782 : i32 to vector<16xi32>
                    %and3A_784 = arith.andi %add3A_781, %and3A_783 : vector<16xi32>
                    %broadcast_in_dim3A_785 = vector.shape_cast %and3A_784 : vector<16xi32> to vector<16x1xi32>
                    %gather3A_786 = vector.shape_cast %broadcast_in_dim3A_785 : vector<16x1xi32> to vector<16xi32>
                    %gather3A_787 = tpu.dynamic_gather %get3A_778[%gather3A_786] in [0] : vector<16xf32>, vector<16xi32> -> vector<16xf32>
                    %slice3A_788 = vector.extract_strided_slice %gather3A_787 {offsets = [0], sizes = [1], strides = [1]} : vector<16xf32> to vector<1xf32>
                    %squeeze3A_789 = vector.extract %slice3A_788[0] : f32 from vector<1xf32>
                    %lt3A_790 = arith.cmpf olt, %squeeze3A_789, %squeeze3A : f32
                    %convert_element_type3A_791 = arith.extui %lt3A_790 : i1 to i32
                    %cond3A_792 = arith.constant 0 : i32
                    %cond3A_793 = arith.cmpi ne, %convert_element_type3A_791, %cond3A_792 : i32
                    %cond3A_794 = scf.if %cond3A_793 -> (i32) {
                      %min3A_795 = arith.constant 127 : i32
                      %min3A_796 = arith.minsi %scan3A_767, %min3A_795 : i32
                      %eq3A = arith.constant 0 : i32
                      %eq3A_797 = vector.broadcast %eq3A : i32 to vector<16xi32>
                      %eq3A_798 = arith.cmpi eq, %iota3A, %eq3A_797 : vector<16xi32>
                      %broadcast_in_dim3A_799 = vector.broadcast %squeeze3A_789 : f32 to vector<16xf32>
                      %select_n3A = arith.select %eq3A_798, %broadcast_in_dim3A_799, %broadcast_in_dim3A_1 : vector<16xi1>, vector<16xf32>
                      %mul3A_800 = arith.constant 16 : i32
                      %mul3A_801 = arith.muli %min3A_796, %mul3A_800 : i32
                      %swap3A_802 = arith.index_cast %mul3A_801 : i32 to index
                      %swap3A_803 = tpu.vector_load %arg10[%swap3A_802] {strides = array<i32>} : memref<2064xf32, #tpu.memory_space<vmem>>, vector<16xf32>,
                      %swap3A_804 = vector.shape_cast %swap3A_803 : vector<16xf32> to vector<16xf32>
                      %swap3A_805 = vector.shape_cast %select_n3A : vector<16xf32> to vector<16xf32>
                      tpu.vector_store %arg10[%swap3A_802], %swap3A_805 {strides = array<i32>} : memref<2064xf32, #tpu.memory_space<vmem>>, vector<16xf32>,
                      %add3A_806 = arith.constant 1 : i32
                      %add3A_807 = arith.addi %scan3A_767, %add3A_806 : i32
                      scf.yield %add3A_807 : i32
                    } else {
                      scf.yield %scan3A_767 : i32
                    }
                    scf.yield %cond3A_794 : i32
                  }
                  %scan3A_765 = arith.constant 8 : i32
                  scf.yield %scan3A_764 : i32
                } else {
                  scf.yield %scan3A_735 : i32
                }
                scf.yield %cond3A_759 : i32
              }
              %scan3A_733 = arith.constant 8 : i32
              scf.yield %scan3A_732 : i32
            } else {
              scf.yield %scan3A_706 : i32
            }
            scf.yield %cond3A_727 : i32
          }
          %scan3A_704 = arith.constant 14 : i32
          scf.yield %scan3A_703 : i32
        } else {
          scf.yield %scan3A_684 : i32
        }
        scf.yield %cond3A_698 : i32
      }
      %scan3A_567 = arith.constant 16 : i32
      %dma_wait3A_568 = arith.constant 1 : i32
      %dma_wait3A_569 = arith.constant 0 : i32
      %dma_wait3A_570 = tpu.memref_slice %arg5[%dma_wait3A_568, %dma_wait3A_569] : memref<2x14352xf32, #tpu.memory_space<vmem>> -> memref<1x14336xf32, #tpu.memory_space<vmem>>
      %dma_wait3A_571 = tpu.memref_squeeze %dma_wait3A_570 : memref<1x14336xf32, #tpu.memory_space<vmem>> -> memref<14336xf32, #tpu.memory_space<vmem>>
      %dma_wait3A_572 = arith.constant 86016 : i32
      %dma_wait3A_573 = tpu.memref_slice %arg2[%add3A_12, %dma_wait3A_572] : memref<256x100352xf32, #tpu.memory_space<hbm>> -> memref<1x14336xf32, #tpu.memory_space<hbm>>
      %dma_wait3A_574 = tpu.memref_squeeze %dma_wait3A_573 : memref<1x14336xf32, #tpu.memory_space<hbm>> -> memref<14336xf32, #tpu.memory_space<hbm>>
      %dma_wait3A_575 = arith.constant 0 : i32
      %dma_wait3A_576 = tpu.memref_slice %arg5[%dma_wait3A_568, %dma_wait3A_575] : memref<2x14352xf32, #tpu.memory_space<vmem>> -> memref<1x14336xf32, #tpu.memory_space<vmem>>
      %dma_wait3A_577 = tpu.memref_squeeze %dma_wait3A_576 : memref<1x14336xf32, #tpu.memory_space<vmem>> -> memref<14336xf32, #tpu.memory_space<vmem>>
      %dma_wait3A_578 = arith.constant 86016 : i32
      %dma_wait3A_579 = tpu.memref_slice %arg2[%add3A_12, %dma_wait3A_578] : memref<256x100352xf32, #tpu.memory_space<hbm>> -> memref<1x14336xf32, #tpu.memory_space<hbm>>
      %dma_wait3A_580 = tpu.memref_squeeze %dma_wait3A_579 : memref<1x14336xf32, #tpu.memory_space<hbm>> -> memref<14336xf32, #tpu.memory_space<hbm>>
      tpu.wait_dma2 semaphore(%arg12 : memref<!tpu.dma_semaphore, #tpu.memory_space<semaphore_mem>>) src(%dma_wait3A_580 : memref<14336xf32, #tpu.memory_space<hbm>>) dst(%dma_wait3A_577 : memref<14336xf32, #tpu.memory_space<vmem>>)
      %scan3A_581 = arith.constant 1 : i32
      %scan3A_582 = arith.constant 0 : i32
      %scan3A_583 = arith.constant 0 : i32
      %scan3A_584 = arith.constant 112 : i32
      %scan3A_585 = arith.addi %scan3A_583, %scan3A_584 : i32
      %scan3A_586 = arith.constant 1 : i32
      %scan3A_587 = scf.for %scan3A_683 = %scan3A_583 to %scan3A_585 step %scan3A_586 iter_args(%scan3A_684 = %scan3A_582) -> (i32)  : i32 {
        %mul3A_685 = arith.constant 8 : i32
        %mul3A_686 = arith.muli %scan3A_683, %mul3A_685 : i32
        %add3A_687 = arith.constant 0 : i32
        %add3A_688 = arith.addi %mul3A_686, %add3A_687 : i32
        %mul3A_689 = arith.constant 16 : i32
        %mul3A_690 = arith.muli %add3A_688, %mul3A_689 : i32
        %get3A_691 = arith.constant 0 : i32
        %get3A_692 = tpu.memref_slice %arg5[%scan3A_581, %get3A_691] : memref<2x14352xf32, #tpu.memory_space<vmem>> -> memref<1x14352xf32, #tpu.memory_space<vmem>>
        %get3A_693 = tpu.memref_squeeze %get3A_692 : memref<1x14352xf32, #tpu.memory_space<vmem>> -> memref<14352xf32, #tpu.memory_space<vmem>>
        %get3A_694 = arith.index_cast %mul3A_690 : i32 to index
        %get3A_695 = tpu.vector_load %get3A_693[%get3A_694] {strides = array<i32>} : memref<14352xf32, #tpu.memory_space<vmem>>, vector<16xf32>,
        %get3A_696 = vector.shape_cast %get3A_695 : vector<16xf32> to vector<16xf32>
        %mul3A_697 = arith.constant 8 : i32
        %mul3A_698 = arith.muli %scan3A_683, %mul3A_697 : i32
        %add3A_699 = arith.constant 1 : i32
        %add3A_700 = arith.addi %mul3A_698, %add3A_699 : i32
        %mul3A_701 = arith.constant 16 : i32
        %mul3A_702 = arith.muli %add3A_700, %mul3A_701 : i32
        %get3A_703 = arith.constant 0 : i32
        %get3A_704 = tpu.memref_slice %arg5[%scan3A_581, %get3A_703] : memref<2x14352xf32, #tpu.memory_space<vmem>> -> memref<1x14352xf32, #tpu.memory_space<vmem>>
        %get3A_705 = tpu.memref_squeeze %get3A_704 : memref<1x14352xf32, #tpu.memory_space<vmem>> -> memref<14352xf32, #tpu.memory_space<vmem>>
        %get3A_706 = arith.index_cast %mul3A_702 : i32 to index
        %get3A_707 = tpu.vector_load %get3A_705[%get3A_706] {strides = array<i32>} : memref<14352xf32, #tpu.memory_space<vmem>>, vector<16xf32>,
        %get3A_708 = vector.shape_cast %get3A_707 : vector<16xf32> to vector<16xf32>
        %mul3A_709 = arith.constant 8 : i32
        %mul3A_710 = arith.muli %scan3A_683, %mul3A_709 : i32
        %add3A_711 = arith.constant 2 : i32
        %add3A_712 = arith.addi %mul3A_710, %add3A_711 : i32
        %mul3A_713 = arith.constant 16 : i32
        %mul3A_714 = arith.muli %add3A_712, %mul3A_713 : i32
        %get3A_715 = arith.constant 0 : i32
        %get3A_716 = tpu.memref_slice %arg5[%scan3A_581, %get3A_715] : memref<2x14352xf32, #tpu.memory_space<vmem>> -> memref<1x14352xf32, #tpu.memory_space<vmem>>
        %get3A_717 = tpu.memref_squeeze %get3A_716 : memref<1x14352xf32, #tpu.memory_space<vmem>> -> memref<14352xf32, #tpu.memory_space<vmem>>
        %get3A_718 = arith.index_cast %mul3A_714 : i32 to index
        %get3A_719 = tpu.vector_load %get3A_717[%get3A_718] {strides = array<i32>} : memref<14352xf32, #tpu.memory_space<vmem>>, vector<16xf32>,
        %get3A_720 = vector.shape_cast %get3A_719 : vector<16xf32> to vector<16xf32>
        %mul3A_721 = arith.constant 8 : i32
        %mul3A_722 = arith.muli %scan3A_683, %mul3A_721 : i32
        %add3A_723 = arith.constant 3 : i32
        %add3A_724 = arith.addi %mul3A_722, %add3A_723 : i32
        %mul3A_725 = arith.constant 16 : i32
        %mul3A_726 = arith.muli %add3A_724, %mul3A_725 : i32
        %get3A_727 = arith.constant 0 : i32
        %get3A_728 = tpu.memref_slice %arg5[%scan3A_581, %get3A_727] : memref<2x14352xf32, #tpu.memory_space<vmem>> -> memref<1x14352xf32, #tpu.memory_space<vmem>>
        %get3A_729 = tpu.memref_squeeze %get3A_728 : memref<1x14352xf32, #tpu.memory_space<vmem>> -> memref<14352xf32, #tpu.memory_space<vmem>>
        %get3A_730 = arith.index_cast %mul3A_726 : i32 to index
        %get3A_731 = tpu.vector_load %get3A_729[%get3A_730] {strides = array<i32>} : memref<14352xf32, #tpu.memory_space<vmem>>, vector<16xf32>,
        %get3A_732 = vector.shape_cast %get3A_731 : vector<16xf32> to vector<16xf32>
        %mul3A_733 = arith.constant 8 : i32
        %mul3A_734 = arith.muli %scan3A_683, %mul3A_733 : i32
        %add3A_735 = arith.constant 4 : i32
        %add3A_736 = arith.addi %mul3A_734, %add3A_735 : i32
        %mul3A_737 = arith.constant 16 : i32
        %mul3A_738 = arith.muli %add3A_736, %mul3A_737 : i32
        %get3A_739 = arith.constant 0 : i32
        %get3A_740 = tpu.memref_slice %arg5[%scan3A_581, %get3A_739] : memref<2x14352xf32, #tpu.memory_space<vmem>> -> memref<1x14352xf32, #tpu.memory_space<vmem>>
        %get3A_741 = tpu.memref_squeeze %get3A_740 : memref<1x14352xf32, #tpu.memory_space<vmem>> -> memref<14352xf32, #tpu.memory_space<vmem>>
        %get3A_742 = arith.index_cast %mul3A_738 : i32 to index
        %get3A_743 = tpu.vector_load %get3A_741[%get3A_742] {strides = array<i32>} : memref<14352xf32, #tpu.memory_space<vmem>>, vector<16xf32>,
        %get3A_744 = vector.shape_cast %get3A_743 : vector<16xf32> to vector<16xf32>
        %mul3A_745 = arith.constant 8 : i32
        %mul3A_746 = arith.muli %scan3A_683, %mul3A_745 : i32
        %add3A_747 = arith.constant 5 : i32
        %add3A_748 = arith.addi %mul3A_746, %add3A_747 : i32
        %mul3A_749 = arith.constant 16 : i32
        %mul3A_750 = arith.muli %add3A_748, %mul3A_749 : i32
        %get3A_751 = arith.constant 0 : i32
        %get3A_752 = tpu.memref_slice %arg5[%scan3A_581, %get3A_751] : memref<2x14352xf32, #tpu.memory_space<vmem>> -> memref<1x14352xf32, #tpu.memory_space<vmem>>
        %get3A_753 = tpu.memref_squeeze %get3A_752 : memref<1x14352xf32, #tpu.memory_space<vmem>> -> memref<14352xf32, #tpu.memory_space<vmem>>
        %get3A_754 = arith.index_cast %mul3A_750 : i32 to index
        %get3A_755 = tpu.vector_load %get3A_753[%get3A_754] {strides = array<i32>} : memref<14352xf32, #tpu.memory_space<vmem>>, vector<16xf32>,
        %get3A_756 = vector.shape_cast %get3A_755 : vector<16xf32> to vector<16xf32>
        %mul3A_757 = arith.constant 8 : i32
        %mul3A_758 = arith.muli %scan3A_683, %mul3A_757 : i32
        %add3A_759 = arith.constant 6 : i32
        %add3A_760 = arith.addi %mul3A_758, %add3A_759 : i32
        %mul3A_761 = arith.constant 16 : i32
        %mul3A_762 = arith.muli %add3A_760, %mul3A_761 : i32
        %get3A_763 = arith.constant 0 : i32
        %get3A_764 = tpu.memref_slice %arg5[%scan3A_581, %get3A_763] : memref<2x14352xf32, #tpu.memory_space<vmem>> -> memref<1x14352xf32, #tpu.memory_space<vmem>>
        %get3A_765 = tpu.memref_squeeze %get3A_764 : memref<1x14352xf32, #tpu.memory_space<vmem>> -> memref<14352xf32, #tpu.memory_space<vmem>>
        %get3A_766 = arith.index_cast %mul3A_762 : i32 to index
        %get3A_767 = tpu.vector_load %get3A_765[%get3A_766] {strides = array<i32>} : memref<14352xf32, #tpu.memory_space<vmem>>, vector<16xf32>,
        %get3A_768 = vector.shape_cast %get3A_767 : vector<16xf32> to vector<16xf32>
        %mul3A_769 = arith.constant 8 : i32
        %mul3A_770 = arith.muli %scan3A_683, %mul3A_769 : i32
        %add3A_771 = arith.constant 7 : i32
        %add3A_772 = arith.addi %mul3A_770, %add3A_771 : i32
        %mul3A_773 = arith.constant 16 : i32
        %mul3A_774 = arith.muli %add3A_772, %mul3A_773 : i32
        %get3A_775 = arith.constant 0 : i32
        %get3A_776 = tpu.memref_slice %arg5[%scan3A_581, %get3A_775] : memref<2x14352xf32, #tpu.memory_space<vmem>> -> memref<1x14352xf32, #tpu.memory_space<vmem>>
        %get3A_777 = tpu.memref_squeeze %get3A_776 : memref<1x14352xf32, #tpu.memory_space<vmem>> -> memref<14352xf32, #tpu.memory_space<vmem>>
        %get3A_778 = arith.index_cast %mul3A_774 : i32 to index
        %get3A_779 = tpu.vector_load %get3A_777[%get3A_778] {strides = array<i32>} : memref<14352xf32, #tpu.memory_space<vmem>>, vector<16xf32>,
        %get3A_780 = vector.shape_cast %get3A_779 : vector<16xf32> to vector<16xf32>
        %min3A_781 = arith.minimumf %get3A_696, %get3A_708 : vector<16xf32>
        %min3A_782 = arith.minimumf %get3A_720, %get3A_732 : vector<16xf32>
        %min3A_783 = arith.minimumf %min3A_781, %min3A_782 : vector<16xf32>
        %min3A_784 = arith.minimumf %get3A_744, %get3A_756 : vector<16xf32>
        %min3A_785 = arith.minimumf %get3A_768, %get3A_780 : vector<16xf32>
        %min3A_786 = arith.minimumf %min3A_784, %min3A_785 : vector<16xf32>
        %min3A_787 = arith.minimumf %min3A_783, %min3A_786 : vector<16xf32>
        %mul3A_788 = arith.constant 16 : i32
        %mul3A_789 = arith.muli %scan3A_683, %mul3A_788 : i32
        %swap3A_790 = arith.index_cast %mul3A_789 : i32 to index
        %swap3A_791 = tpu.vector_load %arg6[%swap3A_790] {strides = array<i32>} : memref<1808xf32, #tpu.memory_space<vmem>>, vector<16xf32>,
        %swap3A_792 = vector.shape_cast %swap3A_791 : vector<16xf32> to vector<16xf32>
        %swap3A_793 = vector.shape_cast %min3A_787 : vector<16xf32> to vector<16xf32>
        tpu.vector_store %arg6[%swap3A_790], %swap3A_793 {strides = array<i32>} : memref<1808xf32, #tpu.memory_space<vmem>>, vector<16xf32>,
        %scan3A_794 = arith.constant 0 : i32
        scf.yield %scan3A_794 : i32
      }
      %scan3A_588 = arith.constant 112 : i32
      %scan3A_589 = arith.constant 0 : i32
      %scan3A_590 = arith.constant 0 : i32
      %scan3A_591 = arith.constant 14 : i32
      %scan3A_592 = arith.addi %scan3A_590, %scan3A_591 : i32
      %scan3A_593 = arith.constant 1 : i32
      %scan3A_594 = scf.for %scan3A_683 = %scan3A_590 to %scan3A_592 step %scan3A_593 iter_args(%scan3A_684 = %scan3A_589) -> (i32)  : i32 {
        %mul3A_685 = arith.constant 8 : i32
        %mul3A_686 = arith.muli %scan3A_683, %mul3A_685 : i32
        %add3A_687 = arith.constant 0 : i32
        %add3A_688 = arith.addi %mul3A_686, %add3A_687 : i32
        %mul3A_689 = arith.constant 16 : i32
        %mul3A_690 = arith.muli %add3A_688, %mul3A_689 : i32
        %get3A_691 = arith.index_cast %mul3A_690 : i32 to index
        %get3A_692 = tpu.vector_load %arg6[%get3A_691] {strides = array<i32>} : memref<1808xf32, #tpu.memory_space<vmem>>, vector<16xf32>,
        %get3A_693 = vector.shape_cast %get3A_692 : vector<16xf32> to vector<16xf32>
        %mul3A_694 = arith.constant 8 : i32
        %mul3A_695 = arith.muli %scan3A_683, %mul3A_694 : i32
        %add3A_696 = arith.constant 1 : i32
        %add3A_697 = arith.addi %mul3A_695, %add3A_696 : i32
        %mul3A_698 = arith.constant 16 : i32
        %mul3A_699 = arith.muli %add3A_697, %mul3A_698 : i32
        %get3A_700 = arith.index_cast %mul3A_699 : i32 to index
        %get3A_701 = tpu.vector_load %arg6[%get3A_700] {strides = array<i32>} : memref<1808xf32, #tpu.memory_space<vmem>>, vector<16xf32>,
        %get3A_702 = vector.shape_cast %get3A_701 : vector<16xf32> to vector<16xf32>
        %mul3A_703 = arith.constant 8 : i32
        %mul3A_704 = arith.muli %scan3A_683, %mul3A_703 : i32
        %add3A_705 = arith.constant 2 : i32
        %add3A_706 = arith.addi %mul3A_704, %add3A_705 : i32
        %mul3A_707 = arith.constant 16 : i32
        %mul3A_708 = arith.muli %add3A_706, %mul3A_707 : i32
        %get3A_709 = arith.index_cast %mul3A_708 : i32 to index
        %get3A_710 = tpu.vector_load %arg6[%get3A_709] {strides = array<i32>} : memref<1808xf32, #tpu.memory_space<vmem>>, vector<16xf32>,
        %get3A_711 = vector.shape_cast %get3A_710 : vector<16xf32> to vector<16xf32>
        %mul3A_712 = arith.constant 8 : i32
        %mul3A_713 = arith.muli %scan3A_683, %mul3A_712 : i32
        %add3A_714 = arith.constant 3 : i32
        %add3A_715 = arith.addi %mul3A_713, %add3A_714 : i32
        %mul3A_716 = arith.constant 16 : i32
        %mul3A_717 = arith.muli %add3A_715, %mul3A_716 : i32
        %get3A_718 = arith.index_cast %mul3A_717 : i32 to index
        %get3A_719 = tpu.vector_load %arg6[%get3A_718] {strides = array<i32>} : memref<1808xf32, #tpu.memory_space<vmem>>, vector<16xf32>,
        %get3A_720 = vector.shape_cast %get3A_719 : vector<16xf32> to vector<16xf32>
        %mul3A_721 = arith.constant 8 : i32
        %mul3A_722 = arith.muli %scan3A_683, %mul3A_721 : i32
        %add3A_723 = arith.constant 4 : i32
        %add3A_724 = arith.addi %mul3A_722, %add3A_723 : i32
        %mul3A_725 = arith.constant 16 : i32
        %mul3A_726 = arith.muli %add3A_724, %mul3A_725 : i32
        %get3A_727 = arith.index_cast %mul3A_726 : i32 to index
        %get3A_728 = tpu.vector_load %arg6[%get3A_727] {strides = array<i32>} : memref<1808xf32, #tpu.memory_space<vmem>>, vector<16xf32>,
        %get3A_729 = vector.shape_cast %get3A_728 : vector<16xf32> to vector<16xf32>
        %mul3A_730 = arith.constant 8 : i32
        %mul3A_731 = arith.muli %scan3A_683, %mul3A_730 : i32
        %add3A_732 = arith.constant 5 : i32
        %add3A_733 = arith.addi %mul3A_731, %add3A_732 : i32
        %mul3A_734 = arith.constant 16 : i32
        %mul3A_735 = arith.muli %add3A_733, %mul3A_734 : i32
        %get3A_736 = arith.index_cast %mul3A_735 : i32 to index
        %get3A_737 = tpu.vector_load %arg6[%get3A_736] {strides = array<i32>} : memref<1808xf32, #tpu.memory_space<vmem>>, vector<16xf32>,
        %get3A_738 = vector.shape_cast %get3A_737 : vector<16xf32> to vector<16xf32>
        %mul3A_739 = arith.constant 8 : i32
        %mul3A_740 = arith.muli %scan3A_683, %mul3A_739 : i32
        %add3A_741 = arith.constant 6 : i32
        %add3A_742 = arith.addi %mul3A_740, %add3A_741 : i32
        %mul3A_743 = arith.constant 16 : i32
        %mul3A_744 = arith.muli %add3A_742, %mul3A_743 : i32
        %get3A_745 = arith.index_cast %mul3A_744 : i32 to index
        %get3A_746 = tpu.vector_load %arg6[%get3A_745] {strides = array<i32>} : memref<1808xf32, #tpu.memory_space<vmem>>, vector<16xf32>,
        %get3A_747 = vector.shape_cast %get3A_746 : vector<16xf32> to vector<16xf32>
        %mul3A_748 = arith.constant 8 : i32
        %mul3A_749 = arith.muli %scan3A_683, %mul3A_748 : i32
        %add3A_750 = arith.constant 7 : i32
        %add3A_751 = arith.addi %mul3A_749, %add3A_750 : i32
        %mul3A_752 = arith.constant 16 : i32
        %mul3A_753 = arith.muli %add3A_751, %mul3A_752 : i32
        %get3A_754 = arith.index_cast %mul3A_753 : i32 to index
        %get3A_755 = tpu.vector_load %arg6[%get3A_754] {strides = array<i32>} : memref<1808xf32, #tpu.memory_space<vmem>>, vector<16xf32>,
        %get3A_756 = vector.shape_cast %get3A_755 : vector<16xf32> to vector<16xf32>
        %min3A_757 = arith.minimumf %get3A_693, %get3A_702 : vector<16xf32>
        %min3A_758 = arith.minimumf %get3A_711, %get3A_720 : vector<16xf32>
        %min3A_759 = arith.minimumf %min3A_757, %min3A_758 : vector<16xf32>
        %min3A_760 = arith.minimumf %get3A_729, %get3A_738 : vector<16xf32>
        %min3A_761 = arith.minimumf %get3A_747, %get3A_756 : vector<16xf32>
        %min3A_762 = arith.minimumf %min3A_760, %min3A_761 : vector<16xf32>
        %min3A_763 = arith.minimumf %min3A_759, %min3A_762 : vector<16xf32>
        %mul3A_764 = arith.constant 16 : i32
        %mul3A_765 = arith.muli %scan3A_683, %mul3A_764 : i32
        %swap3A_766 = arith.index_cast %mul3A_765 : i32 to index
        %swap3A_767 = tpu.vector_load %arg7[%swap3A_766] {strides = array<i32>} : memref<240xf32, #tpu.memory_space<vmem>>, vector<16xf32>,
        %swap3A_768 = vector.shape_cast %swap3A_767 : vector<16xf32> to vector<16xf32>
        %swap3A_769 = vector.shape_cast %min3A_763 : vector<16xf32> to vector<16xf32>
        tpu.vector_store %arg7[%swap3A_766], %swap3A_769 {strides = array<i32>} : memref<240xf32, #tpu.memory_space<vmem>>, vector<16xf32>,
        %scan3A_770 = arith.constant 0 : i32
        scf.yield %scan3A_770 : i32
      }
      %scan3A_595 = arith.constant 14 : i32
      %get3A_596 = arith.constant 0 : index
      %get3A_597 = tpu.vector_load %arg7[%get3A_596] {strides = array<i32>} : memref<240xf32, #tpu.memory_space<vmem>>, vector<16xf32>,
      %get3A_598 = vector.shape_cast %get3A_597 : vector<16xf32> to vector<16xf32>
      %get3A_599 = arith.constant 16 : index
      %get3A_600 = tpu.vector_load %arg7[%get3A_599] {strides = array<i32>} : memref<240xf32, #tpu.memory_space<vmem>>, vector<16xf32>,
      %get3A_601 = vector.shape_cast %get3A_600 : vector<16xf32> to vector<16xf32>
      %min3A_602 = arith.minimumf %get3A_598, %get3A_601 : vector<16xf32>
      %get3A_603 = arith.constant 32 : index
      %get3A_604 = tpu.vector_load %arg7[%get3A_603] {strides = array<i32>} : memref<240xf32, #tpu.memory_space<vmem>>, vector<16xf32>,
      %get3A_605 = vector.shape_cast %get3A_604 : vector<16xf32> to vector<16xf32>
      %min3A_606 = arith.minimumf %min3A_602, %get3A_605 : vector<16xf32>
      %get3A_607 = arith.constant 48 : index
      %get3A_608 = tpu.vector_load %arg7[%get3A_607] {strides = array<i32>} : memref<240xf32, #tpu.memory_space<vmem>>, vector<16xf32>,
      %get3A_609 = vector.shape_cast %get3A_608 : vector<16xf32> to vector<16xf32>
      %min3A_610 = arith.minimumf %min3A_606, %get3A_609 : vector<16xf32>
      %get3A_611 = arith.constant 64 : index
      %get3A_612 = tpu.vector_load %arg7[%get3A_611] {strides = array<i32>} : memref<240xf32, #tpu.memory_space<vmem>>, vector<16xf32>,
      %get3A_613 = vector.shape_cast %get3A_612 : vector<16xf32> to vector<16xf32>
      %min3A_614 = arith.minimumf %min3A_610, %get3A_613 : vector<16xf32>
      %get3A_615 = arith.constant 80 : index
      %get3A_616 = tpu.vector_load %arg7[%get3A_615] {strides = array<i32>} : memref<240xf32, #tpu.memory_space<vmem>>, vector<16xf32>,
      %get3A_617 = vector.shape_cast %get3A_616 : vector<16xf32> to vector<16xf32>
      %min3A_618 = arith.minimumf %min3A_614, %get3A_617 : vector<16xf32>
      %get3A_619 = arith.constant 96 : index
      %get3A_620 = tpu.vector_load %arg7[%get3A_619] {strides = array<i32>} : memref<240xf32, #tpu.memory_space<vmem>>, vector<16xf32>,
      %get3A_621 = vector.shape_cast %get3A_620 : vector<16xf32> to vector<16xf32>
      %min3A_622 = arith.minimumf %min3A_618, %get3A_621 : vector<16xf32>
      %get3A_623 = arith.constant 112 : index
      %get3A_624 = tpu.vector_load %arg7[%get3A_623] {strides = array<i32>} : memref<240xf32, #tpu.memory_space<vmem>>, vector<16xf32>,
      %get3A_625 = vector.shape_cast %get3A_624 : vector<16xf32> to vector<16xf32>
      %min3A_626 = arith.minimumf %min3A_622, %get3A_625 : vector<16xf32>
      %get3A_627 = arith.constant 128 : index
      %get3A_628 = tpu.vector_load %arg7[%get3A_627] {strides = array<i32>} : memref<240xf32, #tpu.memory_space<vmem>>, vector<16xf32>,
      %get3A_629 = vector.shape_cast %get3A_628 : vector<16xf32> to vector<16xf32>
      %min3A_630 = arith.minimumf %min3A_626, %get3A_629 : vector<16xf32>
      %get3A_631 = arith.constant 144 : index
      %get3A_632 = tpu.vector_load %arg7[%get3A_631] {strides = array<i32>} : memref<240xf32, #tpu.memory_space<vmem>>, vector<16xf32>,
      %get3A_633 = vector.shape_cast %get3A_632 : vector<16xf32> to vector<16xf32>
      %min3A_634 = arith.minimumf %min3A_630, %get3A_633 : vector<16xf32>
      %get3A_635 = arith.constant 160 : index
      %get3A_636 = tpu.vector_load %arg7[%get3A_635] {strides = array<i32>} : memref<240xf32, #tpu.memory_space<vmem>>, vector<16xf32>,
      %get3A_637 = vector.shape_cast %get3A_636 : vector<16xf32> to vector<16xf32>
      %min3A_638 = arith.minimumf %min3A_634, %get3A_637 : vector<16xf32>
      %get3A_639 = arith.constant 176 : index
      %get3A_640 = tpu.vector_load %arg7[%get3A_639] {strides = array<i32>} : memref<240xf32, #tpu.memory_space<vmem>>, vector<16xf32>,
      %get3A_641 = vector.shape_cast %get3A_640 : vector<16xf32> to vector<16xf32>
      %min3A_642 = arith.minimumf %min3A_638, %get3A_641 : vector<16xf32>
      %get3A_643 = arith.constant 192 : index
      %get3A_644 = tpu.vector_load %arg7[%get3A_643] {strides = array<i32>} : memref<240xf32, #tpu.memory_space<vmem>>, vector<16xf32>,
      %get3A_645 = vector.shape_cast %get3A_644 : vector<16xf32> to vector<16xf32>
      %min3A_646 = arith.minimumf %min3A_642, %get3A_645 : vector<16xf32>
      %get3A_647 = arith.constant 208 : index
      %get3A_648 = tpu.vector_load %arg7[%get3A_647] {strides = array<i32>} : memref<240xf32, #tpu.memory_space<vmem>>, vector<16xf32>,
      %get3A_649 = vector.shape_cast %get3A_648 : vector<16xf32> to vector<16xf32>
      %min3A_650 = arith.minimumf %min3A_646, %get3A_649 : vector<16xf32>
      %swap3A_651 = arith.constant 0 : index
      %swap3A_652 = tpu.vector_load %arg8[%swap3A_651] {strides = array<i32>} : memref<32xf32, #tpu.memory_space<vmem>>, vector<16xf32>,
      %swap3A_653 = vector.shape_cast %swap3A_652 : vector<16xf32> to vector<16xf32>
      %swap3A_654 = vector.shape_cast %min3A_650 : vector<16xf32> to vector<16xf32>
      tpu.vector_store %arg8[%swap3A_651], %swap3A_654 {strides = array<i32>} : memref<32xf32, #tpu.memory_space<vmem>>, vector<16xf32>,
      %scan3A_655 = arith.constant 1 : i32
      %scan3A_656 = arith.constant 0 : i32
      %scan3A_657 = arith.constant 16 : i32
      %scan3A_658 = arith.addi %scan3A_656, %scan3A_657 : i32
      %scan3A_659 = arith.constant 1 : i32
      %scan3A_660 = scf.for %scan3A_683 = %scan3A_656 to %scan3A_658 step %scan3A_659 iter_args(%scan3A_684 = %scan3A_566) -> (i32)  : i32 {
        %get3A_685 = arith.constant 0 : index
        %get3A_686 = tpu.vector_load %arg8[%get3A_685] {strides = array<i32>} : memref<32xf32, #tpu.memory_space<vmem>>, vector<16xf32>,
        %get3A_687 = vector.shape_cast %get3A_686 : vector<16xf32> to vector<16xf32>
        %iota3A_688 = tpu.iota {dimensions = array<i32: 0>} : vector<16xi32>
        %add3A_689 = vector.broadcast %scan3A_683 : i32 to vector<16xi32>
        %add3A_690 = arith.addi %iota3A_688, %add3A_689 : vector<16xi32>
        %and3A = arith.constant 15 : i32
        %and3A_691 = vector.broadcast %and3A : i32 to vector<16xi32>
        %and3A_692 = arith.andi %add3A_690, %and3A_691 : vector<16xi32>
        %broadcast_in_dim3A_693 = vector.shape_cast %and3A_692 : vector<16xi32> to vector<16x1xi32>
        %gather3A = vector.shape_cast %broadcast_in_dim3A_693 : vector<16x1xi32> to vector<16xi32>
        %gather3A_694 = tpu.dynamic_gather %get3A_687[%gather3A] in [0] : vector<16xf32>, vector<16xi32> -> vector<16xf32>
        %slice3A_695 = vector.extract_strided_slice %gather3A_694 {offsets = [0], sizes = [1], strides = [1]} : vector<16xf32> to vector<1xf32>
        %squeeze3A_696 = vector.extract %slice3A_695[0] : f32 from vector<1xf32>
        %lt3A = arith.cmpf olt, %squeeze3A_696, %squeeze3A : f32
        %convert_element_type3A = arith.extui %lt3A : i1 to i32
        %cond3A = arith.constant 0 : i32
        %cond3A_697 = arith.cmpi ne, %convert_element_type3A, %cond3A : i32
        %cond3A_698 = scf.if %cond3A_697 -> (i32) {
          %scan3A_699 = arith.constant 0 : i32
          %scan3A_700 = arith.constant 14 : i32
          %scan3A_701 = arith.addi %scan3A_699, %scan3A_700 : i32
          %scan3A_702 = arith.constant 1 : i32
          %scan3A_703 = scf.for %scan3A_705 = %scan3A_699 to %scan3A_701 step %scan3A_702 iter_args(%scan3A_706 = %scan3A_684) -> (i32)  : i32 {
            %mul3A_707 = arith.constant 16 : i32
            %mul3A_708 = arith.muli %scan3A_705, %mul3A_707 : i32
            %get3A_709 = arith.index_cast %mul3A_708 : i32 to index
            %get3A_710 = tpu.vector_load %arg7[%get3A_709] {strides = array<i32>} : memref<240xf32, #tpu.memory_space<vmem>>, vector<16xf32>,
            %get3A_711 = vector.shape_cast %get3A_710 : vector<16xf32> to vector<16xf32>
            %iota3A_712 = tpu.iota {dimensions = array<i32: 0>} : vector<16xi32>
            %add3A_713 = vector.broadcast %scan3A_683 : i32 to vector<16xi32>
            %add3A_714 = arith.addi %iota3A_712, %add3A_713 : vector<16xi32>
            %and3A_715 = arith.constant 15 : i32
            %and3A_716 = vector.broadcast %and3A_715 : i32 to vector<16xi32>
            %and3A_717 = arith.andi %add3A_714, %and3A_716 : vector<16xi32>
            %broadcast_in_dim3A_718 = vector.shape_cast %and3A_717 : vector<16xi32> to vector<16x1xi32>
            %gather3A_719 = vector.shape_cast %broadcast_in_dim3A_718 : vector<16x1xi32> to vector<16xi32>
            %gather3A_720 = tpu.dynamic_gather %get3A_711[%gather3A_719] in [0] : vector<16xf32>, vector<16xi32> -> vector<16xf32>
            %slice3A_721 = vector.extract_strided_slice %gather3A_720 {offsets = [0], sizes = [1], strides = [1]} : vector<16xf32> to vector<1xf32>
            %squeeze3A_722 = vector.extract %slice3A_721[0] : f32 from vector<1xf32>
            %lt3A_723 = arith.cmpf olt, %squeeze3A_722, %squeeze3A : f32
            %convert_element_type3A_724 = arith.extui %lt3A_723 : i1 to i32
            %cond3A_725 = arith.constant 0 : i32
            %cond3A_726 = arith.cmpi ne, %convert_element_type3A_724, %cond3A_725 : i32
            %cond3A_727 = scf.if %cond3A_726 -> (i32) {
              %scan3A_728 = arith.constant 0 : i32
              %scan3A_729 = arith.constant 8 : i32
              %scan3A_730 = arith.addi %scan3A_728, %scan3A_729 : i32
              %scan3A_731 = arith.constant 1 : i32
              %scan3A_732 = scf.for %scan3A_734 = %scan3A_728 to %scan3A_730 step %scan3A_731 iter_args(%scan3A_735 = %scan3A_706) -> (i32)  : i32 {
                %mul3A_736 = arith.constant 8 : i32
                %mul3A_737 = arith.muli %scan3A_705, %mul3A_736 : i32
                %add3A_738 = arith.addi %mul3A_737, %scan3A_734 : i32
                %mul3A_739 = arith.constant 16 : i32
                %mul3A_740 = arith.muli %add3A_738, %mul3A_739 : i32
                %get3A_741 = arith.index_cast %mul3A_740 : i32 to index
                %get3A_742 = tpu.vector_load %arg6[%get3A_741] {strides = array<i32>} : memref<1808xf32, #tpu.memory_space<vmem>>, vector<16xf32>,
                %get3A_743 = vector.shape_cast %get3A_742 : vector<16xf32> to vector<16xf32>
                %iota3A_744 = tpu.iota {dimensions = array<i32: 0>} : vector<16xi32>
                %add3A_745 = vector.broadcast %scan3A_683 : i32 to vector<16xi32>
                %add3A_746 = arith.addi %iota3A_744, %add3A_745 : vector<16xi32>
                %and3A_747 = arith.constant 15 : i32
                %and3A_748 = vector.broadcast %and3A_747 : i32 to vector<16xi32>
                %and3A_749 = arith.andi %add3A_746, %and3A_748 : vector<16xi32>
                %broadcast_in_dim3A_750 = vector.shape_cast %and3A_749 : vector<16xi32> to vector<16x1xi32>
                %gather3A_751 = vector.shape_cast %broadcast_in_dim3A_750 : vector<16x1xi32> to vector<16xi32>
                %gather3A_752 = tpu.dynamic_gather %get3A_743[%gather3A_751] in [0] : vector<16xf32>, vector<16xi32> -> vector<16xf32>
                %slice3A_753 = vector.extract_strided_slice %gather3A_752 {offsets = [0], sizes = [1], strides = [1]} : vector<16xf32> to vector<1xf32>
                %squeeze3A_754 = vector.extract %slice3A_753[0] : f32 from vector<1xf32>
                %lt3A_755 = arith.cmpf olt, %squeeze3A_754, %squeeze3A : f32
                %convert_element_type3A_756 = arith.extui %lt3A_755 : i1 to i32
                %cond3A_757 = arith.constant 0 : i32
                %cond3A_758 = arith.cmpi ne, %convert_element_type3A_756, %cond3A_757 : i32
                %cond3A_759 = scf.if %cond3A_758 -> (i32) {
                  %scan3A_760 = arith.constant 0 : i32
                  %scan3A_761 = arith.constant 8 : i32
                  %scan3A_762 = arith.addi %scan3A_760, %scan3A_761 : i32
                  %scan3A_763 = arith.constant 1 : i32
                  %scan3A_764 = scf.for %scan3A_766 = %scan3A_760 to %scan3A_762 step %scan3A_763 iter_args(%scan3A_767 = %scan3A_735) -> (i32)  : i32 {
                    %mul3A_768 = arith.constant 8 : i32
                    %mul3A_769 = arith.muli %add3A_738, %mul3A_768 : i32
                    %add3A_770 = arith.addi %mul3A_769, %scan3A_766 : i32
                    %mul3A_771 = arith.constant 16 : i32
                    %mul3A_772 = arith.muli %add3A_770, %mul3A_771 : i32
                    %get3A_773 = arith.constant 0 : i32
                    %get3A_774 = tpu.memref_slice %arg5[%scan3A_655, %get3A_773] : memref<2x14352xf32, #tpu.memory_space<vmem>> -> memref<1x14352xf32, #tpu.memory_space<vmem>>
                    %get3A_775 = tpu.memref_squeeze %get3A_774 : memref<1x14352xf32, #tpu.memory_space<vmem>> -> memref<14352xf32, #tpu.memory_space<vmem>>
                    %get3A_776 = arith.index_cast %mul3A_772 : i32 to index
                    %get3A_777 = tpu.vector_load %get3A_775[%get3A_776] {strides = array<i32>} : memref<14352xf32, #tpu.memory_space<vmem>>, vector<16xf32>,
                    %get3A_778 = vector.shape_cast %get3A_777 : vector<16xf32> to vector<16xf32>
                    %iota3A_779 = tpu.iota {dimensions = array<i32: 0>} : vector<16xi32>
                    %add3A_780 = vector.broadcast %scan3A_683 : i32 to vector<16xi32>
                    %add3A_781 = arith.addi %iota3A_779, %add3A_780 : vector<16xi32>
                    %and3A_782 = arith.constant 15 : i32
                    %and3A_783 = vector.broadcast %and3A_782 : i32 to vector<16xi32>
                    %and3A_784 = arith.andi %add3A_781, %and3A_783 : vector<16xi32>
                    %broadcast_in_dim3A_785 = vector.shape_cast %and3A_784 : vector<16xi32> to vector<16x1xi32>
                    %gather3A_786 = vector.shape_cast %broadcast_in_dim3A_785 : vector<16x1xi32> to vector<16xi32>
                    %gather3A_787 = tpu.dynamic_gather %get3A_778[%gather3A_786] in [0] : vector<16xf32>, vector<16xi32> -> vector<16xf32>
                    %slice3A_788 = vector.extract_strided_slice %gather3A_787 {offsets = [0], sizes = [1], strides = [1]} : vector<16xf32> to vector<1xf32>
                    %squeeze3A_789 = vector.extract %slice3A_788[0] : f32 from vector<1xf32>
                    %lt3A_790 = arith.cmpf olt, %squeeze3A_789, %squeeze3A : f32
                    %convert_element_type3A_791 = arith.extui %lt3A_790 : i1 to i32
                    %cond3A_792 = arith.constant 0 : i32
                    %cond3A_793 = arith.cmpi ne, %convert_element_type3A_791, %cond3A_792 : i32
                    %cond3A_794 = scf.if %cond3A_793 -> (i32) {
                      %min3A_795 = arith.constant 127 : i32
                      %min3A_796 = arith.minsi %scan3A_767, %min3A_795 : i32
                      %eq3A = arith.constant 0 : i32
                      %eq3A_797 = vector.broadcast %eq3A : i32 to vector<16xi32>
                      %eq3A_798 = arith.cmpi eq, %iota3A, %eq3A_797 : vector<16xi32>
                      %broadcast_in_dim3A_799 = vector.broadcast %squeeze3A_789 : f32 to vector<16xf32>
                      %select_n3A = arith.select %eq3A_798, %broadcast_in_dim3A_799, %broadcast_in_dim3A_1 : vector<16xi1>, vector<16xf32>
                      %mul3A_800 = arith.constant 16 : i32
                      %mul3A_801 = arith.muli %min3A_796, %mul3A_800 : i32
                      %swap3A_802 = arith.index_cast %mul3A_801 : i32 to index
                      %swap3A_803 = tpu.vector_load %arg10[%swap3A_802] {strides = array<i32>} : memref<2064xf32, #tpu.memory_space<vmem>>, vector<16xf32>,
                      %swap3A_804 = vector.shape_cast %swap3A_803 : vector<16xf32> to vector<16xf32>
                      %swap3A_805 = vector.shape_cast %select_n3A : vector<16xf32> to vector<16xf32>
                      tpu.vector_store %arg10[%swap3A_802], %swap3A_805 {strides = array<i32>} : memref<2064xf32, #tpu.memory_space<vmem>>, vector<16xf32>,
                      %add3A_806 = arith.constant 1 : i32
                      %add3A_807 = arith.addi %scan3A_767, %add3A_806 : i32
                      scf.yield %add3A_807 : i32
                    } else {
                      scf.yield %scan3A_767 : i32
                    }
                    scf.yield %cond3A_794 : i32
                  }
                  %scan3A_765 = arith.constant 8 : i32
                  scf.yield %scan3A_764 : i32
                } else {
                  scf.yield %scan3A_735 : i32
                }
                scf.yield %cond3A_759 : i32
              }
              %scan3A_733 = arith.constant 8 : i32
              scf.yield %scan3A_732 : i32
            } else {
              scf.yield %scan3A_706 : i32
            }
            scf.yield %cond3A_727 : i32
          }
          %scan3A_704 = arith.constant 14 : i32
          scf.yield %scan3A_703 : i32
        } else {
          scf.yield %scan3A_684 : i32
        }
        scf.yield %cond3A_698 : i32
      }
      %scan3A_661 = arith.constant 16 : i32
      %dma_start3A_662 = arith.constant 0 : i32
      %dma_start3A_663 = tpu.memref_slice %arg10[%dma_start3A_662] : memref<2064xf32, #tpu.memory_space<vmem>> -> memref<2048xf32, #tpu.memory_space<vmem>>
      %dma_start3A_664 = arith.constant 0 : i32
      %dma_start3A_665 = tpu.memref_slice %arg4[%add3A_12, %dma_start3A_664] : memref<256x2048xf32, #tpu.memory_space<hbm>> -> memref<1x2048xf32, #tpu.memory_space<hbm>>
      %dma_start3A_666 = tpu.memref_squeeze %dma_start3A_665 : memref<1x2048xf32, #tpu.memory_space<hbm>> -> memref<2048xf32, #tpu.memory_space<hbm>>
      %dma_start3A_667 = arith.constant 0 : i32
      %dma_start3A_668 = tpu.memref_slice %arg4[%add3A_12, %dma_start3A_667] : memref<256x2048xf32, #tpu.memory_space<hbm>> -> memref<1x2048xf32, #tpu.memory_space<hbm>>
      %dma_start3A_669 = tpu.memref_squeeze %dma_start3A_668 : memref<1x2048xf32, #tpu.memory_space<hbm>> -> memref<2048xf32, #tpu.memory_space<hbm>>
      %dma_start3A_670 = arith.constant 0 : i32
      %dma_start3A_671 = tpu.memref_slice %arg10[%dma_start3A_670] : memref<2064xf32, #tpu.memory_space<vmem>> -> memref<2048xf32, #tpu.memory_space<vmem>>
      tpu.enqueue_dma source(%dma_start3A_671 : memref<2048xf32, #tpu.memory_space<vmem>>) target(%dma_start3A_669 : memref<2048xf32, #tpu.memory_space<hbm>>) target_semaphore(%arg13 : memref<!tpu.dma_semaphore, #tpu.memory_space<semaphore_mem>>)
      %dma_wait3A_672 = arith.constant 0 : i32
      %dma_wait3A_673 = tpu.memref_slice %arg10[%dma_wait3A_672] : memref<2064xf32, #tpu.memory_space<vmem>> -> memref<2048xf32, #tpu.memory_space<vmem>>
      %dma_wait3A_674 = arith.constant 0 : i32
      %dma_wait3A_675 = tpu.memref_slice %arg4[%add3A_12, %dma_wait3A_674] : memref<256x2048xf32, #tpu.memory_space<hbm>> -> memref<1x2048xf32, #tpu.memory_space<hbm>>
      %dma_wait3A_676 = tpu.memref_squeeze %dma_wait3A_675 : memref<1x2048xf32, #tpu.memory_space<hbm>> -> memref<2048xf32, #tpu.memory_space<hbm>>
      %dma_wait3A_677 = arith.constant 0 : i32
      %dma_wait3A_678 = tpu.memref_slice %arg4[%add3A_12, %dma_wait3A_677] : memref<256x2048xf32, #tpu.memory_space<hbm>> -> memref<1x2048xf32, #tpu.memory_space<hbm>>
      %dma_wait3A_679 = tpu.memref_squeeze %dma_wait3A_678 : memref<1x2048xf32, #tpu.memory_space<hbm>> -> memref<2048xf32, #tpu.memory_space<hbm>>
      %dma_wait3A_680 = arith.constant 0 : i32
      %dma_wait3A_681 = tpu.memref_slice %arg10[%dma_wait3A_680] : memref<2064xf32, #tpu.memory_space<vmem>> -> memref<2048xf32, #tpu.memory_space<vmem>>
      tpu.wait_dma2 semaphore(%arg13 : memref<!tpu.dma_semaphore, #tpu.memory_space<semaphore_mem>>) src(%dma_wait3A_681 : memref<2048xf32, #tpu.memory_space<vmem>>) dst(%dma_wait3A_679 : memref<2048xf32, #tpu.memory_space<hbm>>)
      %scan3A_682 = arith.constant 0 : i32
      scf.yield %scan3A_682 : i32
    }
    %scan3A_9 = arith.constant 8 : i32
    return
  }
}

module attributes {stable_mosaic.version = 14 : i64} {
  func.func @_dist_body(%arg0: i32, %arg1: memref<256x384xf32, #tpu.memory_space<vmem>>, %arg2: memref<2048x384xf32, #tpu.memory_space<vmem>>, %arg3: memref<256x2048xf32, #tpu.memory_space<vmem>>, %arg4: memref<256x128xf32, #tpu.memory_space<vmem>>, %arg5: memref<256x128xf32, #tpu.memory_space<vmem>>, %arg6: memref<256x1xf32, #tpu.memory_space<vmem>>) attributes {dimension_semantics = [#tpu.dimension_semantics<arbitrary>], iteration_bounds = array<i64: 49>, scalar_prefetch = 0 : i64, scratch_operands = 2 : i64, tpu.core_type = #tpu.core_type<tc>, window_params = [{pipeline_mode = #tpu.pipeline_mode<synchronous>, transform_indices = @transform_0, window_bounds = array<i64: 256, 384>}, {transform_indices = @transform_1, window_bounds = array<i64: 2048, 384>}, {transform_indices = @transform_2, window_bounds = array<i64: 256, 2048>}, {pipeline_mode = #tpu.pipeline_mode<synchronous>, transform_indices = @transform_3, window_bounds = array<i64: 256, 128>}]} {
    %eq3A = arith.constant 0 : i32
    %eq3A_0 = arith.cmpi eq, %arg0, %eq3A : i32
    %convert_element_type3A = arith.extui %eq3A_0 : i1 to i32
    %cond3A = arith.constant 0 : i32
    %cond3A_1 = arith.cmpi ne, %convert_element_type3A, %cond3A : i32
    scf.if %cond3A_1 {
      %get3A_37 = arith.constant 0 : index
      %get3A_38 = arith.constant 0 : index
      %get3A_39 = vector.load %arg1[%get3A_37, %get3A_38] : memref<256x384xf32, #tpu.memory_space<vmem>>, vector<256x384xf32>
      %mul3A_40 = arith.mulf %get3A_39, %get3A_39 : vector<256x384xf32>
      %reduce_sum3A_41 = arith.constant dense<0.000000e+00> : vector<256xf32>
      %reduce_sum3A_42 = vector.multi_reduction <add>, %mul3A_40, %reduce_sum3A_41 [1] : vector<256x384xf32> to vector<256xf32>
      %broadcast_in_dim3A_43 = vector.shape_cast %reduce_sum3A_42 : vector<256xf32> to vector<256x1xf32>
      %swap3A_44 = arith.constant 0 : index
      %swap3A_45 = arith.constant 0 : index
      %swap3A_46 = vector.load %arg6[%swap3A_44, %swap3A_45] : memref<256x1xf32, #tpu.memory_space<vmem>>, vector<256x1xf32>
      tpu.vector_store %arg6[%swap3A_44, %swap3A_45], %broadcast_in_dim3A_43 {strides = array<i32>} : memref<256x1xf32, #tpu.memory_space<vmem>>, vector<256x1xf32>,
      %broadcast_in_dim3A_47 = arith.constant 1.000000e+30 : f32
      %broadcast_in_dim3A_48 = vector.broadcast %broadcast_in_dim3A_47 : f32 to vector<256x128xf32>
      %swap3A_49 = arith.constant 0 : index
      %swap3A_50 = arith.constant 0 : index
      %swap3A_51 = vector.load %arg5[%swap3A_49, %swap3A_50] : memref<256x128xf32, #tpu.memory_space<vmem>>, vector<256x128xf32>
      tpu.vector_store %arg5[%swap3A_49, %swap3A_50], %broadcast_in_dim3A_48 {strides = array<i32>} : memref<256x128xf32, #tpu.memory_space<vmem>>, vector<256x128xf32>,
    } else {
    }
    %get3A = arith.constant 0 : index
    %get3A_2 = arith.constant 0 : index
    %get3A_3 = vector.load %arg2[%get3A, %get3A_2] : memref<2048x384xf32, #tpu.memory_space<vmem>>, vector<2048x384xf32>
    %mul3A = arith.mulf %get3A_3, %get3A_3 : vector<2048x384xf32>
    %reduce_sum3A = arith.constant dense<0.000000e+00> : vector<2048xf32>
    %reduce_sum3A_4 = vector.multi_reduction <add>, %mul3A, %reduce_sum3A [1] : vector<2048x384xf32> to vector<2048xf32>
    %broadcast_in_dim3A = vector.shape_cast %reduce_sum3A_4 : vector<2048xf32> to vector<1x2048xf32>
    %get3A_5 = arith.constant 0 : index
    %get3A_6 = arith.constant 0 : index
    %get3A_7 = vector.load %arg1[%get3A_5, %get3A_6] : memref<256x384xf32, #tpu.memory_space<vmem>>, vector<256x384xf32>
    %dot_general3A = arith.constant dense<0.000000e+00> : vector<256x2048xf32>
    %dot_general3A_8 = tpu.matmul %get3A_7, %get3A_3, %dot_general3A {dimension_numbers = #tpu.dot_dimension_numbers<[1], [1], [0], [0], [0, 0, 1, 0], [], []>, transpose_lhs_hint = false} : vector<256x384xf32>, vector<2048x384xf32>, vector<256x2048xf32> -> vector<256x2048xf32>
    %get3A_9 = arith.constant 0 : index
    %get3A_10 = arith.constant 0 : index
    %get3A_11 = vector.load %arg6[%get3A_9, %get3A_10] : memref<256x1xf32, #tpu.memory_space<vmem>>, vector<256x1xf32>
    %add3A = vector.broadcast %get3A_11 : vector<256x1xf32> to vector<256x2048xf32>
    %add3A_12 = vector.broadcast %broadcast_in_dim3A : vector<1x2048xf32> to vector<256x2048xf32>
    %add3A_13 = arith.addf %add3A, %add3A_12 : vector<256x2048xf32>
    %mul3A_14 = arith.constant 2.000000e+00 : f32
    %mul3A_15 = vector.broadcast %mul3A_14 : f32 to vector<256x2048xf32>
    %mul3A_16 = arith.mulf %mul3A_15, %dot_general3A_8 : vector<256x2048xf32>
    %sub3A = arith.subf %add3A_13, %mul3A_16 : vector<256x2048xf32>
    %max3A = arith.constant 0.000000e+00 : f32
    %max3A_17 = vector.broadcast %max3A : f32 to vector<256x2048xf32>
    %max3A_18 = arith.maximumf %sub3A, %max3A_17 : vector<256x2048xf32>
    %iota3A = tpu.iota {dimensions = array<i32: 1>} : vector<256x2048xi32>
    %lt3A = arith.constant 48 : i32
    %lt3A_19 = arith.cmpi slt, %arg0, %lt3A : i32
    %lt3A_20 = arith.constant 1696 : i32
    %lt3A_21 = vector.broadcast %lt3A_20 : i32 to vector<256x2048xi32>
    %lt3A_22 = arith.cmpi slt, %iota3A, %lt3A_21 : vector<256x2048xi32>
    %or3A = vector.broadcast %lt3A_19 : i1 to vector<256x2048xi1>
    %or3A_23 = arith.ori %or3A, %lt3A_22 : vector<256x2048xi1>
    %jit3A = arith.constant 1.000000e+30 : f32
    %broadcast_in_dim3A_24 = vector.broadcast %jit3A : f32 to vector<256x2048xf32>
    %select_n3A = arith.select %or3A_23, %max3A_18, %broadcast_in_dim3A_24 : vector<256x2048xi1>, vector<256x2048xf32>
    %swap3A = arith.constant 0 : index
    %swap3A_25 = arith.constant 0 : index
    %swap3A_26 = vector.load %arg3[%swap3A, %swap3A_25] : memref<256x2048xf32, #tpu.memory_space<vmem>>, vector<256x2048xf32>
    tpu.vector_store %arg3[%swap3A, %swap3A_25], %select_n3A {strides = array<i32>} : memref<256x2048xf32, #tpu.memory_space<vmem>>, vector<256x2048xf32>,
    %lt3A_27 = arith.constant 7 : i32
    %lt3A_28 = arith.cmpi slt, %arg0, %lt3A_27 : i32
    %convert_element_type3A_29 = arith.extui %lt3A_28 : i1 to i32
    %cond3A_30 = arith.constant 0 : i32
    %cond3A_31 = arith.cmpi ne, %convert_element_type3A_29, %cond3A_30 : i32
    scf.if %cond3A_31 {
      %get3A_37 = arith.constant 0 : index
      %get3A_38 = arith.constant 0 : index
      %get3A_39 = vector.load %arg5[%get3A_37, %get3A_38] : memref<256x128xf32, #tpu.memory_space<vmem>>, vector<256x128xf32>
      %reduce_min3A = arith.constant dense<0x7F800000> : vector<256xf32>
      %reduce_min3A_40 = vector.multi_reduction <minimumf>, %select_n3A, %reduce_min3A [1] : vector<256x2048xf32> to vector<256xf32>
      %broadcast_in_dim3A_41 = vector.shape_cast %reduce_min3A_40 : vector<256xf32> to vector<256x1xf32>
      %reduce_min3A_42 = arith.constant dense<0x7F800000> : vector<256xf32>
      %reduce_min3A_43 = vector.multi_reduction <minimumf>, %get3A_39, %reduce_min3A_42 [1] : vector<256x128xf32> to vector<256xf32>
      %broadcast_in_dim3A_44 = vector.shape_cast %reduce_min3A_43 : vector<256xf32> to vector<256x1xf32>
      %min3A = arith.minimumf %broadcast_in_dim3A_41, %broadcast_in_dim3A_44 : vector<256x1xf32>
      %gt3A = vector.broadcast %min3A : vector<256x1xf32> to vector<256x2048xf32>
      %gt3A_45 = arith.cmpf ogt, %select_n3A, %gt3A : vector<256x2048xf32>
      %jit3A_46 = arith.constant 1.000000e+30 : f32
      %broadcast_in_dim3A_47 = vector.broadcast %jit3A_46 : f32 to vector<256x2048xf32>
      %select_n3A_48 = arith.select %gt3A_45, %select_n3A, %broadcast_in_dim3A_47 : vector<256x2048xi1>, vector<256x2048xf32>
      %reduce_min3A_49 = arith.constant dense<0x7F800000> : vector<256xf32>
      %reduce_min3A_50 = vector.multi_reduction <minimumf>, %select_n3A_48, %reduce_min3A_49 [1] : vector<256x2048xf32> to vector<256xf32>
      %broadcast_in_dim3A_51 = vector.shape_cast %reduce_min3A_50 : vector<256xf32> to vector<256x1xf32>
      %gt3A_52 = vector.broadcast %min3A : vector<256x1xf32> to vector<256x128xf32>
      %gt3A_53 = arith.cmpf ogt, %get3A_39, %gt3A_52 : vector<256x128xf32>
      %jit3A_54 = arith.constant 1.000000e+30 : f32
      %broadcast_in_dim3A_55 = vector.broadcast %jit3A_54 : f32 to vector<256x128xf32>
      %select_n3A_56 = arith.select %gt3A_53, %get3A_39, %broadcast_in_dim3A_55 : vector<256x128xi1>, vector<256x128xf32>
      %reduce_min3A_57 = arith.constant dense<0x7F800000> : vector<256xf32>
      %reduce_min3A_58 = vector.multi_reduction <minimumf>, %select_n3A_56, %reduce_min3A_57 [1] : vector<256x128xf32> to vector<256xf32>
      %broadcast_in_dim3A_59 = vector.shape_cast %reduce_min3A_58 : vector<256xf32> to vector<256x1xf32>
      %min3A_60 = arith.minimumf %broadcast_in_dim3A_51, %broadcast_in_dim3A_59 : vector<256x1xf32>
      %gt3A_61 = vector.broadcast %min3A_60 : vector<256x1xf32> to vector<256x2048xf32>
      %gt3A_62 = arith.cmpf ogt, %select_n3A, %gt3A_61 : vector<256x2048xf32>
      %jit3A_63 = arith.constant 1.000000e+30 : f32
      %broadcast_in_dim3A_64 = vector.broadcast %jit3A_63 : f32 to vector<256x2048xf32>
      %select_n3A_65 = arith.select %gt3A_62, %select_n3A, %broadcast_in_dim3A_64 : vector<256x2048xi1>, vector<256x2048xf32>
      %reduce_min3A_66 = arith.constant dense<0x7F800000> : vector<256xf32>
      %reduce_min3A_67 = vector.multi_reduction <minimumf>, %select_n3A_65, %reduce_min3A_66 [1] : vector<256x2048xf32> to vector<256xf32>
      %broadcast_in_dim3A_68 = vector.shape_cast %reduce_min3A_67 : vector<256xf32> to vector<256x1xf32>
      %gt3A_69 = vector.broadcast %min3A_60 : vector<256x1xf32> to vector<256x128xf32>
      %gt3A_70 = arith.cmpf ogt, %get3A_39, %gt3A_69 : vector<256x128xf32>
      %jit3A_71 = arith.constant 1.000000e+30 : f32
      %broadcast_in_dim3A_72 = vector.broadcast %jit3A_71 : f32 to vector<256x128xf32>
      %select_n3A_73 = arith.select %gt3A_70, %get3A_39, %broadcast_in_dim3A_72 : vector<256x128xi1>, vector<256x128xf32>
      %reduce_min3A_74 = arith.constant dense<0x7F800000> : vector<256xf32>
      %reduce_min3A_75 = vector.multi_reduction <minimumf>, %select_n3A_73, %reduce_min3A_74 [1] : vector<256x128xf32> to vector<256xf32>
      %broadcast_in_dim3A_76 = vector.shape_cast %reduce_min3A_75 : vector<256xf32> to vector<256x1xf32>
      %min3A_77 = arith.minimumf %broadcast_in_dim3A_68, %broadcast_in_dim3A_76 : vector<256x1xf32>
      %gt3A_78 = vector.broadcast %min3A_77 : vector<256x1xf32> to vector<256x2048xf32>
      %gt3A_79 = arith.cmpf ogt, %select_n3A, %gt3A_78 : vector<256x2048xf32>
      %jit3A_80 = arith.constant 1.000000e+30 : f32
      %broadcast_in_dim3A_81 = vector.broadcast %jit3A_80 : f32 to vector<256x2048xf32>
      %select_n3A_82 = arith.select %gt3A_79, %select_n3A, %broadcast_in_dim3A_81 : vector<256x2048xi1>, vector<256x2048xf32>
      %reduce_min3A_83 = arith.constant dense<0x7F800000> : vector<256xf32>
      %reduce_min3A_84 = vector.multi_reduction <minimumf>, %select_n3A_82, %reduce_min3A_83 [1] : vector<256x2048xf32> to vector<256xf32>
      %broadcast_in_dim3A_85 = vector.shape_cast %reduce_min3A_84 : vector<256xf32> to vector<256x1xf32>
      %gt3A_86 = vector.broadcast %min3A_77 : vector<256x1xf32> to vector<256x128xf32>
      %gt3A_87 = arith.cmpf ogt, %get3A_39, %gt3A_86 : vector<256x128xf32>
      %jit3A_88 = arith.constant 1.000000e+30 : f32
      %broadcast_in_dim3A_89 = vector.broadcast %jit3A_88 : f32 to vector<256x128xf32>
      %select_n3A_90 = arith.select %gt3A_87, %get3A_39, %broadcast_in_dim3A_89 : vector<256x128xi1>, vector<256x128xf32>
      %reduce_min3A_91 = arith.constant dense<0x7F800000> : vector<256xf32>
      %reduce_min3A_92 = vector.multi_reduction <minimumf>, %select_n3A_90, %reduce_min3A_91 [1] : vector<256x128xf32> to vector<256xf32>
      %broadcast_in_dim3A_93 = vector.shape_cast %reduce_min3A_92 : vector<256xf32> to vector<256x1xf32>
      %min3A_94 = arith.minimumf %broadcast_in_dim3A_85, %broadcast_in_dim3A_93 : vector<256x1xf32>
      %gt3A_95 = vector.broadcast %min3A_94 : vector<256x1xf32> to vector<256x2048xf32>
      %gt3A_96 = arith.cmpf ogt, %select_n3A, %gt3A_95 : vector<256x2048xf32>
      %jit3A_97 = arith.constant 1.000000e+30 : f32
      %broadcast_in_dim3A_98 = vector.broadcast %jit3A_97 : f32 to vector<256x2048xf32>
      %select_n3A_99 = arith.select %gt3A_96, %select_n3A, %broadcast_in_dim3A_98 : vector<256x2048xi1>, vector<256x2048xf32>
      %reduce_min3A_100 = arith.constant dense<0x7F800000> : vector<256xf32>
      %reduce_min3A_101 = vector.multi_reduction <minimumf>, %select_n3A_99, %reduce_min3A_100 [1] : vector<256x2048xf32> to vector<256xf32>
      %broadcast_in_dim3A_102 = vector.shape_cast %reduce_min3A_101 : vector<256xf32> to vector<256x1xf32>
      %gt3A_103 = vector.broadcast %min3A_94 : vector<256x1xf32> to vector<256x128xf32>
      %gt3A_104 = arith.cmpf ogt, %get3A_39, %gt3A_103 : vector<256x128xf32>
      %jit3A_105 = arith.constant 1.000000e+30 : f32
      %broadcast_in_dim3A_106 = vector.broadcast %jit3A_105 : f32 to vector<256x128xf32>
      %select_n3A_107 = arith.select %gt3A_104, %get3A_39, %broadcast_in_dim3A_106 : vector<256x128xi1>, vector<256x128xf32>
      %reduce_min3A_108 = arith.constant dense<0x7F800000> : vector<256xf32>
      %reduce_min3A_109 = vector.multi_reduction <minimumf>, %select_n3A_107, %reduce_min3A_108 [1] : vector<256x128xf32> to vector<256xf32>
      %broadcast_in_dim3A_110 = vector.shape_cast %reduce_min3A_109 : vector<256xf32> to vector<256x1xf32>
      %min3A_111 = arith.minimumf %broadcast_in_dim3A_102, %broadcast_in_dim3A_110 : vector<256x1xf32>
      %gt3A_112 = vector.broadcast %min3A_111 : vector<256x1xf32> to vector<256x2048xf32>
      %gt3A_113 = arith.cmpf ogt, %select_n3A, %gt3A_112 : vector<256x2048xf32>
      %jit3A_114 = arith.constant 1.000000e+30 : f32
      %broadcast_in_dim3A_115 = vector.broadcast %jit3A_114 : f32 to vector<256x2048xf32>
      %select_n3A_116 = arith.select %gt3A_113, %select_n3A, %broadcast_in_dim3A_115 : vector<256x2048xi1>, vector<256x2048xf32>
      %reduce_min3A_117 = arith.constant dense<0x7F800000> : vector<256xf32>
      %reduce_min3A_118 = vector.multi_reduction <minimumf>, %select_n3A_116, %reduce_min3A_117 [1] : vector<256x2048xf32> to vector<256xf32>
      %broadcast_in_dim3A_119 = vector.shape_cast %reduce_min3A_118 : vector<256xf32> to vector<256x1xf32>
      %gt3A_120 = vector.broadcast %min3A_111 : vector<256x1xf32> to vector<256x128xf32>
      %gt3A_121 = arith.cmpf ogt, %get3A_39, %gt3A_120 : vector<256x128xf32>
      %jit3A_122 = arith.constant 1.000000e+30 : f32
      %broadcast_in_dim3A_123 = vector.broadcast %jit3A_122 : f32 to vector<256x128xf32>
      %select_n3A_124 = arith.select %gt3A_121, %get3A_39, %broadcast_in_dim3A_123 : vector<256x128xi1>, vector<256x128xf32>
      %reduce_min3A_125 = arith.constant dense<0x7F800000> : vector<256xf32>
      %reduce_min3A_126 = vector.multi_reduction <minimumf>, %select_n3A_124, %reduce_min3A_125 [1] : vector<256x128xf32> to vector<256xf32>
      %broadcast_in_dim3A_127 = vector.shape_cast %reduce_min3A_126 : vector<256xf32> to vector<256x1xf32>
      %min3A_128 = arith.minimumf %broadcast_in_dim3A_119, %broadcast_in_dim3A_127 : vector<256x1xf32>
      %gt3A_129 = vector.broadcast %min3A_128 : vector<256x1xf32> to vector<256x2048xf32>
      %gt3A_130 = arith.cmpf ogt, %select_n3A, %gt3A_129 : vector<256x2048xf32>
      %jit3A_131 = arith.constant 1.000000e+30 : f32
      %broadcast_in_dim3A_132 = vector.broadcast %jit3A_131 : f32 to vector<256x2048xf32>
      %select_n3A_133 = arith.select %gt3A_130, %select_n3A, %broadcast_in_dim3A_132 : vector<256x2048xi1>, vector<256x2048xf32>
      %reduce_min3A_134 = arith.constant dense<0x7F800000> : vector<256xf32>
      %reduce_min3A_135 = vector.multi_reduction <minimumf>, %select_n3A_133, %reduce_min3A_134 [1] : vector<256x2048xf32> to vector<256xf32>
      %broadcast_in_dim3A_136 = vector.shape_cast %reduce_min3A_135 : vector<256xf32> to vector<256x1xf32>
      %gt3A_137 = vector.broadcast %min3A_128 : vector<256x1xf32> to vector<256x128xf32>
      %gt3A_138 = arith.cmpf ogt, %get3A_39, %gt3A_137 : vector<256x128xf32>
      %jit3A_139 = arith.constant 1.000000e+30 : f32
      %broadcast_in_dim3A_140 = vector.broadcast %jit3A_139 : f32 to vector<256x128xf32>
      %select_n3A_141 = arith.select %gt3A_138, %get3A_39, %broadcast_in_dim3A_140 : vector<256x128xi1>, vector<256x128xf32>
      %reduce_min3A_142 = arith.constant dense<0x7F800000> : vector<256xf32>
      %reduce_min3A_143 = vector.multi_reduction <minimumf>, %select_n3A_141, %reduce_min3A_142 [1] : vector<256x128xf32> to vector<256xf32>
      %broadcast_in_dim3A_144 = vector.shape_cast %reduce_min3A_143 : vector<256xf32> to vector<256x1xf32>
      %min3A_145 = arith.minimumf %broadcast_in_dim3A_136, %broadcast_in_dim3A_144 : vector<256x1xf32>
      %gt3A_146 = vector.broadcast %min3A_145 : vector<256x1xf32> to vector<256x2048xf32>
      %gt3A_147 = arith.cmpf ogt, %select_n3A, %gt3A_146 : vector<256x2048xf32>
      %jit3A_148 = arith.constant 1.000000e+30 : f32
      %broadcast_in_dim3A_149 = vector.broadcast %jit3A_148 : f32 to vector<256x2048xf32>
      %select_n3A_150 = arith.select %gt3A_147, %select_n3A, %broadcast_in_dim3A_149 : vector<256x2048xi1>, vector<256x2048xf32>
      %reduce_min3A_151 = arith.constant dense<0x7F800000> : vector<256xf32>
      %reduce_min3A_152 = vector.multi_reduction <minimumf>, %select_n3A_150, %reduce_min3A_151 [1] : vector<256x2048xf32> to vector<256xf32>
      %broadcast_in_dim3A_153 = vector.shape_cast %reduce_min3A_152 : vector<256xf32> to vector<256x1xf32>
      %gt3A_154 = vector.broadcast %min3A_145 : vector<256x1xf32> to vector<256x128xf32>
      %gt3A_155 = arith.cmpf ogt, %get3A_39, %gt3A_154 : vector<256x128xf32>
      %jit3A_156 = arith.constant 1.000000e+30 : f32
      %broadcast_in_dim3A_157 = vector.broadcast %jit3A_156 : f32 to vector<256x128xf32>
      %select_n3A_158 = arith.select %gt3A_155, %get3A_39, %broadcast_in_dim3A_157 : vector<256x128xi1>, vector<256x128xf32>
      %reduce_min3A_159 = arith.constant dense<0x7F800000> : vector<256xf32>
      %reduce_min3A_160 = vector.multi_reduction <minimumf>, %select_n3A_158, %reduce_min3A_159 [1] : vector<256x128xf32> to vector<256xf32>
      %broadcast_in_dim3A_161 = vector.shape_cast %reduce_min3A_160 : vector<256xf32> to vector<256x1xf32>
      %min3A_162 = arith.minimumf %broadcast_in_dim3A_153, %broadcast_in_dim3A_161 : vector<256x1xf32>
      %gt3A_163 = vector.broadcast %min3A_162 : vector<256x1xf32> to vector<256x2048xf32>
      %gt3A_164 = arith.cmpf ogt, %select_n3A, %gt3A_163 : vector<256x2048xf32>
      %jit3A_165 = arith.constant 1.000000e+30 : f32
      %broadcast_in_dim3A_166 = vector.broadcast %jit3A_165 : f32 to vector<256x2048xf32>
      %select_n3A_167 = arith.select %gt3A_164, %select_n3A, %broadcast_in_dim3A_166 : vector<256x2048xi1>, vector<256x2048xf32>
      %reduce_min3A_168 = arith.constant dense<0x7F800000> : vector<256xf32>
      %reduce_min3A_169 = vector.multi_reduction <minimumf>, %select_n3A_167, %reduce_min3A_168 [1] : vector<256x2048xf32> to vector<256xf32>
      %broadcast_in_dim3A_170 = vector.shape_cast %reduce_min3A_169 : vector<256xf32> to vector<256x1xf32>
      %gt3A_171 = vector.broadcast %min3A_162 : vector<256x1xf32> to vector<256x128xf32>
      %gt3A_172 = arith.cmpf ogt, %get3A_39, %gt3A_171 : vector<256x128xf32>
      %jit3A_173 = arith.constant 1.000000e+30 : f32
      %broadcast_in_dim3A_174 = vector.broadcast %jit3A_173 : f32 to vector<256x128xf32>
      %select_n3A_175 = arith.select %gt3A_172, %get3A_39, %broadcast_in_dim3A_174 : vector<256x128xi1>, vector<256x128xf32>
      %reduce_min3A_176 = arith.constant dense<0x7F800000> : vector<256xf32>
      %reduce_min3A_177 = vector.multi_reduction <minimumf>, %select_n3A_175, %reduce_min3A_176 [1] : vector<256x128xf32> to vector<256xf32>
      %broadcast_in_dim3A_178 = vector.shape_cast %reduce_min3A_177 : vector<256xf32> to vector<256x1xf32>
      %min3A_179 = arith.minimumf %broadcast_in_dim3A_170, %broadcast_in_dim3A_178 : vector<256x1xf32>
      %gt3A_180 = vector.broadcast %min3A_179 : vector<256x1xf32> to vector<256x2048xf32>
      %gt3A_181 = arith.cmpf ogt, %select_n3A, %gt3A_180 : vector<256x2048xf32>
      %jit3A_182 = arith.constant 1.000000e+30 : f32
      %broadcast_in_dim3A_183 = vector.broadcast %jit3A_182 : f32 to vector<256x2048xf32>
      %select_n3A_184 = arith.select %gt3A_181, %select_n3A, %broadcast_in_dim3A_183 : vector<256x2048xi1>, vector<256x2048xf32>
      %reduce_min3A_185 = arith.constant dense<0x7F800000> : vector<256xf32>
      %reduce_min3A_186 = vector.multi_reduction <minimumf>, %select_n3A_184, %reduce_min3A_185 [1] : vector<256x2048xf32> to vector<256xf32>
      %broadcast_in_dim3A_187 = vector.shape_cast %reduce_min3A_186 : vector<256xf32> to vector<256x1xf32>
      %gt3A_188 = vector.broadcast %min3A_179 : vector<256x1xf32> to vector<256x128xf32>
      %gt3A_189 = arith.cmpf ogt, %get3A_39, %gt3A_188 : vector<256x128xf32>
      %jit3A_190 = arith.constant 1.000000e+30 : f32
      %broadcast_in_dim3A_191 = vector.broadcast %jit3A_190 : f32 to vector<256x128xf32>
      %select_n3A_192 = arith.select %gt3A_189, %get3A_39, %broadcast_in_dim3A_191 : vector<256x128xi1>, vector<256x128xf32>
      %reduce_min3A_193 = arith.constant dense<0x7F800000> : vector<256xf32>
      %reduce_min3A_194 = vector.multi_reduction <minimumf>, %select_n3A_192, %reduce_min3A_193 [1] : vector<256x128xf32> to vector<256xf32>
      %broadcast_in_dim3A_195 = vector.shape_cast %reduce_min3A_194 : vector<256xf32> to vector<256x1xf32>
      %min3A_196 = arith.minimumf %broadcast_in_dim3A_187, %broadcast_in_dim3A_195 : vector<256x1xf32>
      %gt3A_197 = vector.broadcast %min3A_196 : vector<256x1xf32> to vector<256x2048xf32>
      %gt3A_198 = arith.cmpf ogt, %select_n3A, %gt3A_197 : vector<256x2048xf32>
      %jit3A_199 = arith.constant 1.000000e+30 : f32
      %broadcast_in_dim3A_200 = vector.broadcast %jit3A_199 : f32 to vector<256x2048xf32>
      %select_n3A_201 = arith.select %gt3A_198, %select_n3A, %broadcast_in_dim3A_200 : vector<256x2048xi1>, vector<256x2048xf32>
      %reduce_min3A_202 = arith.constant dense<0x7F800000> : vector<256xf32>
      %reduce_min3A_203 = vector.multi_reduction <minimumf>, %select_n3A_201, %reduce_min3A_202 [1] : vector<256x2048xf32> to vector<256xf32>
      %broadcast_in_dim3A_204 = vector.shape_cast %reduce_min3A_203 : vector<256xf32> to vector<256x1xf32>
      %gt3A_205 = vector.broadcast %min3A_196 : vector<256x1xf32> to vector<256x128xf32>
      %gt3A_206 = arith.cmpf ogt, %get3A_39, %gt3A_205 : vector<256x128xf32>
      %jit3A_207 = arith.constant 1.000000e+30 : f32
      %broadcast_in_dim3A_208 = vector.broadcast %jit3A_207 : f32 to vector<256x128xf32>
      %select_n3A_209 = arith.select %gt3A_206, %get3A_39, %broadcast_in_dim3A_208 : vector<256x128xi1>, vector<256x128xf32>
      %reduce_min3A_210 = arith.constant dense<0x7F800000> : vector<256xf32>
      %reduce_min3A_211 = vector.multi_reduction <minimumf>, %select_n3A_209, %reduce_min3A_210 [1] : vector<256x128xf32> to vector<256xf32>
      %broadcast_in_dim3A_212 = vector.shape_cast %reduce_min3A_211 : vector<256xf32> to vector<256x1xf32>
      %min3A_213 = arith.minimumf %broadcast_in_dim3A_204, %broadcast_in_dim3A_212 : vector<256x1xf32>
      %gt3A_214 = vector.broadcast %min3A_213 : vector<256x1xf32> to vector<256x2048xf32>
      %gt3A_215 = arith.cmpf ogt, %select_n3A, %gt3A_214 : vector<256x2048xf32>
      %jit3A_216 = arith.constant 1.000000e+30 : f32
      %broadcast_in_dim3A_217 = vector.broadcast %jit3A_216 : f32 to vector<256x2048xf32>
      %select_n3A_218 = arith.select %gt3A_215, %select_n3A, %broadcast_in_dim3A_217 : vector<256x2048xi1>, vector<256x2048xf32>
      %reduce_min3A_219 = arith.constant dense<0x7F800000> : vector<256xf32>
      %reduce_min3A_220 = vector.multi_reduction <minimumf>, %select_n3A_218, %reduce_min3A_219 [1] : vector<256x2048xf32> to vector<256xf32>
      %broadcast_in_dim3A_221 = vector.shape_cast %reduce_min3A_220 : vector<256xf32> to vector<256x1xf32>
      %gt3A_222 = vector.broadcast %min3A_213 : vector<256x1xf32> to vector<256x128xf32>
      %gt3A_223 = arith.cmpf ogt, %get3A_39, %gt3A_222 : vector<256x128xf32>
      %jit3A_224 = arith.constant 1.000000e+30 : f32
      %broadcast_in_dim3A_225 = vector.broadcast %jit3A_224 : f32 to vector<256x128xf32>
      %select_n3A_226 = arith.select %gt3A_223, %get3A_39, %broadcast_in_dim3A_225 : vector<256x128xi1>, vector<256x128xf32>
      %reduce_min3A_227 = arith.constant dense<0x7F800000> : vector<256xf32>
      %reduce_min3A_228 = vector.multi_reduction <minimumf>, %select_n3A_226, %reduce_min3A_227 [1] : vector<256x128xf32> to vector<256xf32>
      %broadcast_in_dim3A_229 = vector.shape_cast %reduce_min3A_228 : vector<256xf32> to vector<256x1xf32>
      %min3A_230 = arith.minimumf %broadcast_in_dim3A_221, %broadcast_in_dim3A_229 : vector<256x1xf32>
      %gt3A_231 = vector.broadcast %min3A_230 : vector<256x1xf32> to vector<256x2048xf32>
      %gt3A_232 = arith.cmpf ogt, %select_n3A, %gt3A_231 : vector<256x2048xf32>
      %jit3A_233 = arith.constant 1.000000e+30 : f32
      %broadcast_in_dim3A_234 = vector.broadcast %jit3A_233 : f32 to vector<256x2048xf32>
      %select_n3A_235 = arith.select %gt3A_232, %select_n3A, %broadcast_in_dim3A_234 : vector<256x2048xi1>, vector<256x2048xf32>
      %reduce_min3A_236 = arith.constant dense<0x7F800000> : vector<256xf32>
      %reduce_min3A_237 = vector.multi_reduction <minimumf>, %select_n3A_235, %reduce_min3A_236 [1] : vector<256x2048xf32> to vector<256xf32>
      %broadcast_in_dim3A_238 = vector.shape_cast %reduce_min3A_237 : vector<256xf32> to vector<256x1xf32>
      %gt3A_239 = vector.broadcast %min3A_230 : vector<256x1xf32> to vector<256x128xf32>
      %gt3A_240 = arith.cmpf ogt, %get3A_39, %gt3A_239 : vector<256x128xf32>
      %jit3A_241 = arith.constant 1.000000e+30 : f32
      %broadcast_in_dim3A_242 = vector.broadcast %jit3A_241 : f32 to vector<256x128xf32>
      %select_n3A_243 = arith.select %gt3A_240, %get3A_39, %broadcast_in_dim3A_242 : vector<256x128xi1>, vector<256x128xf32>
      %reduce_min3A_244 = arith.constant dense<0x7F800000> : vector<256xf32>
      %reduce_min3A_245 = vector.multi_reduction <minimumf>, %select_n3A_243, %reduce_min3A_244 [1] : vector<256x128xf32> to vector<256xf32>
      %broadcast_in_dim3A_246 = vector.shape_cast %reduce_min3A_245 : vector<256xf32> to vector<256x1xf32>
      %min3A_247 = arith.minimumf %broadcast_in_dim3A_238, %broadcast_in_dim3A_246 : vector<256x1xf32>
      %gt3A_248 = vector.broadcast %min3A_247 : vector<256x1xf32> to vector<256x2048xf32>
      %gt3A_249 = arith.cmpf ogt, %select_n3A, %gt3A_248 : vector<256x2048xf32>
      %jit3A_250 = arith.constant 1.000000e+30 : f32
      %broadcast_in_dim3A_251 = vector.broadcast %jit3A_250 : f32 to vector<256x2048xf32>
      %select_n3A_252 = arith.select %gt3A_249, %select_n3A, %broadcast_in_dim3A_251 : vector<256x2048xi1>, vector<256x2048xf32>
      %reduce_min3A_253 = arith.constant dense<0x7F800000> : vector<256xf32>
      %reduce_min3A_254 = vector.multi_reduction <minimumf>, %select_n3A_252, %reduce_min3A_253 [1] : vector<256x2048xf32> to vector<256xf32>
      %broadcast_in_dim3A_255 = vector.shape_cast %reduce_min3A_254 : vector<256xf32> to vector<256x1xf32>
      %gt3A_256 = vector.broadcast %min3A_247 : vector<256x1xf32> to vector<256x128xf32>
      %gt3A_257 = arith.cmpf ogt, %get3A_39, %gt3A_256 : vector<256x128xf32>
      %jit3A_258 = arith.constant 1.000000e+30 : f32
      %broadcast_in_dim3A_259 = vector.broadcast %jit3A_258 : f32 to vector<256x128xf32>
      %select_n3A_260 = arith.select %gt3A_257, %get3A_39, %broadcast_in_dim3A_259 : vector<256x128xi1>, vector<256x128xf32>
      %reduce_min3A_261 = arith.constant dense<0x7F800000> : vector<256xf32>
      %reduce_min3A_262 = vector.multi_reduction <minimumf>, %select_n3A_260, %reduce_min3A_261 [1] : vector<256x128xf32> to vector<256xf32>
      %broadcast_in_dim3A_263 = vector.shape_cast %reduce_min3A_262 : vector<256xf32> to vector<256x1xf32>
      %min3A_264 = arith.minimumf %broadcast_in_dim3A_255, %broadcast_in_dim3A_263 : vector<256x1xf32>
      %gt3A_265 = vector.broadcast %min3A_264 : vector<256x1xf32> to vector<256x2048xf32>
      %gt3A_266 = arith.cmpf ogt, %select_n3A, %gt3A_265 : vector<256x2048xf32>
      %jit3A_267 = arith.constant 1.000000e+30 : f32
      %broadcast_in_dim3A_268 = vector.broadcast %jit3A_267 : f32 to vector<256x2048xf32>
      %select_n3A_269 = arith.select %gt3A_266, %select_n3A, %broadcast_in_dim3A_268 : vector<256x2048xi1>, vector<256x2048xf32>
      %reduce_min3A_270 = arith.constant dense<0x7F800000> : vector<256xf32>
      %reduce_min3A_271 = vector.multi_reduction <minimumf>, %select_n3A_269, %reduce_min3A_270 [1] : vector<256x2048xf32> to vector<256xf32>
      %broadcast_in_dim3A_272 = vector.shape_cast %reduce_min3A_271 : vector<256xf32> to vector<256x1xf32>
      %gt3A_273 = vector.broadcast %min3A_264 : vector<256x1xf32> to vector<256x128xf32>
      %gt3A_274 = arith.cmpf ogt, %get3A_39, %gt3A_273 : vector<256x128xf32>
      %jit3A_275 = arith.constant 1.000000e+30 : f32
      %broadcast_in_dim3A_276 = vector.broadcast %jit3A_275 : f32 to vector<256x128xf32>
      %select_n3A_277 = arith.select %gt3A_274, %get3A_39, %broadcast_in_dim3A_276 : vector<256x128xi1>, vector<256x128xf32>
      %reduce_min3A_278 = arith.constant dense<0x7F800000> : vector<256xf32>
      %reduce_min3A_279 = vector.multi_reduction <minimumf>, %select_n3A_277, %reduce_min3A_278 [1] : vector<256x128xf32> to vector<256xf32>
      %broadcast_in_dim3A_280 = vector.shape_cast %reduce_min3A_279 : vector<256xf32> to vector<256x1xf32>
      %min3A_281 = arith.minimumf %broadcast_in_dim3A_272, %broadcast_in_dim3A_280 : vector<256x1xf32>
      %gt3A_282 = vector.broadcast %min3A_281 : vector<256x1xf32> to vector<256x2048xf32>
      %gt3A_283 = arith.cmpf ogt, %select_n3A, %gt3A_282 : vector<256x2048xf32>
      %jit3A_284 = arith.constant 1.000000e+30 : f32
      %broadcast_in_dim3A_285 = vector.broadcast %jit3A_284 : f32 to vector<256x2048xf32>
      %select_n3A_286 = arith.select %gt3A_283, %select_n3A, %broadcast_in_dim3A_285 : vector<256x2048xi1>, vector<256x2048xf32>
      %reduce_min3A_287 = arith.constant dense<0x7F800000> : vector<256xf32>
      %reduce_min3A_288 = vector.multi_reduction <minimumf>, %select_n3A_286, %reduce_min3A_287 [1] : vector<256x2048xf32> to vector<256xf32>
      %broadcast_in_dim3A_289 = vector.shape_cast %reduce_min3A_288 : vector<256xf32> to vector<256x1xf32>
      %gt3A_290 = vector.broadcast %min3A_281 : vector<256x1xf32> to vector<256x128xf32>
      %gt3A_291 = arith.cmpf ogt, %get3A_39, %gt3A_290 : vector<256x128xf32>
      %jit3A_292 = arith.constant 1.000000e+30 : f32
      %broadcast_in_dim3A_293 = vector.broadcast %jit3A_292 : f32 to vector<256x128xf32>
      %select_n3A_294 = arith.select %gt3A_291, %get3A_39, %broadcast_in_dim3A_293 : vector<256x128xi1>, vector<256x128xf32>
      %reduce_min3A_295 = arith.constant dense<0x7F800000> : vector<256xf32>
      %reduce_min3A_296 = vector.multi_reduction <minimumf>, %select_n3A_294, %reduce_min3A_295 [1] : vector<256x128xf32> to vector<256xf32>
      %broadcast_in_dim3A_297 = vector.shape_cast %reduce_min3A_296 : vector<256xf32> to vector<256x1xf32>
      %min3A_298 = arith.minimumf %broadcast_in_dim3A_289, %broadcast_in_dim3A_297 : vector<256x1xf32>
      %gt3A_299 = vector.broadcast %min3A_298 : vector<256x1xf32> to vector<256x2048xf32>
      %gt3A_300 = arith.cmpf ogt, %select_n3A, %gt3A_299 : vector<256x2048xf32>
      %jit3A_301 = arith.constant 1.000000e+30 : f32
      %broadcast_in_dim3A_302 = vector.broadcast %jit3A_301 : f32 to vector<256x2048xf32>
      %select_n3A_303 = arith.select %gt3A_300, %select_n3A, %broadcast_in_dim3A_302 : vector<256x2048xi1>, vector<256x2048xf32>
      %reduce_min3A_304 = arith.constant dense<0x7F800000> : vector<256xf32>
      %reduce_min3A_305 = vector.multi_reduction <minimumf>, %select_n3A_303, %reduce_min3A_304 [1] : vector<256x2048xf32> to vector<256xf32>
      %broadcast_in_dim3A_306 = vector.shape_cast %reduce_min3A_305 : vector<256xf32> to vector<256x1xf32>
      %gt3A_307 = vector.broadcast %min3A_298 : vector<256x1xf32> to vector<256x128xf32>
      %gt3A_308 = arith.cmpf ogt, %get3A_39, %gt3A_307 : vector<256x128xf32>
      %jit3A_309 = arith.constant 1.000000e+30 : f32
      %broadcast_in_dim3A_310 = vector.broadcast %jit3A_309 : f32 to vector<256x128xf32>
      %select_n3A_311 = arith.select %gt3A_308, %get3A_39, %broadcast_in_dim3A_310 : vector<256x128xi1>, vector<256x128xf32>
      %reduce_min3A_312 = arith.constant dense<0x7F800000> : vector<256xf32>
      %reduce_min3A_313 = vector.multi_reduction <minimumf>, %select_n3A_311, %reduce_min3A_312 [1] : vector<256x128xf32> to vector<256xf32>
      %broadcast_in_dim3A_314 = vector.shape_cast %reduce_min3A_313 : vector<256xf32> to vector<256x1xf32>
      %min3A_315 = arith.minimumf %broadcast_in_dim3A_306, %broadcast_in_dim3A_314 : vector<256x1xf32>
      %gt3A_316 = vector.broadcast %min3A_315 : vector<256x1xf32> to vector<256x2048xf32>
      %gt3A_317 = arith.cmpf ogt, %select_n3A, %gt3A_316 : vector<256x2048xf32>
      %jit3A_318 = arith.constant 1.000000e+30 : f32
      %broadcast_in_dim3A_319 = vector.broadcast %jit3A_318 : f32 to vector<256x2048xf32>
      %select_n3A_320 = arith.select %gt3A_317, %select_n3A, %broadcast_in_dim3A_319 : vector<256x2048xi1>, vector<256x2048xf32>
      %reduce_min3A_321 = arith.constant dense<0x7F800000> : vector<256xf32>
      %reduce_min3A_322 = vector.multi_reduction <minimumf>, %select_n3A_320, %reduce_min3A_321 [1] : vector<256x2048xf32> to vector<256xf32>
      %broadcast_in_dim3A_323 = vector.shape_cast %reduce_min3A_322 : vector<256xf32> to vector<256x1xf32>
      %gt3A_324 = vector.broadcast %min3A_315 : vector<256x1xf32> to vector<256x128xf32>
      %gt3A_325 = arith.cmpf ogt, %get3A_39, %gt3A_324 : vector<256x128xf32>
      %jit3A_326 = arith.constant 1.000000e+30 : f32
      %broadcast_in_dim3A_327 = vector.broadcast %jit3A_326 : f32 to vector<256x128xf32>
      %select_n3A_328 = arith.select %gt3A_325, %get3A_39, %broadcast_in_dim3A_327 : vector<256x128xi1>, vector<256x128xf32>
      %reduce_min3A_329 = arith.constant dense<0x7F800000> : vector<256xf32>
      %reduce_min3A_330 = vector.multi_reduction <minimumf>, %select_n3A_328, %reduce_min3A_329 [1] : vector<256x128xf32> to vector<256xf32>
      %broadcast_in_dim3A_331 = vector.shape_cast %reduce_min3A_330 : vector<256xf32> to vector<256x1xf32>
      %min3A_332 = arith.minimumf %broadcast_in_dim3A_323, %broadcast_in_dim3A_331 : vector<256x1xf32>
      %gt3A_333 = vector.broadcast %min3A_332 : vector<256x1xf32> to vector<256x2048xf32>
      %gt3A_334 = arith.cmpf ogt, %select_n3A, %gt3A_333 : vector<256x2048xf32>
      %jit3A_335 = arith.constant 1.000000e+30 : f32
      %broadcast_in_dim3A_336 = vector.broadcast %jit3A_335 : f32 to vector<256x2048xf32>
      %select_n3A_337 = arith.select %gt3A_334, %select_n3A, %broadcast_in_dim3A_336 : vector<256x2048xi1>, vector<256x2048xf32>
      %reduce_min3A_338 = arith.constant dense<0x7F800000> : vector<256xf32>
      %reduce_min3A_339 = vector.multi_reduction <minimumf>, %select_n3A_337, %reduce_min3A_338 [1] : vector<256x2048xf32> to vector<256xf32>
      %broadcast_in_dim3A_340 = vector.shape_cast %reduce_min3A_339 : vector<256xf32> to vector<256x1xf32>
      %gt3A_341 = vector.broadcast %min3A_332 : vector<256x1xf32> to vector<256x128xf32>
      %gt3A_342 = arith.cmpf ogt, %get3A_39, %gt3A_341 : vector<256x128xf32>
      %jit3A_343 = arith.constant 1.000000e+30 : f32
      %broadcast_in_dim3A_344 = vector.broadcast %jit3A_343 : f32 to vector<256x128xf32>
      %select_n3A_345 = arith.select %gt3A_342, %get3A_39, %broadcast_in_dim3A_344 : vector<256x128xi1>, vector<256x128xf32>
      %reduce_min3A_346 = arith.constant dense<0x7F800000> : vector<256xf32>
      %reduce_min3A_347 = vector.multi_reduction <minimumf>, %select_n3A_345, %reduce_min3A_346 [1] : vector<256x128xf32> to vector<256xf32>
      %broadcast_in_dim3A_348 = vector.shape_cast %reduce_min3A_347 : vector<256xf32> to vector<256x1xf32>
      %min3A_349 = arith.minimumf %broadcast_in_dim3A_340, %broadcast_in_dim3A_348 : vector<256x1xf32>
      %gt3A_350 = vector.broadcast %min3A_349 : vector<256x1xf32> to vector<256x2048xf32>
      %gt3A_351 = arith.cmpf ogt, %select_n3A, %gt3A_350 : vector<256x2048xf32>
      %jit3A_352 = arith.constant 1.000000e+30 : f32
      %broadcast_in_dim3A_353 = vector.broadcast %jit3A_352 : f32 to vector<256x2048xf32>
      %select_n3A_354 = arith.select %gt3A_351, %select_n3A, %broadcast_in_dim3A_353 : vector<256x2048xi1>, vector<256x2048xf32>
      %reduce_min3A_355 = arith.constant dense<0x7F800000> : vector<256xf32>
      %reduce_min3A_356 = vector.multi_reduction <minimumf>, %select_n3A_354, %reduce_min3A_355 [1] : vector<256x2048xf32> to vector<256xf32>
      %broadcast_in_dim3A_357 = vector.shape_cast %reduce_min3A_356 : vector<256xf32> to vector<256x1xf32>
      %gt3A_358 = vector.broadcast %min3A_349 : vector<256x1xf32> to vector<256x128xf32>
      %gt3A_359 = arith.cmpf ogt, %get3A_39, %gt3A_358 : vector<256x128xf32>
      %jit3A_360 = arith.constant 1.000000e+30 : f32
      %broadcast_in_dim3A_361 = vector.broadcast %jit3A_360 : f32 to vector<256x128xf32>
      %select_n3A_362 = arith.select %gt3A_359, %get3A_39, %broadcast_in_dim3A_361 : vector<256x128xi1>, vector<256x128xf32>
      %reduce_min3A_363 = arith.constant dense<0x7F800000> : vector<256xf32>
      %reduce_min3A_364 = vector.multi_reduction <minimumf>, %select_n3A_362, %reduce_min3A_363 [1] : vector<256x128xf32> to vector<256xf32>
      %broadcast_in_dim3A_365 = vector.shape_cast %reduce_min3A_364 : vector<256xf32> to vector<256x1xf32>
      %min3A_366 = arith.minimumf %broadcast_in_dim3A_357, %broadcast_in_dim3A_365 : vector<256x1xf32>
      %concatenate3A = tpu.concatenate %min3A, %min3A_60, %min3A_77, %min3A_94, %min3A_111, %min3A_128, %min3A_145, %min3A_162, %min3A_179, %min3A_196, %min3A_213, %min3A_230, %min3A_247, %min3A_264, %min3A_281, %min3A_298, %min3A_315, %min3A_332, %min3A_349, %min3A_366 in 1 : vector<256x1xf32>, vector<256x1xf32>, vector<256x1xf32>, vector<256x1xf32>, vector<256x1xf32>, vector<256x1xf32>, vector<256x1xf32>, vector<256x1xf32>, vector<256x1xf32>, vector<256x1xf32>, vector<256x1xf32>, vector<256x1xf32>, vector<256x1xf32>, vector<256x1xf32>, vector<256x1xf32>, vector<256x1xf32>, vector<256x1xf32>, vector<256x1xf32>, vector<256x1xf32>, vector<256x1xf32> -> vector<256x20xf32>
      %swap3A_367 = arith.constant 0 : index
      %swap3A_368 = arith.constant 0 : index
      %swap3A_369 = vector.load %arg5[%swap3A_367, %swap3A_368] : memref<256x128xf32, #tpu.memory_space<vmem>>, vector<256x20xf32>
      tpu.vector_store %arg5[%swap3A_367, %swap3A_368], %concatenate3A {strides = array<i32>} : memref<256x128xf32, #tpu.memory_space<vmem>>, vector<256x20xf32>,
    } else {
    }
    %eq3A_32 = arith.constant 6 : i32
    %eq3A_33 = arith.cmpi eq, %arg0, %eq3A_32 : i32
    %convert_element_type3A_34 = arith.extui %eq3A_33 : i1 to i32
    %cond3A_35 = arith.constant 0 : i32
    %cond3A_36 = arith.cmpi ne, %convert_element_type3A_34, %cond3A_35 : i32
    scf.if %cond3A_36 {
      %get3A_37 = arith.constant 0 : index
      %get3A_38 = arith.constant 0 : index
      %get3A_39 = vector.load %arg5[%get3A_37, %get3A_38] : memref<256x128xf32, #tpu.memory_space<vmem>>, vector<256x128xf32>
      %swap3A_40 = arith.constant 0 : index
      %swap3A_41 = arith.constant 0 : index
      %swap3A_42 = vector.load %arg4[%swap3A_40, %swap3A_41] : memref<256x128xf32, #tpu.memory_space<vmem>>, vector<256x128xf32>
      tpu.vector_store %arg4[%swap3A_40, %swap3A_41], %get3A_39 {strides = array<i32>} : memref<256x128xf32, #tpu.memory_space<vmem>>, vector<256x128xf32>,
    } else {
    }
    return
  }
  func.func @transform_0(%arg0: i32) -> (i32, i32) {
    %c0_i32 = arith.constant 0 : i32
    %c0_i32_0 = arith.constant 0 : i32
    %c0_i32_1 = arith.constant 0 : i32
    return %c0_i32, %c0_i32_0 : i32, i32
  }
  func.func @transform_1(%arg0: i32) -> (i32, i32) {
    %c0_i32 = arith.constant 0 : i32
    %c0_i32_0 = arith.constant 0 : i32
    return %arg0, %c0_i32 : i32, i32
  }
  func.func @transform_2(%arg0: i32) -> (i32, i32) {
    %c0_i32 = arith.constant 0 : i32
    %c0_i32_0 = arith.constant 0 : i32
    return %c0_i32, %arg0 : i32, i32
  }
  func.func @transform_3(%arg0: i32) -> (i32, i32) {
    %c0_i32 = arith.constant 0 : i32
    %c0_i32_0 = arith.constant 0 : i32
    %c0_i32_1 = arith.constant 0 : i32
    return %c0_i32, %c0_i32_0 : i32, i32
  }
}

module attributes {stable_mosaic.version = 14 : i64} {
  func.func @_fused_body(%arg0: i32, %arg1: memref<768x384xf32, #tpu.memory_space<vmem>>, %arg2: memref<2048x384xf32, #tpu.memory_space<vmem>>, %arg3: memref<1x128xf32, #tpu.memory_space<vmem>>, %arg4: memref<768x1xf32, #tpu.memory_space<vmem>>, %arg5: memref<768x128xf32, #tpu.memory_space<vmem>>, %arg6: memref<768x1xf32, #tpu.memory_space<vmem>>) attributes {dimension_semantics = [#tpu.dimension_semantics<arbitrary>], iteration_bounds = array<i64: 49>, scalar_prefetch = 0 : i64, scratch_operands = 2 : i64, tpu.core_type = #tpu.core_type<tc>, window_params = [{pipeline_mode = #tpu.pipeline_mode<synchronous>, transform_indices = @transform_0, window_bounds = array<i64: 768, 384>}, {transform_indices = @transform_1, window_bounds = array<i64: 2048, 384>}, {pipeline_mode = #tpu.pipeline_mode<synchronous>, transform_indices = @transform_2, window_bounds = array<i64: 1, 128>}, {pipeline_mode = #tpu.pipeline_mode<synchronous>, transform_indices = @transform_3, window_bounds = array<i64: 768, 1>}]} {
    %eq3A = arith.constant 0 : i32
    %eq3A_0 = arith.cmpi eq, %arg0, %eq3A : i32
    %convert_element_type3A = arith.extui %eq3A_0 : i1 to i32
    %cond3A = arith.constant 0 : i32
    %cond3A_1 = arith.cmpi ne, %convert_element_type3A, %cond3A : i32
    scf.if %cond3A_1 {
      %get3A_365 = arith.constant 0 : index
      %get3A_366 = arith.constant 0 : index
      %get3A_367 = vector.load %arg1[%get3A_365, %get3A_366] : memref<768x384xf32, #tpu.memory_space<vmem>>, vector<768x384xf32>
      %mul3A_368 = arith.mulf %get3A_367, %get3A_367 : vector<768x384xf32>
      %reduce_sum3A_369 = arith.constant dense<0.000000e+00> : vector<768xf32>
      %reduce_sum3A_370 = vector.multi_reduction <add>, %mul3A_368, %reduce_sum3A_369 [1] : vector<768x384xf32> to vector<768xf32>
      %broadcast_in_dim3A_371 = vector.shape_cast %reduce_sum3A_370 : vector<768xf32> to vector<768x1xf32>
      %swap3A = arith.constant 0 : index
      %swap3A_372 = arith.constant 0 : index
      %swap3A_373 = vector.load %arg6[%swap3A, %swap3A_372] : memref<768x1xf32, #tpu.memory_space<vmem>>, vector<768x1xf32>
      tpu.vector_store %arg6[%swap3A, %swap3A_372], %broadcast_in_dim3A_371 {strides = array<i32>} : memref<768x1xf32, #tpu.memory_space<vmem>>, vector<768x1xf32>,
      %broadcast_in_dim3A_374 = arith.constant 1.000000e+30 : f32
      %broadcast_in_dim3A_375 = vector.broadcast %broadcast_in_dim3A_374 : f32 to vector<768x128xf32>
      %swap3A_376 = arith.constant 0 : index
      %swap3A_377 = arith.constant 0 : index
      %swap3A_378 = vector.load %arg5[%swap3A_376, %swap3A_377] : memref<768x128xf32, #tpu.memory_space<vmem>>, vector<768x128xf32>
      tpu.vector_store %arg5[%swap3A_376, %swap3A_377], %broadcast_in_dim3A_375 {strides = array<i32>} : memref<768x128xf32, #tpu.memory_space<vmem>>, vector<768x128xf32>,
    } else {
    }
    %get3A = arith.constant 0 : index
    %get3A_2 = arith.constant 0 : index
    %get3A_3 = vector.load %arg2[%get3A, %get3A_2] : memref<2048x384xf32, #tpu.memory_space<vmem>>, vector<2048x384xf32>
    %mul3A = arith.mulf %get3A_3, %get3A_3 : vector<2048x384xf32>
    %reduce_sum3A = arith.constant dense<0.000000e+00> : vector<2048xf32>
    %reduce_sum3A_4 = vector.multi_reduction <add>, %mul3A, %reduce_sum3A [1] : vector<2048x384xf32> to vector<2048xf32>
    %broadcast_in_dim3A = vector.shape_cast %reduce_sum3A_4 : vector<2048xf32> to vector<1x2048xf32>
    %get3A_5 = arith.constant 0 : index
    %get3A_6 = arith.constant 0 : index
    %get3A_7 = vector.load %arg1[%get3A_5, %get3A_6] : memref<768x384xf32, #tpu.memory_space<vmem>>, vector<768x384xf32>
    %dot_general3A = arith.constant dense<0.000000e+00> : vector<768x2048xf32>
    %dot_general3A_8 = tpu.matmul %get3A_7, %get3A_3, %dot_general3A {dimension_numbers = #tpu.dot_dimension_numbers<[1], [1], [0], [0], [0, 0, 1, 0], [], []>, transpose_lhs_hint = false} : vector<768x384xf32>, vector<2048x384xf32>, vector<768x2048xf32> -> vector<768x2048xf32>
    %get3A_9 = arith.constant 0 : index
    %get3A_10 = arith.constant 0 : index
    %get3A_11 = vector.load %arg6[%get3A_9, %get3A_10] : memref<768x1xf32, #tpu.memory_space<vmem>>, vector<768x1xf32>
    %add3A = vector.broadcast %get3A_11 : vector<768x1xf32> to vector<768x2048xf32>
    %add3A_12 = vector.broadcast %broadcast_in_dim3A : vector<1x2048xf32> to vector<768x2048xf32>
    %add3A_13 = arith.addf %add3A, %add3A_12 : vector<768x2048xf32>
    %mul3A_14 = arith.constant 2.000000e+00 : f32
    %mul3A_15 = vector.broadcast %mul3A_14 : f32 to vector<768x2048xf32>
    %mul3A_16 = arith.mulf %mul3A_15, %dot_general3A_8 : vector<768x2048xf32>
    %sub3A = arith.subf %add3A_13, %mul3A_16 : vector<768x2048xf32>
    %max3A = arith.constant 0.000000e+00 : f32
    %max3A_17 = vector.broadcast %max3A : f32 to vector<768x2048xf32>
    %max3A_18 = arith.maximumf %sub3A, %max3A_17 : vector<768x2048xf32>
    %iota3A = tpu.iota {dimensions = array<i32: 1>} : vector<768x2048xi32>
    %lt3A = arith.constant 48 : i32
    %lt3A_19 = arith.cmpi slt, %arg0, %lt3A : i32
    %lt3A_20 = arith.constant 1696 : i32
    %lt3A_21 = vector.broadcast %lt3A_20 : i32 to vector<768x2048xi32>
    %lt3A_22 = arith.cmpi slt, %iota3A, %lt3A_21 : vector<768x2048xi32>
    %or3A = vector.broadcast %lt3A_19 : i1 to vector<768x2048xi1>
    %or3A_23 = arith.ori %or3A, %lt3A_22 : vector<768x2048xi1>
    %jit3A = arith.constant 1.000000e+30 : f32
    %broadcast_in_dim3A_24 = vector.broadcast %jit3A : f32 to vector<768x2048xf32>
    %select_n3A = arith.select %or3A_23, %max3A_18, %broadcast_in_dim3A_24 : vector<768x2048xi1>, vector<768x2048xf32>
    %get3A_25 = arith.constant 0 : index
    %get3A_26 = arith.constant 0 : index
    %get3A_27 = vector.load %arg5[%get3A_25, %get3A_26] : memref<768x128xf32, #tpu.memory_space<vmem>>, vector<768x128xf32>
    %reduce_min3A = arith.constant dense<0x7F800000> : vector<768xf32>
    %reduce_min3A_28 = vector.multi_reduction <minimumf>, %select_n3A, %reduce_min3A [1] : vector<768x2048xf32> to vector<768xf32>
    %broadcast_in_dim3A_29 = vector.shape_cast %reduce_min3A_28 : vector<768xf32> to vector<768x1xf32>
    %reduce_min3A_30 = arith.constant dense<0x7F800000> : vector<768xf32>
    %reduce_min3A_31 = vector.multi_reduction <minimumf>, %get3A_27, %reduce_min3A_30 [1] : vector<768x128xf32> to vector<768xf32>
    %broadcast_in_dim3A_32 = vector.shape_cast %reduce_min3A_31 : vector<768xf32> to vector<768x1xf32>
    %min3A = arith.minimumf %broadcast_in_dim3A_29, %broadcast_in_dim3A_32 : vector<768x1xf32>
    %gt3A = vector.broadcast %min3A : vector<768x1xf32> to vector<768x2048xf32>
    %gt3A_33 = arith.cmpf ogt, %select_n3A, %gt3A : vector<768x2048xf32>
    %jit3A_34 = arith.constant 1.000000e+30 : f32
    %broadcast_in_dim3A_35 = vector.broadcast %jit3A_34 : f32 to vector<768x2048xf32>
    %select_n3A_36 = arith.select %gt3A_33, %select_n3A, %broadcast_in_dim3A_35 : vector<768x2048xi1>, vector<768x2048xf32>
    %reduce_min3A_37 = arith.constant dense<0x7F800000> : vector<768xf32>
    %reduce_min3A_38 = vector.multi_reduction <minimumf>, %select_n3A_36, %reduce_min3A_37 [1] : vector<768x2048xf32> to vector<768xf32>
    %broadcast_in_dim3A_39 = vector.shape_cast %reduce_min3A_38 : vector<768xf32> to vector<768x1xf32>
    %gt3A_40 = vector.broadcast %min3A : vector<768x1xf32> to vector<768x128xf32>
    %gt3A_41 = arith.cmpf ogt, %get3A_27, %gt3A_40 : vector<768x128xf32>
    %jit3A_42 = arith.constant 1.000000e+30 : f32
    %broadcast_in_dim3A_43 = vector.broadcast %jit3A_42 : f32 to vector<768x128xf32>
    %select_n3A_44 = arith.select %gt3A_41, %get3A_27, %broadcast_in_dim3A_43 : vector<768x128xi1>, vector<768x128xf32>
    %reduce_min3A_45 = arith.constant dense<0x7F800000> : vector<768xf32>
    %reduce_min3A_46 = vector.multi_reduction <minimumf>, %select_n3A_44, %reduce_min3A_45 [1] : vector<768x128xf32> to vector<768xf32>
    %broadcast_in_dim3A_47 = vector.shape_cast %reduce_min3A_46 : vector<768xf32> to vector<768x1xf32>
    %min3A_48 = arith.minimumf %broadcast_in_dim3A_39, %broadcast_in_dim3A_47 : vector<768x1xf32>
    %gt3A_49 = vector.broadcast %min3A_48 : vector<768x1xf32> to vector<768x2048xf32>
    %gt3A_50 = arith.cmpf ogt, %select_n3A, %gt3A_49 : vector<768x2048xf32>
    %jit3A_51 = arith.constant 1.000000e+30 : f32
    %broadcast_in_dim3A_52 = vector.broadcast %jit3A_51 : f32 to vector<768x2048xf32>
    %select_n3A_53 = arith.select %gt3A_50, %select_n3A, %broadcast_in_dim3A_52 : vector<768x2048xi1>, vector<768x2048xf32>
    %reduce_min3A_54 = arith.constant dense<0x7F800000> : vector<768xf32>
    %reduce_min3A_55 = vector.multi_reduction <minimumf>, %select_n3A_53, %reduce_min3A_54 [1] : vector<768x2048xf32> to vector<768xf32>
    %broadcast_in_dim3A_56 = vector.shape_cast %reduce_min3A_55 : vector<768xf32> to vector<768x1xf32>
    %gt3A_57 = vector.broadcast %min3A_48 : vector<768x1xf32> to vector<768x128xf32>
    %gt3A_58 = arith.cmpf ogt, %get3A_27, %gt3A_57 : vector<768x128xf32>
    %jit3A_59 = arith.constant 1.000000e+30 : f32
    %broadcast_in_dim3A_60 = vector.broadcast %jit3A_59 : f32 to vector<768x128xf32>
    %select_n3A_61 = arith.select %gt3A_58, %get3A_27, %broadcast_in_dim3A_60 : vector<768x128xi1>, vector<768x128xf32>
    %reduce_min3A_62 = arith.constant dense<0x7F800000> : vector<768xf32>
    %reduce_min3A_63 = vector.multi_reduction <minimumf>, %select_n3A_61, %reduce_min3A_62 [1] : vector<768x128xf32> to vector<768xf32>
    %broadcast_in_dim3A_64 = vector.shape_cast %reduce_min3A_63 : vector<768xf32> to vector<768x1xf32>
    %min3A_65 = arith.minimumf %broadcast_in_dim3A_56, %broadcast_in_dim3A_64 : vector<768x1xf32>
    %gt3A_66 = vector.broadcast %min3A_65 : vector<768x1xf32> to vector<768x2048xf32>
    %gt3A_67 = arith.cmpf ogt, %select_n3A, %gt3A_66 : vector<768x2048xf32>
    %jit3A_68 = arith.constant 1.000000e+30 : f32
    %broadcast_in_dim3A_69 = vector.broadcast %jit3A_68 : f32 to vector<768x2048xf32>
    %select_n3A_70 = arith.select %gt3A_67, %select_n3A, %broadcast_in_dim3A_69 : vector<768x2048xi1>, vector<768x2048xf32>
    %reduce_min3A_71 = arith.constant dense<0x7F800000> : vector<768xf32>
    %reduce_min3A_72 = vector.multi_reduction <minimumf>, %select_n3A_70, %reduce_min3A_71 [1] : vector<768x2048xf32> to vector<768xf32>
    %broadcast_in_dim3A_73 = vector.shape_cast %reduce_min3A_72 : vector<768xf32> to vector<768x1xf32>
    %gt3A_74 = vector.broadcast %min3A_65 : vector<768x1xf32> to vector<768x128xf32>
    %gt3A_75 = arith.cmpf ogt, %get3A_27, %gt3A_74 : vector<768x128xf32>
    %jit3A_76 = arith.constant 1.000000e+30 : f32
    %broadcast_in_dim3A_77 = vector.broadcast %jit3A_76 : f32 to vector<768x128xf32>
    %select_n3A_78 = arith.select %gt3A_75, %get3A_27, %broadcast_in_dim3A_77 : vector<768x128xi1>, vector<768x128xf32>
    %reduce_min3A_79 = arith.constant dense<0x7F800000> : vector<768xf32>
    %reduce_min3A_80 = vector.multi_reduction <minimumf>, %select_n3A_78, %reduce_min3A_79 [1] : vector<768x128xf32> to vector<768xf32>
    %broadcast_in_dim3A_81 = vector.shape_cast %reduce_min3A_80 : vector<768xf32> to vector<768x1xf32>
    %min3A_82 = arith.minimumf %broadcast_in_dim3A_73, %broadcast_in_dim3A_81 : vector<768x1xf32>
    %gt3A_83 = vector.broadcast %min3A_82 : vector<768x1xf32> to vector<768x2048xf32>
    %gt3A_84 = arith.cmpf ogt, %select_n3A, %gt3A_83 : vector<768x2048xf32>
    %jit3A_85 = arith.constant 1.000000e+30 : f32
    %broadcast_in_dim3A_86 = vector.broadcast %jit3A_85 : f32 to vector<768x2048xf32>
    %select_n3A_87 = arith.select %gt3A_84, %select_n3A, %broadcast_in_dim3A_86 : vector<768x2048xi1>, vector<768x2048xf32>
    %reduce_min3A_88 = arith.constant dense<0x7F800000> : vector<768xf32>
    %reduce_min3A_89 = vector.multi_reduction <minimumf>, %select_n3A_87, %reduce_min3A_88 [1] : vector<768x2048xf32> to vector<768xf32>
    %broadcast_in_dim3A_90 = vector.shape_cast %reduce_min3A_89 : vector<768xf32> to vector<768x1xf32>
    %gt3A_91 = vector.broadcast %min3A_82 : vector<768x1xf32> to vector<768x128xf32>
    %gt3A_92 = arith.cmpf ogt, %get3A_27, %gt3A_91 : vector<768x128xf32>
    %jit3A_93 = arith.constant 1.000000e+30 : f32
    %broadcast_in_dim3A_94 = vector.broadcast %jit3A_93 : f32 to vector<768x128xf32>
    %select_n3A_95 = arith.select %gt3A_92, %get3A_27, %broadcast_in_dim3A_94 : vector<768x128xi1>, vector<768x128xf32>
    %reduce_min3A_96 = arith.constant dense<0x7F800000> : vector<768xf32>
    %reduce_min3A_97 = vector.multi_reduction <minimumf>, %select_n3A_95, %reduce_min3A_96 [1] : vector<768x128xf32> to vector<768xf32>
    %broadcast_in_dim3A_98 = vector.shape_cast %reduce_min3A_97 : vector<768xf32> to vector<768x1xf32>
    %min3A_99 = arith.minimumf %broadcast_in_dim3A_90, %broadcast_in_dim3A_98 : vector<768x1xf32>
    %gt3A_100 = vector.broadcast %min3A_99 : vector<768x1xf32> to vector<768x2048xf32>
    %gt3A_101 = arith.cmpf ogt, %select_n3A, %gt3A_100 : vector<768x2048xf32>
    %jit3A_102 = arith.constant 1.000000e+30 : f32
    %broadcast_in_dim3A_103 = vector.broadcast %jit3A_102 : f32 to vector<768x2048xf32>
    %select_n3A_104 = arith.select %gt3A_101, %select_n3A, %broadcast_in_dim3A_103 : vector<768x2048xi1>, vector<768x2048xf32>
    %reduce_min3A_105 = arith.constant dense<0x7F800000> : vector<768xf32>
    %reduce_min3A_106 = vector.multi_reduction <minimumf>, %select_n3A_104, %reduce_min3A_105 [1] : vector<768x2048xf32> to vector<768xf32>
    %broadcast_in_dim3A_107 = vector.shape_cast %reduce_min3A_106 : vector<768xf32> to vector<768x1xf32>
    %gt3A_108 = vector.broadcast %min3A_99 : vector<768x1xf32> to vector<768x128xf32>
    %gt3A_109 = arith.cmpf ogt, %get3A_27, %gt3A_108 : vector<768x128xf32>
    %jit3A_110 = arith.constant 1.000000e+30 : f32
    %broadcast_in_dim3A_111 = vector.broadcast %jit3A_110 : f32 to vector<768x128xf32>
    %select_n3A_112 = arith.select %gt3A_109, %get3A_27, %broadcast_in_dim3A_111 : vector<768x128xi1>, vector<768x128xf32>
    %reduce_min3A_113 = arith.constant dense<0x7F800000> : vector<768xf32>
    %reduce_min3A_114 = vector.multi_reduction <minimumf>, %select_n3A_112, %reduce_min3A_113 [1] : vector<768x128xf32> to vector<768xf32>
    %broadcast_in_dim3A_115 = vector.shape_cast %reduce_min3A_114 : vector<768xf32> to vector<768x1xf32>
    %min3A_116 = arith.minimumf %broadcast_in_dim3A_107, %broadcast_in_dim3A_115 : vector<768x1xf32>
    %gt3A_117 = vector.broadcast %min3A_116 : vector<768x1xf32> to vector<768x2048xf32>
    %gt3A_118 = arith.cmpf ogt, %select_n3A, %gt3A_117 : vector<768x2048xf32>
    %jit3A_119 = arith.constant 1.000000e+30 : f32
    %broadcast_in_dim3A_120 = vector.broadcast %jit3A_119 : f32 to vector<768x2048xf32>
    %select_n3A_121 = arith.select %gt3A_118, %select_n3A, %broadcast_in_dim3A_120 : vector<768x2048xi1>, vector<768x2048xf32>
    %reduce_min3A_122 = arith.constant dense<0x7F800000> : vector<768xf32>
    %reduce_min3A_123 = vector.multi_reduction <minimumf>, %select_n3A_121, %reduce_min3A_122 [1] : vector<768x2048xf32> to vector<768xf32>
    %broadcast_in_dim3A_124 = vector.shape_cast %reduce_min3A_123 : vector<768xf32> to vector<768x1xf32>
    %gt3A_125 = vector.broadcast %min3A_116 : vector<768x1xf32> to vector<768x128xf32>
    %gt3A_126 = arith.cmpf ogt, %get3A_27, %gt3A_125 : vector<768x128xf32>
    %jit3A_127 = arith.constant 1.000000e+30 : f32
    %broadcast_in_dim3A_128 = vector.broadcast %jit3A_127 : f32 to vector<768x128xf32>
    %select_n3A_129 = arith.select %gt3A_126, %get3A_27, %broadcast_in_dim3A_128 : vector<768x128xi1>, vector<768x128xf32>
    %reduce_min3A_130 = arith.constant dense<0x7F800000> : vector<768xf32>
    %reduce_min3A_131 = vector.multi_reduction <minimumf>, %select_n3A_129, %reduce_min3A_130 [1] : vector<768x128xf32> to vector<768xf32>
    %broadcast_in_dim3A_132 = vector.shape_cast %reduce_min3A_131 : vector<768xf32> to vector<768x1xf32>
    %min3A_133 = arith.minimumf %broadcast_in_dim3A_124, %broadcast_in_dim3A_132 : vector<768x1xf32>
    %gt3A_134 = vector.broadcast %min3A_133 : vector<768x1xf32> to vector<768x2048xf32>
    %gt3A_135 = arith.cmpf ogt, %select_n3A, %gt3A_134 : vector<768x2048xf32>
    %jit3A_136 = arith.constant 1.000000e+30 : f32
    %broadcast_in_dim3A_137 = vector.broadcast %jit3A_136 : f32 to vector<768x2048xf32>
    %select_n3A_138 = arith.select %gt3A_135, %select_n3A, %broadcast_in_dim3A_137 : vector<768x2048xi1>, vector<768x2048xf32>
    %reduce_min3A_139 = arith.constant dense<0x7F800000> : vector<768xf32>
    %reduce_min3A_140 = vector.multi_reduction <minimumf>, %select_n3A_138, %reduce_min3A_139 [1] : vector<768x2048xf32> to vector<768xf32>
    %broadcast_in_dim3A_141 = vector.shape_cast %reduce_min3A_140 : vector<768xf32> to vector<768x1xf32>
    %gt3A_142 = vector.broadcast %min3A_133 : vector<768x1xf32> to vector<768x128xf32>
    %gt3A_143 = arith.cmpf ogt, %get3A_27, %gt3A_142 : vector<768x128xf32>
    %jit3A_144 = arith.constant 1.000000e+30 : f32
    %broadcast_in_dim3A_145 = vector.broadcast %jit3A_144 : f32 to vector<768x128xf32>
    %select_n3A_146 = arith.select %gt3A_143, %get3A_27, %broadcast_in_dim3A_145 : vector<768x128xi1>, vector<768x128xf32>
    %reduce_min3A_147 = arith.constant dense<0x7F800000> : vector<768xf32>
    %reduce_min3A_148 = vector.multi_reduction <minimumf>, %select_n3A_146, %reduce_min3A_147 [1] : vector<768x128xf32> to vector<768xf32>
    %broadcast_in_dim3A_149 = vector.shape_cast %reduce_min3A_148 : vector<768xf32> to vector<768x1xf32>
    %min3A_150 = arith.minimumf %broadcast_in_dim3A_141, %broadcast_in_dim3A_149 : vector<768x1xf32>
    %gt3A_151 = vector.broadcast %min3A_150 : vector<768x1xf32> to vector<768x2048xf32>
    %gt3A_152 = arith.cmpf ogt, %select_n3A, %gt3A_151 : vector<768x2048xf32>
    %jit3A_153 = arith.constant 1.000000e+30 : f32
    %broadcast_in_dim3A_154 = vector.broadcast %jit3A_153 : f32 to vector<768x2048xf32>
    %select_n3A_155 = arith.select %gt3A_152, %select_n3A, %broadcast_in_dim3A_154 : vector<768x2048xi1>, vector<768x2048xf32>
    %reduce_min3A_156 = arith.constant dense<0x7F800000> : vector<768xf32>
    %reduce_min3A_157 = vector.multi_reduction <minimumf>, %select_n3A_155, %reduce_min3A_156 [1] : vector<768x2048xf32> to vector<768xf32>
    %broadcast_in_dim3A_158 = vector.shape_cast %reduce_min3A_157 : vector<768xf32> to vector<768x1xf32>
    %gt3A_159 = vector.broadcast %min3A_150 : vector<768x1xf32> to vector<768x128xf32>
    %gt3A_160 = arith.cmpf ogt, %get3A_27, %gt3A_159 : vector<768x128xf32>
    %jit3A_161 = arith.constant 1.000000e+30 : f32
    %broadcast_in_dim3A_162 = vector.broadcast %jit3A_161 : f32 to vector<768x128xf32>
    %select_n3A_163 = arith.select %gt3A_160, %get3A_27, %broadcast_in_dim3A_162 : vector<768x128xi1>, vector<768x128xf32>
    %reduce_min3A_164 = arith.constant dense<0x7F800000> : vector<768xf32>
    %reduce_min3A_165 = vector.multi_reduction <minimumf>, %select_n3A_163, %reduce_min3A_164 [1] : vector<768x128xf32> to vector<768xf32>
    %broadcast_in_dim3A_166 = vector.shape_cast %reduce_min3A_165 : vector<768xf32> to vector<768x1xf32>
    %min3A_167 = arith.minimumf %broadcast_in_dim3A_158, %broadcast_in_dim3A_166 : vector<768x1xf32>
    %gt3A_168 = vector.broadcast %min3A_167 : vector<768x1xf32> to vector<768x2048xf32>
    %gt3A_169 = arith.cmpf ogt, %select_n3A, %gt3A_168 : vector<768x2048xf32>
    %jit3A_170 = arith.constant 1.000000e+30 : f32
    %broadcast_in_dim3A_171 = vector.broadcast %jit3A_170 : f32 to vector<768x2048xf32>
    %select_n3A_172 = arith.select %gt3A_169, %select_n3A, %broadcast_in_dim3A_171 : vector<768x2048xi1>, vector<768x2048xf32>
    %reduce_min3A_173 = arith.constant dense<0x7F800000> : vector<768xf32>
    %reduce_min3A_174 = vector.multi_reduction <minimumf>, %select_n3A_172, %reduce_min3A_173 [1] : vector<768x2048xf32> to vector<768xf32>
    %broadcast_in_dim3A_175 = vector.shape_cast %reduce_min3A_174 : vector<768xf32> to vector<768x1xf32>
    %gt3A_176 = vector.broadcast %min3A_167 : vector<768x1xf32> to vector<768x128xf32>
    %gt3A_177 = arith.cmpf ogt, %get3A_27, %gt3A_176 : vector<768x128xf32>
    %jit3A_178 = arith.constant 1.000000e+30 : f32
    %broadcast_in_dim3A_179 = vector.broadcast %jit3A_178 : f32 to vector<768x128xf32>
    %select_n3A_180 = arith.select %gt3A_177, %get3A_27, %broadcast_in_dim3A_179 : vector<768x128xi1>, vector<768x128xf32>
    %reduce_min3A_181 = arith.constant dense<0x7F800000> : vector<768xf32>
    %reduce_min3A_182 = vector.multi_reduction <minimumf>, %select_n3A_180, %reduce_min3A_181 [1] : vector<768x128xf32> to vector<768xf32>
    %broadcast_in_dim3A_183 = vector.shape_cast %reduce_min3A_182 : vector<768xf32> to vector<768x1xf32>
    %min3A_184 = arith.minimumf %broadcast_in_dim3A_175, %broadcast_in_dim3A_183 : vector<768x1xf32>
    %gt3A_185 = vector.broadcast %min3A_184 : vector<768x1xf32> to vector<768x2048xf32>
    %gt3A_186 = arith.cmpf ogt, %select_n3A, %gt3A_185 : vector<768x2048xf32>
    %jit3A_187 = arith.constant 1.000000e+30 : f32
    %broadcast_in_dim3A_188 = vector.broadcast %jit3A_187 : f32 to vector<768x2048xf32>
    %select_n3A_189 = arith.select %gt3A_186, %select_n3A, %broadcast_in_dim3A_188 : vector<768x2048xi1>, vector<768x2048xf32>
    %reduce_min3A_190 = arith.constant dense<0x7F800000> : vector<768xf32>
    %reduce_min3A_191 = vector.multi_reduction <minimumf>, %select_n3A_189, %reduce_min3A_190 [1] : vector<768x2048xf32> to vector<768xf32>
    %broadcast_in_dim3A_192 = vector.shape_cast %reduce_min3A_191 : vector<768xf32> to vector<768x1xf32>
    %gt3A_193 = vector.broadcast %min3A_184 : vector<768x1xf32> to vector<768x128xf32>
    %gt3A_194 = arith.cmpf ogt, %get3A_27, %gt3A_193 : vector<768x128xf32>
    %jit3A_195 = arith.constant 1.000000e+30 : f32
    %broadcast_in_dim3A_196 = vector.broadcast %jit3A_195 : f32 to vector<768x128xf32>
    %select_n3A_197 = arith.select %gt3A_194, %get3A_27, %broadcast_in_dim3A_196 : vector<768x128xi1>, vector<768x128xf32>
    %reduce_min3A_198 = arith.constant dense<0x7F800000> : vector<768xf32>
    %reduce_min3A_199 = vector.multi_reduction <minimumf>, %select_n3A_197, %reduce_min3A_198 [1] : vector<768x128xf32> to vector<768xf32>
    %broadcast_in_dim3A_200 = vector.shape_cast %reduce_min3A_199 : vector<768xf32> to vector<768x1xf32>
    %min3A_201 = arith.minimumf %broadcast_in_dim3A_192, %broadcast_in_dim3A_200 : vector<768x1xf32>
    %gt3A_202 = vector.broadcast %min3A_201 : vector<768x1xf32> to vector<768x2048xf32>
    %gt3A_203 = arith.cmpf ogt, %select_n3A, %gt3A_202 : vector<768x2048xf32>
    %jit3A_204 = arith.constant 1.000000e+30 : f32
    %broadcast_in_dim3A_205 = vector.broadcast %jit3A_204 : f32 to vector<768x2048xf32>
    %select_n3A_206 = arith.select %gt3A_203, %select_n3A, %broadcast_in_dim3A_205 : vector<768x2048xi1>, vector<768x2048xf32>
    %reduce_min3A_207 = arith.constant dense<0x7F800000> : vector<768xf32>
    %reduce_min3A_208 = vector.multi_reduction <minimumf>, %select_n3A_206, %reduce_min3A_207 [1] : vector<768x2048xf32> to vector<768xf32>
    %broadcast_in_dim3A_209 = vector.shape_cast %reduce_min3A_208 : vector<768xf32> to vector<768x1xf32>
    %gt3A_210 = vector.broadcast %min3A_201 : vector<768x1xf32> to vector<768x128xf32>
    %gt3A_211 = arith.cmpf ogt, %get3A_27, %gt3A_210 : vector<768x128xf32>
    %jit3A_212 = arith.constant 1.000000e+30 : f32
    %broadcast_in_dim3A_213 = vector.broadcast %jit3A_212 : f32 to vector<768x128xf32>
    %select_n3A_214 = arith.select %gt3A_211, %get3A_27, %broadcast_in_dim3A_213 : vector<768x128xi1>, vector<768x128xf32>
    %reduce_min3A_215 = arith.constant dense<0x7F800000> : vector<768xf32>
    %reduce_min3A_216 = vector.multi_reduction <minimumf>, %select_n3A_214, %reduce_min3A_215 [1] : vector<768x128xf32> to vector<768xf32>
    %broadcast_in_dim3A_217 = vector.shape_cast %reduce_min3A_216 : vector<768xf32> to vector<768x1xf32>
    %min3A_218 = arith.minimumf %broadcast_in_dim3A_209, %broadcast_in_dim3A_217 : vector<768x1xf32>
    %gt3A_219 = vector.broadcast %min3A_218 : vector<768x1xf32> to vector<768x2048xf32>
    %gt3A_220 = arith.cmpf ogt, %select_n3A, %gt3A_219 : vector<768x2048xf32>
    %jit3A_221 = arith.constant 1.000000e+30 : f32
    %broadcast_in_dim3A_222 = vector.broadcast %jit3A_221 : f32 to vector<768x2048xf32>
    %select_n3A_223 = arith.select %gt3A_220, %select_n3A, %broadcast_in_dim3A_222 : vector<768x2048xi1>, vector<768x2048xf32>
    %reduce_min3A_224 = arith.constant dense<0x7F800000> : vector<768xf32>
    %reduce_min3A_225 = vector.multi_reduction <minimumf>, %select_n3A_223, %reduce_min3A_224 [1] : vector<768x2048xf32> to vector<768xf32>
    %broadcast_in_dim3A_226 = vector.shape_cast %reduce_min3A_225 : vector<768xf32> to vector<768x1xf32>
    %gt3A_227 = vector.broadcast %min3A_218 : vector<768x1xf32> to vector<768x128xf32>
    %gt3A_228 = arith.cmpf ogt, %get3A_27, %gt3A_227 : vector<768x128xf32>
    %jit3A_229 = arith.constant 1.000000e+30 : f32
    %broadcast_in_dim3A_230 = vector.broadcast %jit3A_229 : f32 to vector<768x128xf32>
    %select_n3A_231 = arith.select %gt3A_228, %get3A_27, %broadcast_in_dim3A_230 : vector<768x128xi1>, vector<768x128xf32>
    %reduce_min3A_232 = arith.constant dense<0x7F800000> : vector<768xf32>
    %reduce_min3A_233 = vector.multi_reduction <minimumf>, %select_n3A_231, %reduce_min3A_232 [1] : vector<768x128xf32> to vector<768xf32>
    %broadcast_in_dim3A_234 = vector.shape_cast %reduce_min3A_233 : vector<768xf32> to vector<768x1xf32>
    %min3A_235 = arith.minimumf %broadcast_in_dim3A_226, %broadcast_in_dim3A_234 : vector<768x1xf32>
    %gt3A_236 = vector.broadcast %min3A_235 : vector<768x1xf32> to vector<768x2048xf32>
    %gt3A_237 = arith.cmpf ogt, %select_n3A, %gt3A_236 : vector<768x2048xf32>
    %jit3A_238 = arith.constant 1.000000e+30 : f32
    %broadcast_in_dim3A_239 = vector.broadcast %jit3A_238 : f32 to vector<768x2048xf32>
    %select_n3A_240 = arith.select %gt3A_237, %select_n3A, %broadcast_in_dim3A_239 : vector<768x2048xi1>, vector<768x2048xf32>
    %reduce_min3A_241 = arith.constant dense<0x7F800000> : vector<768xf32>
    %reduce_min3A_242 = vector.multi_reduction <minimumf>, %select_n3A_240, %reduce_min3A_241 [1] : vector<768x2048xf32> to vector<768xf32>
    %broadcast_in_dim3A_243 = vector.shape_cast %reduce_min3A_242 : vector<768xf32> to vector<768x1xf32>
    %gt3A_244 = vector.broadcast %min3A_235 : vector<768x1xf32> to vector<768x128xf32>
    %gt3A_245 = arith.cmpf ogt, %get3A_27, %gt3A_244 : vector<768x128xf32>
    %jit3A_246 = arith.constant 1.000000e+30 : f32
    %broadcast_in_dim3A_247 = vector.broadcast %jit3A_246 : f32 to vector<768x128xf32>
    %select_n3A_248 = arith.select %gt3A_245, %get3A_27, %broadcast_in_dim3A_247 : vector<768x128xi1>, vector<768x128xf32>
    %reduce_min3A_249 = arith.constant dense<0x7F800000> : vector<768xf32>
    %reduce_min3A_250 = vector.multi_reduction <minimumf>, %select_n3A_248, %reduce_min3A_249 [1] : vector<768x128xf32> to vector<768xf32>
    %broadcast_in_dim3A_251 = vector.shape_cast %reduce_min3A_250 : vector<768xf32> to vector<768x1xf32>
    %min3A_252 = arith.minimumf %broadcast_in_dim3A_243, %broadcast_in_dim3A_251 : vector<768x1xf32>
    %gt3A_253 = vector.broadcast %min3A_252 : vector<768x1xf32> to vector<768x2048xf32>
    %gt3A_254 = arith.cmpf ogt, %select_n3A, %gt3A_253 : vector<768x2048xf32>
    %jit3A_255 = arith.constant 1.000000e+30 : f32
    %broadcast_in_dim3A_256 = vector.broadcast %jit3A_255 : f32 to vector<768x2048xf32>
    %select_n3A_257 = arith.select %gt3A_254, %select_n3A, %broadcast_in_dim3A_256 : vector<768x2048xi1>, vector<768x2048xf32>
    %reduce_min3A_258 = arith.constant dense<0x7F800000> : vector<768xf32>
    %reduce_min3A_259 = vector.multi_reduction <minimumf>, %select_n3A_257, %reduce_min3A_258 [1] : vector<768x2048xf32> to vector<768xf32>
    %broadcast_in_dim3A_260 = vector.shape_cast %reduce_min3A_259 : vector<768xf32> to vector<768x1xf32>
    %gt3A_261 = vector.broadcast %min3A_252 : vector<768x1xf32> to vector<768x128xf32>
    %gt3A_262 = arith.cmpf ogt, %get3A_27, %gt3A_261 : vector<768x128xf32>
    %jit3A_263 = arith.constant 1.000000e+30 : f32
    %broadcast_in_dim3A_264 = vector.broadcast %jit3A_263 : f32 to vector<768x128xf32>
    %select_n3A_265 = arith.select %gt3A_262, %get3A_27, %broadcast_in_dim3A_264 : vector<768x128xi1>, vector<768x128xf32>
    %reduce_min3A_266 = arith.constant dense<0x7F800000> : vector<768xf32>
    %reduce_min3A_267 = vector.multi_reduction <minimumf>, %select_n3A_265, %reduce_min3A_266 [1] : vector<768x128xf32> to vector<768xf32>
    %broadcast_in_dim3A_268 = vector.shape_cast %reduce_min3A_267 : vector<768xf32> to vector<768x1xf32>
    %min3A_269 = arith.minimumf %broadcast_in_dim3A_260, %broadcast_in_dim3A_268 : vector<768x1xf32>
    %gt3A_270 = vector.broadcast %min3A_269 : vector<768x1xf32> to vector<768x2048xf32>
    %gt3A_271 = arith.cmpf ogt, %select_n3A, %gt3A_270 : vector<768x2048xf32>
    %jit3A_272 = arith.constant 1.000000e+30 : f32
    %broadcast_in_dim3A_273 = vector.broadcast %jit3A_272 : f32 to vector<768x2048xf32>
    %select_n3A_274 = arith.select %gt3A_271, %select_n3A, %broadcast_in_dim3A_273 : vector<768x2048xi1>, vector<768x2048xf32>
    %reduce_min3A_275 = arith.constant dense<0x7F800000> : vector<768xf32>
    %reduce_min3A_276 = vector.multi_reduction <minimumf>, %select_n3A_274, %reduce_min3A_275 [1] : vector<768x2048xf32> to vector<768xf32>
    %broadcast_in_dim3A_277 = vector.shape_cast %reduce_min3A_276 : vector<768xf32> to vector<768x1xf32>
    %gt3A_278 = vector.broadcast %min3A_269 : vector<768x1xf32> to vector<768x128xf32>
    %gt3A_279 = arith.cmpf ogt, %get3A_27, %gt3A_278 : vector<768x128xf32>
    %jit3A_280 = arith.constant 1.000000e+30 : f32
    %broadcast_in_dim3A_281 = vector.broadcast %jit3A_280 : f32 to vector<768x128xf32>
    %select_n3A_282 = arith.select %gt3A_279, %get3A_27, %broadcast_in_dim3A_281 : vector<768x128xi1>, vector<768x128xf32>
    %reduce_min3A_283 = arith.constant dense<0x7F800000> : vector<768xf32>
    %reduce_min3A_284 = vector.multi_reduction <minimumf>, %select_n3A_282, %reduce_min3A_283 [1] : vector<768x128xf32> to vector<768xf32>
    %broadcast_in_dim3A_285 = vector.shape_cast %reduce_min3A_284 : vector<768xf32> to vector<768x1xf32>
    %min3A_286 = arith.minimumf %broadcast_in_dim3A_277, %broadcast_in_dim3A_285 : vector<768x1xf32>
    %gt3A_287 = vector.broadcast %min3A_286 : vector<768x1xf32> to vector<768x2048xf32>
    %gt3A_288 = arith.cmpf ogt, %select_n3A, %gt3A_287 : vector<768x2048xf32>
    %jit3A_289 = arith.constant 1.000000e+30 : f32
    %broadcast_in_dim3A_290 = vector.broadcast %jit3A_289 : f32 to vector<768x2048xf32>
    %select_n3A_291 = arith.select %gt3A_288, %select_n3A, %broadcast_in_dim3A_290 : vector<768x2048xi1>, vector<768x2048xf32>
    %reduce_min3A_292 = arith.constant dense<0x7F800000> : vector<768xf32>
    %reduce_min3A_293 = vector.multi_reduction <minimumf>, %select_n3A_291, %reduce_min3A_292 [1] : vector<768x2048xf32> to vector<768xf32>
    %broadcast_in_dim3A_294 = vector.shape_cast %reduce_min3A_293 : vector<768xf32> to vector<768x1xf32>
    %gt3A_295 = vector.broadcast %min3A_286 : vector<768x1xf32> to vector<768x128xf32>
    %gt3A_296 = arith.cmpf ogt, %get3A_27, %gt3A_295 : vector<768x128xf32>
    %jit3A_297 = arith.constant 1.000000e+30 : f32
    %broadcast_in_dim3A_298 = vector.broadcast %jit3A_297 : f32 to vector<768x128xf32>
    %select_n3A_299 = arith.select %gt3A_296, %get3A_27, %broadcast_in_dim3A_298 : vector<768x128xi1>, vector<768x128xf32>
    %reduce_min3A_300 = arith.constant dense<0x7F800000> : vector<768xf32>
    %reduce_min3A_301 = vector.multi_reduction <minimumf>, %select_n3A_299, %reduce_min3A_300 [1] : vector<768x128xf32> to vector<768xf32>
    %broadcast_in_dim3A_302 = vector.shape_cast %reduce_min3A_301 : vector<768xf32> to vector<768x1xf32>
    %min3A_303 = arith.minimumf %broadcast_in_dim3A_294, %broadcast_in_dim3A_302 : vector<768x1xf32>
    %gt3A_304 = vector.broadcast %min3A_303 : vector<768x1xf32> to vector<768x2048xf32>
    %gt3A_305 = arith.cmpf ogt, %select_n3A, %gt3A_304 : vector<768x2048xf32>
    %jit3A_306 = arith.constant 1.000000e+30 : f32
    %broadcast_in_dim3A_307 = vector.broadcast %jit3A_306 : f32 to vector<768x2048xf32>
    %select_n3A_308 = arith.select %gt3A_305, %select_n3A, %broadcast_in_dim3A_307 : vector<768x2048xi1>, vector<768x2048xf32>
    %reduce_min3A_309 = arith.constant dense<0x7F800000> : vector<768xf32>
    %reduce_min3A_310 = vector.multi_reduction <minimumf>, %select_n3A_308, %reduce_min3A_309 [1] : vector<768x2048xf32> to vector<768xf32>
    %broadcast_in_dim3A_311 = vector.shape_cast %reduce_min3A_310 : vector<768xf32> to vector<768x1xf32>
    %gt3A_312 = vector.broadcast %min3A_303 : vector<768x1xf32> to vector<768x128xf32>
    %gt3A_313 = arith.cmpf ogt, %get3A_27, %gt3A_312 : vector<768x128xf32>
    %jit3A_314 = arith.constant 1.000000e+30 : f32
    %broadcast_in_dim3A_315 = vector.broadcast %jit3A_314 : f32 to vector<768x128xf32>
    %select_n3A_316 = arith.select %gt3A_313, %get3A_27, %broadcast_in_dim3A_315 : vector<768x128xi1>, vector<768x128xf32>
    %reduce_min3A_317 = arith.constant dense<0x7F800000> : vector<768xf32>
    %reduce_min3A_318 = vector.multi_reduction <minimumf>, %select_n3A_316, %reduce_min3A_317 [1] : vector<768x128xf32> to vector<768xf32>
    %broadcast_in_dim3A_319 = vector.shape_cast %reduce_min3A_318 : vector<768xf32> to vector<768x1xf32>
    %min3A_320 = arith.minimumf %broadcast_in_dim3A_311, %broadcast_in_dim3A_319 : vector<768x1xf32>
    %gt3A_321 = vector.broadcast %min3A_320 : vector<768x1xf32> to vector<768x2048xf32>
    %gt3A_322 = arith.cmpf ogt, %select_n3A, %gt3A_321 : vector<768x2048xf32>
    %jit3A_323 = arith.constant 1.000000e+30 : f32
    %broadcast_in_dim3A_324 = vector.broadcast %jit3A_323 : f32 to vector<768x2048xf32>
    %select_n3A_325 = arith.select %gt3A_322, %select_n3A, %broadcast_in_dim3A_324 : vector<768x2048xi1>, vector<768x2048xf32>
    %reduce_min3A_326 = arith.constant dense<0x7F800000> : vector<768xf32>
    %reduce_min3A_327 = vector.multi_reduction <minimumf>, %select_n3A_325, %reduce_min3A_326 [1] : vector<768x2048xf32> to vector<768xf32>
    %broadcast_in_dim3A_328 = vector.shape_cast %reduce_min3A_327 : vector<768xf32> to vector<768x1xf32>
    %gt3A_329 = vector.broadcast %min3A_320 : vector<768x1xf32> to vector<768x128xf32>
    %gt3A_330 = arith.cmpf ogt, %get3A_27, %gt3A_329 : vector<768x128xf32>
    %jit3A_331 = arith.constant 1.000000e+30 : f32
    %broadcast_in_dim3A_332 = vector.broadcast %jit3A_331 : f32 to vector<768x128xf32>
    %select_n3A_333 = arith.select %gt3A_330, %get3A_27, %broadcast_in_dim3A_332 : vector<768x128xi1>, vector<768x128xf32>
    %reduce_min3A_334 = arith.constant dense<0x7F800000> : vector<768xf32>
    %reduce_min3A_335 = vector.multi_reduction <minimumf>, %select_n3A_333, %reduce_min3A_334 [1] : vector<768x128xf32> to vector<768xf32>
    %broadcast_in_dim3A_336 = vector.shape_cast %reduce_min3A_335 : vector<768xf32> to vector<768x1xf32>
    %min3A_337 = arith.minimumf %broadcast_in_dim3A_328, %broadcast_in_dim3A_336 : vector<768x1xf32>
    %gt3A_338 = vector.broadcast %min3A_337 : vector<768x1xf32> to vector<768x2048xf32>
    %gt3A_339 = arith.cmpf ogt, %select_n3A, %gt3A_338 : vector<768x2048xf32>
    %jit3A_340 = arith.constant 1.000000e+30 : f32
    %broadcast_in_dim3A_341 = vector.broadcast %jit3A_340 : f32 to vector<768x2048xf32>
    %select_n3A_342 = arith.select %gt3A_339, %select_n3A, %broadcast_in_dim3A_341 : vector<768x2048xi1>, vector<768x2048xf32>
    %reduce_min3A_343 = arith.constant dense<0x7F800000> : vector<768xf32>
    %reduce_min3A_344 = vector.multi_reduction <minimumf>, %select_n3A_342, %reduce_min3A_343 [1] : vector<768x2048xf32> to vector<768xf32>
    %broadcast_in_dim3A_345 = vector.shape_cast %reduce_min3A_344 : vector<768xf32> to vector<768x1xf32>
    %gt3A_346 = vector.broadcast %min3A_337 : vector<768x1xf32> to vector<768x128xf32>
    %gt3A_347 = arith.cmpf ogt, %get3A_27, %gt3A_346 : vector<768x128xf32>
    %jit3A_348 = arith.constant 1.000000e+30 : f32
    %broadcast_in_dim3A_349 = vector.broadcast %jit3A_348 : f32 to vector<768x128xf32>
    %select_n3A_350 = arith.select %gt3A_347, %get3A_27, %broadcast_in_dim3A_349 : vector<768x128xi1>, vector<768x128xf32>
    %reduce_min3A_351 = arith.constant dense<0x7F800000> : vector<768xf32>
    %reduce_min3A_352 = vector.multi_reduction <minimumf>, %select_n3A_350, %reduce_min3A_351 [1] : vector<768x128xf32> to vector<768xf32>
    %broadcast_in_dim3A_353 = vector.shape_cast %reduce_min3A_352 : vector<768xf32> to vector<768x1xf32>
    %min3A_354 = arith.minimumf %broadcast_in_dim3A_345, %broadcast_in_dim3A_353 : vector<768x1xf32>
    %concatenate3A = tpu.concatenate %min3A, %min3A_48, %min3A_65, %min3A_82, %min3A_99, %min3A_116, %min3A_133, %min3A_150, %min3A_167, %min3A_184, %min3A_201, %min3A_218, %min3A_235, %min3A_252, %min3A_269, %min3A_286, %min3A_303, %min3A_320, %min3A_337, %min3A_354 in 1 : vector<768x1xf32>, vector<768x1xf32>, vector<768x1xf32>, vector<768x1xf32>, vector<768x1xf32>, vector<768x1xf32>, vector<768x1xf32>, vector<768x1xf32>, vector<768x1xf32>, vector<768x1xf32>, vector<768x1xf32>, vector<768x1xf32>, vector<768x1xf32>, vector<768x1xf32>, vector<768x1xf32>, vector<768x1xf32>, vector<768x1xf32>, vector<768x1xf32>, vector<768x1xf32>, vector<768x1xf32> -> vector<768x20xf32>
    %lt3A_355 = arith.constant 48 : i32
    %lt3A_356 = arith.cmpi slt, %arg0, %lt3A_355 : i32
    %convert_element_type3A_357 = arith.extui %lt3A_356 : i1 to i32
    %cond3A_358 = arith.constant 0 : i32
    %cond3A_359 = arith.cmpi ne, %convert_element_type3A_357, %cond3A_358 : i32
    scf.if %cond3A_359 {
      %swap3A = arith.constant 0 : index
      %swap3A_365 = arith.constant 0 : index
      %swap3A_366 = vector.load %arg5[%swap3A, %swap3A_365] : memref<768x128xf32, #tpu.memory_space<vmem>>, vector<768x20xf32>
      tpu.vector_store %arg5[%swap3A, %swap3A_365], %concatenate3A {strides = array<i32>} : memref<768x128xf32, #tpu.memory_space<vmem>>, vector<768x20xf32>,
    } else {
    }
    %eq3A_360 = arith.constant 48 : i32
    %eq3A_361 = arith.cmpi eq, %arg0, %eq3A_360 : i32
    %convert_element_type3A_362 = arith.extui %eq3A_361 : i1 to i32
    %cond3A_363 = arith.constant 0 : i32
    %cond3A_364 = arith.cmpi ne, %convert_element_type3A_362, %cond3A_363 : i32
    scf.if %cond3A_364 {
      %mul3A_365 = arith.constant -5.000000e-01 : f32
      %mul3A_366 = vector.broadcast %mul3A_365 : f32 to vector<768x20xf32>
      %mul3A_367 = arith.mulf %concatenate3A, %mul3A_366 : vector<768x20xf32>
      %exp3A = math.exp %mul3A_367 : vector<768x20xf32>
      %get3A_368 = arith.constant 0 : index
      %get3A_369 = arith.constant 0 : index
      %get3A_370 = vector.load %arg3[%get3A_368, %get3A_369] : memref<1x128xf32, #tpu.memory_space<vmem>>, vector<1x20xf32>
      %mul3A_371 = vector.broadcast %get3A_370 : vector<1x20xf32> to vector<768x20xf32>
      %mul3A_372 = arith.mulf %exp3A, %mul3A_371 : vector<768x20xf32>
      %reduce_sum3A_373 = arith.constant dense<0.000000e+00> : vector<768xf32>
      %reduce_sum3A_374 = vector.multi_reduction <add>, %mul3A_372, %reduce_sum3A_373 [1] : vector<768x20xf32> to vector<768xf32>
      %broadcast_in_dim3A_375 = vector.shape_cast %reduce_sum3A_374 : vector<768xf32> to vector<768x1xf32>
      %swap3A = arith.constant 0 : index
      %swap3A_376 = arith.constant 0 : index
      %swap3A_377 = vector.load %arg4[%swap3A, %swap3A_376] : memref<768x1xf32, #tpu.memory_space<vmem>>, vector<768x1xf32>
      tpu.vector_store %arg4[%swap3A, %swap3A_376], %broadcast_in_dim3A_375 {strides = array<i32>} : memref<768x1xf32, #tpu.memory_space<vmem>>, vector<768x1xf32>,
    } else {
    }
    return
  }
  func.func @transform_0(%arg0: i32) -> (i32, i32) {
    %c0_i32 = arith.constant 0 : i32
    %c0_i32_0 = arith.constant 0 : i32
    %c0_i32_1 = arith.constant 0 : i32
    return %c0_i32, %c0_i32_0 : i32, i32
  }
  func.func @transform_1(%arg0: i32) -> (i32, i32) {
    %c0_i32 = arith.constant 0 : i32
    %c0_i32_0 = arith.constant 0 : i32
    return %arg0, %c0_i32 : i32, i32
  }
  func.func @transform_2(%arg0: i32) -> (i32, i32) {
    %c0_i32 = arith.constant 0 : i32
    %c0_i32_0 = arith.constant 0 : i32
    %c0_i32_1 = arith.constant 0 : i32
    return %c0_i32, %c0_i32_0 : i32, i32
  }
  func.func @transform_3(%arg0: i32) -> (i32, i32) {
    %c0_i32 = arith.constant 0 : i32
    %c0_i32_0 = arith.constant 0 : i32
    %c0_i32_1 = arith.constant 0 : i32
    return %c0_i32, %c0_i32_0 : i32, i32
  }
}

module attributes {stable_mosaic.version = 14 : i64} {
  func.func @_merge_body(%arg0: memref<256x2048xf32, #tpu.memory_space<vmem>>, %arg1: memref<256x128xf32, #tpu.memory_space<vmem>>, %arg2: memref<1x128xf32, #tpu.memory_space<vmem>>, %arg3: memref<256x1xf32, #tpu.memory_space<vmem>>) attributes {dimension_semantics = [], scalar_prefetch = 0 : i64, scratch_operands = 0 : i64, tpu.core_type = #tpu.core_type<tc>} {
    %get3A = arith.constant 0 : index
    %get3A_0 = arith.constant 0 : index
    %get3A_1 = vector.load %arg0[%get3A, %get3A_0] : memref<256x2048xf32, #tpu.memory_space<vmem>>, vector<256x2048xf32>
    %get3A_2 = arith.constant 0 : index
    %get3A_3 = arith.constant 0 : index
    %get3A_4 = vector.load %arg1[%get3A_2, %get3A_3] : memref<256x128xf32, #tpu.memory_space<vmem>>, vector<256x128xf32>
    %reduce_min3A = arith.constant dense<0x7F800000> : vector<256xf32>
    %reduce_min3A_5 = vector.multi_reduction <minimumf>, %get3A_1, %reduce_min3A [1] : vector<256x2048xf32> to vector<256xf32>
    %broadcast_in_dim3A = vector.shape_cast %reduce_min3A_5 : vector<256xf32> to vector<256x1xf32>
    %reduce_min3A_6 = arith.constant dense<0x7F800000> : vector<256xf32>
    %reduce_min3A_7 = vector.multi_reduction <minimumf>, %get3A_4, %reduce_min3A_6 [1] : vector<256x128xf32> to vector<256xf32>
    %broadcast_in_dim3A_8 = vector.shape_cast %reduce_min3A_7 : vector<256xf32> to vector<256x1xf32>
    %min3A = arith.minimumf %broadcast_in_dim3A, %broadcast_in_dim3A_8 : vector<256x1xf32>
    %gt3A = vector.broadcast %min3A : vector<256x1xf32> to vector<256x2048xf32>
    %gt3A_9 = arith.cmpf ogt, %get3A_1, %gt3A : vector<256x2048xf32>
    %jit3A = arith.constant 1.000000e+30 : f32
    %broadcast_in_dim3A_10 = vector.broadcast %jit3A : f32 to vector<256x2048xf32>
    %select_n3A = arith.select %gt3A_9, %get3A_1, %broadcast_in_dim3A_10 : vector<256x2048xi1>, vector<256x2048xf32>
    %reduce_min3A_11 = arith.constant dense<0x7F800000> : vector<256xf32>
    %reduce_min3A_12 = vector.multi_reduction <minimumf>, %select_n3A, %reduce_min3A_11 [1] : vector<256x2048xf32> to vector<256xf32>
    %broadcast_in_dim3A_13 = vector.shape_cast %reduce_min3A_12 : vector<256xf32> to vector<256x1xf32>
    %gt3A_14 = vector.broadcast %min3A : vector<256x1xf32> to vector<256x128xf32>
    %gt3A_15 = arith.cmpf ogt, %get3A_4, %gt3A_14 : vector<256x128xf32>
    %jit3A_16 = arith.constant 1.000000e+30 : f32
    %broadcast_in_dim3A_17 = vector.broadcast %jit3A_16 : f32 to vector<256x128xf32>
    %select_n3A_18 = arith.select %gt3A_15, %get3A_4, %broadcast_in_dim3A_17 : vector<256x128xi1>, vector<256x128xf32>
    %reduce_min3A_19 = arith.constant dense<0x7F800000> : vector<256xf32>
    %reduce_min3A_20 = vector.multi_reduction <minimumf>, %select_n3A_18, %reduce_min3A_19 [1] : vector<256x128xf32> to vector<256xf32>
    %broadcast_in_dim3A_21 = vector.shape_cast %reduce_min3A_20 : vector<256xf32> to vector<256x1xf32>
    %min3A_22 = arith.minimumf %broadcast_in_dim3A_13, %broadcast_in_dim3A_21 : vector<256x1xf32>
    %gt3A_23 = vector.broadcast %min3A_22 : vector<256x1xf32> to vector<256x2048xf32>
    %gt3A_24 = arith.cmpf ogt, %get3A_1, %gt3A_23 : vector<256x2048xf32>
    %jit3A_25 = arith.constant 1.000000e+30 : f32
    %broadcast_in_dim3A_26 = vector.broadcast %jit3A_25 : f32 to vector<256x2048xf32>
    %select_n3A_27 = arith.select %gt3A_24, %get3A_1, %broadcast_in_dim3A_26 : vector<256x2048xi1>, vector<256x2048xf32>
    %reduce_min3A_28 = arith.constant dense<0x7F800000> : vector<256xf32>
    %reduce_min3A_29 = vector.multi_reduction <minimumf>, %select_n3A_27, %reduce_min3A_28 [1] : vector<256x2048xf32> to vector<256xf32>
    %broadcast_in_dim3A_30 = vector.shape_cast %reduce_min3A_29 : vector<256xf32> to vector<256x1xf32>
    %gt3A_31 = vector.broadcast %min3A_22 : vector<256x1xf32> to vector<256x128xf32>
    %gt3A_32 = arith.cmpf ogt, %get3A_4, %gt3A_31 : vector<256x128xf32>
    %jit3A_33 = arith.constant 1.000000e+30 : f32
    %broadcast_in_dim3A_34 = vector.broadcast %jit3A_33 : f32 to vector<256x128xf32>
    %select_n3A_35 = arith.select %gt3A_32, %get3A_4, %broadcast_in_dim3A_34 : vector<256x128xi1>, vector<256x128xf32>
    %reduce_min3A_36 = arith.constant dense<0x7F800000> : vector<256xf32>
    %reduce_min3A_37 = vector.multi_reduction <minimumf>, %select_n3A_35, %reduce_min3A_36 [1] : vector<256x128xf32> to vector<256xf32>
    %broadcast_in_dim3A_38 = vector.shape_cast %reduce_min3A_37 : vector<256xf32> to vector<256x1xf32>
    %min3A_39 = arith.minimumf %broadcast_in_dim3A_30, %broadcast_in_dim3A_38 : vector<256x1xf32>
    %gt3A_40 = vector.broadcast %min3A_39 : vector<256x1xf32> to vector<256x2048xf32>
    %gt3A_41 = arith.cmpf ogt, %get3A_1, %gt3A_40 : vector<256x2048xf32>
    %jit3A_42 = arith.constant 1.000000e+30 : f32
    %broadcast_in_dim3A_43 = vector.broadcast %jit3A_42 : f32 to vector<256x2048xf32>
    %select_n3A_44 = arith.select %gt3A_41, %get3A_1, %broadcast_in_dim3A_43 : vector<256x2048xi1>, vector<256x2048xf32>
    %reduce_min3A_45 = arith.constant dense<0x7F800000> : vector<256xf32>
    %reduce_min3A_46 = vector.multi_reduction <minimumf>, %select_n3A_44, %reduce_min3A_45 [1] : vector<256x2048xf32> to vector<256xf32>
    %broadcast_in_dim3A_47 = vector.shape_cast %reduce_min3A_46 : vector<256xf32> to vector<256x1xf32>
    %gt3A_48 = vector.broadcast %min3A_39 : vector<256x1xf32> to vector<256x128xf32>
    %gt3A_49 = arith.cmpf ogt, %get3A_4, %gt3A_48 : vector<256x128xf32>
    %jit3A_50 = arith.constant 1.000000e+30 : f32
    %broadcast_in_dim3A_51 = vector.broadcast %jit3A_50 : f32 to vector<256x128xf32>
    %select_n3A_52 = arith.select %gt3A_49, %get3A_4, %broadcast_in_dim3A_51 : vector<256x128xi1>, vector<256x128xf32>
    %reduce_min3A_53 = arith.constant dense<0x7F800000> : vector<256xf32>
    %reduce_min3A_54 = vector.multi_reduction <minimumf>, %select_n3A_52, %reduce_min3A_53 [1] : vector<256x128xf32> to vector<256xf32>
    %broadcast_in_dim3A_55 = vector.shape_cast %reduce_min3A_54 : vector<256xf32> to vector<256x1xf32>
    %min3A_56 = arith.minimumf %broadcast_in_dim3A_47, %broadcast_in_dim3A_55 : vector<256x1xf32>
    %gt3A_57 = vector.broadcast %min3A_56 : vector<256x1xf32> to vector<256x2048xf32>
    %gt3A_58 = arith.cmpf ogt, %get3A_1, %gt3A_57 : vector<256x2048xf32>
    %jit3A_59 = arith.constant 1.000000e+30 : f32
    %broadcast_in_dim3A_60 = vector.broadcast %jit3A_59 : f32 to vector<256x2048xf32>
    %select_n3A_61 = arith.select %gt3A_58, %get3A_1, %broadcast_in_dim3A_60 : vector<256x2048xi1>, vector<256x2048xf32>
    %reduce_min3A_62 = arith.constant dense<0x7F800000> : vector<256xf32>
    %reduce_min3A_63 = vector.multi_reduction <minimumf>, %select_n3A_61, %reduce_min3A_62 [1] : vector<256x2048xf32> to vector<256xf32>
    %broadcast_in_dim3A_64 = vector.shape_cast %reduce_min3A_63 : vector<256xf32> to vector<256x1xf32>
    %gt3A_65 = vector.broadcast %min3A_56 : vector<256x1xf32> to vector<256x128xf32>
    %gt3A_66 = arith.cmpf ogt, %get3A_4, %gt3A_65 : vector<256x128xf32>
    %jit3A_67 = arith.constant 1.000000e+30 : f32
    %broadcast_in_dim3A_68 = vector.broadcast %jit3A_67 : f32 to vector<256x128xf32>
    %select_n3A_69 = arith.select %gt3A_66, %get3A_4, %broadcast_in_dim3A_68 : vector<256x128xi1>, vector<256x128xf32>
    %reduce_min3A_70 = arith.constant dense<0x7F800000> : vector<256xf32>
    %reduce_min3A_71 = vector.multi_reduction <minimumf>, %select_n3A_69, %reduce_min3A_70 [1] : vector<256x128xf32> to vector<256xf32>
    %broadcast_in_dim3A_72 = vector.shape_cast %reduce_min3A_71 : vector<256xf32> to vector<256x1xf32>
    %min3A_73 = arith.minimumf %broadcast_in_dim3A_64, %broadcast_in_dim3A_72 : vector<256x1xf32>
    %gt3A_74 = vector.broadcast %min3A_73 : vector<256x1xf32> to vector<256x2048xf32>
    %gt3A_75 = arith.cmpf ogt, %get3A_1, %gt3A_74 : vector<256x2048xf32>
    %jit3A_76 = arith.constant 1.000000e+30 : f32
    %broadcast_in_dim3A_77 = vector.broadcast %jit3A_76 : f32 to vector<256x2048xf32>
    %select_n3A_78 = arith.select %gt3A_75, %get3A_1, %broadcast_in_dim3A_77 : vector<256x2048xi1>, vector<256x2048xf32>
    %reduce_min3A_79 = arith.constant dense<0x7F800000> : vector<256xf32>
    %reduce_min3A_80 = vector.multi_reduction <minimumf>, %select_n3A_78, %reduce_min3A_79 [1] : vector<256x2048xf32> to vector<256xf32>
    %broadcast_in_dim3A_81 = vector.shape_cast %reduce_min3A_80 : vector<256xf32> to vector<256x1xf32>
    %gt3A_82 = vector.broadcast %min3A_73 : vector<256x1xf32> to vector<256x128xf32>
    %gt3A_83 = arith.cmpf ogt, %get3A_4, %gt3A_82 : vector<256x128xf32>
    %jit3A_84 = arith.constant 1.000000e+30 : f32
    %broadcast_in_dim3A_85 = vector.broadcast %jit3A_84 : f32 to vector<256x128xf32>
    %select_n3A_86 = arith.select %gt3A_83, %get3A_4, %broadcast_in_dim3A_85 : vector<256x128xi1>, vector<256x128xf32>
    %reduce_min3A_87 = arith.constant dense<0x7F800000> : vector<256xf32>
    %reduce_min3A_88 = vector.multi_reduction <minimumf>, %select_n3A_86, %reduce_min3A_87 [1] : vector<256x128xf32> to vector<256xf32>
    %broadcast_in_dim3A_89 = vector.shape_cast %reduce_min3A_88 : vector<256xf32> to vector<256x1xf32>
    %min3A_90 = arith.minimumf %broadcast_in_dim3A_81, %broadcast_in_dim3A_89 : vector<256x1xf32>
    %gt3A_91 = vector.broadcast %min3A_90 : vector<256x1xf32> to vector<256x2048xf32>
    %gt3A_92 = arith.cmpf ogt, %get3A_1, %gt3A_91 : vector<256x2048xf32>
    %jit3A_93 = arith.constant 1.000000e+30 : f32
    %broadcast_in_dim3A_94 = vector.broadcast %jit3A_93 : f32 to vector<256x2048xf32>
    %select_n3A_95 = arith.select %gt3A_92, %get3A_1, %broadcast_in_dim3A_94 : vector<256x2048xi1>, vector<256x2048xf32>
    %reduce_min3A_96 = arith.constant dense<0x7F800000> : vector<256xf32>
    %reduce_min3A_97 = vector.multi_reduction <minimumf>, %select_n3A_95, %reduce_min3A_96 [1] : vector<256x2048xf32> to vector<256xf32>
    %broadcast_in_dim3A_98 = vector.shape_cast %reduce_min3A_97 : vector<256xf32> to vector<256x1xf32>
    %gt3A_99 = vector.broadcast %min3A_90 : vector<256x1xf32> to vector<256x128xf32>
    %gt3A_100 = arith.cmpf ogt, %get3A_4, %gt3A_99 : vector<256x128xf32>
    %jit3A_101 = arith.constant 1.000000e+30 : f32
    %broadcast_in_dim3A_102 = vector.broadcast %jit3A_101 : f32 to vector<256x128xf32>
    %select_n3A_103 = arith.select %gt3A_100, %get3A_4, %broadcast_in_dim3A_102 : vector<256x128xi1>, vector<256x128xf32>
    %reduce_min3A_104 = arith.constant dense<0x7F800000> : vector<256xf32>
    %reduce_min3A_105 = vector.multi_reduction <minimumf>, %select_n3A_103, %reduce_min3A_104 [1] : vector<256x128xf32> to vector<256xf32>
    %broadcast_in_dim3A_106 = vector.shape_cast %reduce_min3A_105 : vector<256xf32> to vector<256x1xf32>
    %min3A_107 = arith.minimumf %broadcast_in_dim3A_98, %broadcast_in_dim3A_106 : vector<256x1xf32>
    %gt3A_108 = vector.broadcast %min3A_107 : vector<256x1xf32> to vector<256x2048xf32>
    %gt3A_109 = arith.cmpf ogt, %get3A_1, %gt3A_108 : vector<256x2048xf32>
    %jit3A_110 = arith.constant 1.000000e+30 : f32
    %broadcast_in_dim3A_111 = vector.broadcast %jit3A_110 : f32 to vector<256x2048xf32>
    %select_n3A_112 = arith.select %gt3A_109, %get3A_1, %broadcast_in_dim3A_111 : vector<256x2048xi1>, vector<256x2048xf32>
    %reduce_min3A_113 = arith.constant dense<0x7F800000> : vector<256xf32>
    %reduce_min3A_114 = vector.multi_reduction <minimumf>, %select_n3A_112, %reduce_min3A_113 [1] : vector<256x2048xf32> to vector<256xf32>
    %broadcast_in_dim3A_115 = vector.shape_cast %reduce_min3A_114 : vector<256xf32> to vector<256x1xf32>
    %gt3A_116 = vector.broadcast %min3A_107 : vector<256x1xf32> to vector<256x128xf32>
    %gt3A_117 = arith.cmpf ogt, %get3A_4, %gt3A_116 : vector<256x128xf32>
    %jit3A_118 = arith.constant 1.000000e+30 : f32
    %broadcast_in_dim3A_119 = vector.broadcast %jit3A_118 : f32 to vector<256x128xf32>
    %select_n3A_120 = arith.select %gt3A_117, %get3A_4, %broadcast_in_dim3A_119 : vector<256x128xi1>, vector<256x128xf32>
    %reduce_min3A_121 = arith.constant dense<0x7F800000> : vector<256xf32>
    %reduce_min3A_122 = vector.multi_reduction <minimumf>, %select_n3A_120, %reduce_min3A_121 [1] : vector<256x128xf32> to vector<256xf32>
    %broadcast_in_dim3A_123 = vector.shape_cast %reduce_min3A_122 : vector<256xf32> to vector<256x1xf32>
    %min3A_124 = arith.minimumf %broadcast_in_dim3A_115, %broadcast_in_dim3A_123 : vector<256x1xf32>
    %gt3A_125 = vector.broadcast %min3A_124 : vector<256x1xf32> to vector<256x2048xf32>
    %gt3A_126 = arith.cmpf ogt, %get3A_1, %gt3A_125 : vector<256x2048xf32>
    %jit3A_127 = arith.constant 1.000000e+30 : f32
    %broadcast_in_dim3A_128 = vector.broadcast %jit3A_127 : f32 to vector<256x2048xf32>
    %select_n3A_129 = arith.select %gt3A_126, %get3A_1, %broadcast_in_dim3A_128 : vector<256x2048xi1>, vector<256x2048xf32>
    %reduce_min3A_130 = arith.constant dense<0x7F800000> : vector<256xf32>
    %reduce_min3A_131 = vector.multi_reduction <minimumf>, %select_n3A_129, %reduce_min3A_130 [1] : vector<256x2048xf32> to vector<256xf32>
    %broadcast_in_dim3A_132 = vector.shape_cast %reduce_min3A_131 : vector<256xf32> to vector<256x1xf32>
    %gt3A_133 = vector.broadcast %min3A_124 : vector<256x1xf32> to vector<256x128xf32>
    %gt3A_134 = arith.cmpf ogt, %get3A_4, %gt3A_133 : vector<256x128xf32>
    %jit3A_135 = arith.constant 1.000000e+30 : f32
    %broadcast_in_dim3A_136 = vector.broadcast %jit3A_135 : f32 to vector<256x128xf32>
    %select_n3A_137 = arith.select %gt3A_134, %get3A_4, %broadcast_in_dim3A_136 : vector<256x128xi1>, vector<256x128xf32>
    %reduce_min3A_138 = arith.constant dense<0x7F800000> : vector<256xf32>
    %reduce_min3A_139 = vector.multi_reduction <minimumf>, %select_n3A_137, %reduce_min3A_138 [1] : vector<256x128xf32> to vector<256xf32>
    %broadcast_in_dim3A_140 = vector.shape_cast %reduce_min3A_139 : vector<256xf32> to vector<256x1xf32>
    %min3A_141 = arith.minimumf %broadcast_in_dim3A_132, %broadcast_in_dim3A_140 : vector<256x1xf32>
    %gt3A_142 = vector.broadcast %min3A_141 : vector<256x1xf32> to vector<256x2048xf32>
    %gt3A_143 = arith.cmpf ogt, %get3A_1, %gt3A_142 : vector<256x2048xf32>
    %jit3A_144 = arith.constant 1.000000e+30 : f32
    %broadcast_in_dim3A_145 = vector.broadcast %jit3A_144 : f32 to vector<256x2048xf32>
    %select_n3A_146 = arith.select %gt3A_143, %get3A_1, %broadcast_in_dim3A_145 : vector<256x2048xi1>, vector<256x2048xf32>
    %reduce_min3A_147 = arith.constant dense<0x7F800000> : vector<256xf32>
    %reduce_min3A_148 = vector.multi_reduction <minimumf>, %select_n3A_146, %reduce_min3A_147 [1] : vector<256x2048xf32> to vector<256xf32>
    %broadcast_in_dim3A_149 = vector.shape_cast %reduce_min3A_148 : vector<256xf32> to vector<256x1xf32>
    %gt3A_150 = vector.broadcast %min3A_141 : vector<256x1xf32> to vector<256x128xf32>
    %gt3A_151 = arith.cmpf ogt, %get3A_4, %gt3A_150 : vector<256x128xf32>
    %jit3A_152 = arith.constant 1.000000e+30 : f32
    %broadcast_in_dim3A_153 = vector.broadcast %jit3A_152 : f32 to vector<256x128xf32>
    %select_n3A_154 = arith.select %gt3A_151, %get3A_4, %broadcast_in_dim3A_153 : vector<256x128xi1>, vector<256x128xf32>
    %reduce_min3A_155 = arith.constant dense<0x7F800000> : vector<256xf32>
    %reduce_min3A_156 = vector.multi_reduction <minimumf>, %select_n3A_154, %reduce_min3A_155 [1] : vector<256x128xf32> to vector<256xf32>
    %broadcast_in_dim3A_157 = vector.shape_cast %reduce_min3A_156 : vector<256xf32> to vector<256x1xf32>
    %min3A_158 = arith.minimumf %broadcast_in_dim3A_149, %broadcast_in_dim3A_157 : vector<256x1xf32>
    %gt3A_159 = vector.broadcast %min3A_158 : vector<256x1xf32> to vector<256x2048xf32>
    %gt3A_160 = arith.cmpf ogt, %get3A_1, %gt3A_159 : vector<256x2048xf32>
    %jit3A_161 = arith.constant 1.000000e+30 : f32
    %broadcast_in_dim3A_162 = vector.broadcast %jit3A_161 : f32 to vector<256x2048xf32>
    %select_n3A_163 = arith.select %gt3A_160, %get3A_1, %broadcast_in_dim3A_162 : vector<256x2048xi1>, vector<256x2048xf32>
    %reduce_min3A_164 = arith.constant dense<0x7F800000> : vector<256xf32>
    %reduce_min3A_165 = vector.multi_reduction <minimumf>, %select_n3A_163, %reduce_min3A_164 [1] : vector<256x2048xf32> to vector<256xf32>
    %broadcast_in_dim3A_166 = vector.shape_cast %reduce_min3A_165 : vector<256xf32> to vector<256x1xf32>
    %gt3A_167 = vector.broadcast %min3A_158 : vector<256x1xf32> to vector<256x128xf32>
    %gt3A_168 = arith.cmpf ogt, %get3A_4, %gt3A_167 : vector<256x128xf32>
    %jit3A_169 = arith.constant 1.000000e+30 : f32
    %broadcast_in_dim3A_170 = vector.broadcast %jit3A_169 : f32 to vector<256x128xf32>
    %select_n3A_171 = arith.select %gt3A_168, %get3A_4, %broadcast_in_dim3A_170 : vector<256x128xi1>, vector<256x128xf32>
    %reduce_min3A_172 = arith.constant dense<0x7F800000> : vector<256xf32>
    %reduce_min3A_173 = vector.multi_reduction <minimumf>, %select_n3A_171, %reduce_min3A_172 [1] : vector<256x128xf32> to vector<256xf32>
    %broadcast_in_dim3A_174 = vector.shape_cast %reduce_min3A_173 : vector<256xf32> to vector<256x1xf32>
    %min3A_175 = arith.minimumf %broadcast_in_dim3A_166, %broadcast_in_dim3A_174 : vector<256x1xf32>
    %gt3A_176 = vector.broadcast %min3A_175 : vector<256x1xf32> to vector<256x2048xf32>
    %gt3A_177 = arith.cmpf ogt, %get3A_1, %gt3A_176 : vector<256x2048xf32>
    %jit3A_178 = arith.constant 1.000000e+30 : f32
    %broadcast_in_dim3A_179 = vector.broadcast %jit3A_178 : f32 to vector<256x2048xf32>
    %select_n3A_180 = arith.select %gt3A_177, %get3A_1, %broadcast_in_dim3A_179 : vector<256x2048xi1>, vector<256x2048xf32>
    %reduce_min3A_181 = arith.constant dense<0x7F800000> : vector<256xf32>
    %reduce_min3A_182 = vector.multi_reduction <minimumf>, %select_n3A_180, %reduce_min3A_181 [1] : vector<256x2048xf32> to vector<256xf32>
    %broadcast_in_dim3A_183 = vector.shape_cast %reduce_min3A_182 : vector<256xf32> to vector<256x1xf32>
    %gt3A_184 = vector.broadcast %min3A_175 : vector<256x1xf32> to vector<256x128xf32>
    %gt3A_185 = arith.cmpf ogt, %get3A_4, %gt3A_184 : vector<256x128xf32>
    %jit3A_186 = arith.constant 1.000000e+30 : f32
    %broadcast_in_dim3A_187 = vector.broadcast %jit3A_186 : f32 to vector<256x128xf32>
    %select_n3A_188 = arith.select %gt3A_185, %get3A_4, %broadcast_in_dim3A_187 : vector<256x128xi1>, vector<256x128xf32>
    %reduce_min3A_189 = arith.constant dense<0x7F800000> : vector<256xf32>
    %reduce_min3A_190 = vector.multi_reduction <minimumf>, %select_n3A_188, %reduce_min3A_189 [1] : vector<256x128xf32> to vector<256xf32>
    %broadcast_in_dim3A_191 = vector.shape_cast %reduce_min3A_190 : vector<256xf32> to vector<256x1xf32>
    %min3A_192 = arith.minimumf %broadcast_in_dim3A_183, %broadcast_in_dim3A_191 : vector<256x1xf32>
    %gt3A_193 = vector.broadcast %min3A_192 : vector<256x1xf32> to vector<256x2048xf32>
    %gt3A_194 = arith.cmpf ogt, %get3A_1, %gt3A_193 : vector<256x2048xf32>
    %jit3A_195 = arith.constant 1.000000e+30 : f32
    %broadcast_in_dim3A_196 = vector.broadcast %jit3A_195 : f32 to vector<256x2048xf32>
    %select_n3A_197 = arith.select %gt3A_194, %get3A_1, %broadcast_in_dim3A_196 : vector<256x2048xi1>, vector<256x2048xf32>
    %reduce_min3A_198 = arith.constant dense<0x7F800000> : vector<256xf32>
    %reduce_min3A_199 = vector.multi_reduction <minimumf>, %select_n3A_197, %reduce_min3A_198 [1] : vector<256x2048xf32> to vector<256xf32>
    %broadcast_in_dim3A_200 = vector.shape_cast %reduce_min3A_199 : vector<256xf32> to vector<256x1xf32>
    %gt3A_201 = vector.broadcast %min3A_192 : vector<256x1xf32> to vector<256x128xf32>
    %gt3A_202 = arith.cmpf ogt, %get3A_4, %gt3A_201 : vector<256x128xf32>
    %jit3A_203 = arith.constant 1.000000e+30 : f32
    %broadcast_in_dim3A_204 = vector.broadcast %jit3A_203 : f32 to vector<256x128xf32>
    %select_n3A_205 = arith.select %gt3A_202, %get3A_4, %broadcast_in_dim3A_204 : vector<256x128xi1>, vector<256x128xf32>
    %reduce_min3A_206 = arith.constant dense<0x7F800000> : vector<256xf32>
    %reduce_min3A_207 = vector.multi_reduction <minimumf>, %select_n3A_205, %reduce_min3A_206 [1] : vector<256x128xf32> to vector<256xf32>
    %broadcast_in_dim3A_208 = vector.shape_cast %reduce_min3A_207 : vector<256xf32> to vector<256x1xf32>
    %min3A_209 = arith.minimumf %broadcast_in_dim3A_200, %broadcast_in_dim3A_208 : vector<256x1xf32>
    %gt3A_210 = vector.broadcast %min3A_209 : vector<256x1xf32> to vector<256x2048xf32>
    %gt3A_211 = arith.cmpf ogt, %get3A_1, %gt3A_210 : vector<256x2048xf32>
    %jit3A_212 = arith.constant 1.000000e+30 : f32
    %broadcast_in_dim3A_213 = vector.broadcast %jit3A_212 : f32 to vector<256x2048xf32>
    %select_n3A_214 = arith.select %gt3A_211, %get3A_1, %broadcast_in_dim3A_213 : vector<256x2048xi1>, vector<256x2048xf32>
    %reduce_min3A_215 = arith.constant dense<0x7F800000> : vector<256xf32>
    %reduce_min3A_216 = vector.multi_reduction <minimumf>, %select_n3A_214, %reduce_min3A_215 [1] : vector<256x2048xf32> to vector<256xf32>
    %broadcast_in_dim3A_217 = vector.shape_cast %reduce_min3A_216 : vector<256xf32> to vector<256x1xf32>
    %gt3A_218 = vector.broadcast %min3A_209 : vector<256x1xf32> to vector<256x128xf32>
    %gt3A_219 = arith.cmpf ogt, %get3A_4, %gt3A_218 : vector<256x128xf32>
    %jit3A_220 = arith.constant 1.000000e+30 : f32
    %broadcast_in_dim3A_221 = vector.broadcast %jit3A_220 : f32 to vector<256x128xf32>
    %select_n3A_222 = arith.select %gt3A_219, %get3A_4, %broadcast_in_dim3A_221 : vector<256x128xi1>, vector<256x128xf32>
    %reduce_min3A_223 = arith.constant dense<0x7F800000> : vector<256xf32>
    %reduce_min3A_224 = vector.multi_reduction <minimumf>, %select_n3A_222, %reduce_min3A_223 [1] : vector<256x128xf32> to vector<256xf32>
    %broadcast_in_dim3A_225 = vector.shape_cast %reduce_min3A_224 : vector<256xf32> to vector<256x1xf32>
    %min3A_226 = arith.minimumf %broadcast_in_dim3A_217, %broadcast_in_dim3A_225 : vector<256x1xf32>
    %gt3A_227 = vector.broadcast %min3A_226 : vector<256x1xf32> to vector<256x2048xf32>
    %gt3A_228 = arith.cmpf ogt, %get3A_1, %gt3A_227 : vector<256x2048xf32>
    %jit3A_229 = arith.constant 1.000000e+30 : f32
    %broadcast_in_dim3A_230 = vector.broadcast %jit3A_229 : f32 to vector<256x2048xf32>
    %select_n3A_231 = arith.select %gt3A_228, %get3A_1, %broadcast_in_dim3A_230 : vector<256x2048xi1>, vector<256x2048xf32>
    %reduce_min3A_232 = arith.constant dense<0x7F800000> : vector<256xf32>
    %reduce_min3A_233 = vector.multi_reduction <minimumf>, %select_n3A_231, %reduce_min3A_232 [1] : vector<256x2048xf32> to vector<256xf32>
    %broadcast_in_dim3A_234 = vector.shape_cast %reduce_min3A_233 : vector<256xf32> to vector<256x1xf32>
    %gt3A_235 = vector.broadcast %min3A_226 : vector<256x1xf32> to vector<256x128xf32>
    %gt3A_236 = arith.cmpf ogt, %get3A_4, %gt3A_235 : vector<256x128xf32>
    %jit3A_237 = arith.constant 1.000000e+30 : f32
    %broadcast_in_dim3A_238 = vector.broadcast %jit3A_237 : f32 to vector<256x128xf32>
    %select_n3A_239 = arith.select %gt3A_236, %get3A_4, %broadcast_in_dim3A_238 : vector<256x128xi1>, vector<256x128xf32>
    %reduce_min3A_240 = arith.constant dense<0x7F800000> : vector<256xf32>
    %reduce_min3A_241 = vector.multi_reduction <minimumf>, %select_n3A_239, %reduce_min3A_240 [1] : vector<256x128xf32> to vector<256xf32>
    %broadcast_in_dim3A_242 = vector.shape_cast %reduce_min3A_241 : vector<256xf32> to vector<256x1xf32>
    %min3A_243 = arith.minimumf %broadcast_in_dim3A_234, %broadcast_in_dim3A_242 : vector<256x1xf32>
    %gt3A_244 = vector.broadcast %min3A_243 : vector<256x1xf32> to vector<256x2048xf32>
    %gt3A_245 = arith.cmpf ogt, %get3A_1, %gt3A_244 : vector<256x2048xf32>
    %jit3A_246 = arith.constant 1.000000e+30 : f32
    %broadcast_in_dim3A_247 = vector.broadcast %jit3A_246 : f32 to vector<256x2048xf32>
    %select_n3A_248 = arith.select %gt3A_245, %get3A_1, %broadcast_in_dim3A_247 : vector<256x2048xi1>, vector<256x2048xf32>
    %reduce_min3A_249 = arith.constant dense<0x7F800000> : vector<256xf32>
    %reduce_min3A_250 = vector.multi_reduction <minimumf>, %select_n3A_248, %reduce_min3A_249 [1] : vector<256x2048xf32> to vector<256xf32>
    %broadcast_in_dim3A_251 = vector.shape_cast %reduce_min3A_250 : vector<256xf32> to vector<256x1xf32>
    %gt3A_252 = vector.broadcast %min3A_243 : vector<256x1xf32> to vector<256x128xf32>
    %gt3A_253 = arith.cmpf ogt, %get3A_4, %gt3A_252 : vector<256x128xf32>
    %jit3A_254 = arith.constant 1.000000e+30 : f32
    %broadcast_in_dim3A_255 = vector.broadcast %jit3A_254 : f32 to vector<256x128xf32>
    %select_n3A_256 = arith.select %gt3A_253, %get3A_4, %broadcast_in_dim3A_255 : vector<256x128xi1>, vector<256x128xf32>
    %reduce_min3A_257 = arith.constant dense<0x7F800000> : vector<256xf32>
    %reduce_min3A_258 = vector.multi_reduction <minimumf>, %select_n3A_256, %reduce_min3A_257 [1] : vector<256x128xf32> to vector<256xf32>
    %broadcast_in_dim3A_259 = vector.shape_cast %reduce_min3A_258 : vector<256xf32> to vector<256x1xf32>
    %min3A_260 = arith.minimumf %broadcast_in_dim3A_251, %broadcast_in_dim3A_259 : vector<256x1xf32>
    %gt3A_261 = vector.broadcast %min3A_260 : vector<256x1xf32> to vector<256x2048xf32>
    %gt3A_262 = arith.cmpf ogt, %get3A_1, %gt3A_261 : vector<256x2048xf32>
    %jit3A_263 = arith.constant 1.000000e+30 : f32
    %broadcast_in_dim3A_264 = vector.broadcast %jit3A_263 : f32 to vector<256x2048xf32>
    %select_n3A_265 = arith.select %gt3A_262, %get3A_1, %broadcast_in_dim3A_264 : vector<256x2048xi1>, vector<256x2048xf32>
    %reduce_min3A_266 = arith.constant dense<0x7F800000> : vector<256xf32>
    %reduce_min3A_267 = vector.multi_reduction <minimumf>, %select_n3A_265, %reduce_min3A_266 [1] : vector<256x2048xf32> to vector<256xf32>
    %broadcast_in_dim3A_268 = vector.shape_cast %reduce_min3A_267 : vector<256xf32> to vector<256x1xf32>
    %gt3A_269 = vector.broadcast %min3A_260 : vector<256x1xf32> to vector<256x128xf32>
    %gt3A_270 = arith.cmpf ogt, %get3A_4, %gt3A_269 : vector<256x128xf32>
    %jit3A_271 = arith.constant 1.000000e+30 : f32
    %broadcast_in_dim3A_272 = vector.broadcast %jit3A_271 : f32 to vector<256x128xf32>
    %select_n3A_273 = arith.select %gt3A_270, %get3A_4, %broadcast_in_dim3A_272 : vector<256x128xi1>, vector<256x128xf32>
    %reduce_min3A_274 = arith.constant dense<0x7F800000> : vector<256xf32>
    %reduce_min3A_275 = vector.multi_reduction <minimumf>, %select_n3A_273, %reduce_min3A_274 [1] : vector<256x128xf32> to vector<256xf32>
    %broadcast_in_dim3A_276 = vector.shape_cast %reduce_min3A_275 : vector<256xf32> to vector<256x1xf32>
    %min3A_277 = arith.minimumf %broadcast_in_dim3A_268, %broadcast_in_dim3A_276 : vector<256x1xf32>
    %gt3A_278 = vector.broadcast %min3A_277 : vector<256x1xf32> to vector<256x2048xf32>
    %gt3A_279 = arith.cmpf ogt, %get3A_1, %gt3A_278 : vector<256x2048xf32>
    %jit3A_280 = arith.constant 1.000000e+30 : f32
    %broadcast_in_dim3A_281 = vector.broadcast %jit3A_280 : f32 to vector<256x2048xf32>
    %select_n3A_282 = arith.select %gt3A_279, %get3A_1, %broadcast_in_dim3A_281 : vector<256x2048xi1>, vector<256x2048xf32>
    %reduce_min3A_283 = arith.constant dense<0x7F800000> : vector<256xf32>
    %reduce_min3A_284 = vector.multi_reduction <minimumf>, %select_n3A_282, %reduce_min3A_283 [1] : vector<256x2048xf32> to vector<256xf32>
    %broadcast_in_dim3A_285 = vector.shape_cast %reduce_min3A_284 : vector<256xf32> to vector<256x1xf32>
    %gt3A_286 = vector.broadcast %min3A_277 : vector<256x1xf32> to vector<256x128xf32>
    %gt3A_287 = arith.cmpf ogt, %get3A_4, %gt3A_286 : vector<256x128xf32>
    %jit3A_288 = arith.constant 1.000000e+30 : f32
    %broadcast_in_dim3A_289 = vector.broadcast %jit3A_288 : f32 to vector<256x128xf32>
    %select_n3A_290 = arith.select %gt3A_287, %get3A_4, %broadcast_in_dim3A_289 : vector<256x128xi1>, vector<256x128xf32>
    %reduce_min3A_291 = arith.constant dense<0x7F800000> : vector<256xf32>
    %reduce_min3A_292 = vector.multi_reduction <minimumf>, %select_n3A_290, %reduce_min3A_291 [1] : vector<256x128xf32> to vector<256xf32>
    %broadcast_in_dim3A_293 = vector.shape_cast %reduce_min3A_292 : vector<256xf32> to vector<256x1xf32>
    %min3A_294 = arith.minimumf %broadcast_in_dim3A_285, %broadcast_in_dim3A_293 : vector<256x1xf32>
    %gt3A_295 = vector.broadcast %min3A_294 : vector<256x1xf32> to vector<256x2048xf32>
    %gt3A_296 = arith.cmpf ogt, %get3A_1, %gt3A_295 : vector<256x2048xf32>
    %jit3A_297 = arith.constant 1.000000e+30 : f32
    %broadcast_in_dim3A_298 = vector.broadcast %jit3A_297 : f32 to vector<256x2048xf32>
    %select_n3A_299 = arith.select %gt3A_296, %get3A_1, %broadcast_in_dim3A_298 : vector<256x2048xi1>, vector<256x2048xf32>
    %reduce_min3A_300 = arith.constant dense<0x7F800000> : vector<256xf32>
    %reduce_min3A_301 = vector.multi_reduction <minimumf>, %select_n3A_299, %reduce_min3A_300 [1] : vector<256x2048xf32> to vector<256xf32>
    %broadcast_in_dim3A_302 = vector.shape_cast %reduce_min3A_301 : vector<256xf32> to vector<256x1xf32>
    %gt3A_303 = vector.broadcast %min3A_294 : vector<256x1xf32> to vector<256x128xf32>
    %gt3A_304 = arith.cmpf ogt, %get3A_4, %gt3A_303 : vector<256x128xf32>
    %jit3A_305 = arith.constant 1.000000e+30 : f32
    %broadcast_in_dim3A_306 = vector.broadcast %jit3A_305 : f32 to vector<256x128xf32>
    %select_n3A_307 = arith.select %gt3A_304, %get3A_4, %broadcast_in_dim3A_306 : vector<256x128xi1>, vector<256x128xf32>
    %reduce_min3A_308 = arith.constant dense<0x7F800000> : vector<256xf32>
    %reduce_min3A_309 = vector.multi_reduction <minimumf>, %select_n3A_307, %reduce_min3A_308 [1] : vector<256x128xf32> to vector<256xf32>
    %broadcast_in_dim3A_310 = vector.shape_cast %reduce_min3A_309 : vector<256xf32> to vector<256x1xf32>
    %min3A_311 = arith.minimumf %broadcast_in_dim3A_302, %broadcast_in_dim3A_310 : vector<256x1xf32>
    %gt3A_312 = vector.broadcast %min3A_311 : vector<256x1xf32> to vector<256x2048xf32>
    %gt3A_313 = arith.cmpf ogt, %get3A_1, %gt3A_312 : vector<256x2048xf32>
    %jit3A_314 = arith.constant 1.000000e+30 : f32
    %broadcast_in_dim3A_315 = vector.broadcast %jit3A_314 : f32 to vector<256x2048xf32>
    %select_n3A_316 = arith.select %gt3A_313, %get3A_1, %broadcast_in_dim3A_315 : vector<256x2048xi1>, vector<256x2048xf32>
    %reduce_min3A_317 = arith.constant dense<0x7F800000> : vector<256xf32>
    %reduce_min3A_318 = vector.multi_reduction <minimumf>, %select_n3A_316, %reduce_min3A_317 [1] : vector<256x2048xf32> to vector<256xf32>
    %broadcast_in_dim3A_319 = vector.shape_cast %reduce_min3A_318 : vector<256xf32> to vector<256x1xf32>
    %gt3A_320 = vector.broadcast %min3A_311 : vector<256x1xf32> to vector<256x128xf32>
    %gt3A_321 = arith.cmpf ogt, %get3A_4, %gt3A_320 : vector<256x128xf32>
    %jit3A_322 = arith.constant 1.000000e+30 : f32
    %broadcast_in_dim3A_323 = vector.broadcast %jit3A_322 : f32 to vector<256x128xf32>
    %select_n3A_324 = arith.select %gt3A_321, %get3A_4, %broadcast_in_dim3A_323 : vector<256x128xi1>, vector<256x128xf32>
    %reduce_min3A_325 = arith.constant dense<0x7F800000> : vector<256xf32>
    %reduce_min3A_326 = vector.multi_reduction <minimumf>, %select_n3A_324, %reduce_min3A_325 [1] : vector<256x128xf32> to vector<256xf32>
    %broadcast_in_dim3A_327 = vector.shape_cast %reduce_min3A_326 : vector<256xf32> to vector<256x1xf32>
    %min3A_328 = arith.minimumf %broadcast_in_dim3A_319, %broadcast_in_dim3A_327 : vector<256x1xf32>
    %concatenate3A = tpu.concatenate %min3A, %min3A_22, %min3A_39, %min3A_56, %min3A_73, %min3A_90, %min3A_107, %min3A_124, %min3A_141, %min3A_158, %min3A_175, %min3A_192, %min3A_209, %min3A_226, %min3A_243, %min3A_260, %min3A_277, %min3A_294, %min3A_311, %min3A_328 in 1 : vector<256x1xf32>, vector<256x1xf32>, vector<256x1xf32>, vector<256x1xf32>, vector<256x1xf32>, vector<256x1xf32>, vector<256x1xf32>, vector<256x1xf32>, vector<256x1xf32>, vector<256x1xf32>, vector<256x1xf32>, vector<256x1xf32>, vector<256x1xf32>, vector<256x1xf32>, vector<256x1xf32>, vector<256x1xf32>, vector<256x1xf32>, vector<256x1xf32>, vector<256x1xf32>, vector<256x1xf32> -> vector<256x20xf32>
    %mul3A = arith.constant -5.000000e-01 : f32
    %mul3A_329 = vector.broadcast %mul3A : f32 to vector<256x20xf32>
    %mul3A_330 = arith.mulf %concatenate3A, %mul3A_329 : vector<256x20xf32>
    %exp3A = math.exp %mul3A_330 : vector<256x20xf32>
    %get3A_331 = arith.constant 0 : index
    %get3A_332 = arith.constant 0 : index
    %get3A_333 = vector.load %arg2[%get3A_331, %get3A_332] : memref<1x128xf32, #tpu.memory_space<vmem>>, vector<1x20xf32>
    %mul3A_334 = vector.broadcast %get3A_333 : vector<1x20xf32> to vector<256x20xf32>
    %mul3A_335 = arith.mulf %exp3A, %mul3A_334 : vector<256x20xf32>
    %reduce_sum3A = arith.constant dense<0.000000e+00> : vector<256xf32>
    %reduce_sum3A_336 = vector.multi_reduction <add>, %mul3A_335, %reduce_sum3A [1] : vector<256x20xf32> to vector<256xf32>
    %broadcast_in_dim3A_337 = vector.shape_cast %reduce_sum3A_336 : vector<256xf32> to vector<256x1xf32>
    %swap3A = arith.constant 0 : index
    %swap3A_338 = arith.constant 0 : index
    %swap3A_339 = vector.load %arg3[%swap3A, %swap3A_338] : memref<256x1xf32, #tpu.memory_space<vmem>>, vector<256x1xf32>
    tpu.vector_store %arg3[%swap3A, %swap3A_338], %broadcast_in_dim3A_337 {strides = array<i32>} : memref<256x1xf32, #tpu.memory_space<vmem>>, vector<256x1xf32>,
    return
  }
}

</mosaic_0001>

<sc_bundles>
// kernel: kernel.6.cloned.1.call-start
scs
__scs_entry_jumppad:
0x0: {  	(pc) =	sbr.rel $0x88, $3  }
0x1: {  	(tag) =	ssettag $0x0;
	lr =	simm.s32 $0x1  }
0x2: {  	[smem:$0x3F9E] =	sst lr;
	_ =	strace $0xD0000000  }
0x3: {  	_ = 	snop  }
0x4: {  	_ = 	snop  }
0x5: {  	_ = 	snop  }
0x6: {  	_ = 	snop  }
0x7: {  	_ = 	snop  }
__scs_overlays_trampoline_lowered:
0x8: {  	[smem:$0x3FAD] =	sst s0  }
0x9: {  	[smem:$0x3FAE] =	sst s1  }
0xa: {  	[smem:$0x3FAF] =	sst s2  }
0xb: {  	[smem:$0x3FB0] =	sst s3  }
0xc: {  	[smem:$0x3FB1] =	sst s4  }
0xd: {  	[smem:$0x3FB2] =	sst s5  }
0xe: {  	[smem:$0x3FB3] =	sst s6  }
0xf: {  	[smem:$0x3FB4] =	sst s7  }
0x10: {  	[smem:$0x3FB5] =	sst s8  }
0x11: {  	[smem:$0x3FB6] =	sst s9;
	s0 =	simm.s32 @!p0 $0x0  }
0x12: {  	s1 =	sld [smem:$0x3F9C];
	s0 =	simm.s32 @p0 $0x1  }
0x13: {  	[smem:$0x3FB7] =	sst s0;
	s0 =	simm.s32 @!p1 $0x0  }
0x14: {  	s2 =	sld [smem:$0x3F9B];
	s0 =	simm.s32 @p1 $0x1  }
0x15: {  	[smem:$0x3FB8] =	sst s0;
	s0 =	simm.s32 @!p2 $0x0  }
0x16: {  	s3 =	sld [smem:$0x3FDB];
	s0 =	simm.s32 @p2 $0x1  }
0x17: {  	s4 =	simm.s32 $0x1BF5;
	[smem:$0x3FBA] =	sst s0  }
0x18: {  	s0 =	sld [smem:$0x3F9D];
	_ =	swait.ge [sflag:s4], $0x0  }
0x19: {  	s7 =	sld [smem:$0x3F9E]  }
0x1a: {  	s8 =	sadd.s32 $0xFFFFE003, lr  }
0x1b: {  	s9 =	sadd.s32 $0xFFFFFEF7, lr;
	s5 =	simm.s32 $0xFFFFFFFF;
	p2 =	slt.u32 s8, $0xFFFFF086  }
0x1c: {  	p1 =	slt.u32 s9, $0xF7A;
	s5 =	simm.s32 @!p2 $0x0  }
0x1d: {  	s5 =	simm.s32 @p1 $0x1;
	p0 =	seq.s32 s7, s2  }
0x1e: {  	s7 =	smul.u32 @!p0 $0xF7A, s2;
	p2 =	seq.s32 @!p0 s5, $0x0  }
0x1f: {  	s9 =	smul.u32 $0xF7A, s1;
	s8 =	simm.s32 @!p0 $0x1BF5;
	p2 =	por !p2, p0  }
0x20: {  	[sflag:s8] =	ssyncset.s32 @!p0 $0xFFFFF086;
	s6 =	sadd.s32 @!p0 s3, s7;
	s7 =	simm.s32 @!p0 $0x108  }
0x21: {  	s3 =	sadd.s32 s3, s9;
	s6 =	sadd.s32 @!p0 $0x88, s6;
	s7 =	simm.s32 @p2 $0x1082  }
0x22: {  	[simem:s7], [sflag:s8] =	dma.local @!p0 [hbm:s6], $0xF7A  }
0x23: {  	s9 =	sor.u32 $0xD0000000, s2;
	s6 =	simm.s32 $0x108;
	_ =	swait.ge @!p0 [sflag:s8], $0x0  }
0x24: {  	s3 =	sadd.s32 $0x88, s3;
	s6 =	simm.s32 @!p1 $0x1082;
	[sflag:s4] =	ssyncset.s32 $0xFFFFF086  }
0x25: {  	[simem:s6], [sflag:s4] =	dma.local [hbm:s3], $0xF7A  }
0x26: {  	[smem:$0x3F9E] =	sst s1;
	(tag) =	ssettag s2;
	_ =	strace s9  }
0x27: {  	s1 =	sld [smem:$0x3FAE]  }
0x28: {  	s2 =	sld [smem:$0x3FAF]  }
0x29: {  	s4 =	sld [smem:$0x3FB1]  }
0x2a: {  	p0 =	seq.s32 s5, $0x0;
	s5 =	sld [smem:$0x3FB2]  }
0x2b: {  	s6 =	sld [smem:$0x3FB3]  }
0x2c: {  	s7 =	sld [smem:$0x3FB4]  }
0x2d: {  	s3 =	simm.s32 $0x108;
	s8 =	sld [smem:$0x3FB5]  }
0x2e: {  	s3 =	simm.s32 @!p0 $0x1082;
	s9 =	sld [smem:$0x3FB6]  }
0x2f: {  	lr =	sadd.s32 s0, s3;
	s0 =	sld [smem:$0x3FAD]  }
0x30: {  	s3 =	sld [smem:$0x3FB0]  }
0x31: {  	[smem:$0x3FB9] =	sst s10  }
0x32: {  	s10 =	sld [smem:$0x3FB7];
	_ =	sdelay $0x3  }
0x33: {  	p0 =	seq.s32 s10, $0x1;
	s10 =	sld [smem:$0x3FB9];
	_ =	sdelay $0x3  }
0x34: {  	[smem:$0x3FB9] =	sst s10  }
0x35: {  	s10 =	sld [smem:$0x3FB8];
	_ =	sdelay $0x3  }
0x36: {  	p1 =	seq.s32 s10, $0x1;
	s10 =	sld [smem:$0x3FB9];
	_ =	sdelay $0x3  }
0x37: {  	[smem:$0x3FB9] =	sst s10  }
0x38: {  	s10 =	sld [smem:$0x3FBA]  }
0x39: {  	_ = 	snop;
	(pc) =	sbr.ind lr, $3  }
0x3a: {  	_ = 	snop  }
0x3b: {  	_ = 	snop  }
0x3c: {  	p2 =	seq.s32 s10, $0x1;
	s10 =	sld [smem:$0x3FB9]  }
0x3d: {  	_ =	shalt  }
0x3e: {  	_ =	shalt  }
0x3f: {  	_ =	shalt  }
0x40: {  	_ =	shalt  }
0x41: {  	_ =	shalt  }
0x42: {  	_ =	shalt  }
0x43: {  	_ =	shalt  }
0x44: {  	_ =	shalt  }
0x45: {  	_ =	shalt  }
0x46: {  	_ =	shalt  }
0x47: {  	_ =	shalt  }
0x48: {  	_ =	shalt  }
0x49: {  	_ =	shalt  }
0x4a: {  	_ =	shalt  }
0x4b: {  	_ =	shalt  }
0x4c: {  	_ =	shalt  }
0x4d: {  	_ =	shalt  }
0x4e: {  	_ =	shalt  }
0x4f: {  	_ =	shalt  }
0x50: {  	_ =	shalt  }
0x51: {  	_ =	shalt  }
0x52: {  	_ =	shalt  }
0x53: {  	_ =	shalt  }
0x54: {  	_ =	shalt  }
0x55: {  	_ =	shalt  }
0x56: {  	_ =	shalt  }
0x57: {  	_ =	shalt  }
0x58: {  	_ =	shalt  }
0x59: {  	_ =	shalt  }
0x5a: {  	_ =	shalt  }
0x5b: {  	_ =	shalt  }
0x5c: {  	_ =	shalt  }
0x5d: {  	_ =	shalt  }
0x5e: {  	_ =	shalt  }
0x5f: {  	_ =	shalt  }
0x60: {  	_ =	shalt  }
0x61: {  	_ =	shalt  }
0x62: {  	_ =	shalt  }
0x63: {  	_ =	shalt  }
0x64: {  	_ =	shalt  }
0x65: {  	_ =	shalt  }
0x66: {  	_ =	shalt  }
0x67: {  	_ =	shalt  }
0x68: {  	_ =	shalt  }
0x69: {  	_ =	shalt  }
0x6a: {  	_ =	shalt  }
0x6b: {  	_ =	shalt  }
0x6c: {  	_ =	shalt  }
0x6d: {  	_ =	shalt  }
0x6e: {  	_ =	shalt  }
0x6f: {  	_ =	shalt  }
0x70: {  	_ =	shalt  }
0x71: {  	_ =	shalt  }
0x72: {  	_ =	shalt  }
0x73: {  	_ =	shalt  }
0x74: {  	_ =	shalt  }
0x75: {  	_ =	shalt  }
0x76: {  	_ =	shalt  }
0x77: {  	_ =	shalt  }
0x78: {  	_ =	shalt  }
0x79: {  	_ =	shalt  }
0x7a: {  	_ =	shalt  }
0x7b: {  	_ =	shalt  }
0x7c: {  	_ =	shalt  }
0x7d: {  	_ =	shalt  }
0x7e: {  	_ =	shalt  }
0x7f: {  	_ =	shalt  }
0x80: {  	_ =	shalt  }
0x81: {  	_ =	shalt  }
0x82: {  	_ =	shalt  }
0x83: {  	_ =	shalt  }
0x84: {  	_ =	shalt  }
0x85: {  	_ =	shalt  }
0x86: {  	_ =	shalt  }
0x87: {  	_ =	shalt  }
.Lfunc_end0:
.L_simem_size_0:
called_computation_lowered:
.L_overlay_start_0:
0x88: {  	s2 =	sld [smem:$0x3FD9]  }
0x89: {  	s3 =	sld [smem:$0x3FFE];
	_ =	sdelay $0x1  }
0x8a: {  	s1 =	srdreg.scid  }
0x8b: {  	s0 =	sand.u32 $0x1, s1  }
0x8c: {  	s16 =	sshll.u32 s0, $0xA;
	s2 =	sadd.s32 s3, s2  }
0x8d: {  	s2 =	sadd.s32 s2, s16  }
0x8e: {  	[smem:$0x3FC5] =	sst s2  }
0x8f: {  	_ = 	snop  }
0x90: {  	(tm) =	ssettm $0x1  }
0x91: {  	s17 =	sld [smem:$0x3FFB];
	_ =	sdelay $0x3  }
0x92: {  	_ =	strace s17  }
0x93: {  	s2 =	sld [smem:$0x3FFC];
	_ =	sdelay $0x3  }
0x94: {  	_ =	strace s2  }
0x95: {  	s2 =	sld [smem:$0x3FFD];
	_ =	sdelay $0x3  }
0x96: {  	_ =	strace s2  }
0x97: {  	_ =	strace $0x8FFFFFFF  }
0x98: {  	s18 =	sld [smem:$0x3FDB];
	_ =	sdelay $0x1  }
0x99: {  	s19 =	simm.s32 $_scs_section_size  }
0x9a: {  	s4 =	simm.s32 $_size__tile_overlayer_lowered;
	s5 =	simm.s32 $_tile_overlayer_lowered  }
0x9b: {  	s22 =	simm.s32 $0x1BFF;
	s21 =	sshll.u32 s5, $0x1;
	s2 =	sadd.s32 s19, s18  }
0x9c: {  	s6 =	simm.s32 $0x0;
	s20 =	sshll.u32 s4, $0x1;
	s4 =	sadd.s32 s21, s2  }
0x9d: {  	[timem:s6], [sflag:s22] =	dma.local [hbm:s4], s20  }
0x9e: {  	_ =	swait.ge [sflag:s22], s20  }
0x9f: {  	s3 =	ssub.s32 $0x0, s20;
	[sflag:s22] =	ssyncset.done $0x0  }
0xa0: {  	[sflag:s22] =	ssyncadd.s32 s3;
	_ =	sdelay $0x1  }
0xa1: {  	s23 =	simm.s32 $0x1B8B  }
0xa2: {  	_ =	swait.ge [sflag:s23], $0x1  }
0xa3: {  	[sflag:s23] =	ssyncset.done $0x0  }
0xa4: {  	s25 =	simm.s32 $0x1B8E;
	s24 =	sld [smem:$0x3FFE];
	[sflag:s23] =	ssyncadd.s32 $0xFFFFFFFF  }
0xa5: {  	s26 =	simm.s32 $execute0_lowered;
	[smem:$0x3FD2] =	sst s25  }
0xa6: {  	s4 =	sshll.u32 s26, $0x1;
	_ =	strace $0x80000046;
	[dreg:$0x1] =	wrdreg $0xFFFFFFFF  }
0xa7: {  	s28 =	simm.s32 $_size_execute0_lowered;
	s2 =	sadd.s32 s2, s4;
	[dreg:$0x0] =	wrdreg $0x0  }
0xa8: {  	s4 =	sshll.u32 s28, $0x1;
	[dreg:$0x2] =	wrdreg s2  }
0xa9: {  	[dreg:$0x3] =	wrdreg s4  }
0xaa: {  	[dreg:$0x4] =	wrdreg $0xC0  }
0xab: {  	_ =	task [dreg:s6], $0x5FFFF  }
0xac: {  	[dreg:$0x1] =	wrdreg $0xFFFFFFFF  }
0xad: {  	[dreg:$0x0] =	wrdreg $0x60  }
0xae: {  	[dreg:$0x2] =	wrdreg s24  }
0xaf: {  	[dreg:$0x3] =	wrdreg $0x9  }
0xb0: {  	_ =	task.clear_ibuf [dreg:s6], $0x4FFFF;
	_ =	strace $0x90000046  }
0xb1: {  	s29 =	simm.s32 $0x9;
	_ =	strace $0x80000048  }
0xb2: {  	_ =	swait.ge [sflag:s29], $0x1  }
0xb3: {  	[sflag:s29] =	ssyncadd.s32 $0xFFFFFFFF  }
0xb4: {  	_ =	strace $0x90000048  }
0xb5: {  	_ =	sfence  }
0xb6: {  	s30 =	sld [smem:$0x0];
	_ =	sdelay $0x2  }
0xb7: {  	s31 =	sshll.u32 s1, $0xD;
	s1 =	sshrl.u32 s1, $0x2  }
0xb8: {  	s3 =	sand.u32 $0x4000, s31;
	s1 =	sadd.s32 s1, s30  }
0xb9: {  	s0 =	sor.u32 s3, s0;
	s1 =	sshll.u32 s1, $0x11  }
0xba: {  	s0 =	sor.u32 s1, s0  }
0xbb: {  	s0 =	sadd.s32 $0x8F2B, s0  }
0xbc: {  	[sflag:s0] =	ssyncadd.remote.s32 $0x1  }
0xbd: {  	_ =	sfence.sel $0xFFFF  }
0xbe: {  	[dreg:$0x0] =	wrdreg $0xFFFFFFFF;
	(pc) =	sbr.abs _section_cstart, $3  }
0xbf: {  	[dreg:$0x1] =	wrdreg $0xFFFFFFFF  }
0xc0: {  	_ =	task.clear_ibuf [dreg:s6], $0x2FFFF;
	_ =	strace $0x9FFFFFFF  }
0xc1: {  	(tm) =	ssettm $0x7FFFFFFF  }
tec
execute0_lowered:
.L_overlay_start_1:
0x0: {  	(tag) =	ssettag $0x1  }
0x1: {  	s0 =	rddreg [dreg:$0x0];
	s2 =	simm.s32 $0x0  }
0x2: {  	s1 =	srdreg.scid;
	s3 =	stileid.u32;
	s16 =	simm.s32 $0x4  }
0x3: {  	s17 =	simm.s32 $0x1;
	s18 =	simm.s32 $0x2;
	s19 =	simm.s32 $0x80  }
0x4: {  	s20 =	simm.s32 $0x400;
	s21 =	simm.s32 $0x7A80;
	[smem:$0x7FF] =	sst s2  }
0x5: {  	s1 =	sand.u32 $0x1, s1;
	s3 =	sshll.u32 s3, $0x1;
	s4 =	sadd.s32 $0x310400, s0  }
0x6: {  	s5 =	sadd.s32 $0x311400, s0;
	s6 =	ssub.s32 $0x2, s1;
	s1 =	sor.u32 s1, s3  }
0x7: {  	s22 =	simm.s32 $0x3;
	_ =	strace $0x80000047;
	s12 =	smul.u32 $0xC4000, s1  }
.Ltmp0:
0x8: {  	s3 =	sadd.s32 $0x400, s0;
	s7 =	sshrl.u32 s6, $0x1;
	(pc) =	sbr.rel .LBB2_1-.Ltmp0, $4  }
0x9: {  	s13 =	sshll.u32 s1, $0xE;
	s31 =	ssub.s32 s6, s7;
	s6 =	sshll.u32 s1, $0xA  }
0xa: {  	s1 =	simm.s32 $0x0;
	s7 =	sadd.s32 $0x1C000, s12;
	s8 =	sadd.s32 $0x38000, s12  }
0xb: {  	s9 =	sadd.s32 $0x54000, s12;
	s10 =	sadd.s32 $0x70000, s12;
	s0 =	smax.u32 s31, $0x1  }
0xc: {  	v0 =	vimm.f32 $1.000000020e+30;
	v1 =	vlaneseq.u32;
	s11 =	sadd.s32 $0x8C000, s12;
	s12 =	sadd.s32 $0xA8000, s12;
	[dreg:$0x2] =	wrdreg s0  }
.LBB2_95:
0xd: {  	s1 =	rddreg [dreg:$0x3]  }
0xe: {  	s0 =	rddreg [dreg:$0x2];
	s1 =	sadd.s32 $0x1, s1  }
0xf: {  	p0 =	sne.s32 s1, s0  }
.Ltmp1:
0x10: {  	_ = 	snop;
	(pc) =	sbr.rel @!p0 .LBB2_96-.Ltmp1, $1  }
0x11: {  	_ =	sdelay $0x3  }
.LBB2_1:
.Ltmp2:
0x12: {  	(pc) =	sbr.rel .LBB2_2-.Ltmp2, $2  }
0x13: {  	_ =	sdelay $0x2  }
0x14: {  	[dreg:$0x3] =	wrdreg s1;
	s24 =	simm.s32 $0x0  }
.LBB2_94:
0x15: {  	s0 =	sadd.s32 s13, s25;
	s24 =	sadd.s32 $0x1, s24  }
0x16: {  	s0 =	sshrl.u32 s0, $0x3;
	p0 =	sne.s32 s24, $0x8  }
.Ltmp3:
0x17: {  	s0 =	sadd.s32 s5, s0;
	(pc) =	sbr.rel @!p0 .LBB2_95-.Ltmp3, $4  }
0x18: {  	[hbm4b:s0+s19] =	stream.strided.scatter [tilespmem:s21], [sflag:$0x3], $0x800, s20, s19, $0x38;
	[tilespmem:$0x8300] =	vst v63  }
0x19: {  	_ =	swait.ge [sflag:s22], $0x800  }
0x1a: {  	[sflag:s22] =	ssyncset.done $0x0  }
0x1b: {  	[sflag:s22] =	ssyncadd.s32 $0xFFFFF800  }
.LBB2_2:
0x1c: {  	s25 =	sshll.u32 s24, $0x7  }
0x1d: {  	s0 =	sadd.s32 s6, s25  }
0x1e: {  	s0 =	sshrl.u32 s0, $0x3  }
0x1f: {  	s14 =	simm.s32 $0x7A00;
	s1 =	sadd.s32 s4, s0;
	s0 =	simm.s32 $0x0  }
0x20: {  	[tilespmem:s14], [sflag:$0x4] =	stream.linear.gather [hbm4b:s1+s0], $0x20, $0x38;
	[tilespmem:$0x8300] =	vst v63  }
0x21: {  	s31 =	sadd.s32 s7, s25;
	_ =	swait.ge [sflag:s16], $0x20  }
0x22: {  	s1 =	sshrl.u32 s31, $0x3;
	[sflag:s16] =	ssyncset.done $0x0  }
0x23: {  	s26 =	simm.s32 $0x100;
	s1 =	sadd.s32 s3, s1;
	[sflag:s16] =	ssyncadd.s32 $0xFFFFFFE0  }
0x24: {  	s28 =	simm.s32 $0x0;
	s14 =	simm.s32 $0x80;
	s29 =	sadd.s32 $0x0, s1;
	v2 =	vld [tilespmem:$0x7A10]  }
.LBB2_3:
0x25: {  	[tilespmem:s28], [sflag:$0x1] =	stream.linear.gather [hbm4b:s29+s0], $0x80, $0x38;
	[tilespmem:$0x8300] =	vst v63  }
0x26: {  	s29 =	smov.u32 s14;
	s28 =	smov.u32 s26;
	p0 =	sne.s32 s14, $0x3780  }
.Ltmp4:
0x27: {  	s14 =	sadd.s32 $0x80, s14;
	(pc) =	sbr.rel @p0 .LBB2_3-.Ltmp4, $2  }
0x28: {  	_ =	sdelay $0x2  }
0x29: {  	s26 =	sadd.s32 $0x100, s26;
	s29 =	sadd.s32 s29, s1  }
0x2a: {  	[tilespmem:s28], [sflag:$0x1] =	stream.linear.gather [hbm4b:s29+s0], $0x80, $0x38;
	[tilespmem:$0x8300] =	vst v63  }
0x2b: {  	s0 =	simm.s32 $0x40;
	s14 =	simm.s32 $0x0  }
.LBB2_5:
0x2c: {  	p0 =	sne.s32 s0, $0x1FC0;
	[tilespmem:s14+$0x7A80] =	vst v0;
	s1 =	smov.u32 s0;
	s0 =	sadd.s32 $0x40, s0  }
.Ltmp5:
0x2d: {  	(pc) =	sbr.rel @p0 .LBB2_5-.Ltmp5, $2  }
0x2e: {  	_ =	sdelay $0x2  }
0x2f: {  	s14 =	sshra.s32 s1, $0x2  }
0x30: {  	s0 =	sadd.s32 s8, s25  }
0x31: {  	s0 =	sshrl.u32 s0, $0x3  }
0x32: {  	s1 =	simm.s32 $0x80;
	s0 =	sadd.s32 s3, s0  }
0x33: {  	[tilespmem:s14+$0x7A80] =	vst v0;
	s14 =	simm.s32 $0x80;
	s26 =	simm.s32 $0x180;
	s28 =	sadd.s32 $0x0, s0  }
.LBB2_7:
0x34: {  	[tilespmem:s1], [sflag:$0x2] =	stream.linear.gather [hbm4b:s28+s2], $0x80, $0x38;
	[tilespmem:$0x8300] =	vst v63  }
0x35: {  	s28 =	smov.u32 s14;
	s1 =	smov.u32 s26;
	p0 =	sne.s32 s14, $0x3780  }
.Ltmp6:
0x36: {  	s14 =	sadd.s32 $0x80, s14;
	(pc) =	sbr.rel @p0 .LBB2_7-.Ltmp6, $2  }
0x37: {  	_ =	sdelay $0x2  }
0x38: {  	s26 =	sadd.s32 $0x100, s26;
	s28 =	sadd.s32 s28, s0  }
0x39: {  	[tilespmem:s1], [sflag:$0x2] =	stream.linear.gather [hbm4b:s28+s2], $0x80, $0x38;
	[tilespmem:$0x8300] =	vst v63  }
0x3a: {  	_ =	swait.ge [sflag:s17], $0x3800  }
0x3b: {  	[sflag:s17] =	ssyncset.done $0x0  }
0x3c: {  	s1 =	simm.s32 $0x40;
	[sflag:s17] =	ssyncadd.s32 $0xFFFFC800  }
0x3d: {  	v3 =	vld [tilespmem:s1+$0xFFFFFFD0]  }
0x3e: {  	v4 =	vld [tilespmem:s1+$0xFFFFFFC0]  }
0x3f: {  	v5 =	vld [tilespmem:s1+$0xFFFFFFE0]  }
0x40: {  	v6 =	vld [tilespmem:s1+$0xFFFFFFF0]  }
0x41: {  	v7 =	vld [tilespmem:s1+$0x0]  }
0x42: {  	v8 =	vld [tilespmem:s1+$0x10]  }
0x43: {  	v9 =	vld [tilespmem:s1+$0x20]  }
0x44: {  	s0 =	simm.s32 $0x0;
	s26 =	simm.s32 $0x40;
	s14 =	simm.s32 $0x0;
	v10 =	vld [tilespmem:s1+$0x30]  }
.LBB2_9:
0x45: {  	p0 =	sne.s32 s26, $0x1BC0;
	_ =	sdelay $0x2  }
0x46: {  	v3 =	vmin.f32 v4, v3  }
0x47: {  	v4 =	vmin.f32 v5, v6;
	v5 =	vmin.f32 v7, v8;
	v6 =	vmin.f32 v9, v10  }
0x48: {  	v3 =	vmin.f32 v3, v4;
	v4 =	vmin.f32 v5, v6  }
0x49: {  	s28 =	sshra.s32 s14, $0x2;
	s14 =	smov.u32 s26;
	v3 =	vmin.f32 v3, v4  }
0x4a: {  	s1 =	sadd.s32 $0x100, s1;
	[tilespmem:s28+$0x7100] =	vst v3  }
0x4b: {  	v3 =	vld [tilespmem:s1+$0xFFFFFFD0]  }
0x4c: {  	v4 =	vld [tilespmem:s1+$0xFFFFFFC0]  }
0x4d: {  	v5 =	vld [tilespmem:s1+$0xFFFFFFE0]  }
.Ltmp7:
0x4e: {  	v6 =	vld [tilespmem:s1+$0xFFFFFFF0];
	(pc) =	sbr.rel @p0 .LBB2_9-.Ltmp7, $4  }
0x4f: {  	v7 =	vld [tilespmem:s1+$0x0]  }
0x50: {  	v8 =	vld [tilespmem:s1+$0x10]  }
0x51: {  	v9 =	vld [tilespmem:s1+$0x20]  }
0x52: {  	s26 =	sadd.s32 $0x40, s26;
	v10 =	vld [tilespmem:s1+$0x30]  }
0x53: {  	_ =	sdelay $0x2  }
0x54: {  	v3 =	vmin.f32 v4, v3  }
0x55: {  	v4 =	vmin.f32 v5, v6;
	v5 =	vmin.f32 v7, v8;
	v6 =	vmin.f32 v9, v10  }
0x56: {  	v3 =	vmin.f32 v3, v4;
	v4 =	vmin.f32 v5, v6  }
0x57: {  	s1 =	sshra.s32 s14, $0x2;
	v3 =	vmin.f32 v3, v4  }
0x58: {  	[tilespmem:s1+$0x7100] =	vst v3;
	s1 =	simm.s32 $0x7140  }
0x59: {  	v3 =	vld [tilespmem:s1+$0xFFFFFFD0]  }
0x5a: {  	v4 =	vld [tilespmem:s1+$0xFFFFFFC0]  }
0x5b: {  	v5 =	vld [tilespmem:s1+$0xFFFFFFE0]  }
0x5c: {  	v6 =	vld [tilespmem:s1+$0xFFFFFFF0]  }
0x5d: {  	v7 =	vld [tilespmem:s1+$0x0]  }
0x5e: {  	v8 =	vld [tilespmem:s1+$0x10]  }
0x5f: {  	v9 =	vld [tilespmem:s1+$0x20]  }
0x60: {  	s14 =	simm.s32 $0x40;
	v10 =	vld [tilespmem:s1+$0x30]  }
.LBB2_11:
0x61: {  	p0 =	sne.s32 s14, $0x340;
	_ =	sdelay $0x2  }
0x62: {  	v3 =	vmin.f32 v4, v3  }
0x63: {  	v4 =	vmin.f32 v5, v6;
	v5 =	vmin.f32 v7, v8;
	v6 =	vmin.f32 v9, v10  }
0x64: {  	v3 =	vmin.f32 v3, v4;
	v4 =	vmin.f32 v5, v6  }
0x65: {  	s26 =	sshra.s32 s0, $0x2;
	s0 =	smov.u32 s14;
	v3 =	vmin.f32 v3, v4  }
0x66: {  	s1 =	sadd.s32 $0x80, s1;
	[tilespmem:s26+$0x7880] =	vst v3  }
0x67: {  	v3 =	vld [tilespmem:s1+$0xFFFFFFD0]  }
0x68: {  	v4 =	vld [tilespmem:s1+$0xFFFFFFC0]  }
0x69: {  	v5 =	vld [tilespmem:s1+$0xFFFFFFE0]  }
.Ltmp8:
0x6a: {  	v6 =	vld [tilespmem:s1+$0xFFFFFFF0];
	(pc) =	sbr.rel @p0 .LBB2_11-.Ltmp8, $4  }
0x6b: {  	v7 =	vld [tilespmem:s1+$0x0]  }
0x6c: {  	v8 =	vld [tilespmem:s1+$0x10]  }
0x6d: {  	v9 =	vld [tilespmem:s1+$0x20]  }
0x6e: {  	s14 =	sadd.s32 $0x40, s14;
	v10 =	vld [tilespmem:s1+$0x30]  }
0x6f: {  	_ =	sdelay $0x2  }
0x70: {  	v3 =	vmin.f32 v4, v3  }
0x71: {  	v49 =	vmin.f32 v5, v6;
	v50 =	vmin.f32 v7, v8;
	v51 =	vmin.f32 v9, v10  }
0x72: {  	v3 =	vmin.f32 v3, v49;
	v52 =	vmin.f32 v50, v51  }
0x73: {  	s0 =	sshra.s32 s0, $0x2;
	v3 =	vmin.f32 v3, v52  }
0x74: {  	[tilespmem:s0+$0x7880] =	vst v3  }
0x75: {  	v3 =	vld [tilespmem:$0x7880]  }
0x76: {  	v53 =	vld [tilespmem:$0x7890]  }
0x77: {  	v54 =	vld [tilespmem:$0x78A0]  }
0x78: {  	v55 =	vld [tilespmem:$0x78B0]  }
0x79: {  	(v2sf) =	vpush v2, $0x3;
	v2 =	vld [tilespmem:$0x78C0]  }
0x7a: {  	v56 =	vld [tilespmem:$0x78D0]  }
0x7b: {  	v57 =	vld [tilespmem:$0x78E0];
	v3 =	vmin.f32 v3, v53  }
0x7c: {  	v58 =	vld [tilespmem:$0x78F0];
	v3 =	vmin.f32 v3, v54  }
0x7d: {  	v59 =	vld [tilespmem:$0x7900];
	v3 =	vmin.f32 v3, v55  }
0x7e: {  	v2 =	vmin.f32 v3, v2;
	v3 =	vld [tilespmem:$0x7910]  }
0x7f: {  	v60 =	vld [tilespmem:$0x7920];
	v2 =	vmin.f32 v2, v56  }
0x80: {  	v61 =	vld [tilespmem:$0x7930];
	v2 =	vmin.f32 v2, v57  }
0x81: {  	v62 =	vld [tilespmem:$0x7940];
	v2 =	vmin.f32 v2, v58  }
0x82: {  	v63 =	vld [tilespmem:$0x7950];
	v2 =	vmin.f32 v2, v59  }
0x83: {  	v2 =	vmin.f32 v2, v3  }
.Ltmp9:
0x84: {  	v2 =	vmin.f32 v2, v60;
	(pc) =	sbr.rel .LBB2_13-.Ltmp9, $4  }
0x85: {  	v2 =	vmin.f32 v2, v61  }
0x86: {  	v2 =	vmin.f32 v2, v62  }
0x87: {  	v2 =	vmin.f32 v2, v63  }
0x88: {  	s28 =	simm.s32 $0x0;
	s29 =	simm.s32 $0x0;
	s26 =	spop (v2sf);
	[tilespmem:$0x7980] =	vst v2  }
.LBB2_20:
0x89: {  	s29 =	sadd.s32 $0x1, s29  }
0x8a: {  	p0 =	sne.s32 s29, $0x10  }
.Ltmp10:
0x8b: {  	_ = 	snop;
	(pc) =	sbr.rel @!p0 .LBB2_21-.Ltmp10, $1  }
0x8c: {  	_ =	sdelay $0x3  }
.LBB2_13:
0x8d: {  	v3 =	vld [tilespmem:$0x7980];
	_ =	sdelay $0x2  }
0x8e: {  	v2 =	vadd.s32 s29, v1  }
0x8f: {  	v2 =	vand.u32 $0xF, v2  }
0x90: {  	v3 =	vperm.xlane v3, v2;
	_ =	sdelay $0x1  }
0x91: {  	(v2sf) =	vpush v3, $0x0;
	_ =	sdelay $0xe  }
0x92: {  	s0 =	spop (v2sf)  }
0x93: {  	p0 =	slt.f32 s0, s26  }
.Ltmp11:
0x94: {  	_ = 	snop;
	(pc) =	sbr.rel @!p0 .LBB2_20-.Ltmp11, $1  }
0x95: {  	_ =	sdelay $0x3  }
.Ltmp12:
0x96: {  	(pc) =	sbr.rel .LBB2_15-.Ltmp12, $2  }
0x97: {  	_ =	sdelay $0x2  }
0x98: {  	s30 =	simm.s32 $0x7100;
	s14 =	simm.s32 $0x40;
	s0 =	simm.s32 $0x0  }
.LBB2_19:
0x99: {  	s0 =	sadd.s32 $0x1, s0  }
0x9a: {  	p0 =	sne.s32 s0, $0xE  }
.Ltmp13:
0x9b: {  	_ = 	snop;
	(pc) =	sbr.rel @!p0 .LBB2_20-.Ltmp13, $2  }
0x9c: {  	_ =	sdelay $0x2  }
0x9d: {  	s30 =	sadd.s32 $0x80, s30;
	s14 =	sadd.s32 $0x800, s14  }
.LBB2_15:
0x9e: {  	s1 =	sshll.u32 s0, $0x4  }
0x9f: {  	s1 =	sand.u32 $0x3FFFFFF0, s1  }
0xa0: {  	v3 =	vld [tilespmem:s1+$0x7880];
	_ =	sdelay $0x4  }
0xa1: {  	v3 =	vperm.xlane v3, v2;
	_ =	sdelay $0x1  }
0xa2: {  	(v2sf) =	vpush v3, $0x0;
	_ =	sdelay $0xe  }
0xa3: {  	s23 =	spop (v2sf)  }
0xa4: {  	p0 =	slt.f32 s23, s26  }
.Ltmp14:
0xa5: {  	_ = 	snop;
	(pc) =	sbr.rel @!p0 .LBB2_19-.Ltmp14, $4  }
.Ltmp15:
0xa6: {  	_ = 	snop;
	(pc) =	sbr.rel @p0 .LBB2_16-.Ltmp15, $4  }
0xa7: {  	_ = 	snop  }
0xa8: {  	_ = 	snop  }
0xa9: {  	s31 =	smov.u32 s14;
	s1 =	simm.s32 $0x0  }
0xaa: {  	_ = 	snop  }
.LBB2_18:
0xab: {  	s1 =	sadd.s32 $0x40, s1  }
0xac: {  	p0 =	sne.s32 s1, $0x200  }
.Ltmp16:
0xad: {  	_ = 	snop;
	(pc) =	sbr.rel @!p0 .LBB2_19-.Ltmp16, $2  }
0xae: {  	_ =	sdelay $0x2  }
0xaf: {  	s31 =	sadd.s32 $0x100, s31  }
.LBB2_16:
0xb0: {  	s23 =	sshra.s32 s1, $0x2  }
0xb1: {  	s23 =	sadd.s32 s23, s30  }
0xb2: {  	v3 =	vld [tilespmem:s23+$0x0];
	_ =	sdelay $0x4  }
0xb3: {  	v3 =	vperm.xlane v3, v2;
	_ =	sdelay $0x1  }
0xb4: {  	(v2sf) =	vpush v3, $0x0;
	_ =	sdelay $0xe  }
0xb5: {  	s15 =	spop (v2sf)  }
0xb6: {  	p0 =	slt.f32 s15, s26  }
.Ltmp17:
0xb7: {  	_ = 	snop;
	(pc) =	sbr.rel @!p0 .LBB2_18-.Ltmp17, $1  }
0xb8: {  	_ =	sdelay $0x3  }
0xb9: {  	v3 =	vld [tilespmem:s31+$0xFFFFFFC0];
	_ =	sdelay $0x4  }
0xba: {  	v3 =	vperm.xlane v3, v2;
	_ =	sdelay $0x1  }
0xbb: {  	(v2sf) =	vpush v3, $0x0;
	_ =	sdelay $0xe  }
0xbc: {  	s23 =	spop (v2sf)  }
0xbd: {  	p1 =	slt.f32 s23, s26;
	_ =	sdelay $0x1  }
0xbe: {  	p0 =	slt.s32 @p1 s28, $0x7F  }
0xbf: {  	s23 =	smov.u32 s28;
	p0 =	por !p0, !p1  }
0xc0: {  	s23 =	simm.s32 @p0 $0x7F  }
0xc1: {  	vm0 =	vmmov @p1 $0x1;
	s23 =	sshll.u32 @p1 s23, $0x6  }
0xc2: {  	v3 =	vnsel @p1 vm0, $0x7149F2CA, v3;
	s23 =	sshra.s32 @p1 s23, $0x2  }
0xc3: {  	[tilespmem:s23+$0x7A80] =	vst @p1 v3  }
0xc4: {  	v3 =	vld [tilespmem:s31+$0xFFFFFFD0];
	_ =	sdelay $0x4  }
0xc5: {  	v3 =	vperm.xlane v3, v2;
	_ =	sdelay $0x1  }
0xc6: {  	(v2sf) =	vpush v3, $0x0;
	_ =	sdelay $0xe  }
0xc7: {  	s23 =	spop (v2sf)  }
0xc8: {  	s15 =	sadd.s32 @p1 $0x1, s28;
	p0 =	slt.f32 s23, s26  }
0xc9: {  	s28 =	smov.u32 @p1 s15  }
0xca: {  	p1 =	slt.s32 @p0 s28, $0x7F  }
0xcb: {  	s15 =	smov.u32 s28;
	p1 =	por !p1, !p0  }
0xcc: {  	s15 =	simm.s32 @p1 $0x7F  }
0xcd: {  	vm0 =	vmmov @p0 $0x1;
	s15 =	sshll.u32 @p0 s15, $0x6  }
0xce: {  	v3 =	vnsel @p0 vm0, $0x7149F2CA, v3;
	s15 =	sshra.s32 @p0 s15, $0x2  }
0xcf: {  	[tilespmem:s15+$0x7A80] =	vst @p0 v3  }
0xd0: {  	v3 =	vld [tilespmem:s31+$0xFFFFFFE0];
	_ =	sdelay $0x4  }
0xd1: {  	v3 =	vperm.xlane v3, v2;
	_ =	sdelay $0x1  }
0xd2: {  	(v2sf) =	vpush v3, $0x0;
	_ =	sdelay $0xe  }
0xd3: {  	s15 =	spop (v2sf)  }
0xd4: {  	s23 =	sadd.s32 @p0 $0x1, s28;
	p1 =	slt.f32 s15, s26  }
0xd5: {  	s28 =	smov.u32 @p0 s23  }
0xd6: {  	p0 =	slt.s32 @p1 s28, $0x7F  }
0xd7: {  	s15 =	smov.u32 s28;
	p0 =	por !p0, !p1  }
0xd8: {  	s15 =	simm.s32 @p0 $0x7F  }
0xd9: {  	vm0 =	vmmov @p1 $0x1;
	s15 =	sshll.u32 @p1 s15, $0x6  }
0xda: {  	v3 =	vnsel @p1 vm0, $0x7149F2CA, v3;
	s15 =	sshra.s32 @p1 s15, $0x2  }
0xdb: {  	[tilespmem:s15+$0x7A80] =	vst @p1 v3  }
0xdc: {  	v3 =	vld [tilespmem:s31+$0xFFFFFFF0];
	_ =	sdelay $0x4  }
0xdd: {  	v3 =	vperm.xlane v3, v2;
	_ =	sdelay $0x1  }
0xde: {  	(v2sf) =	vpush v3, $0x0;
	_ =	sdelay $0xe  }
0xdf: {  	s15 =	spop (v2sf)  }
0xe0: {  	s23 =	sadd.s32 @p1 $0x1, s28;
	p0 =	slt.f32 s15, s26  }
0xe1: {  	s28 =	smov.u32 @p1 s23  }
0xe2: {  	p1 =	slt.s32 @p0 s28, $0x7F  }
0xe3: {  	s15 =	smov.u32 s28;
	p1 =	por !p1, !p0  }
0xe4: {  	s15 =	simm.s32 @p1 $0x7F  }
0xe5: {  	vm0 =	vmmov @p0 $0x1;
	s15 =	sshll.u32 @p0 s15, $0x6  }
0xe6: {  	v3 =	vnsel @p0 vm0, $0x7149F2CA, v3;
	s15 =	sshra.s32 @p0 s15, $0x2  }
0xe7: {  	[tilespmem:s15+$0x7A80] =	vst @p0 v3  }
0xe8: {  	v3 =	vld [tilespmem:s31+$0x0];
	_ =	sdelay $0x4  }
0xe9: {  	v3 =	vperm.xlane v3, v2;
	_ =	sdelay $0x1  }
0xea: {  	(v2sf) =	vpush v3, $0x0;
	_ =	sdelay $0xe  }
0xeb: {  	s15 =	spop (v2sf)  }
0xec: {  	s23 =	sadd.s32 @p0 $0x1, s28;
	p1 =	slt.f32 s15, s26  }
0xed: {  	s28 =	smov.u32 @p0 s23  }
0xee: {  	p0 =	slt.s32 @p1 s28, $0x7F  }
0xef: {  	s15 =	smov.u32 s28;
	p0 =	por !p0, !p1  }
0xf0: {  	s15 =	simm.s32 @p0 $0x7F  }
0xf1: {  	vm0 =	vmmov @p1 $0x1;
	s15 =	sshll.u32 @p1 s15, $0x6  }
0xf2: {  	v3 =	vnsel @p1 vm0, $0x7149F2CA, v3;
	s15 =	sshra.s32 @p1 s15, $0x2  }
0xf3: {  	[tilespmem:s15+$0x7A80] =	vst @p1 v3  }
0xf4: {  	v3 =	vld [tilespmem:s31+$0x10];
	_ =	sdelay $0x4  }
0xf5: {  	v3 =	vperm.xlane v3, v2;
	_ =	sdelay $0x1  }
0xf6: {  	(v2sf) =	vpush v3, $0x0;
	_ =	sdelay $0xe  }
0xf7: {  	s15 =	spop (v2sf)  }
0xf8: {  	s23 =	sadd.s32 @p1 $0x1, s28;
	p0 =	slt.f32 s15, s26  }
0xf9: {  	s28 =	smov.u32 @p1 s23  }
0xfa: {  	p1 =	slt.s32 @p0 s28, $0x7F  }
0xfb: {  	s15 =	smov.u32 s28;
	p1 =	por !p1, !p0  }
0xfc: {  	s15 =	simm.s32 @p1 $0x7F  }
0xfd: {  	vm0 =	vmmov @p0 $0x1;
	s15 =	sshll.u32 @p0 s15, $0x6  }
0xfe: {  	v3 =	vnsel @p0 vm0, $0x7149F2CA, v3;
	s15 =	sshra.s32 @p0 s15, $0x2  }
0xff: {  	[tilespmem:s15+$0x7A80] =	vst @p0 v3  }
0x100: {  	v3 =	vld [tilespmem:s31+$0x20];
	_ =	sdelay $0x4  }
0x101: {  	v3 =	vperm.xlane v3, v2;
	_ =	sdelay $0x1  }
0x102: {  	(v2sf) =	vpush v3, $0x0;
	_ =	sdelay $0xe  }
0x103: {  	s15 =	spop (v2sf)  }
0x104: {  	s23 =	sadd.s32 @p0 $0x1, s28;
	p1 =	slt.f32 s15, s26  }
0x105: {  	s28 =	smov.u32 @p0 s23  }
0x106: {  	p0 =	slt.s32 @p1 s28, $0x7F  }
0x107: {  	s15 =	smov.u32 s28;
	p0 =	por !p0, !p1  }
0x108: {  	s15 =	simm.s32 @p0 $0x7F  }
0x109: {  	vm0 =	vmmov @p1 $0x1;
	s15 =	sshll.u32 @p1 s15, $0x6  }
0x10a: {  	v3 =	vnsel @p1 vm0, $0x7149F2CA, v3;
	s15 =	sshra.s32 @p1 s15, $0x2  }
0x10b: {  	[tilespmem:s15+$0x7A80] =	vst @p1 v3  }
0x10c: {  	v3 =	vld [tilespmem:s31+$0x30];
	_ =	sdelay $0x4  }
0x10d: {  	v3 =	vperm.xlane v3, v2;
	_ =	sdelay $0x1  }
0x10e: {  	(v2sf) =	vpush v3, $0x0;
	_ =	sdelay $0xe  }
0x10f: {  	s15 =	spop (v2sf)  }
0x110: {  	s23 =	sadd.s32 @p1 $0x1, s28;
	p0 =	slt.f32 s15, s26  }
0x111: {  	s28 =	smov.u32 @p1 s23  }
0x112: {  	p1 =	slt.s32 @p0 s28, $0x7F  }
.Ltmp18:
0x113: {  	s15 =	smov.u32 s28;
	p1 =	por !p1, !p0;
	(pc) =	sbr.rel .LBB2_18-.Ltmp18, $4  }
0x114: {  	s15 =	simm.s32 @p1 $0x7F  }
0x115: {  	vm0 =	vmmov @p0 $0x1;
	s15 =	sshll.u32 @p0 s15, $0x6  }
0x116: {  	s23 =	sadd.s32 @p0 $0x1, s28;
	v3 =	vnsel @p0 vm0, $0x7149F2CA, v3;
	s15 =	sshra.s32 @p0 s15, $0x2  }
0x117: {  	s28 =	smov.u32 @p0 s23;
	[tilespmem:s15+$0x7A80] =	vst @p0 v3  }
.LBB2_21:
0x118: {  	s0 =	sadd.s32 s9, s25  }
0x119: {  	s0 =	sshrl.u32 s0, $0x3  }
0x11a: {  	s1 =	simm.s32 $0x0;
	s0 =	sadd.s32 s3, s0  }
0x11b: {  	s14 =	simm.s32 $0x80;
	s29 =	simm.s32 $0x100;
	s30 =	sadd.s32 $0x0, s0  }
.LBB2_22:
0x11c: {  	[tilespmem:s1], [sflag:$0x1] =	stream.linear.gather [hbm4b:s30+s2], $0x80, $0x38;
	[tilespmem:$0x8300] =	vst v63  }
0x11d: {  	s15 =	smov.u32 s14;
	s1 =	smov.u32 s29;
	p0 =	sne.s32 s14, $0x3780  }
.Ltmp19:
0x11e: {  	s14 =	sadd.s32 $0x80, s14;
	(pc) =	sbr.rel @p0 .LBB2_22-.Ltmp19, $2  }
0x11f: {  	_ =	sdelay $0x2  }
0x120: {  	s29 =	sadd.s32 $0x100, s29;
	s30 =	sadd.s32 s15, s0  }
0x121: {  	[tilespmem:s1], [sflag:$0x1] =	stream.linear.gather [hbm4b:s30+s2], $0x80, $0x38;
	[tilespmem:$0x8300] =	vst v63  }
0x122: {  	_ =	swait.ge [sflag:s18], $0x3800  }
0x123: {  	[sflag:s18] =	ssyncset.done $0x0  }
0x124: {  	s1 =	simm.s32 $0xF0;
	[sflag:s18] =	ssyncadd.s32 $0xFFFFC800  }
0x125: {  	v2 =	vld [tilespmem:s1+$0xFFFFFFA0]  }
0x126: {  	v3 =	vld [tilespmem:s1+$0xFFFFFF90]  }
0x127: {  	v4 =	vld [tilespmem:s1+$0xFFFFFFB0]  }
0x128: {  	v5 =	vld [tilespmem:s1+$0xFFFFFFC0]  }
0x129: {  	v6 =	vld [tilespmem:s1+$0xFFFFFFD0]  }
0x12a: {  	v7 =	vld [tilespmem:s1+$0xFFFFFFE0]  }
0x12b: {  	v8 =	vld [tilespmem:s1+$0xFFFFFFF0]  }
0x12c: {  	s0 =	simm.s32 $0x0;
	s29 =	simm.s32 $0x40;
	s14 =	simm.s32 $0x0;
	v9 =	vld [tilespmem:s1+$0x0]  }
.LBB2_24:
0x12d: {  	p0 =	sne.s32 s29, $0x1BC0;
	_ =	sdelay $0x2  }
0x12e: {  	v2 =	vmin.f32 v3, v2  }
0x12f: {  	v3 =	vmin.f32 v4, v5;
	v4 =	vmin.f32 v6, v7;
	v5 =	vmin.f32 v8, v9  }
0x130: {  	v2 =	vmin.f32 v2, v3;
	v3 =	vmin.f32 v4, v5  }
0x131: {  	s15 =	sshra.s32 s14, $0x2;
	s14 =	smov.u32 s29;
	v2 =	vmin.f32 v2, v3  }
0x132: {  	s1 =	sadd.s32 $0x100, s1;
	[tilespmem:s15+$0x7100] =	vst v2  }
0x133: {  	v2 =	vld [tilespmem:s1+$0xFFFFFFA0]  }
0x134: {  	v3 =	vld [tilespmem:s1+$0xFFFFFF90]  }
0x135: {  	v4 =	vld [tilespmem:s1+$0xFFFFFFB0]  }
.Ltmp20:
0x136: {  	v5 =	vld [tilespmem:s1+$0xFFFFFFC0];
	(pc) =	sbr.rel @p0 .LBB2_24-.Ltmp20, $4  }
0x137: {  	v6 =	vld [tilespmem:s1+$0xFFFFFFD0]  }
0x138: {  	v7 =	vld [tilespmem:s1+$0xFFFFFFE0]  }
0x139: {  	v8 =	vld [tilespmem:s1+$0xFFFFFFF0]  }
0x13a: {  	s29 =	sadd.s32 $0x40, s29;
	v9 =	vld [tilespmem:s1+$0x0]  }
0x13b: {  	_ =	sdelay $0x2  }
0x13c: {  	v2 =	vmin.f32 v3, v2  }
0x13d: {  	v3 =	vmin.f32 v4, v5;
	v4 =	vmin.f32 v6, v7;
	v5 =	vmin.f32 v8, v9  }
0x13e: {  	v2 =	vmin.f32 v2, v3;
	v3 =	vmin.f32 v4, v5  }
0x13f: {  	s1 =	sshra.s32 s14, $0x2;
	v2 =	vmin.f32 v2, v3  }
0x140: {  	[tilespmem:s1+$0x7100] =	vst v2;
	s1 =	simm.s32 $0x7140  }
0x141: {  	v2 =	vld [tilespmem:s1+$0xFFFFFFD0]  }
0x142: {  	v3 =	vld [tilespmem:s1+$0xFFFFFFC0]  }
0x143: {  	v4 =	vld [tilespmem:s1+$0xFFFFFFE0]  }
0x144: {  	v5 =	vld [tilespmem:s1+$0xFFFFFFF0]  }
0x145: {  	v6 =	vld [tilespmem:s1+$0x0]  }
0x146: {  	v7 =	vld [tilespmem:s1+$0x10]  }
0x147: {  	v8 =	vld [tilespmem:s1+$0x20]  }
0x148: {  	s14 =	simm.s32 $0x40;
	v9 =	vld [tilespmem:s1+$0x30]  }
.LBB2_26:
0x149: {  	p0 =	sne.s32 s14, $0x340;
	_ =	sdelay $0x2  }
0x14a: {  	v2 =	vmin.f32 v3, v2  }
0x14b: {  	v3 =	vmin.f32 v4, v5;
	v4 =	vmin.f32 v6, v7;
	v5 =	vmin.f32 v8, v9  }
0x14c: {  	v2 =	vmin.f32 v2, v3;
	v3 =	vmin.f32 v4, v5  }
0x14d: {  	s15 =	sshra.s32 s0, $0x2;
	s0 =	smov.u32 s14;
	v2 =	vmin.f32 v2, v3  }
0x14e: {  	s1 =	sadd.s32 $0x80, s1;
	[tilespmem:s15+$0x7880] =	vst v2  }
0x14f: {  	v2 =	vld [tilespmem:s1+$0xFFFFFFD0]  }
0x150: {  	v3 =	vld [tilespmem:s1+$0xFFFFFFC0]  }
0x151: {  	v4 =	vld [tilespmem:s1+$0xFFFFFFE0]  }
.Ltmp21:
0x152: {  	v5 =	vld [tilespmem:s1+$0xFFFFFFF0];
	(pc) =	sbr.rel @p0 .LBB2_26-.Ltmp21, $4  }
0x153: {  	v6 =	vld [tilespmem:s1+$0x0]  }
0x154: {  	v7 =	vld [tilespmem:s1+$0x10]  }
0x155: {  	v8 =	vld [tilespmem:s1+$0x20]  }
0x156: {  	s14 =	sadd.s32 $0x40, s14;
	v9 =	vld [tilespmem:s1+$0x30]  }
0x157: {  	_ =	sdelay $0x2  }
0x158: {  	v2 =	vmin.f32 v3, v2  }
0x159: {  	v3 =	vmin.f32 v4, v5;
	v52 =	vmin.f32 v6, v7;
	v53 =	vmin.f32 v8, v9  }
0x15a: {  	v2 =	vmin.f32 v2, v3;
	v3 =	vmin.f32 v52, v53  }
0x15b: {  	s0 =	sshra.s32 s0, $0x2;
	v2 =	vmin.f32 v2, v3  }
0x15c: {  	[tilespmem:s0+$0x7880] =	vst v2  }
0x15d: {  	v2 =	vld [tilespmem:$0x7880]  }
0x15e: {  	v3 =	vld [tilespmem:$0x7890]  }
0x15f: {  	v54 =	vld [tilespmem:$0x78A0]  }
0x160: {  	v55 =	vld [tilespmem:$0x78B0]  }
0x161: {  	v56 =	vld [tilespmem:$0x78C0]  }
0x162: {  	v57 =	vld [tilespmem:$0x78D0]  }
0x163: {  	v2 =	vmin.f32 v2, v3;
	v3 =	vld [tilespmem:$0x78E0]  }
0x164: {  	v58 =	vld [tilespmem:$0x78F0];
	v2 =	vmin.f32 v2, v54  }
0x165: {  	v59 =	vld [tilespmem:$0x7900];
	v2 =	vmin.f32 v2, v55  }
0x166: {  	v60 =	vld [tilespmem:$0x7910];
	v2 =	vmin.f32 v2, v56  }
0x167: {  	v61 =	vld [tilespmem:$0x7920];
	v2 =	vmin.f32 v2, v57  }
0x168: {  	v2 =	vmin.f32 v2, v3;
	v3 =	vld [tilespmem:$0x7930]  }
0x169: {  	v62 =	vld [tilespmem:$0x7940];
	v2 =	vmin.f32 v2, v58  }
0x16a: {  	v63 =	vld [tilespmem:$0x7950];
	v2 =	vmin.f32 v2, v59  }
0x16b: {  	v2 =	vmin.f32 v2, v60  }
.Ltmp22:
0x16c: {  	v2 =	vmin.f32 v2, v61;
	(pc) =	sbr.rel .LBB2_28-.Ltmp22, $4  }
0x16d: {  	v2 =	vmin.f32 v2, v3  }
0x16e: {  	v2 =	vmin.f32 v2, v62  }
0x16f: {  	v2 =	vmin.f32 v2, v63  }
0x170: {  	s29 =	simm.s32 $0x0;
	[tilespmem:$0x7980] =	vst v2  }
.LBB2_35:
0x171: {  	s29 =	sadd.s32 $0x1, s29  }
0x172: {  	p0 =	sne.s32 s29, $0x10  }
.Ltmp23:
0x173: {  	_ = 	snop;
	(pc) =	sbr.rel @!p0 .LBB2_36-.Ltmp23, $1  }
0x174: {  	_ =	sdelay $0x3  }
.LBB2_28:
0x175: {  	v3 =	vld [tilespmem:$0x7980];
	_ =	sdelay $0x2  }
0x176: {  	v2 =	vadd.s32 s29, v1  }
0x177: {  	v2 =	vand.u32 $0xF, v2  }
0x178: {  	v3 =	vperm.xlane v3, v2;
	_ =	sdelay $0x1  }
0x179: {  	(v2sf) =	vpush v3, $0x0;
	_ =	sdelay $0xe  }
0x17a: {  	s0 =	spop (v2sf)  }
0x17b: {  	p0 =	slt.f32 s0, s26  }
.Ltmp24:
0x17c: {  	_ = 	snop;
	(pc) =	sbr.rel @!p0 .LBB2_35-.Ltmp24, $1  }
0x17d: {  	_ =	sdelay $0x3  }
.Ltmp25:
0x17e: {  	(pc) =	sbr.rel .LBB2_30-.Ltmp25, $2  }
0x17f: {  	_ =	sdelay $0x2  }
0x180: {  	s30 =	simm.s32 $0x7100;
	s31 =	simm.s32 $0xF0;
	s0 =	simm.s32 $0x0  }
.LBB2_34:
0x181: {  	s0 =	sadd.s32 $0x1, s0  }
0x182: {  	p0 =	sne.s32 s0, $0xE  }
.Ltmp26:
0x183: {  	_ = 	snop;
	(pc) =	sbr.rel @!p0 .LBB2_35-.Ltmp26, $2  }
0x184: {  	_ =	sdelay $0x2  }
0x185: {  	s30 =	sadd.s32 $0x80, s30;
	s31 =	sadd.s32 $0x800, s31  }
.LBB2_30:
0x186: {  	s1 =	sshll.u32 s0, $0x4  }
0x187: {  	s1 =	sand.u32 $0x3FFFFFF0, s1  }
0x188: {  	v3 =	vld [tilespmem:s1+$0x7880];
	_ =	sdelay $0x4  }
0x189: {  	v3 =	vperm.xlane v3, v2;
	_ =	sdelay $0x1  }
0x18a: {  	(v2sf) =	vpush v3, $0x0;
	_ =	sdelay $0xe  }
0x18b: {  	s23 =	spop (v2sf)  }
0x18c: {  	p0 =	slt.f32 s23, s26  }
.Ltmp27:
0x18d: {  	_ = 	snop;
	(pc) =	sbr.rel @!p0 .LBB2_34-.Ltmp27, $4  }
.Ltmp28:
0x18e: {  	_ = 	snop;
	(pc) =	sbr.rel @p0 .LBB2_31-.Ltmp28, $4  }
0x18f: {  	_ = 	snop  }
0x190: {  	_ = 	snop  }
0x191: {  	s14 =	smov.u32 s31;
	s1 =	simm.s32 $0x0  }
0x192: {  	_ = 	snop  }
.LBB2_33:
0x193: {  	s1 =	sadd.s32 $0x40, s1  }
0x194: {  	p0 =	sne.s32 s1, $0x200  }
.Ltmp29:
0x195: {  	_ = 	snop;
	(pc) =	sbr.rel @!p0 .LBB2_34-.Ltmp29, $2  }
0x196: {  	_ =	sdelay $0x2  }
0x197: {  	s14 =	sadd.s32 $0x100, s14  }
.LBB2_31:
0x198: {  	s15 =	sshra.s32 s1, $0x2  }
0x199: {  	s15 =	sadd.s32 s15, s30  }
0x19a: {  	v3 =	vld [tilespmem:s15+$0x0];
	_ =	sdelay $0x4  }
0x19b: {  	v3 =	vperm.xlane v3, v2;
	_ =	sdelay $0x1  }
0x19c: {  	(v2sf) =	vpush v3, $0x0;
	_ =	sdelay $0xe  }
0x19d: {  	s23 =	spop (v2sf)  }
0x19e: {  	p0 =	slt.f32 s23, s26  }
.Ltmp30:
0x19f: {  	_ = 	snop;
	(pc) =	sbr.rel @!p0 .LBB2_33-.Ltmp30, $1  }
0x1a0: {  	_ =	sdelay $0x3  }
0x1a1: {  	v3 =	vld [tilespmem:s14+$0xFFFFFF90];
	_ =	sdelay $0x4  }
0x1a2: {  	v3 =	vperm.xlane v3, v2;
	_ =	sdelay $0x1  }
0x1a3: {  	(v2sf) =	vpush v3, $0x0;
	_ =	sdelay $0xe  }
0x1a4: {  	s15 =	spop (v2sf)  }
0x1a5: {  	p1 =	slt.f32 s15, s26;
	_ =	sdelay $0x1  }
0x1a6: {  	p0 =	slt.s32 @p1 s28, $0x7F  }
0x1a7: {  	s15 =	smov.u32 s28;
	p0 =	por !p0, !p1  }
0x1a8: {  	s15 =	simm.s32 @p0 $0x7F  }
0x1a9: {  	vm0 =	vmmov @p1 $0x1;
	s15 =	sshll.u32 @p1 s15, $0x6  }
0x1aa: {  	v3 =	vnsel @p1 vm0, $0x7149F2CA, v3;
	s15 =	sshra.s32 @p1 s15, $0x2  }
0x1ab: {  	[tilespmem:s15+$0x7A80] =	vst @p1 v3  }
0x1ac: {  	v3 =	vld [tilespmem:s14+$0xFFFFFFA0];
	_ =	sdelay $0x4  }
0x1ad: {  	v3 =	vperm.xlane v3, v2;
	_ =	sdelay $0x1  }
0x1ae: {  	(v2sf) =	vpush v3, $0x0;
	_ =	sdelay $0xe  }
0x1af: {  	s15 =	spop (v2sf)  }
0x1b0: {  	s23 =	sadd.s32 @p1 $0x1, s28;
	p0 =	slt.f32 s15, s26  }
0x1b1: {  	s28 =	smov.u32 @p1 s23  }
0x1b2: {  	p1 =	slt.s32 @p0 s28, $0x7F  }
0x1b3: {  	s15 =	smov.u32 s28;
	p1 =	por !p1, !p0  }
0x1b4: {  	s15 =	simm.s32 @p1 $0x7F  }
0x1b5: {  	vm0 =	vmmov @p0 $0x1;
	s15 =	sshll.u32 @p0 s15, $0x6  }
0x1b6: {  	v3 =	vnsel @p0 vm0, $0x7149F2CA, v3;
	s15 =	sshra.s32 @p0 s15, $0x2  }
0x1b7: {  	[tilespmem:s15+$0x7A80] =	vst @p0 v3  }
0x1b8: {  	v3 =	vld [tilespmem:s14+$0xFFFFFFB0];
	_ =	sdelay $0x4  }
0x1b9: {  	v3 =	vperm.xlane v3, v2;
	_ =	sdelay $0x1  }
0x1ba: {  	(v2sf) =	vpush v3, $0x0;
	_ =	sdelay $0xe  }
0x1bb: {  	s15 =	spop (v2sf)  }
0x1bc: {  	s23 =	sadd.s32 @p0 $0x1, s28;
	p1 =	slt.f32 s15, s26  }
0x1bd: {  	s28 =	smov.u32 @p0 s23  }
0x1be: {  	p0 =	slt.s32 @p1 s28, $0x7F  }
0x1bf: {  	s15 =	smov.u32 s28;
	p0 =	por !p0, !p1  }
0x1c0: {  	s15 =	simm.s32 @p0 $0x7F  }
0x1c1: {  	vm0 =	vmmov @p1 $0x1;
	s15 =	sshll.u32 @p1 s15, $0x6  }
0x1c2: {  	v3 =	vnsel @p1 vm0, $0x7149F2CA, v3;
	s15 =	sshra.s32 @p1 s15, $0x2  }
0x1c3: {  	[tilespmem:s15+$0x7A80] =	vst @p1 v3  }
0x1c4: {  	v3 =	vld [tilespmem:s14+$0xFFFFFFC0];
	_ =	sdelay $0x4  }
0x1c5: {  	v3 =	vperm.xlane v3, v2;
	_ =	sdelay $0x1  }
0x1c6: {  	(v2sf) =	vpush v3, $0x0;
	_ =	sdelay $0xe  }
0x1c7: {  	s15 =	spop (v2sf)  }
0x1c8: {  	s23 =	sadd.s32 @p1 $0x1, s28;
	p0 =	slt.f32 s15, s26  }
0x1c9: {  	s28 =	smov.u32 @p1 s23  }
0x1ca: {  	p1 =	slt.s32 @p0 s28, $0x7F  }
0x1cb: {  	s15 =	smov.u32 s28;
	p1 =	por !p1, !p0  }
0x1cc: {  	s15 =	simm.s32 @p1 $0x7F  }
0x1cd: {  	vm0 =	vmmov @p0 $0x1;
	s15 =	sshll.u32 @p0 s15, $0x6  }
0x1ce: {  	v3 =	vnsel @p0 vm0, $0x7149F2CA, v3;
	s15 =	sshra.s32 @p0 s15, $0x2  }
0x1cf: {  	[tilespmem:s15+$0x7A80] =	vst @p0 v3  }
0x1d0: {  	v3 =	vld [tilespmem:s14+$0xFFFFFFD0];
	_ =	sdelay $0x4  }
0x1d1: {  	v3 =	vperm.xlane v3, v2;
	_ =	sdelay $0x1  }
0x1d2: {  	(v2sf) =	vpush v3, $0x0;
	_ =	sdelay $0xe  }
0x1d3: {  	s15 =	spop (v2sf)  }
0x1d4: {  	s23 =	sadd.s32 @p0 $0x1, s28;
	p1 =	slt.f32 s15, s26  }
0x1d5: {  	s28 =	smov.u32 @p0 s23  }
0x1d6: {  	p0 =	slt.s32 @p1 s28, $0x7F  }
0x1d7: {  	s15 =	smov.u32 s28;
	p0 =	por !p0, !p1  }
0x1d8: {  	s15 =	simm.s32 @p0 $0x7F  }
0x1d9: {  	vm0 =	vmmov @p1 $0x1;
	s15 =	sshll.u32 @p1 s15, $0x6  }
0x1da: {  	v3 =	vnsel @p1 vm0, $0x7149F2CA, v3;
	s15 =	sshra.s32 @p1 s15, $0x2  }
0x1db: {  	[tilespmem:s15+$0x7A80] =	vst @p1 v3  }
0x1dc: {  	v3 =	vld [tilespmem:s14+$0xFFFFFFE0];
	_ =	sdelay $0x4  }
0x1dd: {  	v3 =	vperm.xlane v3, v2;
	_ =	sdelay $0x1  }
0x1de: {  	(v2sf) =	vpush v3, $0x0;
	_ =	sdelay $0xe  }
0x1df: {  	s15 =	spop (v2sf)  }
0x1e0: {  	s23 =	sadd.s32 @p1 $0x1, s28;
	p0 =	slt.f32 s15, s26  }
0x1e1: {  	s28 =	smov.u32 @p1 s23  }
0x1e2: {  	p1 =	slt.s32 @p0 s28, $0x7F  }
0x1e3: {  	s15 =	smov.u32 s28;
	p1 =	por !p1, !p0  }
0x1e4: {  	s15 =	simm.s32 @p1 $0x7F  }
0x1e5: {  	vm0 =	vmmov @p0 $0x1;
	s15 =	sshll.u32 @p0 s15, $0x6  }
0x1e6: {  	v3 =	vnsel @p0 vm0, $0x7149F2CA, v3;
	s15 =	sshra.s32 @p0 s15, $0x2  }
0x1e7: {  	[tilespmem:s15+$0x7A80] =	vst @p0 v3  }
0x1e8: {  	v3 =	vld [tilespmem:s14+$0xFFFFFFF0];
	_ =	sdelay $0x4  }
0x1e9: {  	v3 =	vperm.xlane v3, v2;
	_ =	sdelay $0x1  }
0x1ea: {  	(v2sf) =	vpush v3, $0x0;
	_ =	sdelay $0xe  }
0x1eb: {  	s15 =	spop (v2sf)  }
0x1ec: {  	s23 =	sadd.s32 @p0 $0x1, s28;
	p1 =	slt.f32 s15, s26  }
0x1ed: {  	s28 =	smov.u32 @p0 s23  }
0x1ee: {  	p0 =	slt.s32 @p1 s28, $0x7F  }
0x1ef: {  	s15 =	smov.u32 s28;
	p0 =	por !p0, !p1  }
0x1f0: {  	s15 =	simm.s32 @p0 $0x7F  }
0x1f1: {  	vm0 =	vmmov @p1 $0x1;
	s15 =	sshll.u32 @p1 s15, $0x6  }
0x1f2: {  	v3 =	vnsel @p1 vm0, $0x7149F2CA, v3;
	s15 =	sshra.s32 @p1 s15, $0x2  }
0x1f3: {  	[tilespmem:s15+$0x7A80] =	vst @p1 v3  }
0x1f4: {  	v3 =	vld [tilespmem:s14+$0x0];
	_ =	sdelay $0x4  }
0x1f5: {  	v3 =	vperm.xlane v3, v2;
	_ =	sdelay $0x1  }
0x1f6: {  	(v2sf) =	vpush v3, $0x0;
	_ =	sdelay $0xe  }
0x1f7: {  	s15 =	spop (v2sf)  }
0x1f8: {  	s23 =	sadd.s32 @p1 $0x1, s28;
	p0 =	slt.f32 s15, s26  }
0x1f9: {  	s28 =	smov.u32 @p1 s23  }
0x1fa: {  	p1 =	slt.s32 @p0 s28, $0x7F  }
.Ltmp31:
0x1fb: {  	s15 =	smov.u32 s28;
	p1 =	por !p1, !p0;
	(pc) =	sbr.rel .LBB2_33-.Ltmp31, $4  }
0x1fc: {  	s15 =	simm.s32 @p1 $0x7F  }
0x1fd: {  	vm0 =	vmmov @p0 $0x1;
	s15 =	sshll.u32 @p0 s15, $0x6  }
0x1fe: {  	s23 =	sadd.s32 @p0 $0x1, s28;
	v3 =	vnsel @p0 vm0, $0x7149F2CA, v3;
	s15 =	sshra.s32 @p0 s15, $0x2  }
0x1ff: {  	s28 =	smov.u32 @p0 s23;
	[tilespmem:s15+$0x7A80] =	vst @p0 v3  }
.LBB2_36:
0x200: {  	s0 =	sadd.s32 s10, s25  }
0x201: {  	s0 =	sshrl.u32 s0, $0x3  }
0x202: {  	s1 =	simm.s32 $0x80;
	s0 =	sadd.s32 s3, s0  }
0x203: {  	s14 =	simm.s32 $0x80;
	s29 =	simm.s32 $0x180;
	s30 =	sadd.s32 $0x0, s0  }
.LBB2_37:
0x204: {  	[tilespmem:s1], [sflag:$0x2] =	stream.linear.gather [hbm4b:s30+s2], $0x80, $0x38;
	[tilespmem:$0x8300] =	vst v63  }
0x205: {  	s15 =	smov.u32 s14;
	s1 =	smov.u32 s29;
	p0 =	sne.s32 s14, $0x3780  }
.Ltmp32:
0x206: {  	s14 =	sadd.s32 $0x80, s14;
	(pc) =	sbr.rel @p0 .LBB2_37-.Ltmp32, $2  }
0x207: {  	_ =	sdelay $0x2  }
0x208: {  	s29 =	sadd.s32 $0x100, s29;
	s30 =	sadd.s32 s15, s0  }
0x209: {  	[tilespmem:s1], [sflag:$0x2] =	stream.linear.gather [hbm4b:s30+s2], $0x80, $0x38;
	[tilespmem:$0x8300] =	vst v63  }
0x20a: {  	_ =	swait.ge [sflag:s17], $0x3800  }
0x20b: {  	[sflag:s17] =	ssyncset.done $0x0  }
0x20c: {  	s1 =	simm.s32 $0x40;
	[sflag:s17] =	ssyncadd.s32 $0xFFFFC800  }
0x20d: {  	v2 =	vld [tilespmem:s1+$0xFFFFFFD0]  }
0x20e: {  	v3 =	vld [tilespmem:s1+$0xFFFFFFC0]  }
0x20f: {  	v4 =	vld [tilespmem:s1+$0xFFFFFFE0]  }
0x210: {  	v5 =	vld [tilespmem:s1+$0xFFFFFFF0]  }
0x211: {  	v6 =	vld [tilespmem:s1+$0x0]  }
0x212: {  	v7 =	vld [tilespmem:s1+$0x10]  }
0x213: {  	v8 =	vld [tilespmem:s1+$0x20]  }
0x214: {  	s0 =	simm.s32 $0x0;
	s29 =	simm.s32 $0x40;
	s14 =	simm.s32 $0x0;
	v9 =	vld [tilespmem:s1+$0x30]  }
.LBB2_39:
0x215: {  	p0 =	sne.s32 s29, $0x1BC0;
	_ =	sdelay $0x2  }
0x216: {  	v2 =	vmin.f32 v3, v2  }
0x217: {  	v3 =	vmin.f32 v4, v5;
	v4 =	vmin.f32 v6, v7;
	v5 =	vmin.f32 v8, v9  }
0x218: {  	v2 =	vmin.f32 v2, v3;
	v3 =	vmin.f32 v4, v5  }
0x219: {  	s15 =	sshra.s32 s14, $0x2;
	s14 =	smov.u32 s29;
	v2 =	vmin.f32 v2, v3  }
0x21a: {  	s1 =	sadd.s32 $0x100, s1;
	[tilespmem:s15+$0x7100] =	vst v2  }
0x21b: {  	v2 =	vld [tilespmem:s1+$0xFFFFFFD0]  }
0x21c: {  	v3 =	vld [tilespmem:s1+$0xFFFFFFC0]  }
0x21d: {  	v4 =	vld [tilespmem:s1+$0xFFFFFFE0]  }
.Ltmp33:
0x21e: {  	v5 =	vld [tilespmem:s1+$0xFFFFFFF0];
	(pc) =	sbr.rel @p0 .LBB2_39-.Ltmp33, $4  }
0x21f: {  	v6 =	vld [tilespmem:s1+$0x0]  }
0x220: {  	v7 =	vld [tilespmem:s1+$0x10]  }
0x221: {  	v8 =	vld [tilespmem:s1+$0x20]  }
0x222: {  	s29 =	sadd.s32 $0x40, s29;
	v9 =	vld [tilespmem:s1+$0x30]  }
0x223: {  	_ =	sdelay $0x2  }
0x224: {  	v2 =	vmin.f32 v3, v2  }
0x225: {  	v3 =	vmin.f32 v4, v5;
	v4 =	vmin.f32 v6, v7;
	v5 =	vmin.f32 v8, v9  }
0x226: {  	v2 =	vmin.f32 v2, v3;
	v3 =	vmin.f32 v4, v5  }
0x227: {  	s1 =	sshra.s32 s14, $0x2;
	v2 =	vmin.f32 v2, v3  }
0x228: {  	[tilespmem:s1+$0x7100] =	vst v2;
	s1 =	simm.s32 $0x7140  }
0x229: {  	v2 =	vld [tilespmem:s1+$0xFFFFFFD0]  }
0x22a: {  	v3 =	vld [tilespmem:s1+$0xFFFFFFC0]  }
0x22b: {  	v4 =	vld [tilespmem:s1+$0xFFFFFFE0]  }
0x22c: {  	v5 =	vld [tilespmem:s1+$0xFFFFFFF0]  }
0x22d: {  	v6 =	vld [tilespmem:s1+$0x0]  }
0x22e: {  	v7 =	vld [tilespmem:s1+$0x10]  }
0x22f: {  	v8 =	vld [tilespmem:s1+$0x20]  }
0x230: {  	s14 =	simm.s32 $0x40;
	v9 =	vld [tilespmem:s1+$0x30]  }
.LBB2_41:
0x231: {  	p0 =	sne.s32 s14, $0x340;
	_ =	sdelay $0x2  }
0x232: {  	v2 =	vmin.f32 v3, v2  }
0x233: {  	v3 =	vmin.f32 v4, v5;
	v4 =	vmin.f32 v6, v7;
	v5 =	vmin.f32 v8, v9  }
0x234: {  	v2 =	vmin.f32 v2, v3;
	v3 =	vmin.f32 v4, v5  }
0x235: {  	s15 =	sshra.s32 s0, $0x2;
	s0 =	smov.u32 s14;
	v2 =	vmin.f32 v2, v3  }
0x236: {  	s1 =	sadd.s32 $0x80, s1;
	[tilespmem:s15+$0x7880] =	vst v2  }
0x237: {  	v2 =	vld [tilespmem:s1+$0xFFFFFFD0]  }
0x238: {  	v3 =	vld [tilespmem:s1+$0xFFFFFFC0]  }
0x239: {  	v4 =	vld [tilespmem:s1+$0xFFFFFFE0]  }
.Ltmp34:
0x23a: {  	v5 =	vld [tilespmem:s1+$0xFFFFFFF0];
	(pc) =	sbr.rel @p0 .LBB2_41-.Ltmp34, $4  }
0x23b: {  	v6 =	vld [tilespmem:s1+$0x0]  }
0x23c: {  	v7 =	vld [tilespmem:s1+$0x10]  }
0x23d: {  	v8 =	vld [tilespmem:s1+$0x20]  }
0x23e: {  	s14 =	sadd.s32 $0x40, s14;
	v9 =	vld [tilespmem:s1+$0x30]  }
0x23f: {  	_ =	sdelay $0x2  }
0x240: {  	v2 =	vmin.f32 v3, v2  }
0x241: {  	v3 =	vmin.f32 v4, v5;
	v52 =	vmin.f32 v6, v7;
	v53 =	vmin.f32 v8, v9  }
0x242: {  	v2 =	vmin.f32 v2, v3;
	v3 =	vmin.f32 v52, v53  }
0x243: {  	s0 =	sshra.s32 s0, $0x2;
	v2 =	vmin.f32 v2, v3  }
0x244: {  	[tilespmem:s0+$0x7880] =	vst v2  }
0x245: {  	v2 =	vld [tilespmem:$0x7880]  }
0x246: {  	v3 =	vld [tilespmem:$0x7890]  }
0x247: {  	v54 =	vld [tilespmem:$0x78A0]  }
0x248: {  	v55 =	vld [tilespmem:$0x78B0]  }
0x249: {  	v56 =	vld [tilespmem:$0x78C0]  }
0x24a: {  	v57 =	vld [tilespmem:$0x78D0]  }
0x24b: {  	v2 =	vmin.f32 v2, v3;
	v3 =	vld [tilespmem:$0x78E0]  }
0x24c: {  	v58 =	vld [tilespmem:$0x78F0];
	v2 =	vmin.f32 v2, v54  }
0x24d: {  	v59 =	vld [tilespmem:$0x7900];
	v2 =	vmin.f32 v2, v55  }
0x24e: {  	v60 =	vld [tilespmem:$0x7910];
	v2 =	vmin.f32 v2, v56  }
0x24f: {  	v61 =	vld [tilespmem:$0x7920];
	v2 =	vmin.f32 v2, v57  }
0x250: {  	v2 =	vmin.f32 v2, v3;
	v3 =	vld [tilespmem:$0x7930]  }
0x251: {  	v62 =	vld [tilespmem:$0x7940];
	v2 =	vmin.f32 v2, v58  }
0x252: {  	v63 =	vld [tilespmem:$0x7950];
	v2 =	vmin.f32 v2, v59  }
0x253: {  	v2 =	vmin.f32 v2, v60  }
.Ltmp35:
0x254: {  	v2 =	vmin.f32 v2, v61;
	(pc) =	sbr.rel .LBB2_43-.Ltmp35, $4  }
0x255: {  	v2 =	vmin.f32 v2, v3  }
0x256: {  	v2 =	vmin.f32 v2, v62  }
0x257: {  	v2 =	vmin.f32 v2, v63  }
0x258: {  	s29 =	simm.s32 $0x0;
	[tilespmem:$0x7980] =	vst v2  }
.LBB2_50:
0x259: {  	s29 =	sadd.s32 $0x1, s29  }
0x25a: {  	p0 =	sne.s32 s29, $0x10  }
.Ltmp36:
0x25b: {  	_ = 	snop;
	(pc) =	sbr.rel @!p0 .LBB2_51-.Ltmp36, $1  }
0x25c: {  	_ =	sdelay $0x3  }
.LBB2_43:
0x25d: {  	v3 =	vld [tilespmem:$0x7980];
	_ =	sdelay $0x2  }
0x25e: {  	v2 =	vadd.s32 s29, v1  }
0x25f: {  	v2 =	vand.u32 $0xF, v2  }
0x260: {  	v3 =	vperm.xlane v3, v2;
	_ =	sdelay $0x1  }
0x261: {  	(v2sf) =	vpush v3, $0x0;
	_ =	sdelay $0xe  }
0x262: {  	s0 =	spop (v2sf)  }
0x263: {  	p0 =	slt.f32 s0, s26  }
.Ltmp37:
0x264: {  	_ = 	snop;
	(pc) =	sbr.rel @!p0 .LBB2_50-.Ltmp37, $1  }
0x265: {  	_ =	sdelay $0x3  }
.Ltmp38:
0x266: {  	(pc) =	sbr.rel .LBB2_45-.Ltmp38, $2  }
0x267: {  	_ =	sdelay $0x2  }
0x268: {  	s30 =	simm.s32 $0x7100;
	s31 =	simm.s32 $0x40;
	s0 =	simm.s32 $0x0  }
.LBB2_49:
0x269: {  	s0 =	sadd.s32 $0x1, s0  }
0x26a: {  	p0 =	sne.s32 s0, $0xE  }
.Ltmp39:
0x26b: {  	_ = 	snop;
	(pc) =	sbr.rel @!p0 .LBB2_50-.Ltmp39, $2  }
0x26c: {  	_ =	sdelay $0x2  }
0x26d: {  	s30 =	sadd.s32 $0x80, s30;
	s31 =	sadd.s32 $0x800, s31  }
.LBB2_45:
0x26e: {  	s1 =	sshll.u32 s0, $0x4  }
0x26f: {  	s1 =	sand.u32 $0x3FFFFFF0, s1  }
0x270: {  	v3 =	vld [tilespmem:s1+$0x7880];
	_ =	sdelay $0x4  }
0x271: {  	v3 =	vperm.xlane v3, v2;
	_ =	sdelay $0x1  }
0x272: {  	(v2sf) =	vpush v3, $0x0;
	_ =	sdelay $0xe  }
0x273: {  	s23 =	spop (v2sf)  }
0x274: {  	p0 =	slt.f32 s23, s26  }
.Ltmp40:
0x275: {  	_ = 	snop;
	(pc) =	sbr.rel @!p0 .LBB2_49-.Ltmp40, $4  }
.Ltmp41:
0x276: {  	_ = 	snop;
	(pc) =	sbr.rel @p0 .LBB2_46-.Ltmp41, $4  }
0x277: {  	_ = 	snop  }
0x278: {  	_ = 	snop  }
0x279: {  	s14 =	smov.u32 s31;
	s1 =	simm.s32 $0x0  }
0x27a: {  	_ = 	snop  }
.LBB2_48:
0x27b: {  	s1 =	sadd.s32 $0x40, s1  }
0x27c: {  	p0 =	sne.s32 s1, $0x200  }
.Ltmp42:
0x27d: {  	_ = 	snop;
	(pc) =	sbr.rel @!p0 .LBB2_49-.Ltmp42, $2  }
0x27e: {  	_ =	sdelay $0x2  }
0x27f: {  	s14 =	sadd.s32 $0x100, s14  }
.LBB2_46:
0x280: {  	s15 =	sshra.s32 s1, $0x2  }
0x281: {  	s15 =	sadd.s32 s15, s30  }
0x282: {  	v3 =	vld [tilespmem:s15+$0x0];
	_ =	sdelay $0x4  }
0x283: {  	v3 =	vperm.xlane v3, v2;
	_ =	sdelay $0x1  }
0x284: {  	(v2sf) =	vpush v3, $0x0;
	_ =	sdelay $0xe  }
0x285: {  	s23 =	spop (v2sf)  }
0x286: {  	p0 =	slt.f32 s23, s26  }
.Ltmp43:
0x287: {  	_ = 	snop;
	(pc) =	sbr.rel @!p0 .LBB2_48-.Ltmp43, $1  }
0x288: {  	_ =	sdelay $0x3  }
0x289: {  	v3 =	vld [tilespmem:s14+$0xFFFFFFC0];
	_ =	sdelay $0x4  }
0x28a: {  	v3 =	vperm.xlane v3, v2;
	_ =	sdelay $0x1  }
0x28b: {  	(v2sf) =	vpush v3, $0x0;
	_ =	sdelay $0xe  }
0x28c: {  	s15 =	spop (v2sf)  }
0x28d: {  	p1 =	slt.f32 s15, s26;
	_ =	sdelay $0x1  }
0x28e: {  	p0 =	slt.s32 @p1 s28, $0x7F  }
0x28f: {  	s15 =	smov.u32 s28;
	p0 =	por !p0, !p1  }
0x290: {  	s15 =	simm.s32 @p0 $0x7F  }
0x291: {  	vm0 =	vmmov @p1 $0x1;
	s15 =	sshll.u32 @p1 s15, $0x6  }
0x292: {  	v3 =	vnsel @p1 vm0, $0x7149F2CA, v3;
	s15 =	sshra.s32 @p1 s15, $0x2  }
0x293: {  	[tilespmem:s15+$0x7A80] =	vst @p1 v3  }
0x294: {  	v3 =	vld [tilespmem:s14+$0xFFFFFFD0];
	_ =	sdelay $0x4  }
0x295: {  	v3 =	vperm.xlane v3, v2;
	_ =	sdelay $0x1  }
0x296: {  	(v2sf) =	vpush v3, $0x0;
	_ =	sdelay $0xe  }
0x297: {  	s15 =	spop (v2sf)  }
0x298: {  	s23 =	sadd.s32 @p1 $0x1, s28;
	p0 =	slt.f32 s15, s26  }
0x299: {  	s28 =	smov.u32 @p1 s23  }
0x29a: {  	p1 =	slt.s32 @p0 s28, $0x7F  }
0x29b: {  	s15 =	smov.u32 s28;
	p1 =	por !p1, !p0  }
0x29c: {  	s15 =	simm.s32 @p1 $0x7F  }
0x29d: {  	vm0 =	vmmov @p0 $0x1;
	s15 =	sshll.u32 @p0 s15, $0x6  }
0x29e: {  	v3 =	vnsel @p0 vm0, $0x7149F2CA, v3;
	s15 =	sshra.s32 @p0 s15, $0x2  }
0x29f: {  	[tilespmem:s15+$0x7A80] =	vst @p0 v3  }
0x2a0: {  	v3 =	vld [tilespmem:s14+$0xFFFFFFE0];
	_ =	sdelay $0x4  }
0x2a1: {  	v3 =	vperm.xlane v3, v2;
	_ =	sdelay $0x1  }
0x2a2: {  	(v2sf) =	vpush v3, $0x0;
	_ =	sdelay $0xe  }
0x2a3: {  	s15 =	spop (v2sf)  }
0x2a4: {  	s23 =	sadd.s32 @p0 $0x1, s28;
	p1 =	slt.f32 s15, s26  }
0x2a5: {  	s28 =	smov.u32 @p0 s23  }
0x2a6: {  	p0 =	slt.s32 @p1 s28, $0x7F  }
0x2a7: {  	s15 =	smov.u32 s28;
	p0 =	por !p0, !p1  }
0x2a8: {  	s15 =	simm.s32 @p0 $0x7F  }
0x2a9: {  	vm0 =	vmmov @p1 $0x1;
	s15 =	sshll.u32 @p1 s15, $0x6  }
0x2aa: {  	v3 =	vnsel @p1 vm0, $0x7149F2CA, v3;
	s15 =	sshra.s32 @p1 s15, $0x2  }
0x2ab: {  	[tilespmem:s15+$0x7A80] =	vst @p1 v3  }
0x2ac: {  	v3 =	vld [tilespmem:s14+$0xFFFFFFF0];
	_ =	sdelay $0x4  }
0x2ad: {  	v3 =	vperm.xlane v3, v2;
	_ =	sdelay $0x1  }
0x2ae: {  	(v2sf) =	vpush v3, $0x0;
	_ =	sdelay $0xe  }
0x2af: {  	s15 =	spop (v2sf)  }
0x2b0: {  	s23 =	sadd.s32 @p1 $0x1, s28;
	p0 =	slt.f32 s15, s26  }
0x2b1: {  	s28 =	smov.u32 @p1 s23  }
0x2b2: {  	p1 =	slt.s32 @p0 s28, $0x7F  }
0x2b3: {  	s15 =	smov.u32 s28;
	p1 =	por !p1, !p0  }
0x2b4: {  	s15 =	simm.s32 @p1 $0x7F  }
0x2b5: {  	vm0 =	vmmov @p0 $0x1;
	s15 =	sshll.u32 @p0 s15, $0x6  }
0x2b6: {  	v3 =	vnsel @p0 vm0, $0x7149F2CA, v3;
	s15 =	sshra.s32 @p0 s15, $0x2  }
0x2b7: {  	[tilespmem:s15+$0x7A80] =	vst @p0 v3  }
0x2b8: {  	v3 =	vld [tilespmem:s14+$0x0];
	_ =	sdelay $0x4  }
0x2b9: {  	v3 =	vperm.xlane v3, v2;
	_ =	sdelay $0x1  }
0x2ba: {  	(v2sf) =	vpush v3, $0x0;
	_ =	sdelay $0xe  }
0x2bb: {  	s15 =	spop (v2sf)  }
0x2bc: {  	s23 =	sadd.s32 @p0 $0x1, s28;
	p1 =	slt.f32 s15, s26  }
0x2bd: {  	s28 =	smov.u32 @p0 s23  }
0x2be: {  	p0 =	slt.s32 @p1 s28, $0x7F  }
0x2bf: {  	s15 =	smov.u32 s28;
	p0 =	por !p0, !p1  }
0x2c0: {  	s15 =	simm.s32 @p0 $0x7F  }
0x2c1: {  	vm0 =	vmmov @p1 $0x1;
	s15 =	sshll.u32 @p1 s15, $0x6  }
0x2c2: {  	v3 =	vnsel @p1 vm0, $0x7149F2CA, v3;
	s15 =	sshra.s32 @p1 s15, $0x2  }
0x2c3: {  	[tilespmem:s15+$0x7A80] =	vst @p1 v3  }
0x2c4: {  	v3 =	vld [tilespmem:s14+$0x10];
	_ =	sdelay $0x4  }
0x2c5: {  	v3 =	vperm.xlane v3, v2;
	_ =	sdelay $0x1  }
0x2c6: {  	(v2sf) =	vpush v3, $0x0;
	_ =	sdelay $0xe  }
0x2c7: {  	s15 =	spop (v2sf)  }
0x2c8: {  	s23 =	sadd.s32 @p1 $0x1, s28;
	p0 =	slt.f32 s15, s26  }
0x2c9: {  	s28 =	smov.u32 @p1 s23  }
0x2ca: {  	p1 =	slt.s32 @p0 s28, $0x7F  }
0x2cb: {  	s15 =	smov.u32 s28;
	p1 =	por !p1, !p0  }
0x2cc: {  	s15 =	simm.s32 @p1 $0x7F  }
0x2cd: {  	vm0 =	vmmov @p0 $0x1;
	s15 =	sshll.u32 @p0 s15, $0x6  }
0x2ce: {  	v3 =	vnsel @p0 vm0, $0x7149F2CA, v3;
	s15 =	sshra.s32 @p0 s15, $0x2  }
0x2cf: {  	[tilespmem:s15+$0x7A80] =	vst @p0 v3  }
0x2d0: {  	v3 =	vld [tilespmem:s14+$0x20];
	_ =	sdelay $0x4  }
0x2d1: {  	v3 =	vperm.xlane v3, v2;
	_ =	sdelay $0x1  }
0x2d2: {  	(v2sf) =	vpush v3, $0x0;
	_ =	sdelay $0xe  }
0x2d3: {  	s15 =	spop (v2sf)  }
0x2d4: {  	s23 =	sadd.s32 @p0 $0x1, s28;
	p1 =	slt.f32 s15, s26  }
0x2d5: {  	s28 =	smov.u32 @p0 s23  }
0x2d6: {  	p0 =	slt.s32 @p1 s28, $0x7F  }
0x2d7: {  	s15 =	smov.u32 s28;
	p0 =	por !p0, !p1  }
0x2d8: {  	s15 =	simm.s32 @p0 $0x7F  }
0x2d9: {  	vm0 =	vmmov @p1 $0x1;
	s15 =	sshll.u32 @p1 s15, $0x6  }
0x2da: {  	v3 =	vnsel @p1 vm0, $0x7149F2CA, v3;
	s15 =	sshra.s32 @p1 s15, $0x2  }
0x2db: {  	[tilespmem:s15+$0x7A80] =	vst @p1 v3  }
0x2dc: {  	v3 =	vld [tilespmem:s14+$0x30];
	_ =	sdelay $0x4  }
0x2dd: {  	v3 =	vperm.xlane v3, v2;
	_ =	sdelay $0x1  }
0x2de: {  	(v2sf) =	vpush v3, $0x0;
	_ =	sdelay $0xe  }
0x2df: {  	s15 =	spop (v2sf)  }
0x2e0: {  	s23 =	sadd.s32 @p1 $0x1, s28;
	p0 =	slt.f32 s15, s26  }
0x2e1: {  	s28 =	smov.u32 @p1 s23  }
0x2e2: {  	p1 =	slt.s32 @p0 s28, $0x7F  }
.Ltmp44:
0x2e3: {  	s15 =	smov.u32 s28;
	p1 =	por !p1, !p0;
	(pc) =	sbr.rel .LBB2_48-.Ltmp44, $4  }
0x2e4: {  	s15 =	simm.s32 @p1 $0x7F  }
0x2e5: {  	vm0 =	vmmov @p0 $0x1;
	s15 =	sshll.u32 @p0 s15, $0x6  }
0x2e6: {  	s23 =	sadd.s32 @p0 $0x1, s28;
	v3 =	vnsel @p0 vm0, $0x7149F2CA, v3;
	s15 =	sshra.s32 @p0 s15, $0x2  }
0x2e7: {  	s28 =	smov.u32 @p0 s23;
	[tilespmem:s15+$0x7A80] =	vst @p0 v3  }
.LBB2_51:
0x2e8: {  	s0 =	sadd.s32 s11, s25  }
0x2e9: {  	s0 =	sshrl.u32 s0, $0x3  }
0x2ea: {  	s1 =	simm.s32 $0x0;
	s0 =	sadd.s32 s3, s0  }
0x2eb: {  	s14 =	simm.s32 $0x80;
	s29 =	simm.s32 $0x100;
	s30 =	sadd.s32 $0x0, s0  }
.LBB2_52:
0x2ec: {  	[tilespmem:s1], [sflag:$0x1] =	stream.linear.gather [hbm4b:s30+s2], $0x80, $0x38;
	[tilespmem:$0x8300] =	vst v63  }
0x2ed: {  	s15 =	smov.u32 s14;
	s1 =	smov.u32 s29;
	p0 =	sne.s32 s14, $0x3780  }
.Ltmp45:
0x2ee: {  	s14 =	sadd.s32 $0x80, s14;
	(pc) =	sbr.rel @p0 .LBB2_52-.Ltmp45, $2  }
0x2ef: {  	_ =	sdelay $0x2  }
0x2f0: {  	s29 =	sadd.s32 $0x100, s29;
	s30 =	sadd.s32 s15, s0  }
0x2f1: {  	[tilespmem:s1], [sflag:$0x1] =	stream.linear.gather [hbm4b:s30+s2], $0x80, $0x38;
	[tilespmem:$0x8300] =	vst v63  }
0x2f2: {  	_ =	swait.ge [sflag:s18], $0x3800  }
0x2f3: {  	[sflag:s18] =	ssyncset.done $0x0  }
0x2f4: {  	s1 =	simm.s32 $0xF0;
	[sflag:s18] =	ssyncadd.s32 $0xFFFFC800  }
0x2f5: {  	v2 =	vld [tilespmem:s1+$0xFFFFFFA0]  }
0x2f6: {  	v3 =	vld [tilespmem:s1+$0xFFFFFF90]  }
0x2f7: {  	v4 =	vld [tilespmem:s1+$0xFFFFFFB0]  }
0x2f8: {  	v5 =	vld [tilespmem:s1+$0xFFFFFFC0]  }
0x2f9: {  	v6 =	vld [tilespmem:s1+$0xFFFFFFD0]  }
0x2fa: {  	v7 =	vld [tilespmem:s1+$0xFFFFFFE0]  }
0x2fb: {  	v8 =	vld [tilespmem:s1+$0xFFFFFFF0]  }
0x2fc: {  	s0 =	simm.s32 $0x0;
	s29 =	simm.s32 $0x40;
	s14 =	simm.s32 $0x0;
	v9 =	vld [tilespmem:s1+$0x0]  }
.LBB2_54:
0x2fd: {  	p0 =	sne.s32 s29, $0x1BC0;
	_ =	sdelay $0x2  }
0x2fe: {  	v2 =	vmin.f32 v3, v2  }
0x2ff: {  	v3 =	vmin.f32 v4, v5;
	v4 =	vmin.f32 v6, v7;
	v5 =	vmin.f32 v8, v9  }
0x300: {  	v2 =	vmin.f32 v2, v3;
	v3 =	vmin.f32 v4, v5  }
0x301: {  	s15 =	sshra.s32 s14, $0x2;
	s14 =	smov.u32 s29;
	v2 =	vmin.f32 v2, v3  }
0x302: {  	s1 =	sadd.s32 $0x100, s1;
	[tilespmem:s15+$0x7100] =	vst v2  }
0x303: {  	v2 =	vld [tilespmem:s1+$0xFFFFFFA0]  }
0x304: {  	v3 =	vld [tilespmem:s1+$0xFFFFFF90]  }
0x305: {  	v4 =	vld [tilespmem:s1+$0xFFFFFFB0]  }
.Ltmp46:
0x306: {  	v5 =	vld [tilespmem:s1+$0xFFFFFFC0];
	(pc) =	sbr.rel @p0 .LBB2_54-.Ltmp46, $4  }
0x307: {  	v6 =	vld [tilespmem:s1+$0xFFFFFFD0]  }
0x308: {  	v7 =	vld [tilespmem:s1+$0xFFFFFFE0]  }
0x309: {  	v8 =	vld [tilespmem:s1+$0xFFFFFFF0]  }
0x30a: {  	s29 =	sadd.s32 $0x40, s29;
	v9 =	vld [tilespmem:s1+$0x0]  }
0x30b: {  	_ =	sdelay $0x2  }
0x30c: {  	v2 =	vmin.f32 v3, v2  }
0x30d: {  	v3 =	vmin.f32 v4, v5;
	v4 =	vmin.f32 v6, v7;
	v5 =	vmin.f32 v8, v9  }
0x30e: {  	v2 =	vmin.f32 v2, v3;
	v3 =	vmin.f32 v4, v5  }
0x30f: {  	s1 =	sshra.s32 s14, $0x2;
	v2 =	vmin.f32 v2, v3  }
0x310: {  	[tilespmem:s1+$0x7100] =	vst v2;
	s1 =	simm.s32 $0x7140  }
0x311: {  	v2 =	vld [tilespmem:s1+$0xFFFFFFD0]  }
0x312: {  	v3 =	vld [tilespmem:s1+$0xFFFFFFC0]  }
0x313: {  	v4 =	vld [tilespmem:s1+$0xFFFFFFE0]  }
0x314: {  	v5 =	vld [tilespmem:s1+$0xFFFFFFF0]  }
0x315: {  	v6 =	vld [tilespmem:s1+$0x0]  }
0x316: {  	v7 =	vld [tilespmem:s1+$0x10]  }
0x317: {  	v8 =	vld [tilespmem:s1+$0x20]  }
0x318: {  	s14 =	simm.s32 $0x40;
	v9 =	vld [tilespmem:s1+$0x30]  }
.LBB2_56:
0x319: {  	p0 =	sne.s32 s14, $0x340;
	_ =	sdelay $0x2  }
0x31a: {  	v2 =	vmin.f32 v3, v2  }
0x31b: {  	v3 =	vmin.f32 v4, v5;
	v4 =	vmin.f32 v6, v7;
	v5 =	vmin.f32 v8, v9  }
0x31c: {  	v2 =	vmin.f32 v2, v3;
	v3 =	vmin.f32 v4, v5  }
0x31d: {  	s15 =	sshra.s32 s0, $0x2;
	s0 =	smov.u32 s14;
	v2 =	vmin.f32 v2, v3  }
0x31e: {  	s1 =	sadd.s32 $0x80, s1;
	[tilespmem:s15+$0x7880] =	vst v2  }
0x31f: {  	v2 =	vld [tilespmem:s1+$0xFFFFFFD0]  }
0x320: {  	v3 =	vld [tilespmem:s1+$0xFFFFFFC0]  }
0x321: {  	v4 =	vld [tilespmem:s1+$0xFFFFFFE0]  }
.Ltmp47:
0x322: {  	v5 =	vld [tilespmem:s1+$0xFFFFFFF0];
	(pc) =	sbr.rel @p0 .LBB2_56-.Ltmp47, $4  }
0x323: {  	v6 =	vld [tilespmem:s1+$0x0]  }
0x324: {  	v7 =	vld [tilespmem:s1+$0x10]  }
0x325: {  	v8 =	vld [tilespmem:s1+$0x20]  }
0x326: {  	s14 =	sadd.s32 $0x40, s14;
	v9 =	vld [tilespmem:s1+$0x30]  }
0x327: {  	_ =	sdelay $0x2  }
0x328: {  	v2 =	vmin.f32 v3, v2  }
0x329: {  	v3 =	vmin.f32 v4, v5;
	v52 =	vmin.f32 v6, v7;
	v53 =	vmin.f32 v8, v9  }
0x32a: {  	v2 =	vmin.f32 v2, v3;
	v3 =	vmin.f32 v52, v53  }
0x32b: {  	s0 =	sshra.s32 s0, $0x2;
	v2 =	vmin.f32 v2, v3  }
0x32c: {  	[tilespmem:s0+$0x7880] =	vst v2  }
0x32d: {  	v2 =	vld [tilespmem:$0x7880]  }
0x32e: {  	v3 =	vld [tilespmem:$0x7890]  }
0x32f: {  	v54 =	vld [tilespmem:$0x78A0]  }
0x330: {  	v55 =	vld [tilespmem:$0x78B0]  }
0x331: {  	v56 =	vld [tilespmem:$0x78C0]  }
0x332: {  	v57 =	vld [tilespmem:$0x78D0]  }
0x333: {  	v2 =	vmin.f32 v2, v3;
	v3 =	vld [tilespmem:$0x78E0]  }
0x334: {  	v58 =	vld [tilespmem:$0x78F0];
	v2 =	vmin.f32 v2, v54  }
0x335: {  	v59 =	vld [tilespmem:$0x7900];
	v2 =	vmin.f32 v2, v55  }
0x336: {  	v60 =	vld [tilespmem:$0x7910];
	v2 =	vmin.f32 v2, v56  }
0x337: {  	v61 =	vld [tilespmem:$0x7920];
	v2 =	vmin.f32 v2, v57  }
0x338: {  	v2 =	vmin.f32 v2, v3;
	v3 =	vld [tilespmem:$0x7930]  }
0x339: {  	v62 =	vld [tilespmem:$0x7940];
	v2 =	vmin.f32 v2, v58  }
0x33a: {  	v63 =	vld [tilespmem:$0x7950];
	v2 =	vmin.f32 v2, v59  }
0x33b: {  	v2 =	vmin.f32 v2, v60  }
.Ltmp48:
0x33c: {  	v2 =	vmin.f32 v2, v61;
	(pc) =	sbr.rel .LBB2_58-.Ltmp48, $4  }
0x33d: {  	v2 =	vmin.f32 v2, v3  }
0x33e: {  	v2 =	vmin.f32 v2, v62  }
0x33f: {  	v2 =	vmin.f32 v2, v63  }
0x340: {  	s29 =	simm.s32 $0x0;
	[tilespmem:$0x7980] =	vst v2  }
.LBB2_65:
0x341: {  	s29 =	sadd.s32 $0x1, s29  }
0x342: {  	p0 =	sne.s32 s29, $0x10  }
.Ltmp49:
0x343: {  	_ = 	snop;
	(pc) =	sbr.rel @!p0 .LBB2_66-.Ltmp49, $1  }
0x344: {  	_ =	sdelay $0x3  }
.LBB2_58:
0x345: {  	v3 =	vld [tilespmem:$0x7980];
	_ =	sdelay $0x2  }
0x346: {  	v2 =	vadd.s32 s29, v1  }
0x347: {  	v2 =	vand.u32 $0xF, v2  }
0x348: {  	v3 =	vperm.xlane v3, v2;
	_ =	sdelay $0x1  }
0x349: {  	(v2sf) =	vpush v3, $0x0;
	_ =	sdelay $0xe  }
0x34a: {  	s0 =	spop (v2sf)  }
0x34b: {  	p0 =	slt.f32 s0, s26  }
.Ltmp50:
0x34c: {  	_ = 	snop;
	(pc) =	sbr.rel @!p0 .LBB2_65-.Ltmp50, $1  }
0x34d: {  	_ =	sdelay $0x3  }
.Ltmp51:
0x34e: {  	(pc) =	sbr.rel .LBB2_60-.Ltmp51, $2  }
0x34f: {  	_ =	sdelay $0x2  }
0x350: {  	s30 =	simm.s32 $0x7100;
	s31 =	simm.s32 $0xF0;
	s0 =	simm.s32 $0x0  }
.LBB2_64:
0x351: {  	s0 =	sadd.s32 $0x1, s0  }
0x352: {  	p0 =	sne.s32 s0, $0xE  }
.Ltmp52:
0x353: {  	_ = 	snop;
	(pc) =	sbr.rel @!p0 .LBB2_65-.Ltmp52, $2  }
0x354: {  	_ =	sdelay $0x2  }
0x355: {  	s30 =	sadd.s32 $0x80, s30;
	s31 =	sadd.s32 $0x800, s31  }
.LBB2_60:
0x356: {  	s1 =	sshll.u32 s0, $0x4  }
0x357: {  	s1 =	sand.u32 $0x3FFFFFF0, s1  }
0x358: {  	v3 =	vld [tilespmem:s1+$0x7880];
	_ =	sdelay $0x4  }
0x359: {  	v3 =	vperm.xlane v3, v2;
	_ =	sdelay $0x1  }
0x35a: {  	(v2sf) =	vpush v3, $0x0;
	_ =	sdelay $0xe  }
0x35b: {  	s23 =	spop (v2sf)  }
0x35c: {  	p0 =	slt.f32 s23, s26  }
.Ltmp53:
0x35d: {  	_ = 	snop;
	(pc) =	sbr.rel @!p0 .LBB2_64-.Ltmp53, $4  }
.Ltmp54:
0x35e: {  	_ = 	snop;
	(pc) =	sbr.rel @p0 .LBB2_61-.Ltmp54, $4  }
0x35f: {  	_ = 	snop  }
0x360: {  	_ = 	snop  }
0x361: {  	s14 =	smov.u32 s31;
	s1 =	simm.s32 $0x0  }
0x362: {  	_ = 	snop  }
.LBB2_63:
0x363: {  	s1 =	sadd.s32 $0x40, s1  }
0x364: {  	p0 =	sne.s32 s1, $0x200  }
.Ltmp55:
0x365: {  	_ = 	snop;
	(pc) =	sbr.rel @!p0 .LBB2_64-.Ltmp55, $2  }
0x366: {  	_ =	sdelay $0x2  }
0x367: {  	s14 =	sadd.s32 $0x100, s14  }
.LBB2_61:
0x368: {  	s15 =	sshra.s32 s1, $0x2  }
0x369: {  	s15 =	sadd.s32 s15, s30  }
0x36a: {  	v3 =	vld [tilespmem:s15+$0x0];
	_ =	sdelay $0x4  }
0x36b: {  	v3 =	vperm.xlane v3, v2;
	_ =	sdelay $0x1  }
0x36c: {  	(v2sf) =	vpush v3, $0x0;
	_ =	sdelay $0xe  }
0x36d: {  	s23 =	spop (v2sf)  }
0x36e: {  	p0 =	slt.f32 s23, s26  }
.Ltmp56:
0x36f: {  	_ = 	snop;
	(pc) =	sbr.rel @!p0 .LBB2_63-.Ltmp56, $1  }
0x370: {  	_ =	sdelay $0x3  }
0x371: {  	v3 =	vld [tilespmem:s14+$0xFFFFFF90];
	_ =	sdelay $0x4  }
0x372: {  	v3 =	vperm.xlane v3, v2;
	_ =	sdelay $0x1  }
0x373: {  	(v2sf) =	vpush v3, $0x0;
	_ =	sdelay $0xe  }
0x374: {  	s15 =	spop (v2sf)  }
0x375: {  	p1 =	slt.f32 s15, s26;
	_ =	sdelay $0x1  }
0x376: {  	p0 =	slt.s32 @p1 s28, $0x7F  }
0x377: {  	s15 =	smov.u32 s28;
	p0 =	por !p0, !p1  }
0x378: {  	s15 =	simm.s32 @p0 $0x7F  }
0x379: {  	vm0 =	vmmov @p1 $0x1;
	s15 =	sshll.u32 @p1 s15, $0x6  }
0x37a: {  	v3 =	vnsel @p1 vm0, $0x7149F2CA, v3;
	s15 =	sshra.s32 @p1 s15, $0x2  }
0x37b: {  	[tilespmem:s15+$0x7A80] =	vst @p1 v3  }
0x37c: {  	v3 =	vld [tilespmem:s14+$0xFFFFFFA0];
	_ =	sdelay $0x4  }
0x37d: {  	v3 =	vperm.xlane v3, v2;
	_ =	sdelay $0x1  }
0x37e: {  	(v2sf) =	vpush v3, $0x0;
	_ =	sdelay $0xe  }
0x37f: {  	s15 =	spop (v2sf)  }
0x380: {  	s23 =	sadd.s32 @p1 $0x1, s28;
	p0 =	slt.f32 s15, s26  }
0x381: {  	s28 =	smov.u32 @p1 s23  }
0x382: {  	p1 =	slt.s32 @p0 s28, $0x7F  }
0x383: {  	s15 =	smov.u32 s28;
	p1 =	por !p1, !p0  }
0x384: {  	s15 =	simm.s32 @p1 $0x7F  }
0x385: {  	vm0 =	vmmov @p0 $0x1;
	s15 =	sshll.u32 @p0 s15, $0x6  }
0x386: {  	v3 =	vnsel @p0 vm0, $0x7149F2CA, v3;
	s15 =	sshra.s32 @p0 s15, $0x2  }
0x387: {  	[tilespmem:s15+$0x7A80] =	vst @p0 v3  }
0x388: {  	v3 =	vld [tilespmem:s14+$0xFFFFFFB0];
	_ =	sdelay $0x4  }
0x389: {  	v3 =	vperm.xlane v3, v2;
	_ =	sdelay $0x1  }
0x38a: {  	(v2sf) =	vpush v3, $0x0;
	_ =	sdelay $0xe  }
0x38b: {  	s15 =	spop (v2sf)  }
0x38c: {  	s23 =	sadd.s32 @p0 $0x1, s28;
	p1 =	slt.f32 s15, s26  }
0x38d: {  	s28 =	smov.u32 @p0 s23  }
0x38e: {  	p0 =	slt.s32 @p1 s28, $0x7F  }
0x38f: {  	s15 =	smov.u32 s28;
	p0 =	por !p0, !p1  }
0x390: {  	s15 =	simm.s32 @p0 $0x7F  }
0x391: {  	vm0 =	vmmov @p1 $0x1;
	s15 =	sshll.u32 @p1 s15, $0x6  }
0x392: {  	v3 =	vnsel @p1 vm0, $0x7149F2CA, v3;
	s15 =	sshra.s32 @p1 s15, $0x2  }
0x393: {  	[tilespmem:s15+$0x7A80] =	vst @p1 v3  }
0x394: {  	v3 =	vld [tilespmem:s14+$0xFFFFFFC0];
	_ =	sdelay $0x4  }
0x395: {  	v3 =	vperm.xlane v3, v2;
	_ =	sdelay $0x1  }
0x396: {  	(v2sf) =	vpush v3, $0x0;
	_ =	sdelay $0xe  }
0x397: {  	s15 =	spop (v2sf)  }
0x398: {  	s23 =	sadd.s32 @p1 $0x1, s28;
	p0 =	slt.f32 s15, s26  }
0x399: {  	s28 =	smov.u32 @p1 s23  }
0x39a: {  	p1 =	slt.s32 @p0 s28, $0x7F  }
0x39b: {  	s15 =	smov.u32 s28;
	p1 =	por !p1, !p0  }
0x39c: {  	s15 =	simm.s32 @p1 $0x7F  }
0x39d: {  	vm0 =	vmmov @p0 $0x1;
	s15 =	sshll.u32 @p0 s15, $0x6  }
0x39e: {  	v3 =	vnsel @p0 vm0, $0x7149F2CA, v3;
	s15 =	sshra.s32 @p0 s15, $0x2  }
0x39f: {  	[tilespmem:s15+$0x7A80] =	vst @p0 v3  }
0x3a0: {  	v3 =	vld [tilespmem:s14+$0xFFFFFFD0];
	_ =	sdelay $0x4  }
0x3a1: {  	v3 =	vperm.xlane v3, v2;
	_ =	sdelay $0x1  }
0x3a2: {  	(v2sf) =	vpush v3, $0x0;
	_ =	sdelay $0xe  }
0x3a3: {  	s15 =	spop (v2sf)  }
0x3a4: {  	s23 =	sadd.s32 @p0 $0x1, s28;
	p1 =	slt.f32 s15, s26  }
0x3a5: {  	s28 =	smov.u32 @p0 s23  }
0x3a6: {  	p0 =	slt.s32 @p1 s28, $0x7F  }
0x3a7: {  	s15 =	smov.u32 s28;
	p0 =	por !p0, !p1  }
0x3a8: {  	s15 =	simm.s32 @p0 $0x7F  }
0x3a9: {  	vm0 =	vmmov @p1 $0x1;
	s15 =	sshll.u32 @p1 s15, $0x6  }
0x3aa: {  	v3 =	vnsel @p1 vm0, $0x7149F2CA, v3;
	s15 =	sshra.s32 @p1 s15, $0x2  }
0x3ab: {  	[tilespmem:s15+$0x7A80] =	vst @p1 v3  }
0x3ac: {  	v3 =	vld [tilespmem:s14+$0xFFFFFFE0];
	_ =	sdelay $0x4  }
0x3ad: {  	v3 =	vperm.xlane v3, v2;
	_ =	sdelay $0x1  }
0x3ae: {  	(v2sf) =	vpush v3, $0x0;
	_ =	sdelay $0xe  }
0x3af: {  	s15 =	spop (v2sf)  }
0x3b0: {  	s23 =	sadd.s32 @p1 $0x1, s28;
	p0 =	slt.f32 s15, s26  }
0x3b1: {  	s28 =	smov.u32 @p1 s23  }
0x3b2: {  	p1 =	slt.s32 @p0 s28, $0x7F  }
0x3b3: {  	s15 =	smov.u32 s28;
	p1 =	por !p1, !p0  }
0x3b4: {  	s15 =	simm.s32 @p1 $0x7F  }
0x3b5: {  	vm0 =	vmmov @p0 $0x1;
	s15 =	sshll.u32 @p0 s15, $0x6  }
0x3b6: {  	v3 =	vnsel @p0 vm0, $0x7149F2CA, v3;
	s15 =	sshra.s32 @p0 s15, $0x2  }
0x3b7: {  	[tilespmem:s15+$0x7A80] =	vst @p0 v3  }
0x3b8: {  	v3 =	vld [tilespmem:s14+$0xFFFFFFF0];
	_ =	sdelay $0x4  }
0x3b9: {  	v3 =	vperm.xlane v3, v2;
	_ =	sdelay $0x1  }
0x3ba: {  	(v2sf) =	vpush v3, $0x0;
	_ =	sdelay $0xe  }
0x3bb: {  	s15 =	spop (v2sf)  }
0x3bc: {  	s23 =	sadd.s32 @p0 $0x1, s28;
	p1 =	slt.f32 s15, s26  }
0x3bd: {  	s28 =	smov.u32 @p0 s23  }
0x3be: {  	p0 =	slt.s32 @p1 s28, $0x7F  }
0x3bf: {  	s15 =	smov.u32 s28;
	p0 =	por !p0, !p1  }
0x3c0: {  	s15 =	simm.s32 @p0 $0x7F  }
0x3c1: {  	vm0 =	vmmov @p1 $0x1;
	s15 =	sshll.u32 @p1 s15, $0x6  }
0x3c2: {  	v3 =	vnsel @p1 vm0, $0x7149F2CA, v3;
	s15 =	sshra.s32 @p1 s15, $0x2  }
0x3c3: {  	[tilespmem:s15+$0x7A80] =	vst @p1 v3  }
0x3c4: {  	v3 =	vld [tilespmem:s14+$0x0];
	_ =	sdelay $0x4  }
0x3c5: {  	v3 =	vperm.xlane v3, v2;
	_ =	sdelay $0x1  }
0x3c6: {  	(v2sf) =	vpush v3, $0x0;
	_ =	sdelay $0xe  }
0x3c7: {  	s15 =	spop (v2sf)  }
0x3c8: {  	s23 =	sadd.s32 @p1 $0x1, s28;
	p0 =	slt.f32 s15, s26  }
0x3c9: {  	s28 =	smov.u32 @p1 s23  }
0x3ca: {  	p1 =	slt.s32 @p0 s28, $0x7F  }
.Ltmp57:
0x3cb: {  	s15 =	smov.u32 s28;
	p1 =	por !p1, !p0;
	(pc) =	sbr.rel .LBB2_63-.Ltmp57, $4  }
0x3cc: {  	s15 =	simm.s32 @p1 $0x7F  }
0x3cd: {  	vm0 =	vmmov @p0 $0x1;
	s15 =	sshll.u32 @p0 s15, $0x6  }
0x3ce: {  	s23 =	sadd.s32 @p0 $0x1, s28;
	v3 =	vnsel @p0 vm0, $0x7149F2CA, v3;
	s15 =	sshra.s32 @p0 s15, $0x2  }
0x3cf: {  	s28 =	smov.u32 @p0 s23;
	[tilespmem:s15+$0x7A80] =	vst @p0 v3  }
.LBB2_66:
0x3d0: {  	s0 =	sadd.s32 s12, s25  }
0x3d1: {  	s0 =	sshrl.u32 s0, $0x3  }
0x3d2: {  	s1 =	simm.s32 $0x80;
	s0 =	sadd.s32 s3, s0  }
0x3d3: {  	s14 =	simm.s32 $0x80;
	s29 =	simm.s32 $0x180;
	s30 =	sadd.s32 $0x0, s0  }
.LBB2_67:
0x3d4: {  	[tilespmem:s1], [sflag:$0x2] =	stream.linear.gather [hbm4b:s30+s2], $0x80, $0x38;
	[tilespmem:$0x8300] =	vst v63  }
0x3d5: {  	s15 =	smov.u32 s14;
	s1 =	smov.u32 s29;
	p0 =	sne.s32 s14, $0x3780  }
.Ltmp58:
0x3d6: {  	s14 =	sadd.s32 $0x80, s14;
	(pc) =	sbr.rel @p0 .LBB2_67-.Ltmp58, $2  }
0x3d7: {  	_ =	sdelay $0x2  }
0x3d8: {  	s29 =	sadd.s32 $0x100, s29;
	s30 =	sadd.s32 s15, s0  }
0x3d9: {  	[tilespmem:s1], [sflag:$0x2] =	stream.linear.gather [hbm4b:s30+s2], $0x80, $0x38;
	[tilespmem:$0x8300] =	vst v63  }
0x3da: {  	_ =	swait.ge [sflag:s17], $0x3800  }
0x3db: {  	[sflag:s17] =	ssyncset.done $0x0  }
0x3dc: {  	s1 =	simm.s32 $0x40;
	[sflag:s17] =	ssyncadd.s32 $0xFFFFC800  }
0x3dd: {  	v2 =	vld [tilespmem:s1+$0xFFFFFFD0]  }
0x3de: {  	v3 =	vld [tilespmem:s1+$0xFFFFFFC0]  }
0x3df: {  	v4 =	vld [tilespmem:s1+$0xFFFFFFE0]  }
0x3e0: {  	v5 =	vld [tilespmem:s1+$0xFFFFFFF0]  }
0x3e1: {  	v6 =	vld [tilespmem:s1+$0x0]  }
0x3e2: {  	v7 =	vld [tilespmem:s1+$0x10]  }
0x3e3: {  	v8 =	vld [tilespmem:s1+$0x20]  }
0x3e4: {  	s0 =	simm.s32 $0x0;
	s29 =	simm.s32 $0x40;
	s14 =	simm.s32 $0x0;
	v9 =	vld [tilespmem:s1+$0x30]  }
.LBB2_69:
0x3e5: {  	p0 =	sne.s32 s29, $0x1BC0;
	_ =	sdelay $0x2  }
0x3e6: {  	v2 =	vmin.f32 v3, v2  }
0x3e7: {  	v3 =	vmin.f32 v4, v5;
	v4 =	vmin.f32 v6, v7;
	v5 =	vmin.f32 v8, v9  }
0x3e8: {  	v2 =	vmin.f32 v2, v3;
	v3 =	vmin.f32 v4, v5  }
0x3e9: {  	s15 =	sshra.s32 s14, $0x2;
	s14 =	smov.u32 s29;
	v2 =	vmin.f32 v2, v3  }
0x3ea: {  	s1 =	sadd.s32 $0x100, s1;
	[tilespmem:s15+$0x7100] =	vst v2  }
0x3eb: {  	v2 =	vld [tilespmem:s1+$0xFFFFFFD0]  }
0x3ec: {  	v3 =	vld [tilespmem:s1+$0xFFFFFFC0]  }
0x3ed: {  	v4 =	vld [tilespmem:s1+$0xFFFFFFE0]  }
.Ltmp59:
0x3ee: {  	v5 =	vld [tilespmem:s1+$0xFFFFFFF0];
	(pc) =	sbr.rel @p0 .LBB2_69-.Ltmp59, $4  }
0x3ef: {  	v6 =	vld [tilespmem:s1+$0x0]  }
0x3f0: {  	v7 =	vld [tilespmem:s1+$0x10]  }
0x3f1: {  	v8 =	vld [tilespmem:s1+$0x20]  }
0x3f2: {  	s29 =	sadd.s32 $0x40, s29;
	v9 =	vld [tilespmem:s1+$0x30]  }
0x3f3: {  	_ =	sdelay $0x2  }
0x3f4: {  	v2 =	vmin.f32 v3, v2  }
0x3f5: {  	v3 =	vmin.f32 v4, v5;
	v4 =	vmin.f32 v6, v7;
	v5 =	vmin.f32 v8, v9  }
0x3f6: {  	v2 =	vmin.f32 v2, v3;
	v3 =	vmin.f32 v4, v5  }
0x3f7: {  	s1 =	sshra.s32 s14, $0x2;
	v2 =	vmin.f32 v2, v3  }
0x3f8: {  	[tilespmem:s1+$0x7100] =	vst v2;
	s1 =	simm.s32 $0x7140  }
0x3f9: {  	v2 =	vld [tilespmem:s1+$0xFFFFFFD0]  }
0x3fa: {  	v3 =	vld [tilespmem:s1+$0xFFFFFFC0]  }
0x3fb: {  	v4 =	vld [tilespmem:s1+$0xFFFFFFE0]  }
0x3fc: {  	v5 =	vld [tilespmem:s1+$0xFFFFFFF0]  }
0x3fd: {  	v6 =	vld [tilespmem:s1+$0x0]  }
0x3fe: {  	v7 =	vld [tilespmem:s1+$0x10]  }
0x3ff: {  	v8 =	vld [tilespmem:s1+$0x20]  }
0x400: {  	s14 =	simm.s32 $0x40;
	v9 =	vld [tilespmem:s1+$0x30]  }
.LBB2_71:
0x401: {  	p0 =	sne.s32 s14, $0x340;
	_ =	sdelay $0x2  }
0x402: {  	v2 =	vmin.f32 v3, v2  }
0x403: {  	v3 =	vmin.f32 v4, v5;
	v4 =	vmin.f32 v6, v7;
	v5 =	vmin.f32 v8, v9  }
0x404: {  	v2 =	vmin.f32 v2, v3;
	v3 =	vmin.f32 v4, v5  }
0x405: {  	s15 =	sshra.s32 s0, $0x2;
	s0 =	smov.u32 s14;
	v2 =	vmin.f32 v2, v3  }
0x406: {  	s1 =	sadd.s32 $0x80, s1;
	[tilespmem:s15+$0x7880] =	vst v2  }
0x407: {  	v2 =	vld [tilespmem:s1+$0xFFFFFFD0]  }
0x408: {  	v3 =	vld [tilespmem:s1+$0xFFFFFFC0]  }
0x409: {  	v4 =	vld [tilespmem:s1+$0xFFFFFFE0]  }
.Ltmp60:
0x40a: {  	v5 =	vld [tilespmem:s1+$0xFFFFFFF0];
	(pc) =	sbr.rel @p0 .LBB2_71-.Ltmp60, $4  }
0x40b: {  	v6 =	vld [tilespmem:s1+$0x0]  }
0x40c: {  	v7 =	vld [tilespmem:s1+$0x10]  }
0x40d: {  	v8 =	vld [tilespmem:s1+$0x20]  }
0x40e: {  	s14 =	sadd.s32 $0x40, s14;
	v9 =	vld [tilespmem:s1+$0x30]  }
0x40f: {  	_ =	sdelay $0x2  }
0x410: {  	v2 =	vmin.f32 v3, v2  }
0x411: {  	v3 =	vmin.f32 v4, v5;
	v52 =	vmin.f32 v6, v7;
	v53 =	vmin.f32 v8, v9  }
0x412: {  	v2 =	vmin.f32 v2, v3;
	v3 =	vmin.f32 v52, v53  }
0x413: {  	s0 =	sshra.s32 s0, $0x2;
	v2 =	vmin.f32 v2, v3  }
0x414: {  	[tilespmem:s0+$0x7880] =	vst v2  }
0x415: {  	v2 =	vld [tilespmem:$0x7880]  }
0x416: {  	v3 =	vld [tilespmem:$0x7890]  }
0x417: {  	v54 =	vld [tilespmem:$0x78A0]  }
0x418: {  	v55 =	vld [tilespmem:$0x78B0]  }
0x419: {  	v56 =	vld [tilespmem:$0x78C0]  }
0x41a: {  	v57 =	vld [tilespmem:$0x78D0]  }
0x41b: {  	v2 =	vmin.f32 v2, v3;
	v3 =	vld [tilespmem:$0x78E0]  }
0x41c: {  	v58 =	vld [tilespmem:$0x78F0];
	v2 =	vmin.f32 v2, v54  }
0x41d: {  	v59 =	vld [tilespmem:$0x7900];
	v2 =	vmin.f32 v2, v55  }
0x41e: {  	v60 =	vld [tilespmem:$0x7910];
	v2 =	vmin.f32 v2, v56  }
0x41f: {  	v61 =	vld [tilespmem:$0x7920];
	v2 =	vmin.f32 v2, v57  }
0x420: {  	v2 =	vmin.f32 v2, v3;
	v3 =	vld [tilespmem:$0x7930]  }
0x421: {  	v62 =	vld [tilespmem:$0x7940];
	v2 =	vmin.f32 v2, v58  }
0x422: {  	v63 =	vld [tilespmem:$0x7950];
	v2 =	vmin.f32 v2, v59  }
0x423: {  	v2 =	vmin.f32 v2, v60  }
.Ltmp61:
0x424: {  	v2 =	vmin.f32 v2, v61;
	(pc) =	sbr.rel .LBB2_73-.Ltmp61, $4  }
0x425: {  	v2 =	vmin.f32 v2, v3  }
0x426: {  	v2 =	vmin.f32 v2, v62  }
0x427: {  	v2 =	vmin.f32 v2, v63  }
0x428: {  	s29 =	simm.s32 $0x0;
	[tilespmem:$0x7980] =	vst v2  }
.LBB2_80:
0x429: {  	s29 =	sadd.s32 $0x1, s29  }
0x42a: {  	p0 =	sne.s32 s29, $0x10  }
.Ltmp62:
0x42b: {  	_ = 	snop;
	(pc) =	sbr.rel @!p0 .LBB2_81-.Ltmp62, $1  }
0x42c: {  	_ =	sdelay $0x3  }
.LBB2_73:
0x42d: {  	v3 =	vld [tilespmem:$0x7980];
	_ =	sdelay $0x2  }
0x42e: {  	v2 =	vadd.s32 s29, v1  }
0x42f: {  	v2 =	vand.u32 $0xF, v2  }
0x430: {  	v3 =	vperm.xlane v3, v2;
	_ =	sdelay $0x1  }
0x431: {  	(v2sf) =	vpush v3, $0x0;
	_ =	sdelay $0xe  }
0x432: {  	s0 =	spop (v2sf)  }
0x433: {  	p0 =	slt.f32 s0, s26  }
.Ltmp63:
0x434: {  	_ = 	snop;
	(pc) =	sbr.rel @!p0 .LBB2_80-.Ltmp63, $1  }
0x435: {  	_ =	sdelay $0x3  }
.Ltmp64:
0x436: {  	(pc) =	sbr.rel .LBB2_75-.Ltmp64, $2  }
0x437: {  	_ =	sdelay $0x2  }
0x438: {  	s30 =	simm.s32 $0x7100;
	s31 =	simm.s32 $0x40;
	s0 =	simm.s32 $0x0  }
.LBB2_79:
0x439: {  	s0 =	sadd.s32 $0x1, s0  }
0x43a: {  	p0 =	sne.s32 s0, $0xE  }
.Ltmp65:
0x43b: {  	_ = 	snop;
	(pc) =	sbr.rel @!p0 .LBB2_80-.Ltmp65, $2  }
0x43c: {  	_ =	sdelay $0x2  }
0x43d: {  	s30 =	sadd.s32 $0x80, s30;
	s31 =	sadd.s32 $0x800, s31  }
.LBB2_75:
0x43e: {  	s1 =	sshll.u32 s0, $0x4  }
0x43f: {  	s1 =	sand.u32 $0x3FFFFFF0, s1  }
0x440: {  	v3 =	vld [tilespmem:s1+$0x7880];
	_ =	sdelay $0x4  }
0x441: {  	v3 =	vperm.xlane v3, v2;
	_ =	sdelay $0x1  }
0x442: {  	(v2sf) =	vpush v3, $0x0;
	_ =	sdelay $0xe  }
0x443: {  	s23 =	spop (v2sf)  }
0x444: {  	p0 =	slt.f32 s23, s26  }
.Ltmp66:
0x445: {  	_ = 	snop;
	(pc) =	sbr.rel @!p0 .LBB2_79-.Ltmp66, $4  }
.Ltmp67:
0x446: {  	_ = 	snop;
	(pc) =	sbr.rel @p0 .LBB2_76-.Ltmp67, $4  }
0x447: {  	_ = 	snop  }
0x448: {  	_ = 	snop  }
0x449: {  	s14 =	smov.u32 s31;
	s1 =	simm.s32 $0x0  }
0x44a: {  	_ = 	snop  }
.LBB2_78:
0x44b: {  	s1 =	sadd.s32 $0x40, s1  }
0x44c: {  	p0 =	sne.s32 s1, $0x200  }
.Ltmp68:
0x44d: {  	_ = 	snop;
	(pc) =	sbr.rel @!p0 .LBB2_79-.Ltmp68, $2  }
0x44e: {  	_ =	sdelay $0x2  }
0x44f: {  	s14 =	sadd.s32 $0x100, s14  }
.LBB2_76:
0x450: {  	s15 =	sshra.s32 s1, $0x2  }
0x451: {  	s15 =	sadd.s32 s15, s30  }
0x452: {  	v3 =	vld [tilespmem:s15+$0x0];
	_ =	sdelay $0x4  }
0x453: {  	v3 =	vperm.xlane v3, v2;
	_ =	sdelay $0x1  }
0x454: {  	(v2sf) =	vpush v3, $0x0;
	_ =	sdelay $0xe  }
0x455: {  	s23 =	spop (v2sf)  }
0x456: {  	p0 =	slt.f32 s23, s26  }
.Ltmp69:
0x457: {  	_ = 	snop;
	(pc) =	sbr.rel @!p0 .LBB2_78-.Ltmp69, $1  }
0x458: {  	_ =	sdelay $0x3  }
0x459: {  	v3 =	vld [tilespmem:s14+$0xFFFFFFC0];
	_ =	sdelay $0x4  }
0x45a: {  	v3 =	vperm.xlane v3, v2;
	_ =	sdelay $0x1  }
0x45b: {  	(v2sf) =	vpush v3, $0x0;
	_ =	sdelay $0xe  }
0x45c: {  	s15 =	spop (v2sf)  }
0x45d: {  	p1 =	slt.f32 s15, s26;
	_ =	sdelay $0x1  }
0x45e: {  	p0 =	slt.s32 @p1 s28, $0x7F  }
0x45f: {  	s15 =	smov.u32 s28;
	p0 =	por !p0, !p1  }
0x460: {  	s15 =	simm.s32 @p0 $0x7F  }
0x461: {  	vm0 =	vmmov @p1 $0x1;
	s15 =	sshll.u32 @p1 s15, $0x6  }
0x462: {  	v3 =	vnsel @p1 vm0, $0x7149F2CA, v3;
	s15 =	sshra.s32 @p1 s15, $0x2  }
0x463: {  	[tilespmem:s15+$0x7A80] =	vst @p1 v3  }
0x464: {  	v3 =	vld [tilespmem:s14+$0xFFFFFFD0];
	_ =	sdelay $0x4  }
0x465: {  	v3 =	vperm.xlane v3, v2;
	_ =	sdelay $0x1  }
0x466: {  	(v2sf) =	vpush v3, $0x0;
	_ =	sdelay $0xe  }
0x467: {  	s15 =	spop (v2sf)  }
0x468: {  	s23 =	sadd.s32 @p1 $0x1, s28;
	p0 =	slt.f32 s15, s26  }
0x469: {  	s28 =	smov.u32 @p1 s23  }
0x46a: {  	p1 =	slt.s32 @p0 s28, $0x7F  }
0x46b: {  	s15 =	smov.u32 s28;
	p1 =	por !p1, !p0  }
0x46c: {  	s15 =	simm.s32 @p1 $0x7F  }
0x46d: {  	vm0 =	vmmov @p0 $0x1;
	s15 =	sshll.u32 @p0 s15, $0x6  }
0x46e: {  	v3 =	vnsel @p0 vm0, $0x7149F2CA, v3;
	s15 =	sshra.s32 @p0 s15, $0x2  }
0x46f: {  	[tilespmem:s15+$0x7A80] =	vst @p0 v3  }
0x470: {  	v3 =	vld [tilespmem:s14+$0xFFFFFFE0];
	_ =	sdelay $0x4  }
0x471: {  	v3 =	vperm.xlane v3, v2;
	_ =	sdelay $0x1  }
0x472: {  	(v2sf) =	vpush v3, $0x0;
	_ =	sdelay $0xe  }
0x473: {  	s15 =	spop (v2sf)  }
0x474: {  	s23 =	sadd.s32 @p0 $0x1, s28;
	p1 =	slt.f32 s15, s26  }
0x475: {  	s28 =	smov.u32 @p0 s23  }
0x476: {  	p0 =	slt.s32 @p1 s28, $0x7F  }
0x477: {  	s15 =	smov.u32 s28;
	p0 =	por !p0, !p1  }
0x478: {  	s15 =	simm.s32 @p0 $0x7F  }
0x479: {  	vm0 =	vmmov @p1 $0x1;
	s15 =	sshll.u32 @p1 s15, $0x6  }
0x47a: {  	v3 =	vnsel @p1 vm0, $0x7149F2CA, v3;
	s15 =	sshra.s32 @p1 s15, $0x2  }
0x47b: {  	[tilespmem:s15+$0x7A80] =	vst @p1 v3  }
0x47c: {  	v3 =	vld [tilespmem:s14+$0xFFFFFFF0];
	_ =	sdelay $0x4  }
0x47d: {  	v3 =	vperm.xlane v3, v2;
	_ =	sdelay $0x1  }
0x47e: {  	(v2sf) =	vpush v3, $0x0;
	_ =	sdelay $0xe  }
0x47f: {  	s15 =	spop (v2sf)  }
0x480: {  	s23 =	sadd.s32 @p1 $0x1, s28;
	p0 =	slt.f32 s15, s26  }
0x481: {  	s28 =	smov.u32 @p1 s23  }
0x482: {  	p1 =	slt.s32 @p0 s28, $0x7F  }
0x483: {  	s15 =	smov.u32 s28;
	p1 =	por !p1, !p0  }
0x484: {  	s15 =	simm.s32 @p1 $0x7F  }
0x485: {  	vm0 =	vmmov @p0 $0x1;
	s15 =	sshll.u32 @p0 s15, $0x6  }
0x486: {  	v3 =	vnsel @p0 vm0, $0x7149F2CA, v3;
	s15 =	sshra.s32 @p0 s15, $0x2  }
0x487: {  	[tilespmem:s15+$0x7A80] =	vst @p0 v3  }
0x488: {  	v3 =	vld [tilespmem:s14+$0x0];
	_ =	sdelay $0x4  }
0x489: {  	v3 =	vperm.xlane v3, v2;
	_ =	sdelay $0x1  }
0x48a: {  	(v2sf) =	vpush v3, $0x0;
	_ =	sdelay $0xe  }
0x48b: {  	s15 =	spop (v2sf)  }
0x48c: {  	s23 =	sadd.s32 @p0 $0x1, s28;
	p1 =	slt.f32 s15, s26  }
0x48d: {  	s28 =	smov.u32 @p0 s23  }
0x48e: {  	p0 =	slt.s32 @p1 s28, $0x7F  }
0x48f: {  	s15 =	smov.u32 s28;
	p0 =	por !p0, !p1  }
0x490: {  	s15 =	simm.s32 @p0 $0x7F  }
0x491: {  	vm0 =	vmmov @p1 $0x1;
	s15 =	sshll.u32 @p1 s15, $0x6  }
0x492: {  	v3 =	vnsel @p1 vm0, $0x7149F2CA, v3;
	s15 =	sshra.s32 @p1 s15, $0x2  }
0x493: {  	[tilespmem:s15+$0x7A80] =	vst @p1 v3  }
0x494: {  	v3 =	vld [tilespmem:s14+$0x10];
	_ =	sdelay $0x4  }
0x495: {  	v3 =	vperm.xlane v3, v2;
	_ =	sdelay $0x1  }
0x496: {  	(v2sf) =	vpush v3, $0x0;
	_ =	sdelay $0xe  }
0x497: {  	s15 =	spop (v2sf)  }
0x498: {  	s23 =	sadd.s32 @p1 $0x1, s28;
	p0 =	slt.f32 s15, s26  }
0x499: {  	s28 =	smov.u32 @p1 s23  }
0x49a: {  	p1 =	slt.s32 @p0 s28, $0x7F  }
0x49b: {  	s15 =	smov.u32 s28;
	p1 =	por !p1, !p0  }
0x49c: {  	s15 =	simm.s32 @p1 $0x7F  }
0x49d: {  	vm0 =	vmmov @p0 $0x1;
	s15 =	sshll.u32 @p0 s15, $0x6  }
0x49e: {  	v3 =	vnsel @p0 vm0, $0x7149F2CA, v3;
	s15 =	sshra.s32 @p0 s15, $0x2  }
0x49f: {  	[tilespmem:s15+$0x7A80] =	vst @p0 v3  }
0x4a0: {  	v3 =	vld [tilespmem:s14+$0x20];
	_ =	sdelay $0x4  }
0x4a1: {  	v3 =	vperm.xlane v3, v2;
	_ =	sdelay $0x1  }
0x4a2: {  	(v2sf) =	vpush v3, $0x0;
	_ =	sdelay $0xe  }
0x4a3: {  	s15 =	spop (v2sf)  }
0x4a4: {  	s23 =	sadd.s32 @p0 $0x1, s28;
	p1 =	slt.f32 s15, s26  }
0x4a5: {  	s28 =	smov.u32 @p0 s23  }
0x4a6: {  	p0 =	slt.s32 @p1 s28, $0x7F  }
0x4a7: {  	s15 =	smov.u32 s28;
	p0 =	por !p0, !p1  }
0x4a8: {  	s15 =	simm.s32 @p0 $0x7F  }
0x4a9: {  	vm0 =	vmmov @p1 $0x1;
	s15 =	sshll.u32 @p1 s15, $0x6  }
0x4aa: {  	v3 =	vnsel @p1 vm0, $0x7149F2CA, v3;
	s15 =	sshra.s32 @p1 s15, $0x2  }
0x4ab: {  	[tilespmem:s15+$0x7A80] =	vst @p1 v3  }
0x4ac: {  	v3 =	vld [tilespmem:s14+$0x30];
	_ =	sdelay $0x4  }
0x4ad: {  	v3 =	vperm.xlane v3, v2;
	_ =	sdelay $0x1  }
0x4ae: {  	(v2sf) =	vpush v3, $0x0;
	_ =	sdelay $0xe  }
0x4af: {  	s15 =	spop (v2sf)  }
0x4b0: {  	s23 =	sadd.s32 @p1 $0x1, s28;
	p0 =	slt.f32 s15, s26  }
0x4b1: {  	s28 =	smov.u32 @p1 s23  }
0x4b2: {  	p1 =	slt.s32 @p0 s28, $0x7F  }
.Ltmp70:
0x4b3: {  	s15 =	smov.u32 s28;
	p1 =	por !p1, !p0;
	(pc) =	sbr.rel .LBB2_78-.Ltmp70, $4  }
0x4b4: {  	s15 =	simm.s32 @p1 $0x7F  }
0x4b5: {  	vm0 =	vmmov @p0 $0x1;
	s15 =	sshll.u32 @p0 s15, $0x6  }
0x4b6: {  	s23 =	sadd.s32 @p0 $0x1, s28;
	v3 =	vnsel @p0 vm0, $0x7149F2CA, v3;
	s15 =	sshra.s32 @p0 s15, $0x2  }
0x4b7: {  	s28 =	smov.u32 @p0 s23;
	[tilespmem:s15+$0x7A80] =	vst @p0 v3  }
.LBB2_81:
0x4b8: {  	_ =	swait.ge [sflag:s18], $0x3800  }
0x4b9: {  	[sflag:s18] =	ssyncset.done $0x0  }
0x4ba: {  	s1 =	simm.s32 $0xF0;
	[sflag:s18] =	ssyncadd.s32 $0xFFFFC800  }
0x4bb: {  	v2 =	vld [tilespmem:s1+$0xFFFFFFA0]  }
0x4bc: {  	v3 =	vld [tilespmem:s1+$0xFFFFFF90]  }
0x4bd: {  	v4 =	vld [tilespmem:s1+$0xFFFFFFB0]  }
0x4be: {  	v5 =	vld [tilespmem:s1+$0xFFFFFFC0]  }
0x4bf: {  	v6 =	vld [tilespmem:s1+$0xFFFFFFD0]  }
0x4c0: {  	v7 =	vld [tilespmem:s1+$0xFFFFFFE0]  }
0x4c1: {  	v8 =	vld [tilespmem:s1+$0xFFFFFFF0]  }
0x4c2: {  	s0 =	simm.s32 $0x0;
	s29 =	simm.s32 $0x40;
	s14 =	simm.s32 $0x0;
	v9 =	vld [tilespmem:s1+$0x0]  }
.LBB2_82:
0x4c3: {  	p0 =	sne.s32 s29, $0x1BC0;
	_ =	sdelay $0x2  }
0x4c4: {  	v2 =	vmin.f32 v3, v2  }
0x4c5: {  	v3 =	vmin.f32 v4, v5;
	v4 =	vmin.f32 v6, v7;
	v5 =	vmin.f32 v8, v9  }
0x4c6: {  	v2 =	vmin.f32 v2, v3;
	v3 =	vmin.f32 v4, v5  }
0x4c7: {  	s15 =	sshra.s32 s14, $0x2;
	s14 =	smov.u32 s29;
	v2 =	vmin.f32 v2, v3  }
0x4c8: {  	s1 =	sadd.s32 $0x100, s1;
	[tilespmem:s15+$0x7100] =	vst v2  }
0x4c9: {  	v2 =	vld [tilespmem:s1+$0xFFFFFFA0]  }
0x4ca: {  	v3 =	vld [tilespmem:s1+$0xFFFFFF90]  }
0x4cb: {  	v4 =	vld [tilespmem:s1+$0xFFFFFFB0]  }
.Ltmp71:
0x4cc: {  	v5 =	vld [tilespmem:s1+$0xFFFFFFC0];
	(pc) =	sbr.rel @p0 .LBB2_82-.Ltmp71, $4  }
0x4cd: {  	v6 =	vld [tilespmem:s1+$0xFFFFFFD0]  }
0x4ce: {  	v7 =	vld [tilespmem:s1+$0xFFFFFFE0]  }
0x4cf: {  	v8 =	vld [tilespmem:s1+$0xFFFFFFF0]  }
0x4d0: {  	s29 =	sadd.s32 $0x40, s29;
	v9 =	vld [tilespmem:s1+$0x0]  }
0x4d1: {  	_ =	sdelay $0x2  }
0x4d2: {  	v2 =	vmin.f32 v3, v2  }
0x4d3: {  	v3 =	vmin.f32 v4, v5;
	v4 =	vmin.f32 v6, v7;
	v5 =	vmin.f32 v8, v9  }
0x4d4: {  	v2 =	vmin.f32 v2, v3;
	v3 =	vmin.f32 v4, v5  }
0x4d5: {  	s1 =	sshra.s32 s14, $0x2;
	v2 =	vmin.f32 v2, v3  }
0x4d6: {  	[tilespmem:s1+$0x7100] =	vst v2;
	s1 =	simm.s32 $0x7140  }
0x4d7: {  	v2 =	vld [tilespmem:s1+$0xFFFFFFD0]  }
0x4d8: {  	v3 =	vld [tilespmem:s1+$0xFFFFFFC0]  }
0x4d9: {  	v4 =	vld [tilespmem:s1+$0xFFFFFFE0]  }
0x4da: {  	v5 =	vld [tilespmem:s1+$0xFFFFFFF0]  }
0x4db: {  	v6 =	vld [tilespmem:s1+$0x0]  }
0x4dc: {  	v7 =	vld [tilespmem:s1+$0x10]  }
0x4dd: {  	v8 =	vld [tilespmem:s1+$0x20]  }
0x4de: {  	s14 =	simm.s32 $0x40;
	v9 =	vld [tilespmem:s1+$0x30]  }
.LBB2_84:
0x4df: {  	p0 =	sne.s32 s14, $0x340;
	_ =	sdelay $0x2  }
0x4e0: {  	v2 =	vmin.f32 v3, v2  }
0x4e1: {  	v3 =	vmin.f32 v4, v5;
	v4 =	vmin.f32 v6, v7;
	v5 =	vmin.f32 v8, v9  }
0x4e2: {  	v2 =	vmin.f32 v2, v3;
	v3 =	vmin.f32 v4, v5  }
0x4e3: {  	s15 =	sshra.s32 s0, $0x2;
	s0 =	smov.u32 s14;
	v2 =	vmin.f32 v2, v3  }
0x4e4: {  	s1 =	sadd.s32 $0x80, s1;
	[tilespmem:s15+$0x7880] =	vst v2  }
0x4e5: {  	v2 =	vld [tilespmem:s1+$0xFFFFFFD0]  }
0x4e6: {  	v3 =	vld [tilespmem:s1+$0xFFFFFFC0]  }
0x4e7: {  	v4 =	vld [tilespmem:s1+$0xFFFFFFE0]  }
.Ltmp72:
0x4e8: {  	v5 =	vld [tilespmem:s1+$0xFFFFFFF0];
	(pc) =	sbr.rel @p0 .LBB2_84-.Ltmp72, $4  }
0x4e9: {  	v6 =	vld [tilespmem:s1+$0x0]  }
0x4ea: {  	v7 =	vld [tilespmem:s1+$0x10]  }
0x4eb: {  	v8 =	vld [tilespmem:s1+$0x20]  }
0x4ec: {  	s14 =	sadd.s32 $0x40, s14;
	v9 =	vld [tilespmem:s1+$0x30]  }
0x4ed: {  	_ =	sdelay $0x2  }
0x4ee: {  	v2 =	vmin.f32 v3, v2  }
0x4ef: {  	v3 =	vmin.f32 v4, v5;
	v52 =	vmin.f32 v6, v7;
	v53 =	vmin.f32 v8, v9  }
0x4f0: {  	v2 =	vmin.f32 v2, v3;
	v3 =	vmin.f32 v52, v53  }
0x4f1: {  	s0 =	sshra.s32 s0, $0x2;
	v2 =	vmin.f32 v2, v3  }
0x4f2: {  	[tilespmem:s0+$0x7880] =	vst v2  }
0x4f3: {  	v2 =	vld [tilespmem:$0x7880]  }
0x4f4: {  	v3 =	vld [tilespmem:$0x7890]  }
0x4f5: {  	v54 =	vld [tilespmem:$0x78A0]  }
0x4f6: {  	v55 =	vld [tilespmem:$0x78B0]  }
0x4f7: {  	v56 =	vld [tilespmem:$0x78C0]  }
0x4f8: {  	v57 =	vld [tilespmem:$0x78D0]  }
0x4f9: {  	v2 =	vmin.f32 v2, v3;
	v3 =	vld [tilespmem:$0x78E0]  }
0x4fa: {  	v58 =	vld [tilespmem:$0x78F0];
	v2 =	vmin.f32 v2, v54  }
0x4fb: {  	v59 =	vld [tilespmem:$0x7900];
	v2 =	vmin.f32 v2, v55  }
0x4fc: {  	v60 =	vld [tilespmem:$0x7910];
	v2 =	vmin.f32 v2, v56  }
0x4fd: {  	v61 =	vld [tilespmem:$0x7920];
	v2 =	vmin.f32 v2, v57  }
0x4fe: {  	v2 =	vmin.f32 v2, v3;
	v3 =	vld [tilespmem:$0x7930]  }
0x4ff: {  	v62 =	vld [tilespmem:$0x7940];
	v2 =	vmin.f32 v2, v58  }
0x500: {  	v63 =	vld [tilespmem:$0x7950];
	v2 =	vmin.f32 v2, v59  }
0x501: {  	v2 =	vmin.f32 v2, v60  }
.Ltmp73:
0x502: {  	v2 =	vmin.f32 v2, v61;
	(pc) =	sbr.rel .LBB2_86-.Ltmp73, $4  }
0x503: {  	v2 =	vmin.f32 v2, v3  }
0x504: {  	v2 =	vmin.f32 v2, v62  }
0x505: {  	v2 =	vmin.f32 v2, v63  }
0x506: {  	s29 =	simm.s32 $0x0;
	[tilespmem:$0x7980] =	vst v2  }
.LBB2_93:
0x507: {  	s29 =	sadd.s32 $0x1, s29  }
0x508: {  	p0 =	sne.s32 s29, $0x10  }
.Ltmp74:
0x509: {  	_ = 	snop;
	(pc) =	sbr.rel @!p0 .LBB2_94-.Ltmp74, $1  }
0x50a: {  	_ =	sdelay $0x3  }
.LBB2_86:
0x50b: {  	v3 =	vld [tilespmem:$0x7980];
	_ =	sdelay $0x2  }
0x50c: {  	v2 =	vadd.s32 s29, v1  }
0x50d: {  	v2 =	vand.u32 $0xF, v2  }
0x50e: {  	v3 =	vperm.xlane v3, v2;
	_ =	sdelay $0x1  }
0x50f: {  	(v2sf) =	vpush v3, $0x0;
	_ =	sdelay $0xe  }
0x510: {  	s0 =	spop (v2sf)  }
0x511: {  	p0 =	slt.f32 s0, s26  }
.Ltmp75:
0x512: {  	_ = 	snop;
	(pc) =	sbr.rel @!p0 .LBB2_93-.Ltmp75, $1  }
0x513: {  	_ =	sdelay $0x3  }
.Ltmp76:
0x514: {  	(pc) =	sbr.rel .LBB2_88-.Ltmp76, $2  }
0x515: {  	_ =	sdelay $0x2  }
0x516: {  	s30 =	simm.s32 $0x7100;
	s31 =	simm.s32 $0xF0;
	s0 =	simm.s32 $0x0  }
.LBB2_92:
0x517: {  	s0 =	sadd.s32 $0x1, s0  }
0x518: {  	p0 =	sne.s32 s0, $0xE  }
.Ltmp77:
0x519: {  	_ = 	snop;
	(pc) =	sbr.rel @!p0 .LBB2_93-.Ltmp77, $2  }
0x51a: {  	_ =	sdelay $0x2  }
0x51b: {  	s30 =	sadd.s32 $0x80, s30;
	s31 =	sadd.s32 $0x800, s31  }
.LBB2_88:
0x51c: {  	s1 =	sshll.u32 s0, $0x4  }
0x51d: {  	s1 =	sand.u32 $0x3FFFFFF0, s1  }
0x51e: {  	v3 =	vld [tilespmem:s1+$0x7880];
	_ =	sdelay $0x4  }
0x51f: {  	v3 =	vperm.xlane v3, v2;
	_ =	sdelay $0x1  }
0x520: {  	(v2sf) =	vpush v3, $0x0;
	_ =	sdelay $0xe  }
0x521: {  	s23 =	spop (v2sf)  }
0x522: {  	p0 =	slt.f32 s23, s26  }
.Ltmp78:
0x523: {  	_ = 	snop;
	(pc) =	sbr.rel @!p0 .LBB2_92-.Ltmp78, $4  }
.Ltmp79:
0x524: {  	_ = 	snop;
	(pc) =	sbr.rel @p0 .LBB2_89-.Ltmp79, $4  }
0x525: {  	_ = 	snop  }
0x526: {  	_ = 	snop  }
0x527: {  	s14 =	smov.u32 s31;
	s1 =	simm.s32 $0x0  }
0x528: {  	_ = 	snop  }
.LBB2_91:
0x529: {  	s1 =	sadd.s32 $0x40, s1  }
0x52a: {  	p0 =	sne.s32 s1, $0x200  }
.Ltmp80:
0x52b: {  	_ = 	snop;
	(pc) =	sbr.rel @!p0 .LBB2_92-.Ltmp80, $2  }
0x52c: {  	_ =	sdelay $0x2  }
0x52d: {  	s14 =	sadd.s32 $0x100, s14  }
.LBB2_89:
0x52e: {  	s15 =	sshra.s32 s1, $0x2  }
0x52f: {  	s15 =	sadd.s32 s15, s30  }
0x530: {  	v3 =	vld [tilespmem:s15+$0x0];
	_ =	sdelay $0x4  }
0x531: {  	v3 =	vperm.xlane v3, v2;
	_ =	sdelay $0x1  }
0x532: {  	(v2sf) =	vpush v3, $0x0;
	_ =	sdelay $0xe  }
0x533: {  	s23 =	spop (v2sf)  }
0x534: {  	p0 =	slt.f32 s23, s26  }
.Ltmp81:
0x535: {  	_ = 	snop;
	(pc) =	sbr.rel @!p0 .LBB2_91-.Ltmp81, $1  }
0x536: {  	_ =	sdelay $0x3  }
0x537: {  	v3 =	vld [tilespmem:s14+$0xFFFFFF90];
	_ =	sdelay $0x4  }
0x538: {  	v3 =	vperm.xlane v3, v2;
	_ =	sdelay $0x1  }
0x539: {  	(v2sf) =	vpush v3, $0x0;
	_ =	sdelay $0xe  }
0x53a: {  	s15 =	spop (v2sf)  }
0x53b: {  	p1 =	slt.f32 s15, s26;
	_ =	sdelay $0x1  }
0x53c: {  	p0 =	slt.s32 @p1 s28, $0x7F  }
0x53d: {  	s15 =	smov.u32 s28;
	p0 =	por !p0, !p1  }
0x53e: {  	s15 =	simm.s32 @p0 $0x7F  }
0x53f: {  	vm0 =	vmmov @p1 $0x1;
	s15 =	sshll.u32 @p1 s15, $0x6  }
0x540: {  	v3 =	vnsel @p1 vm0, $0x7149F2CA, v3;
	s15 =	sshra.s32 @p1 s15, $0x2  }
0x541: {  	[tilespmem:s15+$0x7A80] =	vst @p1 v3  }
0x542: {  	v3 =	vld [tilespmem:s14+$0xFFFFFFA0];
	_ =	sdelay $0x4  }
0x543: {  	v3 =	vperm.xlane v3, v2;
	_ =	sdelay $0x1  }
0x544: {  	(v2sf) =	vpush v3, $0x0;
	_ =	sdelay $0xe  }
0x545: {  	s15 =	spop (v2sf)  }
0x546: {  	s23 =	sadd.s32 @p1 $0x1, s28;
	p0 =	slt.f32 s15, s26  }
0x547: {  	s28 =	smov.u32 @p1 s23  }
0x548: {  	p1 =	slt.s32 @p0 s28, $0x7F  }
0x549: {  	s15 =	smov.u32 s28;
	p1 =	por !p1, !p0  }
0x54a: {  	s15 =	simm.s32 @p1 $0x7F  }
0x54b: {  	vm0 =	vmmov @p0 $0x1;
	s15 =	sshll.u32 @p0 s15, $0x6  }
0x54c: {  	v3 =	vnsel @p0 vm0, $0x7149F2CA, v3;
	s15 =	sshra.s32 @p0 s15, $0x2  }
0x54d: {  	[tilespmem:s15+$0x7A80] =	vst @p0 v3  }
0x54e: {  	v3 =	vld [tilespmem:s14+$0xFFFFFFB0];
	_ =	sdelay $0x4  }
0x54f: {  	v3 =	vperm.xlane v3, v2;
	_ =	sdelay $0x1  }
0x550: {  	(v2sf) =	vpush v3, $0x0;
	_ =	sdelay $0xe  }
0x551: {  	s15 =	spop (v2sf)  }
0x552: {  	s23 =	sadd.s32 @p0 $0x1, s28;
	p1 =	slt.f32 s15, s26  }
0x553: {  	s28 =	smov.u32 @p0 s23  }
0x554: {  	p0 =	slt.s32 @p1 s28, $0x7F  }
0x555: {  	s15 =	smov.u32 s28;
	p0 =	por !p0, !p1  }
0x556: {  	s15 =	simm.s32 @p0 $0x7F  }
0x557: {  	vm0 =	vmmov @p1 $0x1;
	s15 =	sshll.u32 @p1 s15, $0x6  }
0x558: {  	v3 =	vnsel @p1 vm0, $0x7149F2CA, v3;
	s15 =	sshra.s32 @p1 s15, $0x2  }
0x559: {  	[tilespmem:s15+$0x7A80] =	vst @p1 v3  }
0x55a: {  	v3 =	vld [tilespmem:s14+$0xFFFFFFC0];
	_ =	sdelay $0x4  }
0x55b: {  	v3 =	vperm.xlane v3, v2;
	_ =	sdelay $0x1  }
0x55c: {  	(v2sf) =	vpush v3, $0x0;
	_ =	sdelay $0xe  }
0x55d: {  	s15 =	spop (v2sf)  }
0x55e: {  	s23 =	sadd.s32 @p1 $0x1, s28;
	p0 =	slt.f32 s15, s26  }
0x55f: {  	s28 =	smov.u32 @p1 s23  }
0x560: {  	p1 =	slt.s32 @p0 s28, $0x7F  }
0x561: {  	s15 =	smov.u32 s28;
	p1 =	por !p1, !p0  }
0x562: {  	s15 =	simm.s32 @p1 $0x7F  }
0x563: {  	vm0 =	vmmov @p0 $0x1;
	s15 =	sshll.u32 @p0 s15, $0x6  }
0x564: {  	v3 =	vnsel @p0 vm0, $0x7149F2CA, v3;
	s15 =	sshra.s32 @p0 s15, $0x2  }
0x565: {  	[tilespmem:s15+$0x7A80] =	vst @p0 v3  }
0x566: {  	v3 =	vld [tilespmem:s14+$0xFFFFFFD0];
	_ =	sdelay $0x4  }
0x567: {  	v3 =	vperm.xlane v3, v2;
	_ =	sdelay $0x1  }
0x568: {  	(v2sf) =	vpush v3, $0x0;
	_ =	sdelay $0xe  }
0x569: {  	s15 =	spop (v2sf)  }
0x56a: {  	s23 =	sadd.s32 @p0 $0x1, s28;
	p1 =	slt.f32 s15, s26  }
0x56b: {  	s28 =	smov.u32 @p0 s23  }
0x56c: {  	p0 =	slt.s32 @p1 s28, $0x7F  }
0x56d: {  	s15 =	smov.u32 s28;
	p0 =	por !p0, !p1  }
0x56e: {  	s15 =	simm.s32 @p0 $0x7F  }
0x56f: {  	vm0 =	vmmov @p1 $0x1;
	s15 =	sshll.u32 @p1 s15, $0x6  }
0x570: {  	v3 =	vnsel @p1 vm0, $0x7149F2CA, v3;
	s15 =	sshra.s32 @p1 s15, $0x2  }
0x571: {  	[tilespmem:s15+$0x7A80] =	vst @p1 v3  }
0x572: {  	v3 =	vld [tilespmem:s14+$0xFFFFFFE0];
	_ =	sdelay $0x4  }
0x573: {  	v3 =	vperm.xlane v3, v2;
	_ =	sdelay $0x1  }
0x574: {  	(v2sf) =	vpush v3, $0x0;
	_ =	sdelay $0xe  }
0x575: {  	s15 =	spop (v2sf)  }
0x576: {  	s23 =	sadd.s32 @p1 $0x1, s28;
	p0 =	slt.f32 s15, s26  }
0x577: {  	s28 =	smov.u32 @p1 s23  }
0x578: {  	p1 =	slt.s32 @p0 s28, $0x7F  }
0x579: {  	s15 =	smov.u32 s28;
	p1 =	por !p1, !p0  }
0x57a: {  	s15 =	simm.s32 @p1 $0x7F  }
0x57b: {  	vm0 =	vmmov @p0 $0x1;
	s15 =	sshll.u32 @p0 s15, $0x6  }
0x57c: {  	v3 =	vnsel @p0 vm0, $0x7149F2CA, v3;
	s15 =	sshra.s32 @p0 s15, $0x2  }
0x57d: {  	[tilespmem:s15+$0x7A80] =	vst @p0 v3  }
0x57e: {  	v3 =	vld [tilespmem:s14+$0xFFFFFFF0];
	_ =	sdelay $0x4  }
0x57f: {  	v3 =	vperm.xlane v3, v2;
	_ =	sdelay $0x1  }
0x580: {  	(v2sf) =	vpush v3, $0x0;
	_ =	sdelay $0xe  }
0x581: {  	s15 =	spop (v2sf)  }
0x582: {  	s23 =	sadd.s32 @p0 $0x1, s28;
	p1 =	slt.f32 s15, s26  }
0x583: {  	s28 =	smov.u32 @p0 s23  }
0x584: {  	p0 =	slt.s32 @p1 s28, $0x7F  }
0x585: {  	s15 =	smov.u32 s28;
	p0 =	por !p0, !p1  }
0x586: {  	s15 =	simm.s32 @p0 $0x7F  }
0x587: {  	vm0 =	vmmov @p1 $0x1;
	s15 =	sshll.u32 @p1 s15, $0x6  }
0x588: {  	v3 =	vnsel @p1 vm0, $0x7149F2CA, v3;
	s15 =	sshra.s32 @p1 s15, $0x2  }
0x589: {  	[tilespmem:s15+$0x7A80] =	vst @p1 v3  }
0x58a: {  	v3 =	vld [tilespmem:s14+$0x0];
	_ =	sdelay $0x4  }
0x58b: {  	v3 =	vperm.xlane v3, v2;
	_ =	sdelay $0x1  }
0x58c: {  	(v2sf) =	vpush v3, $0x0;
	_ =	sdelay $0xe  }
0x58d: {  	s15 =	spop (v2sf)  }
0x58e: {  	s23 =	sadd.s32 @p1 $0x1, s28;
	p0 =	slt.f32 s15, s26  }
0x58f: {  	s28 =	smov.u32 @p1 s23  }
0x590: {  	p1 =	slt.s32 @p0 s28, $0x7F  }
.Ltmp82:
0x591: {  	s15 =	smov.u32 s28;
	p1 =	por !p1, !p0;
	(pc) =	sbr.rel .LBB2_91-.Ltmp82, $4  }
0x592: {  	s15 =	simm.s32 @p1 $0x7F  }
0x593: {  	vm0 =	vmmov @p0 $0x1;
	s15 =	sshll.u32 @p0 s15, $0x6  }
0x594: {  	s23 =	sadd.s32 @p0 $0x1, s28;
	v3 =	vnsel @p0 vm0, $0x7149F2CA, v3;
	s15 =	sshra.s32 @p0 s15, $0x2  }
0x595: {  	s28 =	smov.u32 @p0 s23;
	[tilespmem:s15+$0x7A80] =	vst @p0 v3  }
.LBB2_96:
0x596: {  	_ =	sfence.sel $0x180000  }
0x597: {  	[bflag:$0x0] =	sbarrier.arrive $0xFFFF  }
0x598: {  	_ =	strace $0x90000047  }
0x599: {  	s0 =	stileid.u32;
	[bflag:$0x2] =	sbarrier.arrive $0xFFFF  }
0x59a: {  	p0 =	sne.s32 s0, $0x0;
	s0 =	rddreg [dreg:$0x1]  }
0x59b: {  	s0 =	sadd.s32 @!p0 $0x100000, s0  }
0x59c: {  	[sflag:s0] =	ssyncadd.tile.s32 @!p0 $0x1;
	_ =	shalt  }
.Lfunc_end2:
_tile_overlayer_lowered:
.L_overlay_start_2:
0x59d: {  	(tag) =	ssettag $0x2  }
0x59e: {  	s0 =	rddreg [dreg:$0x0];
	s2 =	stileid.u32  }
0x59f: {  	s1 =	rddreg [dreg:$0x1];
	p0 =	sne.s32 s2, $0x0  }
0x5a0: {  	s3 =	rddreg [dreg:$0x2];
	[bflag:$0x3] =	sbarrier.arrive $0xFFFF;
	s2 =	simm.s32 @!p0 $0x1C04  }
0x5a1: {  	[timem:s3], [sflag:s2] =	dma.local @!p0 [hbm:s0], s1  }
0x5a2: {  	s0 =	simm.s32 @!p0 $0x4  }
0x5a3: {  	_ =	swait.ge @!p0 [sflag:s0], s1  }
0x5a4: {  	s1 =	ssub.s32 @!p0 $0x0, s1;
	[sflag:s0] =	ssyncset.done @!p0 $0x0  }
0x5a5: {  	[sflag:s0] =	ssyncadd.s32 @!p0 s1  }
0x5a6: {  	[bflag:$0x3] =	sbarrier.arrive $0xFFFF  }
0x5a7: {  	_ =	shalt  }

</sc_bundles>
